<compile_context>
chip_gen: v7x
topology: tpu7x:2x2x1
jax: 0.10.2.dev20260603
libtpu: 0.0.44.dev20260713+nightly
codegen_flags: <defaults>
</compile_context>

<pallas_src>
import functools
import math

import jax
import jax.numpy as jnp
from jax import lax
from jax.experimental import pallas as pl
from jax.experimental.pallas import tpu as pltpu
from jax.experimental.pallas import tpu_sc as plsc

N_NODES = 10000
N_EDGES = 320000
F = 128
N_PAD = 10240


def _sc_pass1(x, ei3):
    mesh = plsc.VectorSubcoreMesh(core_axis_name="c", subcore_axis_name="s")
    nc, ns = mesh.num_cores, mesh.num_subcores
    nw = nc * ns
    epw = N_EDGES // nw
    K = 80
    steps = epw // K
    assert (steps - 1) % 4 == 0
    rpt = (N_NODES // ns) // 8 * 8
    rem = N_NODES - rpt * ns
    nblk = N_EDGES // K

    RB = 128
    cpt = N_PAD // ns

    @functools.partial(
        pl.kernel,
        out_type=(
            jax.ShapeDtypeStruct((nc, N_NODES, F), jnp.float32),
            jax.ShapeDtypeStruct((nc, N_PAD), jnp.float32),
        ),
        mesh=mesh,
        scratch_types=[
            pltpu.VMEM_SHARED((N_NODES, F), jnp.float32),
            pltpu.VMEM_SHARED((ns, N_PAD), jnp.float32),
            [pltpu.VMEM((1, K), jnp.int32) for _ in range(4)],
            [pltpu.VMEM((1, K), jnp.int32) for _ in range(4)],
            pltpu.VMEM((K, F), jnp.float32),
            pltpu.VMEM((K, F), jnp.float32),
            pltpu.VMEM((N_PAD,), jnp.float32),
            pltpu.VMEM((ns, RB), jnp.float32),
            pltpu.VMEM((RB,), jnp.float32),
            [pltpu.SemaphoreType.DMA for _ in range(4)],
            pltpu.SemaphoreType.DMA,
            pltpu.SemaphoreType.DMA,
            pltpu.SemaphoreType.DMA,
            pltpu.SemaphoreType.DMA,
        ],
        compiler_params=pltpu.CompilerParams(needs_layout_passes=False),
    )
    def k(x_hbm, ei_hbm, agg_out, cnt_out,
          agg_sh, cnt_stage, src_b, dst_b, rows0, rows1, cnt_v,
          red_buf, red_out, isem, g0, g1, ss0, ss1):
        c = lax.axis_index("c")
        s = lax.axis_index("s")
        wid = c * ns + s

        zero16 = jnp.zeros((16,), jnp.float32)
        ones16 = jnp.ones((16,), jnp.float32)

        def z0(t, _):
            rows0[t // 8, pl.ds((t % 8) * 16, 16)] = zero16
            return 0

        lax.fori_loop(0, K * F // 16, z0, 0)

        def zc(t, _):
            cnt_v[pl.ds(t * 16, 16)] = zero16
            return 0

        lax.fori_loop(0, N_PAD // 16, zc, 0)

        nfull = rpt // K
        for q in range(nfull):
            pltpu.sync_copy(rows0, agg_sh.at[pl.ds(s * rpt + q * K, K)])
        tailrows = rpt - nfull * K
        pltpu.sync_copy(rows0.at[pl.ds(0, tailrows)],
                        agg_sh.at[pl.ds(s * rpt + nfull * K, tailrows)])

        @pl.when(s == 0)
        def _():
            pltpu.sync_copy(rows0.at[pl.ds(0, rem)],
                            agg_sh.at[pl.ds(rpt * ns, rem)])

        plsc.subcore_barrier()

        rows = (rows0, rows1)
        gsem = (g0, g1)
        ssem = (ss0, ss1)
        base_blk = wid * steps

        def idx_load(i, pos):
            gb = base_blk + i
            pltpu.async_copy(ei_hbm.at[gb], src_b[pos], isem[pos])
            pltpu.async_copy(ei_hbm.at[nblk + gb], dst_b[pos], isem[pos])

        def idx_wait(pos):
            pltpu.make_async_copy(ei_hbm.at[0], src_b[pos], isem[pos]).wait()
            pltpu.make_async_copy(ei_hbm.at[0], dst_b[pos], isem[pos]).wait()

        def gather_issue(pos, rp):
            pltpu.async_copy(x_hbm.at[src_b[pos].at[0]], rows[rp], gsem[rp])

        def gather_wait(rp):
            pltpu.make_async_copy(x_hbm.at[src_b[0].at[0]], rows[rp],
                                  gsem[rp]).wait()

        def scatter_issue(pos, rp):
            pltpu.async_copy(rows[rp], agg_sh.at[dst_b[pos].at[0]], ssem[rp],
                             add=True)

        def scatter_wait(rp):
            pltpu.make_async_copy(rows[rp], agg_sh.at[dst_b[0].at[0]],
                                  ssem[rp]).wait()

        def cnt_upd(pos):
            for j in range(K // 16):
                idx = dst_b[pos][0, pl.ds(j * 16, 16)]
                plsc.addupdate_scatter(cnt_v, [idx], ones16)

        for pos in range(4):
            idx_load(pos, pos)
        idx_wait(0)
        gather_issue(0, 0)

        idx_wait(1)
        gather_issue(1, 1)
        gather_wait(0)
        scatter_issue(0, 0)
        cnt_upd(0)

        nbody = (steps - 1) // 4

        def body(p, _):
            for q in range(4):
                i = 4 * p + 1 + q
                pos = (q + 1) % 4
                nxt = (pos + 1) % 4
                rp = (q + 1) % 2
                nrp = q % 2

                @pl.when(i + 1 <= steps - 1)
                def _(pos=pos, nxt=nxt, nrp=nrp):
                    idx_wait(nxt)

                scatter_wait(nrp)

                @pl.when(i + 1 <= steps - 1)
                def _(pos=pos, nxt=nxt, nrp=nrp):
                    gather_issue(nxt, nrp)

                gather_wait(rp)
                scatter_issue(pos, rp)
                cnt_upd(pos)

                @pl.when(i + 3 <= steps - 1)
                def _(i=i, q=q):
                    idx_load(i + 3, q)

            return 0

        lax.fori_loop(0, nbody, body, 0)

        scatter_wait(0)

        pltpu.sync_copy(cnt_v, cnt_stage.at[s])
        plsc.subcore_barrier()
        for h in range(cpt // RB):
            off = s * cpt + h * RB
            pltpu.sync_copy(cnt_stage.at[:, pl.ds(off, RB)], red_buf)

            def red(j, _):
                acc = red_buf[0, pl.ds(j * 16, 16)]
                for r in range(1, ns):
                    acc = acc + red_buf[r, pl.ds(j * 16, 16)]
                red_out[pl.ds(j * 16, 16)] = acc
                return 0

            lax.fori_loop(0, RB // 16, red, 0)
            pltpu.sync_copy(red_out, cnt_out.at[c, pl.ds(off, RB)])

        pltpu.sync_copy(agg_sh.at[pl.ds(s * rpt, rpt)],
                        agg_out.at[c, pl.ds(s * rpt, rpt)])

        @pl.when(s == 0)
        def _():
            pltpu.sync_copy(agg_sh.at[pl.ds(rpt * ns, rem)],
                            agg_out.at[c, pl.ds(rpt * ns, rem)])

    return k(x, ei3)


def _sc_pass2(cnt_p, ei):
    mesh = plsc.VectorSubcoreMesh(core_axis_name="c", subcore_axis_name="s")
    nc, ns = mesh.num_cores, mesh.num_subcores
    nw = nc * ns
    epw = N_EDGES // nw
    cpt = N_PAD // ns

    @functools.partial(
        pl.kernel,
        out_type=(
            jax.ShapeDtypeStruct((nc, N_PAD), jnp.float32),
            jax.ShapeDtypeStruct((N_PAD,), jnp.float32),
        ),
        mesh=mesh,
        scratch_types=[
            pltpu.VMEM_SHARED((ns, N_PAD), jnp.float32),
            pltpu.VMEM((nc, N_PAD), jnp.float32),
            pltpu.VMEM((N_PAD,), jnp.float32),
            pltpu.VMEM((N_PAD,), jnp.float32),
            pltpu.VMEM((epw,), jnp.int32),
            pltpu.VMEM((epw,), jnp.int32),
            pltpu.VMEM((ns, N_PAD // ns), jnp.float32),
            pltpu.VMEM((N_PAD // ns,), jnp.float32),
            pltpu.SemaphoreType.DMA,
            pltpu.SemaphoreType.DMA,
        ],
        compiler_params=pltpu.CompilerParams(needs_layout_passes=False),
    )
    def k(cnt_hbm, ei_hbm, w_out, inv_out,
          w_stage, cbuf, inv_v, w_v, src_v, dst_v, red_buf, red_out,
          csem, esem):
        c = lax.axis_index("c")
        s = lax.axis_index("s")
        wid = c * ns + s

        pltpu.async_copy(cnt_hbm, cbuf, csem)
        pltpu.async_copy(ei_hbm.at[pl.ds(wid * epw, epw)], src_v, esem)
        pltpu.async_copy(ei_hbm.at[pl.ds(N_EDGES + wid * epw, epw)], dst_v,
                         esem)

        zero16 = jnp.zeros((16,), jnp.float32)

        def zw(t, _):
            for u in range(5):
                w_v[pl.ds((t * 5 + u) * 16, 16)] = zero16
            return 0

        lax.fori_loop(0, N_PAD // 80, zw, 0)

        pltpu.make_async_copy(cnt_hbm, cbuf, csem).wait()

        def inv_body(j, _):
            for u in range(5):
                sl = pl.ds((j * 5 + u) * 16, 16)
                tot = cbuf[0, sl] + cbuf[1, sl]
                inv_v[sl] = 1.0 / jnp.maximum(tot, 1.0)
            return 0

        lax.fori_loop(0, N_PAD // 80, inv_body, 0)

        pltpu.make_async_copy(ei_hbm.at[pl.ds(0, epw)], src_v, esem).wait()
        pltpu.make_async_copy(ei_hbm.at[pl.ds(0, epw)], dst_v, esem).wait()

        def w_body(j, _):
            for u in range(5):
                sl = pl.ds((j * 5 + u) * 16, 16)
                vals = plsc.load_gather(inv_v, [dst_v[sl]])
                plsc.addupdate_scatter(w_v, [src_v[sl]], vals)
            return 0

        lax.fori_loop(0, epw // 80, w_body, 0)

        pltpu.sync_copy(w_v, w_stage.at[s])
        plsc.subcore_barrier()

        pltpu.sync_copy(w_stage.at[:, pl.ds(s * cpt, cpt)], red_buf)

        def red(j, _):
            acc = red_buf[0, pl.ds(j * 16, 16)]
            for r in range(1, ns):
                acc = acc + red_buf[r, pl.ds(j * 16, 16)]
            red_out[pl.ds(j * 16, 16)] = acc
            return 0

        lax.fori_loop(0, cpt // 16, red, 0)
        pltpu.sync_copy(red_out, w_out.at[c, pl.ds(s * cpt, cpt)])

        @pl.when(c == 0)
        def _():
            pltpu.sync_copy(inv_v.at[pl.ds(s * cpt, cpt)],
                            inv_out.at[pl.ds(s * cpt, cpt)])

    return k(cnt_p, ei)


def _tc_dense(x, agg_p, Wl1, bl1, Wr1):
    BR = 1000
    grid = N_NODES // BR

    def body(x_ref, agg_ref, Wl1_ref, bl1_ref, Wr1_ref, out_ref):
        out_ref[0] = (agg_ref[0] + agg_ref[1]) @ Wl1_ref[...]
        out_ref[1] = x_ref[...] @ Wr1_ref[...] + bl1_ref[...]

    full = lambda shape: pl.BlockSpec(shape, lambda i: (0,) * len(shape))
    return pl.pallas_call(
        body,
        grid=(grid,),
        in_specs=[
            pl.BlockSpec((BR, F), lambda i: (i, 0)),
            pl.BlockSpec((2, BR, F), lambda i: (0, i, 0)),
            full((F, F)), full((1, F)), full((F, F)),
        ],
        out_specs=pl.BlockSpec((2, BR, F), lambda i: (0, i, 0)),
        out_shape=jax.ShapeDtypeStruct((2, N_NODES, F), jnp.float32),
    )(x, agg_p, Wl1, bl1.reshape(1, F), Wr1)


def _tc_final(P, inv_col, w_col, Wl2, bl2, Wr2, HW1, Hb1, HW2, Hb2,
              HW3, Hb3):
    BR = 1000
    grid = N_NODES // BR

    def body(P_ref, inv_ref, w_ref,
             Wl2_ref, bl2_ref, Wr2_ref,
             HW1_ref, Hb1_ref, HW2_ref, Hb2_ref, HW3_ref, Hb3_ref,
             out_ref, acc0, acc1):
        i = pl.program_id(0)

        @pl.when(i == 0)
        def _():
            acc0[...] = jnp.zeros_like(acc0)
            acc1[...] = jnp.zeros_like(acc1)

        h = P_ref[0] * inv_ref[...] + P_ref[1]
        h = jnp.maximum(h, 0.0)
        w = w_ref[0] + w_ref[1]
        acc0[...] += jnp.sum(h.reshape(BR // 8, 8, F), axis=0)
        acc1[...] += jnp.sum((w * h).reshape(BR // 8, 8, F), axis=0)

        @pl.when(i == grid - 1)
        def _():
            s0 = jnp.sum(acc0[...], axis=0, keepdims=True) / N_NODES
            s1 = jnp.sum(acc1[...], axis=0, keepdims=True) / N_NODES
            g = s1 @ Wl2_ref[...] + bl2_ref[...] + s0 @ Wr2_ref[...]
            t = jnp.maximum(g @ HW1_ref[...] + Hb1_ref[...], 0.0)
            t = jnp.maximum(t @ HW2_ref[...] + Hb2_ref[...], 0.0)
            t = t @ HW3_ref[...] + Hb3_ref[...]
            pi = jnp.float32(math.pi)
            out_ref[...] = jnp.mod(t + pi, 2.0 * pi) - pi

    full = lambda shape: pl.BlockSpec(shape, lambda i: (0,) * len(shape))
    return pl.pallas_call(
        body,
        grid=(grid,),
        in_specs=[
            pl.BlockSpec((2, BR, F), lambda i: (0, i, 0)),
            pl.BlockSpec((BR, 1), lambda i: (i, 0)),
            pl.BlockSpec((2, BR, 1), lambda i: (0, i, 0)),
            full((F, F)), full((1, F)), full((F, F)),
            full((F, 2 * F)), full((1, 2 * F)),
            full((2 * F, 2 * F)), full((1, 2 * F)),
            full((2 * F, 8)), full((1, 8)),
        ],
        out_specs=pl.BlockSpec((1, 8), lambda i: (0, 0)),
        out_shape=jax.ShapeDtypeStruct((1, 8), jnp.float32),
        scratch_shapes=[
            pltpu.VMEM((8, F), jnp.float32),
            pltpu.VMEM((8, F), jnp.float32),
        ],
    )(P, inv_col, w_col, Wl2, bl2.reshape(1, F), Wr2,
      HW1, Hb1.reshape(1, 2 * F), HW2, Hb2.reshape(1, 2 * F),
      HW3, Hb3.reshape(1, 8))


def kernel(x, edge_index, Wl1, bl1, Wr1, Wl2, bl2, Wr2,
           HW1, Hb1, HW2, Hb2, HW3, Hb3):
    ei32 = edge_index.astype(jnp.int32)
    ei3 = ei32.reshape(2 * N_EDGES // 80, 1, 80)
    ei_flat = ei32.reshape(2 * N_EDGES)

    agg_p, cnt_p = _sc_pass1(x, ei3)
    P = _tc_dense(x, agg_p, Wl1, bl1, Wr1)
    w_p, inv = _sc_pass2(cnt_p, ei_flat)
    t = _tc_final(P, inv.reshape(N_PAD, 1), w_p.reshape(2, N_PAD, 1),
                  Wl2, bl2, Wr2, HW1, Hb1, HW2, Hb2, HW3, Hb3)
    return t[0]

# --- scband reference (transcript-rebuilt; emitter-appended) ---
"""Pipeline reference for scband-graph2-qaoaparams-44547400794273 (READ-ONLY COPY).

The authoritative reference and input builder live on the scoring server;
editing this copy changes nothing except your own understanding.
"""

import jax, jax.numpy as jnp
import numpy as np

IN_CH = 128
HID = 128
N_NODES = 10000
N_EDGES = 320000
N_QAOA_LAYERS = 4


def setup_inputs(seed: int = 0) -> dict:
    key = jax.random.key(seed)
    ks = jax.random.split(key, 16)
    x = jax.random.normal(ks[0], (N_NODES, IN_CH), dtype=jnp.float32)
    edge_index = jax.random.randint(ks[1], (2, N_EDGES), 0, N_NODES, dtype=jnp.int64 if jax.config.read('jax_enable_x64') else jnp.int32)
    s = 1.0 / np.sqrt(IN_CH)
    sh = 1.0 / np.sqrt(HID)
    s2h = 1.0 / np.sqrt(2 * HID)
    # SAGEConv layer 1: in_ch -> hid
    Wl1 = jax.random.uniform(ks[2], (IN_CH, HID), jnp.float32, -s, s)
    bl1 = jnp.zeros((HID,), jnp.float32)
    Wr1 = jax.random.uniform(ks[3], (IN_CH, HID), jnp.float32, -s, s)
    # SAGEConv layer 2: hid -> hid
    Wl2 = jax.random.uniform(ks[4], (HID, HID), jnp.float32, -sh, sh)
    bl2 = jnp.zeros((HID,), jnp.float32)
    Wr2 = jax.random.uniform(ks[5], (HID, HID), jnp.float32, -sh, sh)
    # MLP head
    HW1 = jax.random.uniform(ks[6], (HID, 2 * HID), jnp.float32, -sh, sh)
    Hb1 = jax.random.uniform(ks[7], (2 * HID,), jnp.float32, -sh, sh)
    HW2 = jax.random.uniform(ks[8], (2 * HID, 2 * HID), jnp.float32, -s2h, s2h)
    Hb2 = jax.random.uniform(ks[9], (2 * HID,), jnp.float32, -s2h, s2h)
    HW3 = jax.random.uniform(ks[10], (2 * HID, 2 * N_QAOA_LAYERS), jnp.float32, -s2h, s2h)
    Hb3 = jax.random.uniform(ks[11], (2 * N_QAOA_LAYERS,), jnp.float32, -s2h, s2h)
    return {"x": x, "edge_index": edge_index, "Wl1": Wl1, "bl1": bl1, "Wr1": Wr1, "Wl2": Wl2, "bl2": bl2, "Wr2": Wr2, "HW1": HW1, "Hb1": Hb1, "HW2": HW2, "Hb2": Hb2, "HW3": HW3, "Hb3": Hb3}


def _sage_conv(x, edge_index, Wl, bl, Wr):
    # PyG SAGEConv (aggr='mean', root_weight=True, normalize=False):
    #   out = lin_l(mean_{j in N(i)} x_j) + lin_r(x_i)
    src = edge_index[0]
    dst = edge_index[1]
    n = x.shape[0]
    msgs = jnp.take(x, src, axis=0)  # gather (SparseCore)
    agg = jax.ops.segment_sum(msgs, dst, num_segments=n)  # scatter-add
    cnt = jax.ops.segment_sum(jnp.ones((src.shape[0],), dtype=x.dtype), dst, num_segments=n)
    cnt = jnp.maximum(cnt, 1.0)[:, None]
    mean = agg / cnt
    return mean @ Wl + bl + x @ Wr


def reference(x, edge_index, Wl1, bl1, Wr1, Wl2, bl2, Wr2, HW1, Hb1, HW2, Hb2, HW3, Hb3):
    h = _sage_conv(x, edge_index, Wl1, bl1, Wr1)
    h = jax.nn.relu(h)
    h = _sage_conv(h, edge_index, Wl2, bl2, Wr2)
    g = jnp.mean(h, axis=0, keepdims=True)
    t = jax.nn.relu(g @ HW1 + Hb1)
    t = jax.nn.relu(t @ HW2 + Hb2)
    t = t @ HW3 + Hb3
    t = jnp.squeeze(t, axis=0)
    pi = jnp.float32(np.pi)
    t = jnp.mod(t + pi, 2.0 * pi) - pi
    return t

if __name__ == "__main__":
    import jax
    _d = setup_inputs()
    print(jax.jit(kernel)(*tuple(_d.values())))

</pallas_src>

<mosaic_0001>
#map = affine_map<(d0, d1) -> (0, 0)>
#map1 = affine_map<(d0, d1) -> (0, 0, 0)>
module attributes {stable_mosaic.version = 14 : i64} {
  func.func @k(%arg0: i32, %arg1: i32, %arg2: memref<10000x128xf32, #tpu.memory_space<hbm>>, %arg3: memref<8000x1x80xi32, #tpu.memory_space<hbm>>, %arg4: memref<2x10000x128xf32, #tpu.memory_space<hbm>>, %arg5: memref<2x10240xf32, #tpu.memory_space<hbm>>, %arg6: memref<10000x128xf32, #tpu.memory_space<vmem_shared>>, %arg7: memref<16x10240xf32, #tpu.memory_space<vmem_shared>>, %arg8: memref<1x80xi32, #tpu.memory_space<vmem>>, %arg9: memref<1x80xi32, #tpu.memory_space<vmem>>, %arg10: memref<1x80xi32, #tpu.memory_space<vmem>>, %arg11: memref<1x80xi32, #tpu.memory_space<vmem>>, %arg12: memref<1x80xi32, #tpu.memory_space<vmem>>, %arg13: memref<1x80xi32, #tpu.memory_space<vmem>>, %arg14: memref<1x80xi32, #tpu.memory_space<vmem>>, %arg15: memref<1x80xi32, #tpu.memory_space<vmem>>, %arg16: memref<80x128xf32, #tpu.memory_space<vmem>>, %arg17: memref<80x128xf32, #tpu.memory_space<vmem>>, %arg18: memref<10240xf32, #tpu.memory_space<vmem>>, %arg19: memref<16x128xf32, #tpu.memory_space<vmem>>, %arg20: memref<128xf32, #tpu.memory_space<vmem>>, %arg21: memref<!tpu.dma_semaphore, #tpu.memory_space<semaphore_mem>>, %arg22: memref<!tpu.dma_semaphore, #tpu.memory_space<semaphore_mem>>, %arg23: memref<!tpu.dma_semaphore, #tpu.memory_space<semaphore_mem>>, %arg24: memref<!tpu.dma_semaphore, #tpu.memory_space<semaphore_mem>>, %arg25: memref<!tpu.dma_semaphore, #tpu.memory_space<semaphore_mem>>, %arg26: memref<!tpu.dma_semaphore, #tpu.memory_space<semaphore_mem>>, %arg27: memref<!tpu.dma_semaphore, #tpu.memory_space<semaphore_mem>>, %arg28: memref<!tpu.dma_semaphore, #tpu.memory_space<semaphore_mem>>) attributes {dimension_semantics = [#tpu.dimension_semantics<core_parallel>, #tpu.dimension_semantics<subcore_parallel>], iteration_bounds = array<i64: 2, 16>, scalar_prefetch = 0 : i64, scratch_operands = 23 : i64, tpu.core_type = #tpu.core_type<sc_vector_subcore>, window_params = [{transform_indices = #map}, {transform_indices = #map1}, {transform_indices = #map1}, {transform_indices = #map}]} {
    %mul3A = arith.constant 16 : i32
    %mul3A_0 = arith.muli %arg0, %mul3A : i32
    %add3A = arith.addi %mul3A_0, %arg1 : i32
    %broadcast_in_dim3A = arith.constant 0.000000e+00 : f32
    %broadcast_in_dim3A_1 = vector.broadcast %broadcast_in_dim3A : f32 to vector<16xf32>
    %broadcast_in_dim3A_2 = arith.constant 1.000000e+00 : f32
    %broadcast_in_dim3A_3 = vector.broadcast %broadcast_in_dim3A_2 : f32 to vector<16xf32>
    %scan3A = arith.constant 0 : i32
    %scan3A_4 = arith.constant 0 : i32
    %scan3A_5 = arith.constant 640 : i32
    %scan3A_6 = arith.addi %scan3A_4, %scan3A_5 : i32
    %scan3A_7 = arith.constant 1 : i32
    %scan3A_8 = scf.for %scan3A_293 = %scan3A_4 to %scan3A_6 step %scan3A_7 iter_args(%scan3A_294 = %scan3A) -> (i32)  : i32 {
      %jit3A = arith.constant 8 : i32
      %div3A = arith.divsi %scan3A_293, %jit3A : i32
      %sign3A = arith.constant 0 : i32
      %sign3A_295 = arith.cmpi sgt, %scan3A_293, %sign3A : i32
      %sign3A_296 = arith.extui %sign3A_295 : i1 to i32
      %sign3A_297 = arith.constant 0 : i32
      %sign3A_298 = arith.cmpi slt, %scan3A_293, %sign3A_297 : i32
      %sign3A_299 = arith.extui %sign3A_298 : i1 to i32
      %sign3A_300 = arith.subi %sign3A_296, %sign3A_299 : i32
      %sign3A_301 = arith.constant 0 : i32
      %sign3A_302 = arith.cmpi sgt, %jit3A, %sign3A_301 : i32
      %sign3A_303 = arith.extui %sign3A_302 : i1 to i32
      %sign3A_304 = arith.constant 0 : i32
      %sign3A_305 = arith.cmpi slt, %jit3A, %sign3A_304 : i32
      %sign3A_306 = arith.extui %sign3A_305 : i1 to i32
      %sign3A_307 = arith.subi %sign3A_303, %sign3A_306 : i32
      %ne3A = arith.cmpi ne, %sign3A_300, %sign3A_307 : i32
      %rem3A = arith.remsi %scan3A_293, %jit3A : i32
      %ne3A_308 = arith.constant 0 : i32
      %ne3A_309 = arith.cmpi ne, %rem3A, %ne3A_308 : i32
      %and3A = arith.andi %ne3A, %ne3A_309 : i1
      %sub3A = arith.constant 1 : i32
      %sub3A_310 = arith.subi %div3A, %sub3A : i32
      %select_n3A = arith.select %and3A, %sub3A_310, %div3A : i32
      %jit3A_311 = arith.constant 8 : i32
      %eq3A_312 = arith.constant 0 : i32
      %eq3A_313 = arith.cmpi eq, %jit3A_311, %eq3A_312 : i32
      %jit3A_314 = arith.constant 1 : i32
      %select_n3A_315 = arith.select %eq3A_313, %jit3A_314, %jit3A_311 : i32
      %rem3A_316 = arith.remsi %scan3A_293, %select_n3A_315 : i32
      %ne3A_317 = arith.constant 0 : i32
      %ne3A_318 = arith.cmpi ne, %rem3A_316, %ne3A_317 : i32
      %lt3A = arith.constant 0 : i32
      %lt3A_319 = arith.cmpi slt, %rem3A_316, %lt3A : i32
      %lt3A_320 = arith.constant 0 : i32
      %lt3A_321 = arith.cmpi slt, %select_n3A_315, %lt3A_320 : i32
      %ne3A_322 = arith.xori %lt3A_319, %lt3A_321 : i1
      %and3A_323 = arith.andi %ne3A_322, %ne3A_318 : i1
      %add3A_324 = arith.addi %rem3A_316, %select_n3A_315 : i32
      %select_n3A_325 = arith.select %and3A_323, %add3A_324, %rem3A_316 : i32
      %mul3A_326 = arith.constant 16 : i32
      %mul3A_327 = arith.muli %select_n3A_325, %mul3A_326 : i32
      %swap3A = arith.index_cast %select_n3A : i32 to index
      %swap3A_328 = arith.index_cast %mul3A_327 : i32 to index
      %swap3A_329 = tpu.vector_load %arg16[%swap3A, %swap3A_328] {strides = array<i32>} : memref<80x128xf32, #tpu.memory_space<vmem>>, vector<16xf32>,
      tpu.vector_store %arg16[%swap3A, %swap3A_328], %broadcast_in_dim3A_1 {strides = array<i32>} : memref<80x128xf32, #tpu.memory_space<vmem>>, vector<16xf32>,
      %scan3A_330 = arith.constant 0 : i32
      scf.yield %scan3A_330 : i32
    }
    %scan3A_9 = arith.constant 640 : i32
    %scan3A_10 = arith.constant 0 : i32
    %scan3A_11 = arith.constant 0 : i32
    %scan3A_12 = arith.constant 640 : i32
    %scan3A_13 = arith.addi %scan3A_11, %scan3A_12 : i32
    %scan3A_14 = arith.constant 1 : i32
    %scan3A_15 = scf.for %scan3A_293 = %scan3A_11 to %scan3A_13 step %scan3A_14 iter_args(%scan3A_294 = %scan3A_10) -> (i32)  : i32 {
      %mul3A_295 = arith.constant 16 : i32
      %mul3A_296 = arith.muli %scan3A_293, %mul3A_295 : i32
      %swap3A = arith.index_cast %mul3A_296 : i32 to index
      %swap3A_297 = tpu.vector_load %arg18[%swap3A] {strides = array<i32>} : memref<10240xf32, #tpu.memory_space<vmem>>, vector<16xf32>,
      tpu.vector_store %arg18[%swap3A], %broadcast_in_dim3A_1 {strides = array<i32>} : memref<10240xf32, #tpu.memory_space<vmem>>, vector<16xf32>,
      %scan3A_298 = arith.constant 0 : i32
      scf.yield %scan3A_298 : i32
    }
    %scan3A_16 = arith.constant 640 : i32
    %mul3A_17 = arith.constant 624 : i32
    %mul3A_18 = arith.muli %arg1, %mul3A_17 : i32
    %add3A_19 = arith.constant 0 : i32
    %add3A_20 = arith.addi %mul3A_18, %add3A_19 : i32
    "tpu.region"() ({
      %run_scoped3A = tpu.sem_alloc : memref<!tpu.dma_semaphore, #tpu.memory_space<semaphore_mem>>
      %dma_start3A_293 = arith.constant 0 : i32
      %dma_start3A_294 = tpu.memref_slice %arg6[%add3A_20, %dma_start3A_293] : memref<10000x128xf32, #tpu.memory_space<vmem_shared>> -> memref<80x128xf32, #tpu.memory_space<vmem_shared>>
      %dma_start3A_295 = arith.constant 0 : i32
      %dma_start3A_296 = tpu.memref_slice %arg6[%add3A_20, %dma_start3A_295] : memref<10000x128xf32, #tpu.memory_space<vmem_shared>> -> memref<80x128xf32, #tpu.memory_space<vmem_shared>>
      tpu.enqueue_dma source(%arg16 : memref<80x128xf32, #tpu.memory_space<vmem>>) target(%dma_start3A_296 : memref<80x128xf32, #tpu.memory_space<vmem_shared>>) target_semaphore(%run_scoped3A : memref<!tpu.dma_semaphore, #tpu.memory_space<semaphore_mem>>)
      %dma_wait3A_297 = arith.constant 0 : i32
      %dma_wait3A_298 = tpu.memref_slice %arg6[%add3A_20, %dma_wait3A_297] : memref<10000x128xf32, #tpu.memory_space<vmem_shared>> -> memref<80x128xf32, #tpu.memory_space<vmem_shared>>
      %dma_wait3A_299 = arith.constant 0 : i32
      %dma_wait3A_300 = tpu.memref_slice %arg6[%add3A_20, %dma_wait3A_299] : memref<10000x128xf32, #tpu.memory_space<vmem_shared>> -> memref<80x128xf32, #tpu.memory_space<vmem_shared>>
      tpu.wait_dma2 semaphore(%run_scoped3A : memref<!tpu.dma_semaphore, #tpu.memory_space<semaphore_mem>>) src(%arg16 : memref<80x128xf32, #tpu.memory_space<vmem>>) dst(%dma_wait3A_300 : memref<80x128xf32, #tpu.memory_space<vmem_shared>>)
      tpu.yield
    }) : () -> ()
    %mul3A_21 = arith.constant 624 : i32
    %mul3A_22 = arith.muli %arg1, %mul3A_21 : i32
    %add3A_23 = arith.constant 80 : i32
    %add3A_24 = arith.addi %mul3A_22, %add3A_23 : i32
    "tpu.region"() ({
      %run_scoped3A = tpu.sem_alloc : memref<!tpu.dma_semaphore, #tpu.memory_space<semaphore_mem>>
      %dma_start3A_293 = arith.constant 0 : i32
      %dma_start3A_294 = tpu.memref_slice %arg6[%add3A_24, %dma_start3A_293] : memref<10000x128xf32, #tpu.memory_space<vmem_shared>> -> memref<80x128xf32, #tpu.memory_space<vmem_shared>>
      %dma_start3A_295 = arith.constant 0 : i32
      %dma_start3A_296 = tpu.memref_slice %arg6[%add3A_24, %dma_start3A_295] : memref<10000x128xf32, #tpu.memory_space<vmem_shared>> -> memref<80x128xf32, #tpu.memory_space<vmem_shared>>
      tpu.enqueue_dma source(%arg16 : memref<80x128xf32, #tpu.memory_space<vmem>>) target(%dma_start3A_296 : memref<80x128xf32, #tpu.memory_space<vmem_shared>>) target_semaphore(%run_scoped3A : memref<!tpu.dma_semaphore, #tpu.memory_space<semaphore_mem>>)
      %dma_wait3A_297 = arith.constant 0 : i32
      %dma_wait3A_298 = tpu.memref_slice %arg6[%add3A_24, %dma_wait3A_297] : memref<10000x128xf32, #tpu.memory_space<vmem_shared>> -> memref<80x128xf32, #tpu.memory_space<vmem_shared>>
      %dma_wait3A_299 = arith.constant 0 : i32
      %dma_wait3A_300 = tpu.memref_slice %arg6[%add3A_24, %dma_wait3A_299] : memref<10000x128xf32, #tpu.memory_space<vmem_shared>> -> memref<80x128xf32, #tpu.memory_space<vmem_shared>>
      tpu.wait_dma2 semaphore(%run_scoped3A : memref<!tpu.dma_semaphore, #tpu.memory_space<semaphore_mem>>) src(%arg16 : memref<80x128xf32, #tpu.memory_space<vmem>>) dst(%dma_wait3A_300 : memref<80x128xf32, #tpu.memory_space<vmem_shared>>)
      tpu.yield
    }) : () -> ()
    %mul3A_25 = arith.constant 624 : i32
    %mul3A_26 = arith.muli %arg1, %mul3A_25 : i32
    %add3A_27 = arith.constant 160 : i32
    %add3A_28 = arith.addi %mul3A_26, %add3A_27 : i32
    "tpu.region"() ({
      %run_scoped3A = tpu.sem_alloc : memref<!tpu.dma_semaphore, #tpu.memory_space<semaphore_mem>>
      %dma_start3A_293 = arith.constant 0 : i32
      %dma_start3A_294 = tpu.memref_slice %arg6[%add3A_28, %dma_start3A_293] : memref<10000x128xf32, #tpu.memory_space<vmem_shared>> -> memref<80x128xf32, #tpu.memory_space<vmem_shared>>
      %dma_start3A_295 = arith.constant 0 : i32
      %dma_start3A_296 = tpu.memref_slice %arg6[%add3A_28, %dma_start3A_295] : memref<10000x128xf32, #tpu.memory_space<vmem_shared>> -> memref<80x128xf32, #tpu.memory_space<vmem_shared>>
      tpu.enqueue_dma source(%arg16 : memref<80x128xf32, #tpu.memory_space<vmem>>) target(%dma_start3A_296 : memref<80x128xf32, #tpu.memory_space<vmem_shared>>) target_semaphore(%run_scoped3A : memref<!tpu.dma_semaphore, #tpu.memory_space<semaphore_mem>>)
      %dma_wait3A_297 = arith.constant 0 : i32
      %dma_wait3A_298 = tpu.memref_slice %arg6[%add3A_28, %dma_wait3A_297] : memref<10000x128xf32, #tpu.memory_space<vmem_shared>> -> memref<80x128xf32, #tpu.memory_space<vmem_shared>>
      %dma_wait3A_299 = arith.constant 0 : i32
      %dma_wait3A_300 = tpu.memref_slice %arg6[%add3A_28, %dma_wait3A_299] : memref<10000x128xf32, #tpu.memory_space<vmem_shared>> -> memref<80x128xf32, #tpu.memory_space<vmem_shared>>
      tpu.wait_dma2 semaphore(%run_scoped3A : memref<!tpu.dma_semaphore, #tpu.memory_space<semaphore_mem>>) src(%arg16 : memref<80x128xf32, #tpu.memory_space<vmem>>) dst(%dma_wait3A_300 : memref<80x128xf32, #tpu.memory_space<vmem_shared>>)
      tpu.yield
    }) : () -> ()
    %mul3A_29 = arith.constant 624 : i32
    %mul3A_30 = arith.muli %arg1, %mul3A_29 : i32
    %add3A_31 = arith.constant 240 : i32
    %add3A_32 = arith.addi %mul3A_30, %add3A_31 : i32
    "tpu.region"() ({
      %run_scoped3A = tpu.sem_alloc : memref<!tpu.dma_semaphore, #tpu.memory_space<semaphore_mem>>
      %dma_start3A_293 = arith.constant 0 : i32
      %dma_start3A_294 = tpu.memref_slice %arg6[%add3A_32, %dma_start3A_293] : memref<10000x128xf32, #tpu.memory_space<vmem_shared>> -> memref<80x128xf32, #tpu.memory_space<vmem_shared>>
      %dma_start3A_295 = arith.constant 0 : i32
      %dma_start3A_296 = tpu.memref_slice %arg6[%add3A_32, %dma_start3A_295] : memref<10000x128xf32, #tpu.memory_space<vmem_shared>> -> memref<80x128xf32, #tpu.memory_space<vmem_shared>>
      tpu.enqueue_dma source(%arg16 : memref<80x128xf32, #tpu.memory_space<vmem>>) target(%dma_start3A_296 : memref<80x128xf32, #tpu.memory_space<vmem_shared>>) target_semaphore(%run_scoped3A : memref<!tpu.dma_semaphore, #tpu.memory_space<semaphore_mem>>)
      %dma_wait3A_297 = arith.constant 0 : i32
      %dma_wait3A_298 = tpu.memref_slice %arg6[%add3A_32, %dma_wait3A_297] : memref<10000x128xf32, #tpu.memory_space<vmem_shared>> -> memref<80x128xf32, #tpu.memory_space<vmem_shared>>
      %dma_wait3A_299 = arith.constant 0 : i32
      %dma_wait3A_300 = tpu.memref_slice %arg6[%add3A_32, %dma_wait3A_299] : memref<10000x128xf32, #tpu.memory_space<vmem_shared>> -> memref<80x128xf32, #tpu.memory_space<vmem_shared>>
      tpu.wait_dma2 semaphore(%run_scoped3A : memref<!tpu.dma_semaphore, #tpu.memory_space<semaphore_mem>>) src(%arg16 : memref<80x128xf32, #tpu.memory_space<vmem>>) dst(%dma_wait3A_300 : memref<80x128xf32, #tpu.memory_space<vmem_shared>>)
      tpu.yield
    }) : () -> ()
    %mul3A_33 = arith.constant 624 : i32
    %mul3A_34 = arith.muli %arg1, %mul3A_33 : i32
    %add3A_35 = arith.constant 320 : i32
    %add3A_36 = arith.addi %mul3A_34, %add3A_35 : i32
    "tpu.region"() ({
      %run_scoped3A = tpu.sem_alloc : memref<!tpu.dma_semaphore, #tpu.memory_space<semaphore_mem>>
      %dma_start3A_293 = arith.constant 0 : i32
      %dma_start3A_294 = tpu.memref_slice %arg6[%add3A_36, %dma_start3A_293] : memref<10000x128xf32, #tpu.memory_space<vmem_shared>> -> memref<80x128xf32, #tpu.memory_space<vmem_shared>>
      %dma_start3A_295 = arith.constant 0 : i32
      %dma_start3A_296 = tpu.memref_slice %arg6[%add3A_36, %dma_start3A_295] : memref<10000x128xf32, #tpu.memory_space<vmem_shared>> -> memref<80x128xf32, #tpu.memory_space<vmem_shared>>
      tpu.enqueue_dma source(%arg16 : memref<80x128xf32, #tpu.memory_space<vmem>>) target(%dma_start3A_296 : memref<80x128xf32, #tpu.memory_space<vmem_shared>>) target_semaphore(%run_scoped3A : memref<!tpu.dma_semaphore, #tpu.memory_space<semaphore_mem>>)
      %dma_wait3A_297 = arith.constant 0 : i32
      %dma_wait3A_298 = tpu.memref_slice %arg6[%add3A_36, %dma_wait3A_297] : memref<10000x128xf32, #tpu.memory_space<vmem_shared>> -> memref<80x128xf32, #tpu.memory_space<vmem_shared>>
      %dma_wait3A_299 = arith.constant 0 : i32
      %dma_wait3A_300 = tpu.memref_slice %arg6[%add3A_36, %dma_wait3A_299] : memref<10000x128xf32, #tpu.memory_space<vmem_shared>> -> memref<80x128xf32, #tpu.memory_space<vmem_shared>>
      tpu.wait_dma2 semaphore(%run_scoped3A : memref<!tpu.dma_semaphore, #tpu.memory_space<semaphore_mem>>) src(%arg16 : memref<80x128xf32, #tpu.memory_space<vmem>>) dst(%dma_wait3A_300 : memref<80x128xf32, #tpu.memory_space<vmem_shared>>)
      tpu.yield
    }) : () -> ()
    %mul3A_37 = arith.constant 624 : i32
    %mul3A_38 = arith.muli %arg1, %mul3A_37 : i32
    %add3A_39 = arith.constant 400 : i32
    %add3A_40 = arith.addi %mul3A_38, %add3A_39 : i32
    "tpu.region"() ({
      %run_scoped3A = tpu.sem_alloc : memref<!tpu.dma_semaphore, #tpu.memory_space<semaphore_mem>>
      %dma_start3A_293 = arith.constant 0 : i32
      %dma_start3A_294 = tpu.memref_slice %arg6[%add3A_40, %dma_start3A_293] : memref<10000x128xf32, #tpu.memory_space<vmem_shared>> -> memref<80x128xf32, #tpu.memory_space<vmem_shared>>
      %dma_start3A_295 = arith.constant 0 : i32
      %dma_start3A_296 = tpu.memref_slice %arg6[%add3A_40, %dma_start3A_295] : memref<10000x128xf32, #tpu.memory_space<vmem_shared>> -> memref<80x128xf32, #tpu.memory_space<vmem_shared>>
      tpu.enqueue_dma source(%arg16 : memref<80x128xf32, #tpu.memory_space<vmem>>) target(%dma_start3A_296 : memref<80x128xf32, #tpu.memory_space<vmem_shared>>) target_semaphore(%run_scoped3A : memref<!tpu.dma_semaphore, #tpu.memory_space<semaphore_mem>>)
      %dma_wait3A_297 = arith.constant 0 : i32
      %dma_wait3A_298 = tpu.memref_slice %arg6[%add3A_40, %dma_wait3A_297] : memref<10000x128xf32, #tpu.memory_space<vmem_shared>> -> memref<80x128xf32, #tpu.memory_space<vmem_shared>>
      %dma_wait3A_299 = arith.constant 0 : i32
      %dma_wait3A_300 = tpu.memref_slice %arg6[%add3A_40, %dma_wait3A_299] : memref<10000x128xf32, #tpu.memory_space<vmem_shared>> -> memref<80x128xf32, #tpu.memory_space<vmem_shared>>
      tpu.wait_dma2 semaphore(%run_scoped3A : memref<!tpu.dma_semaphore, #tpu.memory_space<semaphore_mem>>) src(%arg16 : memref<80x128xf32, #tpu.memory_space<vmem>>) dst(%dma_wait3A_300 : memref<80x128xf32, #tpu.memory_space<vmem_shared>>)
      tpu.yield
    }) : () -> ()
    %mul3A_41 = arith.constant 624 : i32
    %mul3A_42 = arith.muli %arg1, %mul3A_41 : i32
    %add3A_43 = arith.constant 480 : i32
    %add3A_44 = arith.addi %mul3A_42, %add3A_43 : i32
    "tpu.region"() ({
      %run_scoped3A = tpu.sem_alloc : memref<!tpu.dma_semaphore, #tpu.memory_space<semaphore_mem>>
      %dma_start3A_293 = arith.constant 0 : i32
      %dma_start3A_294 = tpu.memref_slice %arg6[%add3A_44, %dma_start3A_293] : memref<10000x128xf32, #tpu.memory_space<vmem_shared>> -> memref<80x128xf32, #tpu.memory_space<vmem_shared>>
      %dma_start3A_295 = arith.constant 0 : i32
      %dma_start3A_296 = tpu.memref_slice %arg6[%add3A_44, %dma_start3A_295] : memref<10000x128xf32, #tpu.memory_space<vmem_shared>> -> memref<80x128xf32, #tpu.memory_space<vmem_shared>>
      tpu.enqueue_dma source(%arg16 : memref<80x128xf32, #tpu.memory_space<vmem>>) target(%dma_start3A_296 : memref<80x128xf32, #tpu.memory_space<vmem_shared>>) target_semaphore(%run_scoped3A : memref<!tpu.dma_semaphore, #tpu.memory_space<semaphore_mem>>)
      %dma_wait3A_297 = arith.constant 0 : i32
      %dma_wait3A_298 = tpu.memref_slice %arg6[%add3A_44, %dma_wait3A_297] : memref<10000x128xf32, #tpu.memory_space<vmem_shared>> -> memref<80x128xf32, #tpu.memory_space<vmem_shared>>
      %dma_wait3A_299 = arith.constant 0 : i32
      %dma_wait3A_300 = tpu.memref_slice %arg6[%add3A_44, %dma_wait3A_299] : memref<10000x128xf32, #tpu.memory_space<vmem_shared>> -> memref<80x128xf32, #tpu.memory_space<vmem_shared>>
      tpu.wait_dma2 semaphore(%run_scoped3A : memref<!tpu.dma_semaphore, #tpu.memory_space<semaphore_mem>>) src(%arg16 : memref<80x128xf32, #tpu.memory_space<vmem>>) dst(%dma_wait3A_300 : memref<80x128xf32, #tpu.memory_space<vmem_shared>>)
      tpu.yield
    }) : () -> ()
    %mul3A_45 = arith.constant 624 : i32
    %mul3A_46 = arith.muli %arg1, %mul3A_45 : i32
    %add3A_47 = arith.constant 560 : i32
    %add3A_48 = arith.addi %mul3A_46, %add3A_47 : i32
    "tpu.region"() ({
      %run_scoped3A = tpu.sem_alloc : memref<!tpu.dma_semaphore, #tpu.memory_space<semaphore_mem>>
      %dma_start3A_293 = arith.constant 0 : i32
      %dma_start3A_294 = arith.constant 0 : i32
      %dma_start3A_295 = tpu.memref_slice %arg16[%dma_start3A_293, %dma_start3A_294] : memref<80x128xf32, #tpu.memory_space<vmem>> -> memref<64x128xf32, #tpu.memory_space<vmem>>
      %dma_start3A_296 = arith.constant 0 : i32
      %dma_start3A_297 = tpu.memref_slice %arg6[%add3A_48, %dma_start3A_296] : memref<10000x128xf32, #tpu.memory_space<vmem_shared>> -> memref<64x128xf32, #tpu.memory_space<vmem_shared>>
      %dma_start3A_298 = arith.constant 0 : i32
      %dma_start3A_299 = tpu.memref_slice %arg6[%add3A_48, %dma_start3A_298] : memref<10000x128xf32, #tpu.memory_space<vmem_shared>> -> memref<64x128xf32, #tpu.memory_space<vmem_shared>>
      %dma_start3A_300 = arith.constant 0 : i32
      %dma_start3A_301 = arith.constant 0 : i32
      %dma_start3A_302 = tpu.memref_slice %arg16[%dma_start3A_300, %dma_start3A_301] : memref<80x128xf32, #tpu.memory_space<vmem>> -> memref<64x128xf32, #tpu.memory_space<vmem>>
      tpu.enqueue_dma source(%dma_start3A_302 : memref<64x128xf32, #tpu.memory_space<vmem>>) target(%dma_start3A_299 : memref<64x128xf32, #tpu.memory_space<vmem_shared>>) target_semaphore(%run_scoped3A : memref<!tpu.dma_semaphore, #tpu.memory_space<semaphore_mem>>)
      %dma_wait3A_303 = arith.constant 0 : i32
      %dma_wait3A_304 = arith.constant 0 : i32
      %dma_wait3A_305 = tpu.memref_slice %arg16[%dma_wait3A_303, %dma_wait3A_304] : memref<80x128xf32, #tpu.memory_space<vmem>> -> memref<64x128xf32, #tpu.memory_space<vmem>>
      %dma_wait3A_306 = arith.constant 0 : i32
      %dma_wait3A_307 = tpu.memref_slice %arg6[%add3A_48, %dma_wait3A_306] : memref<10000x128xf32, #tpu.memory_space<vmem_shared>> -> memref<64x128xf32, #tpu.memory_space<vmem_shared>>
      %dma_wait3A_308 = arith.constant 0 : i32
      %dma_wait3A_309 = tpu.memref_slice %arg6[%add3A_48, %dma_wait3A_308] : memref<10000x128xf32, #tpu.memory_space<vmem_shared>> -> memref<64x128xf32, #tpu.memory_space<vmem_shared>>
      %dma_wait3A_310 = arith.constant 0 : i32
      %dma_wait3A_311 = arith.constant 0 : i32
      %dma_wait3A_312 = tpu.memref_slice %arg16[%dma_wait3A_310, %dma_wait3A_311] : memref<80x128xf32, #tpu.memory_space<vmem>> -> memref<64x128xf32, #tpu.memory_space<vmem>>
      tpu.wait_dma2 semaphore(%run_scoped3A : memref<!tpu.dma_semaphore, #tpu.memory_space<semaphore_mem>>) src(%dma_wait3A_312 : memref<64x128xf32, #tpu.memory_space<vmem>>) dst(%dma_wait3A_309 : memref<64x128xf32, #tpu.memory_space<vmem_shared>>)
      tpu.yield
    }) : () -> ()
    %eq3A = arith.constant 0 : i32
    %eq3A_49 = arith.cmpi eq, %arg1, %eq3A : i32
    %convert_element_type3A = arith.extui %eq3A_49 : i1 to i32
    %cond3A = arith.constant 0 : i32
    %cond3A_50 = arith.cmpi ne, %convert_element_type3A, %cond3A : i32
    scf.if %cond3A_50 {
      "tpu.region"() ({
        %run_scoped3A = tpu.sem_alloc : memref<!tpu.dma_semaphore, #tpu.memory_space<semaphore_mem>>
        %dma_start3A_293 = arith.constant 0 : i32
        %dma_start3A_294 = arith.constant 0 : i32
        %dma_start3A_295 = tpu.memref_slice %arg16[%dma_start3A_293, %dma_start3A_294] : memref<80x128xf32, #tpu.memory_space<vmem>> -> memref<16x128xf32, #tpu.memory_space<vmem>>
        %dma_start3A_296 = arith.constant 9984 : i32
        %dma_start3A_297 = arith.constant 0 : i32
        %dma_start3A_298 = tpu.memref_slice %arg6[%dma_start3A_296, %dma_start3A_297] : memref<10000x128xf32, #tpu.memory_space<vmem_shared>> -> memref<16x128xf32, #tpu.memory_space<vmem_shared>>
        %dma_start3A_299 = arith.constant 9984 : i32
        %dma_start3A_300 = arith.constant 0 : i32
        %dma_start3A_301 = tpu.memref_slice %arg6[%dma_start3A_299, %dma_start3A_300] : memref<10000x128xf32, #tpu.memory_space<vmem_shared>> -> memref<16x128xf32, #tpu.memory_space<vmem_shared>>
        %dma_start3A_302 = arith.constant 0 : i32
        %dma_start3A_303 = arith.constant 0 : i32
        %dma_start3A_304 = tpu.memref_slice %arg16[%dma_start3A_302, %dma_start3A_303] : memref<80x128xf32, #tpu.memory_space<vmem>> -> memref<16x128xf32, #tpu.memory_space<vmem>>
        tpu.enqueue_dma source(%dma_start3A_304 : memref<16x128xf32, #tpu.memory_space<vmem>>) target(%dma_start3A_301 : memref<16x128xf32, #tpu.memory_space<vmem_shared>>) target_semaphore(%run_scoped3A : memref<!tpu.dma_semaphore, #tpu.memory_space<semaphore_mem>>)
        %dma_wait3A_305 = arith.constant 0 : i32
        %dma_wait3A_306 = arith.constant 0 : i32
        %dma_wait3A_307 = tpu.memref_slice %arg16[%dma_wait3A_305, %dma_wait3A_306] : memref<80x128xf32, #tpu.memory_space<vmem>> -> memref<16x128xf32, #tpu.memory_space<vmem>>
        %dma_wait3A_308 = arith.constant 9984 : i32
        %dma_wait3A_309 = arith.constant 0 : i32
        %dma_wait3A_310 = tpu.memref_slice %arg6[%dma_wait3A_308, %dma_wait3A_309] : memref<10000x128xf32, #tpu.memory_space<vmem_shared>> -> memref<16x128xf32, #tpu.memory_space<vmem_shared>>
        %dma_wait3A_311 = arith.constant 9984 : i32
        %dma_wait3A_312 = arith.constant 0 : i32
        %dma_wait3A_313 = tpu.memref_slice %arg6[%dma_wait3A_311, %dma_wait3A_312] : memref<10000x128xf32, #tpu.memory_space<vmem_shared>> -> memref<16x128xf32, #tpu.memory_space<vmem_shared>>
        %dma_wait3A_314 = arith.constant 0 : i32
        %dma_wait3A_315 = arith.constant 0 : i32
        %dma_wait3A_316 = tpu.memref_slice %arg16[%dma_wait3A_314, %dma_wait3A_315] : memref<80x128xf32, #tpu.memory_space<vmem>> -> memref<16x128xf32, #tpu.memory_space<vmem>>
        tpu.wait_dma2 semaphore(%run_scoped3A : memref<!tpu.dma_semaphore, #tpu.memory_space<semaphore_mem>>) src(%dma_wait3A_316 : memref<16x128xf32, #tpu.memory_space<vmem>>) dst(%dma_wait3A_313 : memref<16x128xf32, #tpu.memory_space<vmem_shared>>)
        tpu.yield
      }) : () -> ()
    } else {
    }
    %barrier3A = arith.constant 0 : index
    tpu.barrier barrier_id(%barrier3A)
    %mul3A_51 = arith.constant 125 : i32
    %mul3A_52 = arith.muli %add3A, %mul3A_51 : i32
    %add3A_53 = arith.constant 0 : i32
    %add3A_54 = arith.addi %mul3A_52, %add3A_53 : i32
    %dma_start3A = arith.constant 0 : i32
    %dma_start3A_55 = arith.constant 0 : i32
    %dma_start3A_56 = tpu.memref_slice %arg3[%add3A_54, %dma_start3A, %dma_start3A_55] : memref<8000x1x80xi32, #tpu.memory_space<hbm>> -> memref<1x1x80xi32, #tpu.memory_space<hbm>>
    %dma_start3A_57 = tpu.memref_squeeze %dma_start3A_56 : memref<1x1x80xi32, #tpu.memory_space<hbm>> -> memref<1x80xi32, #tpu.memory_space<hbm>>
    %dma_start3A_58 = arith.constant 0 : i32
    %dma_start3A_59 = arith.constant 0 : i32
    %dma_start3A_60 = tpu.memref_slice %arg3[%add3A_54, %dma_start3A_58, %dma_start3A_59] : memref<8000x1x80xi32, #tpu.memory_space<hbm>> -> memref<1x1x80xi32, #tpu.memory_space<hbm>>
    %dma_start3A_61 = tpu.memref_squeeze %dma_start3A_60 : memref<1x1x80xi32, #tpu.memory_space<hbm>> -> memref<1x80xi32, #tpu.memory_space<hbm>>
    tpu.enqueue_dma source(%dma_start3A_61 : memref<1x80xi32, #tpu.memory_space<hbm>>) target(%arg8 : memref<1x80xi32, #tpu.memory_space<vmem>>) target_semaphore(%arg21 : memref<!tpu.dma_semaphore, #tpu.memory_space<semaphore_mem>>)
    %add3A_62 = arith.constant 4000 : i32
    %add3A_63 = arith.addi %add3A_62, %add3A_54 : i32
    %dma_start3A_64 = arith.constant 0 : i32
    %dma_start3A_65 = arith.constant 0 : i32
    %dma_start3A_66 = tpu.memref_slice %arg3[%add3A_63, %dma_start3A_64, %dma_start3A_65] : memref<8000x1x80xi32, #tpu.memory_space<hbm>> -> memref<1x1x80xi32, #tpu.memory_space<hbm>>
    %dma_start3A_67 = tpu.memref_squeeze %dma_start3A_66 : memref<1x1x80xi32, #tpu.memory_space<hbm>> -> memref<1x80xi32, #tpu.memory_space<hbm>>
    %dma_start3A_68 = arith.constant 0 : i32
    %dma_start3A_69 = arith.constant 0 : i32
    %dma_start3A_70 = tpu.memref_slice %arg3[%add3A_63, %dma_start3A_68, %dma_start3A_69] : memref<8000x1x80xi32, #tpu.memory_space<hbm>> -> memref<1x1x80xi32, #tpu.memory_space<hbm>>
    %dma_start3A_71 = tpu.memref_squeeze %dma_start3A_70 : memref<1x1x80xi32, #tpu.memory_space<hbm>> -> memref<1x80xi32, #tpu.memory_space<hbm>>
    tpu.enqueue_dma source(%dma_start3A_71 : memref<1x80xi32, #tpu.memory_space<hbm>>) target(%arg12 : memref<1x80xi32, #tpu.memory_space<vmem>>) target_semaphore(%arg21 : memref<!tpu.dma_semaphore, #tpu.memory_space<semaphore_mem>>)
    %add3A_72 = arith.constant 1 : i32
    %add3A_73 = arith.addi %mul3A_52, %add3A_72 : i32
    %dma_start3A_74 = arith.constant 0 : i32
    %dma_start3A_75 = arith.constant 0 : i32
    %dma_start3A_76 = tpu.memref_slice %arg3[%add3A_73, %dma_start3A_74, %dma_start3A_75] : memref<8000x1x80xi32, #tpu.memory_space<hbm>> -> memref<1x1x80xi32, #tpu.memory_space<hbm>>
    %dma_start3A_77 = tpu.memref_squeeze %dma_start3A_76 : memref<1x1x80xi32, #tpu.memory_space<hbm>> -> memref<1x80xi32, #tpu.memory_space<hbm>>
    %dma_start3A_78 = arith.constant 0 : i32
    %dma_start3A_79 = arith.constant 0 : i32
    %dma_start3A_80 = tpu.memref_slice %arg3[%add3A_73, %dma_start3A_78, %dma_start3A_79] : memref<8000x1x80xi32, #tpu.memory_space<hbm>> -> memref<1x1x80xi32, #tpu.memory_space<hbm>>
    %dma_start3A_81 = tpu.memref_squeeze %dma_start3A_80 : memref<1x1x80xi32, #tpu.memory_space<hbm>> -> memref<1x80xi32, #tpu.memory_space<hbm>>
    tpu.enqueue_dma source(%dma_start3A_81 : memref<1x80xi32, #tpu.memory_space<hbm>>) target(%arg9 : memref<1x80xi32, #tpu.memory_space<vmem>>) target_semaphore(%arg22 : memref<!tpu.dma_semaphore, #tpu.memory_space<semaphore_mem>>)
    %add3A_82 = arith.constant 4000 : i32
    %add3A_83 = arith.addi %add3A_82, %add3A_73 : i32
    %dma_start3A_84 = arith.constant 0 : i32
    %dma_start3A_85 = arith.constant 0 : i32
    %dma_start3A_86 = tpu.memref_slice %arg3[%add3A_83, %dma_start3A_84, %dma_start3A_85] : memref<8000x1x80xi32, #tpu.memory_space<hbm>> -> memref<1x1x80xi32, #tpu.memory_space<hbm>>
    %dma_start3A_87 = tpu.memref_squeeze %dma_start3A_86 : memref<1x1x80xi32, #tpu.memory_space<hbm>> -> memref<1x80xi32, #tpu.memory_space<hbm>>
    %dma_start3A_88 = arith.constant 0 : i32
    %dma_start3A_89 = arith.constant 0 : i32
    %dma_start3A_90 = tpu.memref_slice %arg3[%add3A_83, %dma_start3A_88, %dma_start3A_89] : memref<8000x1x80xi32, #tpu.memory_space<hbm>> -> memref<1x1x80xi32, #tpu.memory_space<hbm>>
    %dma_start3A_91 = tpu.memref_squeeze %dma_start3A_90 : memref<1x1x80xi32, #tpu.memory_space<hbm>> -> memref<1x80xi32, #tpu.memory_space<hbm>>
    tpu.enqueue_dma source(%dma_start3A_91 : memref<1x80xi32, #tpu.memory_space<hbm>>) target(%arg13 : memref<1x80xi32, #tpu.memory_space<vmem>>) target_semaphore(%arg22 : memref<!tpu.dma_semaphore, #tpu.memory_space<semaphore_mem>>)
    %add3A_92 = arith.constant 2 : i32
    %add3A_93 = arith.addi %mul3A_52, %add3A_92 : i32
    %dma_start3A_94 = arith.constant 0 : i32
    %dma_start3A_95 = arith.constant 0 : i32
    %dma_start3A_96 = tpu.memref_slice %arg3[%add3A_93, %dma_start3A_94, %dma_start3A_95] : memref<8000x1x80xi32, #tpu.memory_space<hbm>> -> memref<1x1x80xi32, #tpu.memory_space<hbm>>
    %dma_start3A_97 = tpu.memref_squeeze %dma_start3A_96 : memref<1x1x80xi32, #tpu.memory_space<hbm>> -> memref<1x80xi32, #tpu.memory_space<hbm>>
    %dma_start3A_98 = arith.constant 0 : i32
    %dma_start3A_99 = arith.constant 0 : i32
    %dma_start3A_100 = tpu.memref_slice %arg3[%add3A_93, %dma_start3A_98, %dma_start3A_99] : memref<8000x1x80xi32, #tpu.memory_space<hbm>> -> memref<1x1x80xi32, #tpu.memory_space<hbm>>
    %dma_start3A_101 = tpu.memref_squeeze %dma_start3A_100 : memref<1x1x80xi32, #tpu.memory_space<hbm>> -> memref<1x80xi32, #tpu.memory_space<hbm>>
    tpu.enqueue_dma source(%dma_start3A_101 : memref<1x80xi32, #tpu.memory_space<hbm>>) target(%arg10 : memref<1x80xi32, #tpu.memory_space<vmem>>) target_semaphore(%arg23 : memref<!tpu.dma_semaphore, #tpu.memory_space<semaphore_mem>>)
    %add3A_102 = arith.constant 4000 : i32
    %add3A_103 = arith.addi %add3A_102, %add3A_93 : i32
    %dma_start3A_104 = arith.constant 0 : i32
    %dma_start3A_105 = arith.constant 0 : i32
    %dma_start3A_106 = tpu.memref_slice %arg3[%add3A_103, %dma_start3A_104, %dma_start3A_105] : memref<8000x1x80xi32, #tpu.memory_space<hbm>> -> memref<1x1x80xi32, #tpu.memory_space<hbm>>
    %dma_start3A_107 = tpu.memref_squeeze %dma_start3A_106 : memref<1x1x80xi32, #tpu.memory_space<hbm>> -> memref<1x80xi32, #tpu.memory_space<hbm>>
    %dma_start3A_108 = arith.constant 0 : i32
    %dma_start3A_109 = arith.constant 0 : i32
    %dma_start3A_110 = tpu.memref_slice %arg3[%add3A_103, %dma_start3A_108, %dma_start3A_109] : memref<8000x1x80xi32, #tpu.memory_space<hbm>> -> memref<1x1x80xi32, #tpu.memory_space<hbm>>
    %dma_start3A_111 = tpu.memref_squeeze %dma_start3A_110 : memref<1x1x80xi32, #tpu.memory_space<hbm>> -> memref<1x80xi32, #tpu.memory_space<hbm>>
    tpu.enqueue_dma source(%dma_start3A_111 : memref<1x80xi32, #tpu.memory_space<hbm>>) target(%arg14 : memref<1x80xi32, #tpu.memory_space<vmem>>) target_semaphore(%arg23 : memref<!tpu.dma_semaphore, #tpu.memory_space<semaphore_mem>>)
    %add3A_112 = arith.constant 3 : i32
    %add3A_113 = arith.addi %mul3A_52, %add3A_112 : i32
    %dma_start3A_114 = arith.constant 0 : i32
    %dma_start3A_115 = arith.constant 0 : i32
    %dma_start3A_116 = tpu.memref_slice %arg3[%add3A_113, %dma_start3A_114, %dma_start3A_115] : memref<8000x1x80xi32, #tpu.memory_space<hbm>> -> memref<1x1x80xi32, #tpu.memory_space<hbm>>
    %dma_start3A_117 = tpu.memref_squeeze %dma_start3A_116 : memref<1x1x80xi32, #tpu.memory_space<hbm>> -> memref<1x80xi32, #tpu.memory_space<hbm>>
    %dma_start3A_118 = arith.constant 0 : i32
    %dma_start3A_119 = arith.constant 0 : i32
    %dma_start3A_120 = tpu.memref_slice %arg3[%add3A_113, %dma_start3A_118, %dma_start3A_119] : memref<8000x1x80xi32, #tpu.memory_space<hbm>> -> memref<1x1x80xi32, #tpu.memory_space<hbm>>
    %dma_start3A_121 = tpu.memref_squeeze %dma_start3A_120 : memref<1x1x80xi32, #tpu.memory_space<hbm>> -> memref<1x80xi32, #tpu.memory_space<hbm>>
    tpu.enqueue_dma source(%dma_start3A_121 : memref<1x80xi32, #tpu.memory_space<hbm>>) target(%arg11 : memref<1x80xi32, #tpu.memory_space<vmem>>) target_semaphore(%arg24 : memref<!tpu.dma_semaphore, #tpu.memory_space<semaphore_mem>>)
    %add3A_122 = arith.constant 4000 : i32
    %add3A_123 = arith.addi %add3A_122, %add3A_113 : i32
    %dma_start3A_124 = arith.constant 0 : i32
    %dma_start3A_125 = arith.constant 0 : i32
    %dma_start3A_126 = tpu.memref_slice %arg3[%add3A_123, %dma_start3A_124, %dma_start3A_125] : memref<8000x1x80xi32, #tpu.memory_space<hbm>> -> memref<1x1x80xi32, #tpu.memory_space<hbm>>
    %dma_start3A_127 = tpu.memref_squeeze %dma_start3A_126 : memref<1x1x80xi32, #tpu.memory_space<hbm>> -> memref<1x80xi32, #tpu.memory_space<hbm>>
    %dma_start3A_128 = arith.constant 0 : i32
    %dma_start3A_129 = arith.constant 0 : i32
    %dma_start3A_130 = tpu.memref_slice %arg3[%add3A_123, %dma_start3A_128, %dma_start3A_129] : memref<8000x1x80xi32, #tpu.memory_space<hbm>> -> memref<1x1x80xi32, #tpu.memory_space<hbm>>
    %dma_start3A_131 = tpu.memref_squeeze %dma_start3A_130 : memref<1x1x80xi32, #tpu.memory_space<hbm>> -> memref<1x80xi32, #tpu.memory_space<hbm>>
    tpu.enqueue_dma source(%dma_start3A_131 : memref<1x80xi32, #tpu.memory_space<hbm>>) target(%arg15 : memref<1x80xi32, #tpu.memory_space<vmem>>) target_semaphore(%arg24 : memref<!tpu.dma_semaphore, #tpu.memory_space<semaphore_mem>>)
    %dma_wait3A = arith.constant 0 : i32
    %dma_wait3A_132 = arith.constant 0 : i32
    %dma_wait3A_133 = arith.constant 0 : i32
    %dma_wait3A_134 = tpu.memref_slice %arg3[%dma_wait3A, %dma_wait3A_132, %dma_wait3A_133] : memref<8000x1x80xi32, #tpu.memory_space<hbm>> -> memref<1x1x80xi32, #tpu.memory_space<hbm>>
    %dma_wait3A_135 = tpu.memref_squeeze %dma_wait3A_134 : memref<1x1x80xi32, #tpu.memory_space<hbm>> -> memref<1x80xi32, #tpu.memory_space<hbm>>
    %dma_wait3A_136 = arith.constant 0 : i32
    %dma_wait3A_137 = arith.constant 0 : i32
    %dma_wait3A_138 = tpu.memref_slice %arg3[%dma_wait3A, %dma_wait3A_136, %dma_wait3A_137] : memref<8000x1x80xi32, #tpu.memory_space<hbm>> -> memref<1x1x80xi32, #tpu.memory_space<hbm>>
    %dma_wait3A_139 = tpu.memref_squeeze %dma_wait3A_138 : memref<1x1x80xi32, #tpu.memory_space<hbm>> -> memref<1x80xi32, #tpu.memory_space<hbm>>
    tpu.wait_dma2 semaphore(%arg21 : memref<!tpu.dma_semaphore, #tpu.memory_space<semaphore_mem>>) src(%dma_wait3A_139 : memref<1x80xi32, #tpu.memory_space<hbm>>) dst(%arg8 : memref<1x80xi32, #tpu.memory_space<vmem>>)
    %dma_wait3A_140 = arith.constant 0 : i32
    %dma_wait3A_141 = arith.constant 0 : i32
    %dma_wait3A_142 = arith.constant 0 : i32
    %dma_wait3A_143 = tpu.memref_slice %arg3[%dma_wait3A_140, %dma_wait3A_141, %dma_wait3A_142] : memref<8000x1x80xi32, #tpu.memory_space<hbm>> -> memref<1x1x80xi32, #tpu.memory_space<hbm>>
    %dma_wait3A_144 = tpu.memref_squeeze %dma_wait3A_143 : memref<1x1x80xi32, #tpu.memory_space<hbm>> -> memref<1x80xi32, #tpu.memory_space<hbm>>
    %dma_wait3A_145 = arith.constant 0 : i32
    %dma_wait3A_146 = arith.constant 0 : i32
    %dma_wait3A_147 = tpu.memref_slice %arg3[%dma_wait3A_140, %dma_wait3A_145, %dma_wait3A_146] : memref<8000x1x80xi32, #tpu.memory_space<hbm>> -> memref<1x1x80xi32, #tpu.memory_space<hbm>>
    %dma_wait3A_148 = tpu.memref_squeeze %dma_wait3A_147 : memref<1x1x80xi32, #tpu.memory_space<hbm>> -> memref<1x80xi32, #tpu.memory_space<hbm>>
    tpu.wait_dma2 semaphore(%arg21 : memref<!tpu.dma_semaphore, #tpu.memory_space<semaphore_mem>>) src(%dma_wait3A_148 : memref<1x80xi32, #tpu.memory_space<hbm>>) dst(%arg12 : memref<1x80xi32, #tpu.memory_space<vmem>>)
    %dma_start3A_149 = arith.constant 0 : i32
    %dma_start3A_150 = arith.constant 0 : i32
    %dma_start3A_151 = tpu.memref_slice %arg8[%dma_start3A_149, %dma_start3A_150] : memref<1x80xi32, #tpu.memory_space<vmem>> -> memref<1x80xi32, #tpu.memory_space<vmem>>
    %dma_start3A_152 = tpu.memref_squeeze %dma_start3A_151 : memref<1x80xi32, #tpu.memory_space<vmem>> -> memref<80xi32, #tpu.memory_space<vmem>>
    %dma_start3A_153 = arith.constant 0 : i32
    %dma_start3A_154 = arith.constant 0 : i32
    %dma_start3A_155 = tpu.memref_slice %arg2[%dma_start3A_153, %dma_start3A_154] : memref<10000x128xf32, #tpu.memory_space<hbm>> -> memref<10000x128xf32, #tpu.memory_space<hbm>>
    tpu.enqueue_indirect_dma source(%dma_start3A_155 : memref<10000x128xf32, #tpu.memory_space<hbm>>) target(%arg16 : memref<80x128xf32, #tpu.memory_space<vmem>>) offsets(%dma_start3A_152 : memref<80xi32, #tpu.memory_space<vmem>>) semaphore(%arg25 : memref<!tpu.dma_semaphore, #tpu.memory_space<semaphore_mem>>)
    %dma_wait3A_156 = arith.constant 0 : i32
    %dma_wait3A_157 = arith.constant 0 : i32
    %dma_wait3A_158 = arith.constant 0 : i32
    %dma_wait3A_159 = tpu.memref_slice %arg3[%dma_wait3A_156, %dma_wait3A_157, %dma_wait3A_158] : memref<8000x1x80xi32, #tpu.memory_space<hbm>> -> memref<1x1x80xi32, #tpu.memory_space<hbm>>
    %dma_wait3A_160 = tpu.memref_squeeze %dma_wait3A_159 : memref<1x1x80xi32, #tpu.memory_space<hbm>> -> memref<1x80xi32, #tpu.memory_space<hbm>>
    %dma_wait3A_161 = arith.constant 0 : i32
    %dma_wait3A_162 = arith.constant 0 : i32
    %dma_wait3A_163 = tpu.memref_slice %arg3[%dma_wait3A_156, %dma_wait3A_161, %dma_wait3A_162] : memref<8000x1x80xi32, #tpu.memory_space<hbm>> -> memref<1x1x80xi32, #tpu.memory_space<hbm>>
    %dma_wait3A_164 = tpu.memref_squeeze %dma_wait3A_163 : memref<1x1x80xi32, #tpu.memory_space<hbm>> -> memref<1x80xi32, #tpu.memory_space<hbm>>
    tpu.wait_dma2 semaphore(%arg22 : memref<!tpu.dma_semaphore, #tpu.memory_space<semaphore_mem>>) src(%dma_wait3A_164 : memref<1x80xi32, #tpu.memory_space<hbm>>) dst(%arg9 : memref<1x80xi32, #tpu.memory_space<vmem>>)
    %dma_wait3A_165 = arith.constant 0 : i32
    %dma_wait3A_166 = arith.constant 0 : i32
    %dma_wait3A_167 = arith.constant 0 : i32
    %dma_wait3A_168 = tpu.memref_slice %arg3[%dma_wait3A_165, %dma_wait3A_166, %dma_wait3A_167] : memref<8000x1x80xi32, #tpu.memory_space<hbm>> -> memref<1x1x80xi32, #tpu.memory_space<hbm>>
    %dma_wait3A_169 = tpu.memref_squeeze %dma_wait3A_168 : memref<1x1x80xi32, #tpu.memory_space<hbm>> -> memref<1x80xi32, #tpu.memory_space<hbm>>
    %dma_wait3A_170 = arith.constant 0 : i32
    %dma_wait3A_171 = arith.constant 0 : i32
    %dma_wait3A_172 = tpu.memref_slice %arg3[%dma_wait3A_165, %dma_wait3A_170, %dma_wait3A_171] : memref<8000x1x80xi32, #tpu.memory_space<hbm>> -> memref<1x1x80xi32, #tpu.memory_space<hbm>>
    %dma_wait3A_173 = tpu.memref_squeeze %dma_wait3A_172 : memref<1x1x80xi32, #tpu.memory_space<hbm>> -> memref<1x80xi32, #tpu.memory_space<hbm>>
    tpu.wait_dma2 semaphore(%arg22 : memref<!tpu.dma_semaphore, #tpu.memory_space<semaphore_mem>>) src(%dma_wait3A_173 : memref<1x80xi32, #tpu.memory_space<hbm>>) dst(%arg13 : memref<1x80xi32, #tpu.memory_space<vmem>>)
    %dma_start3A_174 = arith.constant 0 : i32
    %dma_start3A_175 = arith.constant 0 : i32
    %dma_start3A_176 = tpu.memref_slice %arg9[%dma_start3A_174, %dma_start3A_175] : memref<1x80xi32, #tpu.memory_space<vmem>> -> memref<1x80xi32, #tpu.memory_space<vmem>>
    %dma_start3A_177 = tpu.memref_squeeze %dma_start3A_176 : memref<1x80xi32, #tpu.memory_space<vmem>> -> memref<80xi32, #tpu.memory_space<vmem>>
    %dma_start3A_178 = arith.constant 0 : i32
    %dma_start3A_179 = arith.constant 0 : i32
    %dma_start3A_180 = tpu.memref_slice %arg2[%dma_start3A_178, %dma_start3A_179] : memref<10000x128xf32, #tpu.memory_space<hbm>> -> memref<10000x128xf32, #tpu.memory_space<hbm>>
    tpu.enqueue_indirect_dma source(%dma_start3A_180 : memref<10000x128xf32, #tpu.memory_space<hbm>>) target(%arg17 : memref<80x128xf32, #tpu.memory_space<vmem>>) offsets(%dma_start3A_177 : memref<80xi32, #tpu.memory_space<vmem>>) semaphore(%arg26 : memref<!tpu.dma_semaphore, #tpu.memory_space<semaphore_mem>>)
    %dma_wait3A_181 = arith.constant 0 : i32
    %dma_wait3A_182 = arith.constant 0 : i32
    %dma_wait3A_183 = tpu.memref_slice %arg8[%dma_wait3A_181, %dma_wait3A_182] : memref<1x80xi32, #tpu.memory_space<vmem>> -> memref<1x80xi32, #tpu.memory_space<vmem>>
    %dma_wait3A_184 = tpu.memref_squeeze %dma_wait3A_183 : memref<1x80xi32, #tpu.memory_space<vmem>> -> memref<80xi32, #tpu.memory_space<vmem>>
    %dma_wait3A_185 = arith.constant 0 : i32
    %dma_wait3A_186 = arith.constant 0 : i32
    %dma_wait3A_187 = tpu.memref_slice %arg2[%dma_wait3A_185, %dma_wait3A_186] : memref<10000x128xf32, #tpu.memory_space<hbm>> -> memref<10000x128xf32, #tpu.memory_space<hbm>>
    tpu.wait_indirect_dma semaphore(%arg25 : memref<!tpu.dma_semaphore, #tpu.memory_space<semaphore_mem>>) src(%dma_wait3A_187 : memref<10000x128xf32, #tpu.memory_space<hbm>>) dst(%arg16 : memref<80x128xf32, #tpu.memory_space<vmem>>)
    %dma_start3A_188 = arith.constant 0 : i32
    %dma_start3A_189 = arith.constant 0 : i32
    %dma_start3A_190 = tpu.memref_slice %arg12[%dma_start3A_188, %dma_start3A_189] : memref<1x80xi32, #tpu.memory_space<vmem>> -> memref<1x80xi32, #tpu.memory_space<vmem>>
    %dma_start3A_191 = tpu.memref_squeeze %dma_start3A_190 : memref<1x80xi32, #tpu.memory_space<vmem>> -> memref<80xi32, #tpu.memory_space<vmem>>
    %dma_start3A_192 = arith.constant 0 : i32
    %dma_start3A_193 = arith.constant 0 : i32
    %dma_start3A_194 = tpu.memref_slice %arg6[%dma_start3A_192, %dma_start3A_193] : memref<10000x128xf32, #tpu.memory_space<vmem_shared>> -> memref<10000x128xf32, #tpu.memory_space<vmem_shared>>
    tpu.enqueue_indirect_dma source(%arg16 : memref<80x128xf32, #tpu.memory_space<vmem>>) target(%dma_start3A_194 : memref<10000x128xf32, #tpu.memory_space<vmem_shared>>) offsets(%dma_start3A_191 : memref<80xi32, #tpu.memory_space<vmem>>) semaphore(%arg27 : memref<!tpu.dma_semaphore, #tpu.memory_space<semaphore_mem>>) {add = true}
    %get3A = arith.constant 0 : i32
    %get3A_195 = arith.index_cast %get3A : i32 to index
    %get3A_196 = arith.constant 0 : index
    %get3A_197 = tpu.vector_load %arg12[%get3A_195, %get3A_196] {strides = array<i32>} : memref<1x80xi32, #tpu.memory_space<vmem>>, vector<16xi32>,
    tpu.vector_store_idx %arg18[%get3A_197], %broadcast_in_dim3A_3 {add = true} : memref<10240xf32, #tpu.memory_space<vmem>>[vector<16xi32>], vector<16xf32>,
    %get3A_198 = arith.constant 0 : i32
    %get3A_199 = arith.index_cast %get3A_198 : i32 to index
    %get3A_200 = arith.constant 16 : index
    %get3A_201 = tpu.vector_load %arg12[%get3A_199, %get3A_200] {strides = array<i32>} : memref<1x80xi32, #tpu.memory_space<vmem>>, vector<16xi32>,
    tpu.vector_store_idx %arg18[%get3A_201], %broadcast_in_dim3A_3 {add = true} : memref<10240xf32, #tpu.memory_space<vmem>>[vector<16xi32>], vector<16xf32>,
    %get3A_202 = arith.constant 0 : i32
    %get3A_203 = arith.index_cast %get3A_202 : i32 to index
    %get3A_204 = arith.constant 32 : index
    %get3A_205 = tpu.vector_load %arg12[%get3A_203, %get3A_204] {strides = array<i32>} : memref<1x80xi32, #tpu.memory_space<vmem>>, vector<16xi32>,
    tpu.vector_store_idx %arg18[%get3A_205], %broadcast_in_dim3A_3 {add = true} : memref<10240xf32, #tpu.memory_space<vmem>>[vector<16xi32>], vector<16xf32>,
    %get3A_206 = arith.constant 0 : i32
    %get3A_207 = arith.index_cast %get3A_206 : i32 to index
    %get3A_208 = arith.constant 48 : index
    %get3A_209 = tpu.vector_load %arg12[%get3A_207, %get3A_208] {strides = array<i32>} : memref<1x80xi32, #tpu.memory_space<vmem>>, vector<16xi32>,
    tpu.vector_store_idx %arg18[%get3A_209], %broadcast_in_dim3A_3 {add = true} : memref<10240xf32, #tpu.memory_space<vmem>>[vector<16xi32>], vector<16xf32>,
    %get3A_210 = arith.constant 0 : i32
    %get3A_211 = arith.index_cast %get3A_210 : i32 to index
    %get3A_212 = arith.constant 64 : index
    %get3A_213 = tpu.vector_load %arg12[%get3A_211, %get3A_212] {strides = array<i32>} : memref<1x80xi32, #tpu.memory_space<vmem>>, vector<16xi32>,
    tpu.vector_store_idx %arg18[%get3A_213], %broadcast_in_dim3A_3 {add = true} : memref<10240xf32, #tpu.memory_space<vmem>>[vector<16xi32>], vector<16xf32>,
    %scan3A_214 = arith.constant 0 : i32
    %scan3A_215 = arith.constant 0 : i32
    %scan3A_216 = arith.constant 31 : i32
    %scan3A_217 = arith.addi %scan3A_215, %scan3A_216 : i32
    %scan3A_218 = arith.constant 1 : i32
    %scan3A_219 = scf.for %scan3A_293 = %scan3A_215 to %scan3A_217 step %scan3A_218 iter_args(%scan3A_294 = %scan3A_214) -> (i32)  : i32 {
      %mul3A_295 = arith.constant 4 : i32
      %mul3A_296 = arith.muli %mul3A_295, %scan3A_293 : i32
      %add3A_297 = arith.constant 1 : i32
      %add3A_298 = arith.addi %mul3A_296, %add3A_297 : i32
      %add3A_299 = arith.constant 0 : i32
      %add3A_300 = arith.addi %add3A_298, %add3A_299 : i32
      %add3A_301 = arith.constant 1 : i32
      %add3A_302 = arith.addi %add3A_300, %add3A_301 : i32
      %le3A = arith.constant 124 : i32
      %le3A_303 = arith.cmpi sle, %add3A_302, %le3A : i32
      %convert_element_type3A_304 = arith.extui %le3A_303 : i1 to i32
      %cond3A_305 = arith.constant 0 : i32
      %cond3A_306 = arith.cmpi ne, %convert_element_type3A_304, %cond3A_305 : i32
      scf.if %cond3A_306 {
        %dma_wait3A_567 = arith.constant 0 : i32
        %dma_wait3A_568 = arith.constant 0 : i32
        %dma_wait3A_569 = arith.constant 0 : i32
        %dma_wait3A_570 = tpu.memref_slice %arg3[%dma_wait3A_567, %dma_wait3A_568, %dma_wait3A_569] : memref<8000x1x80xi32, #tpu.memory_space<hbm>> -> memref<1x1x80xi32, #tpu.memory_space<hbm>>
        %dma_wait3A_571 = tpu.memref_squeeze %dma_wait3A_570 : memref<1x1x80xi32, #tpu.memory_space<hbm>> -> memref<1x80xi32, #tpu.memory_space<hbm>>
        %dma_wait3A_572 = arith.constant 0 : i32
        %dma_wait3A_573 = arith.constant 0 : i32
        %dma_wait3A_574 = tpu.memref_slice %arg3[%dma_wait3A_567, %dma_wait3A_572, %dma_wait3A_573] : memref<8000x1x80xi32, #tpu.memory_space<hbm>> -> memref<1x1x80xi32, #tpu.memory_space<hbm>>
        %dma_wait3A_575 = tpu.memref_squeeze %dma_wait3A_574 : memref<1x1x80xi32, #tpu.memory_space<hbm>> -> memref<1x80xi32, #tpu.memory_space<hbm>>
        tpu.wait_dma2 semaphore(%arg23 : memref<!tpu.dma_semaphore, #tpu.memory_space<semaphore_mem>>) src(%dma_wait3A_575 : memref<1x80xi32, #tpu.memory_space<hbm>>) dst(%arg10 : memref<1x80xi32, #tpu.memory_space<vmem>>)
        %dma_wait3A_576 = arith.constant 0 : i32
        %dma_wait3A_577 = arith.constant 0 : i32
        %dma_wait3A_578 = arith.constant 0 : i32
        %dma_wait3A_579 = tpu.memref_slice %arg3[%dma_wait3A_576, %dma_wait3A_577, %dma_wait3A_578] : memref<8000x1x80xi32, #tpu.memory_space<hbm>> -> memref<1x1x80xi32, #tpu.memory_space<hbm>>
        %dma_wait3A_580 = tpu.memref_squeeze %dma_wait3A_579 : memref<1x1x80xi32, #tpu.memory_space<hbm>> -> memref<1x80xi32, #tpu.memory_space<hbm>>
        %dma_wait3A_581 = arith.constant 0 : i32
        %dma_wait3A_582 = arith.constant 0 : i32
        %dma_wait3A_583 = tpu.memref_slice %arg3[%dma_wait3A_576, %dma_wait3A_581, %dma_wait3A_582] : memref<8000x1x80xi32, #tpu.memory_space<hbm>> -> memref<1x1x80xi32, #tpu.memory_space<hbm>>
        %dma_wait3A_584 = tpu.memref_squeeze %dma_wait3A_583 : memref<1x1x80xi32, #tpu.memory_space<hbm>> -> memref<1x80xi32, #tpu.memory_space<hbm>>
        tpu.wait_dma2 semaphore(%arg23 : memref<!tpu.dma_semaphore, #tpu.memory_space<semaphore_mem>>) src(%dma_wait3A_584 : memref<1x80xi32, #tpu.memory_space<hbm>>) dst(%arg14 : memref<1x80xi32, #tpu.memory_space<vmem>>)
      } else {
      }
      %dma_wait3A_307 = arith.constant 0 : i32
      %dma_wait3A_308 = arith.constant 0 : i32
      %dma_wait3A_309 = tpu.memref_slice %arg12[%dma_wait3A_307, %dma_wait3A_308] : memref<1x80xi32, #tpu.memory_space<vmem>> -> memref<1x80xi32, #tpu.memory_space<vmem>>
      %dma_wait3A_310 = tpu.memref_squeeze %dma_wait3A_309 : memref<1x80xi32, #tpu.memory_space<vmem>> -> memref<80xi32, #tpu.memory_space<vmem>>
      %dma_wait3A_311 = arith.constant 0 : i32
      %dma_wait3A_312 = arith.constant 0 : i32
      %dma_wait3A_313 = tpu.memref_slice %arg6[%dma_wait3A_311, %dma_wait3A_312] : memref<10000x128xf32, #tpu.memory_space<vmem_shared>> -> memref<10000x128xf32, #tpu.memory_space<vmem_shared>>
      tpu.wait_indirect_dma semaphore(%arg27 : memref<!tpu.dma_semaphore, #tpu.memory_space<semaphore_mem>>) src(%arg16 : memref<80x128xf32, #tpu.memory_space<vmem>>) dst(%dma_wait3A_313 : memref<10000x128xf32, #tpu.memory_space<vmem_shared>>)
      %add3A_314 = arith.constant 1 : i32
      %add3A_315 = arith.addi %add3A_300, %add3A_314 : i32
      %le3A_316 = arith.constant 124 : i32
      %le3A_317 = arith.cmpi sle, %add3A_315, %le3A_316 : i32
      %convert_element_type3A_318 = arith.extui %le3A_317 : i1 to i32
      %cond3A_319 = arith.constant 0 : i32
      %cond3A_320 = arith.cmpi ne, %convert_element_type3A_318, %cond3A_319 : i32
      scf.if %cond3A_320 {
        %dma_start3A_567 = arith.constant 0 : i32
        %dma_start3A_568 = arith.constant 0 : i32
        %dma_start3A_569 = tpu.memref_slice %arg10[%dma_start3A_567, %dma_start3A_568] : memref<1x80xi32, #tpu.memory_space<vmem>> -> memref<1x80xi32, #tpu.memory_space<vmem>>
        %dma_start3A_570 = tpu.memref_squeeze %dma_start3A_569 : memref<1x80xi32, #tpu.memory_space<vmem>> -> memref<80xi32, #tpu.memory_space<vmem>>
        %dma_start3A_571 = arith.constant 0 : i32
        %dma_start3A_572 = arith.constant 0 : i32
        %dma_start3A_573 = tpu.memref_slice %arg2[%dma_start3A_571, %dma_start3A_572] : memref<10000x128xf32, #tpu.memory_space<hbm>> -> memref<10000x128xf32, #tpu.memory_space<hbm>>
        tpu.enqueue_indirect_dma source(%dma_start3A_573 : memref<10000x128xf32, #tpu.memory_space<hbm>>) target(%arg16 : memref<80x128xf32, #tpu.memory_space<vmem>>) offsets(%dma_start3A_570 : memref<80xi32, #tpu.memory_space<vmem>>) semaphore(%arg25 : memref<!tpu.dma_semaphore, #tpu.memory_space<semaphore_mem>>)
      } else {
      }
      %dma_wait3A_321 = arith.constant 0 : i32
      %dma_wait3A_322 = arith.constant 0 : i32
      %dma_wait3A_323 = tpu.memref_slice %arg8[%dma_wait3A_321, %dma_wait3A_322] : memref<1x80xi32, #tpu.memory_space<vmem>> -> memref<1x80xi32, #tpu.memory_space<vmem>>
      %dma_wait3A_324 = tpu.memref_squeeze %dma_wait3A_323 : memref<1x80xi32, #tpu.memory_space<vmem>> -> memref<80xi32, #tpu.memory_space<vmem>>
      %dma_wait3A_325 = arith.constant 0 : i32
      %dma_wait3A_326 = arith.constant 0 : i32
      %dma_wait3A_327 = tpu.memref_slice %arg2[%dma_wait3A_325, %dma_wait3A_326] : memref<10000x128xf32, #tpu.memory_space<hbm>> -> memref<10000x128xf32, #tpu.memory_space<hbm>>
      tpu.wait_indirect_dma semaphore(%arg26 : memref<!tpu.dma_semaphore, #tpu.memory_space<semaphore_mem>>) src(%dma_wait3A_327 : memref<10000x128xf32, #tpu.memory_space<hbm>>) dst(%arg17 : memref<80x128xf32, #tpu.memory_space<vmem>>)
      %dma_start3A_328 = arith.constant 0 : i32
      %dma_start3A_329 = arith.constant 0 : i32
      %dma_start3A_330 = tpu.memref_slice %arg13[%dma_start3A_328, %dma_start3A_329] : memref<1x80xi32, #tpu.memory_space<vmem>> -> memref<1x80xi32, #tpu.memory_space<vmem>>
      %dma_start3A_331 = tpu.memref_squeeze %dma_start3A_330 : memref<1x80xi32, #tpu.memory_space<vmem>> -> memref<80xi32, #tpu.memory_space<vmem>>
      %dma_start3A_332 = arith.constant 0 : i32
      %dma_start3A_333 = arith.constant 0 : i32
      %dma_start3A_334 = tpu.memref_slice %arg6[%dma_start3A_332, %dma_start3A_333] : memref<10000x128xf32, #tpu.memory_space<vmem_shared>> -> memref<10000x128xf32, #tpu.memory_space<vmem_shared>>
      tpu.enqueue_indirect_dma source(%arg17 : memref<80x128xf32, #tpu.memory_space<vmem>>) target(%dma_start3A_334 : memref<10000x128xf32, #tpu.memory_space<vmem_shared>>) offsets(%dma_start3A_331 : memref<80xi32, #tpu.memory_space<vmem>>) semaphore(%arg28 : memref<!tpu.dma_semaphore, #tpu.memory_space<semaphore_mem>>) {add = true}
      %get3A_335 = arith.constant 0 : i32
      %get3A_336 = arith.index_cast %get3A_335 : i32 to index
      %get3A_337 = arith.constant 0 : index
      %get3A_338 = tpu.vector_load %arg13[%get3A_336, %get3A_337] {strides = array<i32>} : memref<1x80xi32, #tpu.memory_space<vmem>>, vector<16xi32>,
      tpu.vector_store_idx %arg18[%get3A_338], %broadcast_in_dim3A_3 {add = true} : memref<10240xf32, #tpu.memory_space<vmem>>[vector<16xi32>], vector<16xf32>,
      %get3A_339 = arith.constant 0 : i32
      %get3A_340 = arith.index_cast %get3A_339 : i32 to index
      %get3A_341 = arith.constant 16 : index
      %get3A_342 = tpu.vector_load %arg13[%get3A_340, %get3A_341] {strides = array<i32>} : memref<1x80xi32, #tpu.memory_space<vmem>>, vector<16xi32>,
      tpu.vector_store_idx %arg18[%get3A_342], %broadcast_in_dim3A_3 {add = true} : memref<10240xf32, #tpu.memory_space<vmem>>[vector<16xi32>], vector<16xf32>,
      %get3A_343 = arith.constant 0 : i32
      %get3A_344 = arith.index_cast %get3A_343 : i32 to index
      %get3A_345 = arith.constant 32 : index
      %get3A_346 = tpu.vector_load %arg13[%get3A_344, %get3A_345] {strides = array<i32>} : memref<1x80xi32, #tpu.memory_space<vmem>>, vector<16xi32>,
      tpu.vector_store_idx %arg18[%get3A_346], %broadcast_in_dim3A_3 {add = true} : memref<10240xf32, #tpu.memory_space<vmem>>[vector<16xi32>], vector<16xf32>,
      %get3A_347 = arith.constant 0 : i32
      %get3A_348 = arith.index_cast %get3A_347 : i32 to index
      %get3A_349 = arith.constant 48 : index
      %get3A_350 = tpu.vector_load %arg13[%get3A_348, %get3A_349] {strides = array<i32>} : memref<1x80xi32, #tpu.memory_space<vmem>>, vector<16xi32>,
      tpu.vector_store_idx %arg18[%get3A_350], %broadcast_in_dim3A_3 {add = true} : memref<10240xf32, #tpu.memory_space<vmem>>[vector<16xi32>], vector<16xf32>,
      %get3A_351 = arith.constant 0 : i32
      %get3A_352 = arith.index_cast %get3A_351 : i32 to index
      %get3A_353 = arith.constant 64 : index
      %get3A_354 = tpu.vector_load %arg13[%get3A_352, %get3A_353] {strides = array<i32>} : memref<1x80xi32, #tpu.memory_space<vmem>>, vector<16xi32>,
      tpu.vector_store_idx %arg18[%get3A_354], %broadcast_in_dim3A_3 {add = true} : memref<10240xf32, #tpu.memory_space<vmem>>[vector<16xi32>], vector<16xf32>,
      %add3A_355 = arith.constant 3 : i32
      %add3A_356 = arith.addi %add3A_300, %add3A_355 : i32
      %le3A_357 = arith.constant 124 : i32
      %le3A_358 = arith.cmpi sle, %add3A_356, %le3A_357 : i32
      %convert_element_type3A_359 = arith.extui %le3A_358 : i1 to i32
      %cond3A_360 = arith.constant 0 : i32
      %cond3A_361 = arith.cmpi ne, %convert_element_type3A_359, %cond3A_360 : i32
      scf.if %cond3A_361 {
        %add3A_567 = arith.constant 3 : i32
        %add3A_568 = arith.addi %add3A_300, %add3A_567 : i32
        %add3A_569 = arith.addi %mul3A_52, %add3A_568 : i32
        %dma_start3A_570 = arith.constant 0 : i32
        %dma_start3A_571 = arith.constant 0 : i32
        %dma_start3A_572 = tpu.memref_slice %arg3[%add3A_569, %dma_start3A_570, %dma_start3A_571] : memref<8000x1x80xi32, #tpu.memory_space<hbm>> -> memref<1x1x80xi32, #tpu.memory_space<hbm>>
        %dma_start3A_573 = tpu.memref_squeeze %dma_start3A_572 : memref<1x1x80xi32, #tpu.memory_space<hbm>> -> memref<1x80xi32, #tpu.memory_space<hbm>>
        %dma_start3A_574 = arith.constant 0 : i32
        %dma_start3A_575 = arith.constant 0 : i32
        %dma_start3A_576 = tpu.memref_slice %arg3[%add3A_569, %dma_start3A_574, %dma_start3A_575] : memref<8000x1x80xi32, #tpu.memory_space<hbm>> -> memref<1x1x80xi32, #tpu.memory_space<hbm>>
        %dma_start3A_577 = tpu.memref_squeeze %dma_start3A_576 : memref<1x1x80xi32, #tpu.memory_space<hbm>> -> memref<1x80xi32, #tpu.memory_space<hbm>>
        tpu.enqueue_dma source(%dma_start3A_577 : memref<1x80xi32, #tpu.memory_space<hbm>>) target(%arg8 : memref<1x80xi32, #tpu.memory_space<vmem>>) target_semaphore(%arg21 : memref<!tpu.dma_semaphore, #tpu.memory_space<semaphore_mem>>)
        %add3A_578 = arith.constant 4000 : i32
        %add3A_579 = arith.addi %add3A_578, %add3A_569 : i32
        %dma_start3A_580 = arith.constant 0 : i32
        %dma_start3A_581 = arith.constant 0 : i32
        %dma_start3A_582 = tpu.memref_slice %arg3[%add3A_579, %dma_start3A_580, %dma_start3A_581] : memref<8000x1x80xi32, #tpu.memory_space<hbm>> -> memref<1x1x80xi32, #tpu.memory_space<hbm>>
        %dma_start3A_583 = tpu.memref_squeeze %dma_start3A_582 : memref<1x1x80xi32, #tpu.memory_space<hbm>> -> memref<1x80xi32, #tpu.memory_space<hbm>>
        %dma_start3A_584 = arith.constant 0 : i32
        %dma_start3A_585 = arith.constant 0 : i32
        %dma_start3A_586 = tpu.memref_slice %arg3[%add3A_579, %dma_start3A_584, %dma_start3A_585] : memref<8000x1x80xi32, #tpu.memory_space<hbm>> -> memref<1x1x80xi32, #tpu.memory_space<hbm>>
        %dma_start3A_587 = tpu.memref_squeeze %dma_start3A_586 : memref<1x1x80xi32, #tpu.memory_space<hbm>> -> memref<1x80xi32, #tpu.memory_space<hbm>>
        tpu.enqueue_dma source(%dma_start3A_587 : memref<1x80xi32, #tpu.memory_space<hbm>>) target(%arg12 : memref<1x80xi32, #tpu.memory_space<vmem>>) target_semaphore(%arg21 : memref<!tpu.dma_semaphore, #tpu.memory_space<semaphore_mem>>)
      } else {
      }
      %mul3A_362 = arith.constant 4 : i32
      %mul3A_363 = arith.muli %mul3A_362, %scan3A_293 : i32
      %add3A_364 = arith.constant 1 : i32
      %add3A_365 = arith.addi %mul3A_363, %add3A_364 : i32
      %add3A_366 = arith.constant 1 : i32
      %add3A_367 = arith.addi %add3A_365, %add3A_366 : i32
      %add3A_368 = arith.constant 1 : i32
      %add3A_369 = arith.addi %add3A_367, %add3A_368 : i32
      %le3A_370 = arith.constant 124 : i32
      %le3A_371 = arith.cmpi sle, %add3A_369, %le3A_370 : i32
      %convert_element_type3A_372 = arith.extui %le3A_371 : i1 to i32
      %cond3A_373 = arith.constant 0 : i32
      %cond3A_374 = arith.cmpi ne, %convert_element_type3A_372, %cond3A_373 : i32
      scf.if %cond3A_374 {
        %dma_wait3A_567 = arith.constant 0 : i32
        %dma_wait3A_568 = arith.constant 0 : i32
        %dma_wait3A_569 = arith.constant 0 : i32
        %dma_wait3A_570 = tpu.memref_slice %arg3[%dma_wait3A_567, %dma_wait3A_568, %dma_wait3A_569] : memref<8000x1x80xi32, #tpu.memory_space<hbm>> -> memref<1x1x80xi32, #tpu.memory_space<hbm>>
        %dma_wait3A_571 = tpu.memref_squeeze %dma_wait3A_570 : memref<1x1x80xi32, #tpu.memory_space<hbm>> -> memref<1x80xi32, #tpu.memory_space<hbm>>
        %dma_wait3A_572 = arith.constant 0 : i32
        %dma_wait3A_573 = arith.constant 0 : i32
        %dma_wait3A_574 = tpu.memref_slice %arg3[%dma_wait3A_567, %dma_wait3A_572, %dma_wait3A_573] : memref<8000x1x80xi32, #tpu.memory_space<hbm>> -> memref<1x1x80xi32, #tpu.memory_space<hbm>>
        %dma_wait3A_575 = tpu.memref_squeeze %dma_wait3A_574 : memref<1x1x80xi32, #tpu.memory_space<hbm>> -> memref<1x80xi32, #tpu.memory_space<hbm>>
        tpu.wait_dma2 semaphore(%arg24 : memref<!tpu.dma_semaphore, #tpu.memory_space<semaphore_mem>>) src(%dma_wait3A_575 : memref<1x80xi32, #tpu.memory_space<hbm>>) dst(%arg11 : memref<1x80xi32, #tpu.memory_space<vmem>>)
        %dma_wait3A_576 = arith.constant 0 : i32
        %dma_wait3A_577 = arith.constant 0 : i32
        %dma_wait3A_578 = arith.constant 0 : i32
        %dma_wait3A_579 = tpu.memref_slice %arg3[%dma_wait3A_576, %dma_wait3A_577, %dma_wait3A_578] : memref<8000x1x80xi32, #tpu.memory_space<hbm>> -> memref<1x1x80xi32, #tpu.memory_space<hbm>>
        %dma_wait3A_580 = tpu.memref_squeeze %dma_wait3A_579 : memref<1x1x80xi32, #tpu.memory_space<hbm>> -> memref<1x80xi32, #tpu.memory_space<hbm>>
        %dma_wait3A_581 = arith.constant 0 : i32
        %dma_wait3A_582 = arith.constant 0 : i32
        %dma_wait3A_583 = tpu.memref_slice %arg3[%dma_wait3A_576, %dma_wait3A_581, %dma_wait3A_582] : memref<8000x1x80xi32, #tpu.memory_space<hbm>> -> memref<1x1x80xi32, #tpu.memory_space<hbm>>
        %dma_wait3A_584 = tpu.memref_squeeze %dma_wait3A_583 : memref<1x1x80xi32, #tpu.memory_space<hbm>> -> memref<1x80xi32, #tpu.memory_space<hbm>>
        tpu.wait_dma2 semaphore(%arg24 : memref<!tpu.dma_semaphore, #tpu.memory_space<semaphore_mem>>) src(%dma_wait3A_584 : memref<1x80xi32, #tpu.memory_space<hbm>>) dst(%arg15 : memref<1x80xi32, #tpu.memory_space<vmem>>)
      } else {
      }
      %dma_wait3A_375 = arith.constant 0 : i32
      %dma_wait3A_376 = arith.constant 0 : i32
      %dma_wait3A_377 = tpu.memref_slice %arg12[%dma_wait3A_375, %dma_wait3A_376] : memref<1x80xi32, #tpu.memory_space<vmem>> -> memref<1x80xi32, #tpu.memory_space<vmem>>
      %dma_wait3A_378 = tpu.memref_squeeze %dma_wait3A_377 : memref<1x80xi32, #tpu.memory_space<vmem>> -> memref<80xi32, #tpu.memory_space<vmem>>
      %dma_wait3A_379 = arith.constant 0 : i32
      %dma_wait3A_380 = arith.constant 0 : i32
      %dma_wait3A_381 = tpu.memref_slice %arg6[%dma_wait3A_379, %dma_wait3A_380] : memref<10000x128xf32, #tpu.memory_space<vmem_shared>> -> memref<10000x128xf32, #tpu.memory_space<vmem_shared>>
      tpu.wait_indirect_dma semaphore(%arg28 : memref<!tpu.dma_semaphore, #tpu.memory_space<semaphore_mem>>) src(%arg17 : memref<80x128xf32, #tpu.memory_space<vmem>>) dst(%dma_wait3A_381 : memref<10000x128xf32, #tpu.memory_space<vmem_shared>>)
      %add3A_382 = arith.constant 1 : i32
      %add3A_383 = arith.addi %add3A_367, %add3A_382 : i32
      %le3A_384 = arith.constant 124 : i32
      %le3A_385 = arith.cmpi sle, %add3A_383, %le3A_384 : i32
      %convert_element_type3A_386 = arith.extui %le3A_385 : i1 to i32
      %cond3A_387 = arith.constant 0 : i32
      %cond3A_388 = arith.cmpi ne, %convert_element_type3A_386, %cond3A_387 : i32
      scf.if %cond3A_388 {
        %dma_start3A_567 = arith.constant 0 : i32
        %dma_start3A_568 = arith.constant 0 : i32
        %dma_start3A_569 = tpu.memref_slice %arg11[%dma_start3A_567, %dma_start3A_568] : memref<1x80xi32, #tpu.memory_space<vmem>> -> memref<1x80xi32, #tpu.memory_space<vmem>>
        %dma_start3A_570 = tpu.memref_squeeze %dma_start3A_569 : memref<1x80xi32, #tpu.memory_space<vmem>> -> memref<80xi32, #tpu.memory_space<vmem>>
        %dma_start3A_571 = arith.constant 0 : i32
        %dma_start3A_572 = arith.constant 0 : i32
        %dma_start3A_573 = tpu.memref_slice %arg2[%dma_start3A_571, %dma_start3A_572] : memref<10000x128xf32, #tpu.memory_space<hbm>> -> memref<10000x128xf32, #tpu.memory_space<hbm>>
        tpu.enqueue_indirect_dma source(%dma_start3A_573 : memref<10000x128xf32, #tpu.memory_space<hbm>>) target(%arg17 : memref<80x128xf32, #tpu.memory_space<vmem>>) offsets(%dma_start3A_570 : memref<80xi32, #tpu.memory_space<vmem>>) semaphore(%arg26 : memref<!tpu.dma_semaphore, #tpu.memory_space<semaphore_mem>>)
      } else {
      }
      %dma_wait3A_389 = arith.constant 0 : i32
      %dma_wait3A_390 = arith.constant 0 : i32
      %dma_wait3A_391 = tpu.memref_slice %arg8[%dma_wait3A_389, %dma_wait3A_390] : memref<1x80xi32, #tpu.memory_space<vmem>> -> memref<1x80xi32, #tpu.memory_space<vmem>>
      %dma_wait3A_392 = tpu.memref_squeeze %dma_wait3A_391 : memref<1x80xi32, #tpu.memory_space<vmem>> -> memref<80xi32, #tpu.memory_space<vmem>>
      %dma_wait3A_393 = arith.constant 0 : i32
      %dma_wait3A_394 = arith.constant 0 : i32
      %dma_wait3A_395 = tpu.memref_slice %arg2[%dma_wait3A_393, %dma_wait3A_394] : memref<10000x128xf32, #tpu.memory_space<hbm>> -> memref<10000x128xf32, #tpu.memory_space<hbm>>
      tpu.wait_indirect_dma semaphore(%arg25 : memref<!tpu.dma_semaphore, #tpu.memory_space<semaphore_mem>>) src(%dma_wait3A_395 : memref<10000x128xf32, #tpu.memory_space<hbm>>) dst(%arg16 : memref<80x128xf32, #tpu.memory_space<vmem>>)
      %dma_start3A_396 = arith.constant 0 : i32
      %dma_start3A_397 = arith.constant 0 : i32
      %dma_start3A_398 = tpu.memref_slice %arg14[%dma_start3A_396, %dma_start3A_397] : memref<1x80xi32, #tpu.memory_space<vmem>> -> memref<1x80xi32, #tpu.memory_space<vmem>>
      %dma_start3A_399 = tpu.memref_squeeze %dma_start3A_398 : memref<1x80xi32, #tpu.memory_space<vmem>> -> memref<80xi32, #tpu.memory_space<vmem>>
      %dma_start3A_400 = arith.constant 0 : i32
      %dma_start3A_401 = arith.constant 0 : i32
      %dma_start3A_402 = tpu.memref_slice %arg6[%dma_start3A_400, %dma_start3A_401] : memref<10000x128xf32, #tpu.memory_space<vmem_shared>> -> memref<10000x128xf32, #tpu.memory_space<vmem_shared>>
      tpu.enqueue_indirect_dma source(%arg16 : memref<80x128xf32, #tpu.memory_space<vmem>>) target(%dma_start3A_402 : memref<10000x128xf32, #tpu.memory_space<vmem_shared>>) offsets(%dma_start3A_399 : memref<80xi32, #tpu.memory_space<vmem>>) semaphore(%arg27 : memref<!tpu.dma_semaphore, #tpu.memory_space<semaphore_mem>>) {add = true}
      %get3A_403 = arith.constant 0 : i32
      %get3A_404 = arith.index_cast %get3A_403 : i32 to index
      %get3A_405 = arith.constant 0 : index
      %get3A_406 = tpu.vector_load %arg14[%get3A_404, %get3A_405] {strides = array<i32>} : memref<1x80xi32, #tpu.memory_space<vmem>>, vector<16xi32>,
      tpu.vector_store_idx %arg18[%get3A_406], %broadcast_in_dim3A_3 {add = true} : memref<10240xf32, #tpu.memory_space<vmem>>[vector<16xi32>], vector<16xf32>,
      %get3A_407 = arith.constant 0 : i32
      %get3A_408 = arith.index_cast %get3A_407 : i32 to index
      %get3A_409 = arith.constant 16 : index
      %get3A_410 = tpu.vector_load %arg14[%get3A_408, %get3A_409] {strides = array<i32>} : memref<1x80xi32, #tpu.memory_space<vmem>>, vector<16xi32>,
      tpu.vector_store_idx %arg18[%get3A_410], %broadcast_in_dim3A_3 {add = true} : memref<10240xf32, #tpu.memory_space<vmem>>[vector<16xi32>], vector<16xf32>,
      %get3A_411 = arith.constant 0 : i32
      %get3A_412 = arith.index_cast %get3A_411 : i32 to index
      %get3A_413 = arith.constant 32 : index
      %get3A_414 = tpu.vector_load %arg14[%get3A_412, %get3A_413] {strides = array<i32>} : memref<1x80xi32, #tpu.memory_space<vmem>>, vector<16xi32>,
      tpu.vector_store_idx %arg18[%get3A_414], %broadcast_in_dim3A_3 {add = true} : memref<10240xf32, #tpu.memory_space<vmem>>[vector<16xi32>], vector<16xf32>,
      %get3A_415 = arith.constant 0 : i32
      %get3A_416 = arith.index_cast %get3A_415 : i32 to index
      %get3A_417 = arith.constant 48 : index
      %get3A_418 = tpu.vector_load %arg14[%get3A_416, %get3A_417] {strides = array<i32>} : memref<1x80xi32, #tpu.memory_space<vmem>>, vector<16xi32>,
      tpu.vector_store_idx %arg18[%get3A_418], %broadcast_in_dim3A_3 {add = true} : memref<10240xf32, #tpu.memory_space<vmem>>[vector<16xi32>], vector<16xf32>,
      %get3A_419 = arith.constant 0 : i32
      %get3A_420 = arith.index_cast %get3A_419 : i32 to index
      %get3A_421 = arith.constant 64 : index
      %get3A_422 = tpu.vector_load %arg14[%get3A_420, %get3A_421] {strides = array<i32>} : memref<1x80xi32, #tpu.memory_space<vmem>>, vector<16xi32>,
      tpu.vector_store_idx %arg18[%get3A_422], %broadcast_in_dim3A_3 {add = true} : memref<10240xf32, #tpu.memory_space<vmem>>[vector<16xi32>], vector<16xf32>,
      %add3A_423 = arith.constant 3 : i32
      %add3A_424 = arith.addi %add3A_367, %add3A_423 : i32
      %le3A_425 = arith.constant 124 : i32
      %le3A_426 = arith.cmpi sle, %add3A_424, %le3A_425 : i32
      %convert_element_type3A_427 = arith.extui %le3A_426 : i1 to i32
      %cond3A_428 = arith.constant 0 : i32
      %cond3A_429 = arith.cmpi ne, %convert_element_type3A_427, %cond3A_428 : i32
      scf.if %cond3A_429 {
        %add3A_567 = arith.constant 3 : i32
        %add3A_568 = arith.addi %add3A_367, %add3A_567 : i32
        %add3A_569 = arith.addi %mul3A_52, %add3A_568 : i32
        %dma_start3A_570 = arith.constant 0 : i32
        %dma_start3A_571 = arith.constant 0 : i32
        %dma_start3A_572 = tpu.memref_slice %arg3[%add3A_569, %dma_start3A_570, %dma_start3A_571] : memref<8000x1x80xi32, #tpu.memory_space<hbm>> -> memref<1x1x80xi32, #tpu.memory_space<hbm>>
        %dma_start3A_573 = tpu.memref_squeeze %dma_start3A_572 : memref<1x1x80xi32, #tpu.memory_space<hbm>> -> memref<1x80xi32, #tpu.memory_space<hbm>>
        %dma_start3A_574 = arith.constant 0 : i32
        %dma_start3A_575 = arith.constant 0 : i32
        %dma_start3A_576 = tpu.memref_slice %arg3[%add3A_569, %dma_start3A_574, %dma_start3A_575] : memref<8000x1x80xi32, #tpu.memory_space<hbm>> -> memref<1x1x80xi32, #tpu.memory_space<hbm>>
        %dma_start3A_577 = tpu.memref_squeeze %dma_start3A_576 : memref<1x1x80xi32, #tpu.memory_space<hbm>> -> memref<1x80xi32, #tpu.memory_space<hbm>>
        tpu.enqueue_dma source(%dma_start3A_577 : memref<1x80xi32, #tpu.memory_space<hbm>>) target(%arg9 : memref<1x80xi32, #tpu.memory_space<vmem>>) target_semaphore(%arg22 : memref<!tpu.dma_semaphore, #tpu.memory_space<semaphore_mem>>)
        %add3A_578 = arith.constant 4000 : i32
        %add3A_579 = arith.addi %add3A_578, %add3A_569 : i32
        %dma_start3A_580 = arith.constant 0 : i32
        %dma_start3A_581 = arith.constant 0 : i32
        %dma_start3A_582 = tpu.memref_slice %arg3[%add3A_579, %dma_start3A_580, %dma_start3A_581] : memref<8000x1x80xi32, #tpu.memory_space<hbm>> -> memref<1x1x80xi32, #tpu.memory_space<hbm>>
        %dma_start3A_583 = tpu.memref_squeeze %dma_start3A_582 : memref<1x1x80xi32, #tpu.memory_space<hbm>> -> memref<1x80xi32, #tpu.memory_space<hbm>>
        %dma_start3A_584 = arith.constant 0 : i32
        %dma_start3A_585 = arith.constant 0 : i32
        %dma_start3A_586 = tpu.memref_slice %arg3[%add3A_579, %dma_start3A_584, %dma_start3A_585] : memref<8000x1x80xi32, #tpu.memory_space<hbm>> -> memref<1x1x80xi32, #tpu.memory_space<hbm>>
        %dma_start3A_587 = tpu.memref_squeeze %dma_start3A_586 : memref<1x1x80xi32, #tpu.memory_space<hbm>> -> memref<1x80xi32, #tpu.memory_space<hbm>>
        tpu.enqueue_dma source(%dma_start3A_587 : memref<1x80xi32, #tpu.memory_space<hbm>>) target(%arg13 : memref<1x80xi32, #tpu.memory_space<vmem>>) target_semaphore(%arg22 : memref<!tpu.dma_semaphore, #tpu.memory_space<semaphore_mem>>)
      } else {
      }
      %mul3A_430 = arith.constant 4 : i32
      %mul3A_431 = arith.muli %mul3A_430, %scan3A_293 : i32
      %add3A_432 = arith.constant 1 : i32
      %add3A_433 = arith.addi %mul3A_431, %add3A_432 : i32
      %add3A_434 = arith.constant 2 : i32
      %add3A_435 = arith.addi %add3A_433, %add3A_434 : i32
      %add3A_436 = arith.constant 1 : i32
      %add3A_437 = arith.addi %add3A_435, %add3A_436 : i32
      %le3A_438 = arith.constant 124 : i32
      %le3A_439 = arith.cmpi sle, %add3A_437, %le3A_438 : i32
      %convert_element_type3A_440 = arith.extui %le3A_439 : i1 to i32
      %cond3A_441 = arith.constant 0 : i32
      %cond3A_442 = arith.cmpi ne, %convert_element_type3A_440, %cond3A_441 : i32
      scf.if %cond3A_442 {
        %dma_wait3A_567 = arith.constant 0 : i32
        %dma_wait3A_568 = arith.constant 0 : i32
        %dma_wait3A_569 = arith.constant 0 : i32
        %dma_wait3A_570 = tpu.memref_slice %arg3[%dma_wait3A_567, %dma_wait3A_568, %dma_wait3A_569] : memref<8000x1x80xi32, #tpu.memory_space<hbm>> -> memref<1x1x80xi32, #tpu.memory_space<hbm>>
        %dma_wait3A_571 = tpu.memref_squeeze %dma_wait3A_570 : memref<1x1x80xi32, #tpu.memory_space<hbm>> -> memref<1x80xi32, #tpu.memory_space<hbm>>
        %dma_wait3A_572 = arith.constant 0 : i32
        %dma_wait3A_573 = arith.constant 0 : i32
        %dma_wait3A_574 = tpu.memref_slice %arg3[%dma_wait3A_567, %dma_wait3A_572, %dma_wait3A_573] : memref<8000x1x80xi32, #tpu.memory_space<hbm>> -> memref<1x1x80xi32, #tpu.memory_space<hbm>>
        %dma_wait3A_575 = tpu.memref_squeeze %dma_wait3A_574 : memref<1x1x80xi32, #tpu.memory_space<hbm>> -> memref<1x80xi32, #tpu.memory_space<hbm>>
        tpu.wait_dma2 semaphore(%arg21 : memref<!tpu.dma_semaphore, #tpu.memory_space<semaphore_mem>>) src(%dma_wait3A_575 : memref<1x80xi32, #tpu.memory_space<hbm>>) dst(%arg8 : memref<1x80xi32, #tpu.memory_space<vmem>>)
        %dma_wait3A_576 = arith.constant 0 : i32
        %dma_wait3A_577 = arith.constant 0 : i32
        %dma_wait3A_578 = arith.constant 0 : i32
        %dma_wait3A_579 = tpu.memref_slice %arg3[%dma_wait3A_576, %dma_wait3A_577, %dma_wait3A_578] : memref<8000x1x80xi32, #tpu.memory_space<hbm>> -> memref<1x1x80xi32, #tpu.memory_space<hbm>>
        %dma_wait3A_580 = tpu.memref_squeeze %dma_wait3A_579 : memref<1x1x80xi32, #tpu.memory_space<hbm>> -> memref<1x80xi32, #tpu.memory_space<hbm>>
        %dma_wait3A_581 = arith.constant 0 : i32
        %dma_wait3A_582 = arith.constant 0 : i32
        %dma_wait3A_583 = tpu.memref_slice %arg3[%dma_wait3A_576, %dma_wait3A_581, %dma_wait3A_582] : memref<8000x1x80xi32, #tpu.memory_space<hbm>> -> memref<1x1x80xi32, #tpu.memory_space<hbm>>
        %dma_wait3A_584 = tpu.memref_squeeze %dma_wait3A_583 : memref<1x1x80xi32, #tpu.memory_space<hbm>> -> memref<1x80xi32, #tpu.memory_space<hbm>>
        tpu.wait_dma2 semaphore(%arg21 : memref<!tpu.dma_semaphore, #tpu.memory_space<semaphore_mem>>) src(%dma_wait3A_584 : memref<1x80xi32, #tpu.memory_space<hbm>>) dst(%arg12 : memref<1x80xi32, #tpu.memory_space<vmem>>)
      } else {
      }
      %dma_wait3A_443 = arith.constant 0 : i32
      %dma_wait3A_444 = arith.constant 0 : i32
      %dma_wait3A_445 = tpu.memref_slice %arg12[%dma_wait3A_443, %dma_wait3A_444] : memref<1x80xi32, #tpu.memory_space<vmem>> -> memref<1x80xi32, #tpu.memory_space<vmem>>
      %dma_wait3A_446 = tpu.memref_squeeze %dma_wait3A_445 : memref<1x80xi32, #tpu.memory_space<vmem>> -> memref<80xi32, #tpu.memory_space<vmem>>
      %dma_wait3A_447 = arith.constant 0 : i32
      %dma_wait3A_448 = arith.constant 0 : i32
      %dma_wait3A_449 = tpu.memref_slice %arg6[%dma_wait3A_447, %dma_wait3A_448] : memref<10000x128xf32, #tpu.memory_space<vmem_shared>> -> memref<10000x128xf32, #tpu.memory_space<vmem_shared>>
      tpu.wait_indirect_dma semaphore(%arg27 : memref<!tpu.dma_semaphore, #tpu.memory_space<semaphore_mem>>) src(%arg16 : memref<80x128xf32, #tpu.memory_space<vmem>>) dst(%dma_wait3A_449 : memref<10000x128xf32, #tpu.memory_space<vmem_shared>>)
      %add3A_450 = arith.constant 1 : i32
      %add3A_451 = arith.addi %add3A_435, %add3A_450 : i32
      %le3A_452 = arith.constant 124 : i32
      %le3A_453 = arith.cmpi sle, %add3A_451, %le3A_452 : i32
      %convert_element_type3A_454 = arith.extui %le3A_453 : i1 to i32
      %cond3A_455 = arith.constant 0 : i32
      %cond3A_456 = arith.cmpi ne, %convert_element_type3A_454, %cond3A_455 : i32
      scf.if %cond3A_456 {
        %dma_start3A_567 = arith.constant 0 : i32
        %dma_start3A_568 = arith.constant 0 : i32
        %dma_start3A_569 = tpu.memref_slice %arg8[%dma_start3A_567, %dma_start3A_568] : memref<1x80xi32, #tpu.memory_space<vmem>> -> memref<1x80xi32, #tpu.memory_space<vmem>>
        %dma_start3A_570 = tpu.memref_squeeze %dma_start3A_569 : memref<1x80xi32, #tpu.memory_space<vmem>> -> memref<80xi32, #tpu.memory_space<vmem>>
        %dma_start3A_571 = arith.constant 0 : i32
        %dma_start3A_572 = arith.constant 0 : i32
        %dma_start3A_573 = tpu.memref_slice %arg2[%dma_start3A_571, %dma_start3A_572] : memref<10000x128xf32, #tpu.memory_space<hbm>> -> memref<10000x128xf32, #tpu.memory_space<hbm>>
        tpu.enqueue_indirect_dma source(%dma_start3A_573 : memref<10000x128xf32, #tpu.memory_space<hbm>>) target(%arg16 : memref<80x128xf32, #tpu.memory_space<vmem>>) offsets(%dma_start3A_570 : memref<80xi32, #tpu.memory_space<vmem>>) semaphore(%arg25 : memref<!tpu.dma_semaphore, #tpu.memory_space<semaphore_mem>>)
      } else {
      }
      %dma_wait3A_457 = arith.constant 0 : i32
      %dma_wait3A_458 = arith.constant 0 : i32
      %dma_wait3A_459 = tpu.memref_slice %arg8[%dma_wait3A_457, %dma_wait3A_458] : memref<1x80xi32, #tpu.memory_space<vmem>> -> memref<1x80xi32, #tpu.memory_space<vmem>>
      %dma_wait3A_460 = tpu.memref_squeeze %dma_wait3A_459 : memref<1x80xi32, #tpu.memory_space<vmem>> -> memref<80xi32, #tpu.memory_space<vmem>>
      %dma_wait3A_461 = arith.constant 0 : i32
      %dma_wait3A_462 = arith.constant 0 : i32
      %dma_wait3A_463 = tpu.memref_slice %arg2[%dma_wait3A_461, %dma_wait3A_462] : memref<10000x128xf32, #tpu.memory_space<hbm>> -> memref<10000x128xf32, #tpu.memory_space<hbm>>
      tpu.wait_indirect_dma semaphore(%arg26 : memref<!tpu.dma_semaphore, #tpu.memory_space<semaphore_mem>>) src(%dma_wait3A_463 : memref<10000x128xf32, #tpu.memory_space<hbm>>) dst(%arg17 : memref<80x128xf32, #tpu.memory_space<vmem>>)
      %dma_start3A_464 = arith.constant 0 : i32
      %dma_start3A_465 = arith.constant 0 : i32
      %dma_start3A_466 = tpu.memref_slice %arg15[%dma_start3A_464, %dma_start3A_465] : memref<1x80xi32, #tpu.memory_space<vmem>> -> memref<1x80xi32, #tpu.memory_space<vmem>>
      %dma_start3A_467 = tpu.memref_squeeze %dma_start3A_466 : memref<1x80xi32, #tpu.memory_space<vmem>> -> memref<80xi32, #tpu.memory_space<vmem>>
      %dma_start3A_468 = arith.constant 0 : i32
      %dma_start3A_469 = arith.constant 0 : i32
      %dma_start3A_470 = tpu.memref_slice %arg6[%dma_start3A_468, %dma_start3A_469] : memref<10000x128xf32, #tpu.memory_space<vmem_shared>> -> memref<10000x128xf32, #tpu.memory_space<vmem_shared>>
      tpu.enqueue_indirect_dma source(%arg17 : memref<80x128xf32, #tpu.memory_space<vmem>>) target(%dma_start3A_470 : memref<10000x128xf32, #tpu.memory_space<vmem_shared>>) offsets(%dma_start3A_467 : memref<80xi32, #tpu.memory_space<vmem>>) semaphore(%arg28 : memref<!tpu.dma_semaphore, #tpu.memory_space<semaphore_mem>>) {add = true}
      %get3A_471 = arith.constant 0 : i32
      %get3A_472 = arith.index_cast %get3A_471 : i32 to index
      %get3A_473 = arith.constant 0 : index
      %get3A_474 = tpu.vector_load %arg15[%get3A_472, %get3A_473] {strides = array<i32>} : memref<1x80xi32, #tpu.memory_space<vmem>>, vector<16xi32>,
      tpu.vector_store_idx %arg18[%get3A_474], %broadcast_in_dim3A_3 {add = true} : memref<10240xf32, #tpu.memory_space<vmem>>[vector<16xi32>], vector<16xf32>,
      %get3A_475 = arith.constant 0 : i32
      %get3A_476 = arith.index_cast %get3A_475 : i32 to index
      %get3A_477 = arith.constant 16 : index
      %get3A_478 = tpu.vector_load %arg15[%get3A_476, %get3A_477] {strides = array<i32>} : memref<1x80xi32, #tpu.memory_space<vmem>>, vector<16xi32>,
      tpu.vector_store_idx %arg18[%get3A_478], %broadcast_in_dim3A_3 {add = true} : memref<10240xf32, #tpu.memory_space<vmem>>[vector<16xi32>], vector<16xf32>,
      %get3A_479 = arith.constant 0 : i32
      %get3A_480 = arith.index_cast %get3A_479 : i32 to index
      %get3A_481 = arith.constant 32 : index
      %get3A_482 = tpu.vector_load %arg15[%get3A_480, %get3A_481] {strides = array<i32>} : memref<1x80xi32, #tpu.memory_space<vmem>>, vector<16xi32>,
      tpu.vector_store_idx %arg18[%get3A_482], %broadcast_in_dim3A_3 {add = true} : memref<10240xf32, #tpu.memory_space<vmem>>[vector<16xi32>], vector<16xf32>,
      %get3A_483 = arith.constant 0 : i32
      %get3A_484 = arith.index_cast %get3A_483 : i32 to index
      %get3A_485 = arith.constant 48 : index
      %get3A_486 = tpu.vector_load %arg15[%get3A_484, %get3A_485] {strides = array<i32>} : memref<1x80xi32, #tpu.memory_space<vmem>>, vector<16xi32>,
      tpu.vector_store_idx %arg18[%get3A_486], %broadcast_in_dim3A_3 {add = true} : memref<10240xf32, #tpu.memory_space<vmem>>[vector<16xi32>], vector<16xf32>,
      %get3A_487 = arith.constant 0 : i32
      %get3A_488 = arith.index_cast %get3A_487 : i32 to index
      %get3A_489 = arith.constant 64 : index
      %get3A_490 = tpu.vector_load %arg15[%get3A_488, %get3A_489] {strides = array<i32>} : memref<1x80xi32, #tpu.memory_space<vmem>>, vector<16xi32>,
      tpu.vector_store_idx %arg18[%get3A_490], %broadcast_in_dim3A_3 {add = true} : memref<10240xf32, #tpu.memory_space<vmem>>[vector<16xi32>], vector<16xf32>,
      %add3A_491 = arith.constant 3 : i32
      %add3A_492 = arith.addi %add3A_435, %add3A_491 : i32
      %le3A_493 = arith.constant 124 : i32
      %le3A_494 = arith.cmpi sle, %add3A_492, %le3A_493 : i32
      %convert_element_type3A_495 = arith.extui %le3A_494 : i1 to i32
      %cond3A_496 = arith.constant 0 : i32
      %cond3A_497 = arith.cmpi ne, %convert_element_type3A_495, %cond3A_496 : i32
      scf.if %cond3A_497 {
        %add3A_567 = arith.constant 3 : i32
        %add3A_568 = arith.addi %add3A_435, %add3A_567 : i32
        %add3A_569 = arith.addi %mul3A_52, %add3A_568 : i32
        %dma_start3A_570 = arith.constant 0 : i32
        %dma_start3A_571 = arith.constant 0 : i32
        %dma_start3A_572 = tpu.memref_slice %arg3[%add3A_569, %dma_start3A_570, %dma_start3A_571] : memref<8000x1x80xi32, #tpu.memory_space<hbm>> -> memref<1x1x80xi32, #tpu.memory_space<hbm>>
        %dma_start3A_573 = tpu.memref_squeeze %dma_start3A_572 : memref<1x1x80xi32, #tpu.memory_space<hbm>> -> memref<1x80xi32, #tpu.memory_space<hbm>>
        %dma_start3A_574 = arith.constant 0 : i32
        %dma_start3A_575 = arith.constant 0 : i32
        %dma_start3A_576 = tpu.memref_slice %arg3[%add3A_569, %dma_start3A_574, %dma_start3A_575] : memref<8000x1x80xi32, #tpu.memory_space<hbm>> -> memref<1x1x80xi32, #tpu.memory_space<hbm>>
        %dma_start3A_577 = tpu.memref_squeeze %dma_start3A_576 : memref<1x1x80xi32, #tpu.memory_space<hbm>> -> memref<1x80xi32, #tpu.memory_space<hbm>>
        tpu.enqueue_dma source(%dma_start3A_577 : memref<1x80xi32, #tpu.memory_space<hbm>>) target(%arg10 : memref<1x80xi32, #tpu.memory_space<vmem>>) target_semaphore(%arg23 : memref<!tpu.dma_semaphore, #tpu.memory_space<semaphore_mem>>)
        %add3A_578 = arith.constant 4000 : i32
        %add3A_579 = arith.addi %add3A_578, %add3A_569 : i32
        %dma_start3A_580 = arith.constant 0 : i32
        %dma_start3A_581 = arith.constant 0 : i32
        %dma_start3A_582 = tpu.memref_slice %arg3[%add3A_579, %dma_start3A_580, %dma_start3A_581] : memref<8000x1x80xi32, #tpu.memory_space<hbm>> -> memref<1x1x80xi32, #tpu.memory_space<hbm>>
        %dma_start3A_583 = tpu.memref_squeeze %dma_start3A_582 : memref<1x1x80xi32, #tpu.memory_space<hbm>> -> memref<1x80xi32, #tpu.memory_space<hbm>>
        %dma_start3A_584 = arith.constant 0 : i32
        %dma_start3A_585 = arith.constant 0 : i32
        %dma_start3A_586 = tpu.memref_slice %arg3[%add3A_579, %dma_start3A_584, %dma_start3A_585] : memref<8000x1x80xi32, #tpu.memory_space<hbm>> -> memref<1x1x80xi32, #tpu.memory_space<hbm>>
        %dma_start3A_587 = tpu.memref_squeeze %dma_start3A_586 : memref<1x1x80xi32, #tpu.memory_space<hbm>> -> memref<1x80xi32, #tpu.memory_space<hbm>>
        tpu.enqueue_dma source(%dma_start3A_587 : memref<1x80xi32, #tpu.memory_space<hbm>>) target(%arg14 : memref<1x80xi32, #tpu.memory_space<vmem>>) target_semaphore(%arg23 : memref<!tpu.dma_semaphore, #tpu.memory_space<semaphore_mem>>)
      } else {
      }
      %mul3A_498 = arith.constant 4 : i32
      %mul3A_499 = arith.muli %mul3A_498, %scan3A_293 : i32
      %add3A_500 = arith.constant 1 : i32
      %add3A_501 = arith.addi %mul3A_499, %add3A_500 : i32
      %add3A_502 = arith.constant 3 : i32
      %add3A_503 = arith.addi %add3A_501, %add3A_502 : i32
      %add3A_504 = arith.constant 1 : i32
      %add3A_505 = arith.addi %add3A_503, %add3A_504 : i32
      %le3A_506 = arith.constant 124 : i32
      %le3A_507 = arith.cmpi sle, %add3A_505, %le3A_506 : i32
      %convert_element_type3A_508 = arith.extui %le3A_507 : i1 to i32
      %cond3A_509 = arith.constant 0 : i32
      %cond3A_510 = arith.cmpi ne, %convert_element_type3A_508, %cond3A_509 : i32
      scf.if %cond3A_510 {
        %dma_wait3A_567 = arith.constant 0 : i32
        %dma_wait3A_568 = arith.constant 0 : i32
        %dma_wait3A_569 = arith.constant 0 : i32
        %dma_wait3A_570 = tpu.memref_slice %arg3[%dma_wait3A_567, %dma_wait3A_568, %dma_wait3A_569] : memref<8000x1x80xi32, #tpu.memory_space<hbm>> -> memref<1x1x80xi32, #tpu.memory_space<hbm>>
        %dma_wait3A_571 = tpu.memref_squeeze %dma_wait3A_570 : memref<1x1x80xi32, #tpu.memory_space<hbm>> -> memref<1x80xi32, #tpu.memory_space<hbm>>
        %dma_wait3A_572 = arith.constant 0 : i32
        %dma_wait3A_573 = arith.constant 0 : i32
        %dma_wait3A_574 = tpu.memref_slice %arg3[%dma_wait3A_567, %dma_wait3A_572, %dma_wait3A_573] : memref<8000x1x80xi32, #tpu.memory_space<hbm>> -> memref<1x1x80xi32, #tpu.memory_space<hbm>>
        %dma_wait3A_575 = tpu.memref_squeeze %dma_wait3A_574 : memref<1x1x80xi32, #tpu.memory_space<hbm>> -> memref<1x80xi32, #tpu.memory_space<hbm>>
        tpu.wait_dma2 semaphore(%arg22 : memref<!tpu.dma_semaphore, #tpu.memory_space<semaphore_mem>>) src(%dma_wait3A_575 : memref<1x80xi32, #tpu.memory_space<hbm>>) dst(%arg9 : memref<1x80xi32, #tpu.memory_space<vmem>>)
        %dma_wait3A_576 = arith.constant 0 : i32
        %dma_wait3A_577 = arith.constant 0 : i32
        %dma_wait3A_578 = arith.constant 0 : i32
        %dma_wait3A_579 = tpu.memref_slice %arg3[%dma_wait3A_576, %dma_wait3A_577, %dma_wait3A_578] : memref<8000x1x80xi32, #tpu.memory_space<hbm>> -> memref<1x1x80xi32, #tpu.memory_space<hbm>>
        %dma_wait3A_580 = tpu.memref_squeeze %dma_wait3A_579 : memref<1x1x80xi32, #tpu.memory_space<hbm>> -> memref<1x80xi32, #tpu.memory_space<hbm>>
        %dma_wait3A_581 = arith.constant 0 : i32
        %dma_wait3A_582 = arith.constant 0 : i32
        %dma_wait3A_583 = tpu.memref_slice %arg3[%dma_wait3A_576, %dma_wait3A_581, %dma_wait3A_582] : memref<8000x1x80xi32, #tpu.memory_space<hbm>> -> memref<1x1x80xi32, #tpu.memory_space<hbm>>
        %dma_wait3A_584 = tpu.memref_squeeze %dma_wait3A_583 : memref<1x1x80xi32, #tpu.memory_space<hbm>> -> memref<1x80xi32, #tpu.memory_space<hbm>>
        tpu.wait_dma2 semaphore(%arg22 : memref<!tpu.dma_semaphore, #tpu.memory_space<semaphore_mem>>) src(%dma_wait3A_584 : memref<1x80xi32, #tpu.memory_space<hbm>>) dst(%arg13 : memref<1x80xi32, #tpu.memory_space<vmem>>)
      } else {
      }
      %dma_wait3A_511 = arith.constant 0 : i32
      %dma_wait3A_512 = arith.constant 0 : i32
      %dma_wait3A_513 = tpu.memref_slice %arg12[%dma_wait3A_511, %dma_wait3A_512] : memref<1x80xi32, #tpu.memory_space<vmem>> -> memref<1x80xi32, #tpu.memory_space<vmem>>
      %dma_wait3A_514 = tpu.memref_squeeze %dma_wait3A_513 : memref<1x80xi32, #tpu.memory_space<vmem>> -> memref<80xi32, #tpu.memory_space<vmem>>
      %dma_wait3A_515 = arith.constant 0 : i32
      %dma_wait3A_516 = arith.constant 0 : i32
      %dma_wait3A_517 = tpu.memref_slice %arg6[%dma_wait3A_515, %dma_wait3A_516] : memref<10000x128xf32, #tpu.memory_space<vmem_shared>> -> memref<10000x128xf32, #tpu.memory_space<vmem_shared>>
      tpu.wait_indirect_dma semaphore(%arg28 : memref<!tpu.dma_semaphore, #tpu.memory_space<semaphore_mem>>) src(%arg17 : memref<80x128xf32, #tpu.memory_space<vmem>>) dst(%dma_wait3A_517 : memref<10000x128xf32, #tpu.memory_space<vmem_shared>>)
      %add3A_518 = arith.constant 1 : i32
      %add3A_519 = arith.addi %add3A_503, %add3A_518 : i32
      %le3A_520 = arith.constant 124 : i32
      %le3A_521 = arith.cmpi sle, %add3A_519, %le3A_520 : i32
      %convert_element_type3A_522 = arith.extui %le3A_521 : i1 to i32
      %cond3A_523 = arith.constant 0 : i32
      %cond3A_524 = arith.cmpi ne, %convert_element_type3A_522, %cond3A_523 : i32
      scf.if %cond3A_524 {
        %dma_start3A_567 = arith.constant 0 : i32
        %dma_start3A_568 = arith.constant 0 : i32
        %dma_start3A_569 = tpu.memref_slice %arg9[%dma_start3A_567, %dma_start3A_568] : memref<1x80xi32, #tpu.memory_space<vmem>> -> memref<1x80xi32, #tpu.memory_space<vmem>>
        %dma_start3A_570 = tpu.memref_squeeze %dma_start3A_569 : memref<1x80xi32, #tpu.memory_space<vmem>> -> memref<80xi32, #tpu.memory_space<vmem>>
        %dma_start3A_571 = arith.constant 0 : i32
        %dma_start3A_572 = arith.constant 0 : i32
        %dma_start3A_573 = tpu.memref_slice %arg2[%dma_start3A_571, %dma_start3A_572] : memref<10000x128xf32, #tpu.memory_space<hbm>> -> memref<10000x128xf32, #tpu.memory_space<hbm>>
        tpu.enqueue_indirect_dma source(%dma_start3A_573 : memref<10000x128xf32, #tpu.memory_space<hbm>>) target(%arg17 : memref<80x128xf32, #tpu.memory_space<vmem>>) offsets(%dma_start3A_570 : memref<80xi32, #tpu.memory_space<vmem>>) semaphore(%arg26 : memref<!tpu.dma_semaphore, #tpu.memory_space<semaphore_mem>>)
      } else {
      }
      %dma_wait3A_525 = arith.constant 0 : i32
      %dma_wait3A_526 = arith.constant 0 : i32
      %dma_wait3A_527 = tpu.memref_slice %arg8[%dma_wait3A_525, %dma_wait3A_526] : memref<1x80xi32, #tpu.memory_space<vmem>> -> memref<1x80xi32, #tpu.memory_space<vmem>>
      %dma_wait3A_528 = tpu.memref_squeeze %dma_wait3A_527 : memref<1x80xi32, #tpu.memory_space<vmem>> -> memref<80xi32, #tpu.memory_space<vmem>>
      %dma_wait3A_529 = arith.constant 0 : i32
      %dma_wait3A_530 = arith.constant 0 : i32
      %dma_wait3A_531 = tpu.memref_slice %arg2[%dma_wait3A_529, %dma_wait3A_530] : memref<10000x128xf32, #tpu.memory_space<hbm>> -> memref<10000x128xf32, #tpu.memory_space<hbm>>
      tpu.wait_indirect_dma semaphore(%arg25 : memref<!tpu.dma_semaphore, #tpu.memory_space<semaphore_mem>>) src(%dma_wait3A_531 : memref<10000x128xf32, #tpu.memory_space<hbm>>) dst(%arg16 : memref<80x128xf32, #tpu.memory_space<vmem>>)
      %dma_start3A_532 = arith.constant 0 : i32
      %dma_start3A_533 = arith.constant 0 : i32
      %dma_start3A_534 = tpu.memref_slice %arg12[%dma_start3A_532, %dma_start3A_533] : memref<1x80xi32, #tpu.memory_space<vmem>> -> memref<1x80xi32, #tpu.memory_space<vmem>>
      %dma_start3A_535 = tpu.memref_squeeze %dma_start3A_534 : memref<1x80xi32, #tpu.memory_space<vmem>> -> memref<80xi32, #tpu.memory_space<vmem>>
      %dma_start3A_536 = arith.constant 0 : i32
      %dma_start3A_537 = arith.constant 0 : i32
      %dma_start3A_538 = tpu.memref_slice %arg6[%dma_start3A_536, %dma_start3A_537] : memref<10000x128xf32, #tpu.memory_space<vmem_shared>> -> memref<10000x128xf32, #tpu.memory_space<vmem_shared>>
      tpu.enqueue_indirect_dma source(%arg16 : memref<80x128xf32, #tpu.memory_space<vmem>>) target(%dma_start3A_538 : memref<10000x128xf32, #tpu.memory_space<vmem_shared>>) offsets(%dma_start3A_535 : memref<80xi32, #tpu.memory_space<vmem>>) semaphore(%arg27 : memref<!tpu.dma_semaphore, #tpu.memory_space<semaphore_mem>>) {add = true}
      %get3A_539 = arith.constant 0 : i32
      %get3A_540 = arith.index_cast %get3A_539 : i32 to index
      %get3A_541 = arith.constant 0 : index
      %get3A_542 = tpu.vector_load %arg12[%get3A_540, %get3A_541] {strides = array<i32>} : memref<1x80xi32, #tpu.memory_space<vmem>>, vector<16xi32>,
      tpu.vector_store_idx %arg18[%get3A_542], %broadcast_in_dim3A_3 {add = true} : memref<10240xf32, #tpu.memory_space<vmem>>[vector<16xi32>], vector<16xf32>,
      %get3A_543 = arith.constant 0 : i32
      %get3A_544 = arith.index_cast %get3A_543 : i32 to index
      %get3A_545 = arith.constant 16 : index
      %get3A_546 = tpu.vector_load %arg12[%get3A_544, %get3A_545] {strides = array<i32>} : memref<1x80xi32, #tpu.memory_space<vmem>>, vector<16xi32>,
      tpu.vector_store_idx %arg18[%get3A_546], %broadcast_in_dim3A_3 {add = true} : memref<10240xf32, #tpu.memory_space<vmem>>[vector<16xi32>], vector<16xf32>,
      %get3A_547 = arith.constant 0 : i32
      %get3A_548 = arith.index_cast %get3A_547 : i32 to index
      %get3A_549 = arith.constant 32 : index
      %get3A_550 = tpu.vector_load %arg12[%get3A_548, %get3A_549] {strides = array<i32>} : memref<1x80xi32, #tpu.memory_space<vmem>>, vector<16xi32>,
      tpu.vector_store_idx %arg18[%get3A_550], %broadcast_in_dim3A_3 {add = true} : memref<10240xf32, #tpu.memory_space<vmem>>[vector<16xi32>], vector<16xf32>,
      %get3A_551 = arith.constant 0 : i32
      %get3A_552 = arith.index_cast %get3A_551 : i32 to index
      %get3A_553 = arith.constant 48 : index
      %get3A_554 = tpu.vector_load %arg12[%get3A_552, %get3A_553] {strides = array<i32>} : memref<1x80xi32, #tpu.memory_space<vmem>>, vector<16xi32>,
      tpu.vector_store_idx %arg18[%get3A_554], %broadcast_in_dim3A_3 {add = true} : memref<10240xf32, #tpu.memory_space<vmem>>[vector<16xi32>], vector<16xf32>,
      %get3A_555 = arith.constant 0 : i32
      %get3A_556 = arith.index_cast %get3A_555 : i32 to index
      %get3A_557 = arith.constant 64 : index
      %get3A_558 = tpu.vector_load %arg12[%get3A_556, %get3A_557] {strides = array<i32>} : memref<1x80xi32, #tpu.memory_space<vmem>>, vector<16xi32>,
      tpu.vector_store_idx %arg18[%get3A_558], %broadcast_in_dim3A_3 {add = true} : memref<10240xf32, #tpu.memory_space<vmem>>[vector<16xi32>], vector<16xf32>,
      %add3A_559 = arith.constant 3 : i32
      %add3A_560 = arith.addi %add3A_503, %add3A_559 : i32
      %le3A_561 = arith.constant 124 : i32
      %le3A_562 = arith.cmpi sle, %add3A_560, %le3A_561 : i32
      %convert_element_type3A_563 = arith.extui %le3A_562 : i1 to i32
      %cond3A_564 = arith.constant 0 : i32
      %cond3A_565 = arith.cmpi ne, %convert_element_type3A_563, %cond3A_564 : i32
      scf.if %cond3A_565 {
        %add3A_567 = arith.constant 3 : i32
        %add3A_568 = arith.addi %add3A_503, %add3A_567 : i32
        %add3A_569 = arith.addi %mul3A_52, %add3A_568 : i32
        %dma_start3A_570 = arith.constant 0 : i32
        %dma_start3A_571 = arith.constant 0 : i32
        %dma_start3A_572 = tpu.memref_slice %arg3[%add3A_569, %dma_start3A_570, %dma_start3A_571] : memref<8000x1x80xi32, #tpu.memory_space<hbm>> -> memref<1x1x80xi32, #tpu.memory_space<hbm>>
        %dma_start3A_573 = tpu.memref_squeeze %dma_start3A_572 : memref<1x1x80xi32, #tpu.memory_space<hbm>> -> memref<1x80xi32, #tpu.memory_space<hbm>>
        %dma_start3A_574 = arith.constant 0 : i32
        %dma_start3A_575 = arith.constant 0 : i32
        %dma_start3A_576 = tpu.memref_slice %arg3[%add3A_569, %dma_start3A_574, %dma_start3A_575] : memref<8000x1x80xi32, #tpu.memory_space<hbm>> -> memref<1x1x80xi32, #tpu.memory_space<hbm>>
        %dma_start3A_577 = tpu.memref_squeeze %dma_start3A_576 : memref<1x1x80xi32, #tpu.memory_space<hbm>> -> memref<1x80xi32, #tpu.memory_space<hbm>>
        tpu.enqueue_dma source(%dma_start3A_577 : memref<1x80xi32, #tpu.memory_space<hbm>>) target(%arg11 : memref<1x80xi32, #tpu.memory_space<vmem>>) target_semaphore(%arg24 : memref<!tpu.dma_semaphore, #tpu.memory_space<semaphore_mem>>)
        %add3A_578 = arith.constant 4000 : i32
        %add3A_579 = arith.addi %add3A_578, %add3A_569 : i32
        %dma_start3A_580 = arith.constant 0 : i32
        %dma_start3A_581 = arith.constant 0 : i32
        %dma_start3A_582 = tpu.memref_slice %arg3[%add3A_579, %dma_start3A_580, %dma_start3A_581] : memref<8000x1x80xi32, #tpu.memory_space<hbm>> -> memref<1x1x80xi32, #tpu.memory_space<hbm>>
        %dma_start3A_583 = tpu.memref_squeeze %dma_start3A_582 : memref<1x1x80xi32, #tpu.memory_space<hbm>> -> memref<1x80xi32, #tpu.memory_space<hbm>>
        %dma_start3A_584 = arith.constant 0 : i32
        %dma_start3A_585 = arith.constant 0 : i32
        %dma_start3A_586 = tpu.memref_slice %arg3[%add3A_579, %dma_start3A_584, %dma_start3A_585] : memref<8000x1x80xi32, #tpu.memory_space<hbm>> -> memref<1x1x80xi32, #tpu.memory_space<hbm>>
        %dma_start3A_587 = tpu.memref_squeeze %dma_start3A_586 : memref<1x1x80xi32, #tpu.memory_space<hbm>> -> memref<1x80xi32, #tpu.memory_space<hbm>>
        tpu.enqueue_dma source(%dma_start3A_587 : memref<1x80xi32, #tpu.memory_space<hbm>>) target(%arg15 : memref<1x80xi32, #tpu.memory_space<vmem>>) target_semaphore(%arg24 : memref<!tpu.dma_semaphore, #tpu.memory_space<semaphore_mem>>)
      } else {
      }
      %scan3A_566 = arith.constant 0 : i32
      scf.yield %scan3A_566 : i32
    }
    %scan3A_220 = arith.constant 31 : i32
    %dma_wait3A_221 = arith.constant 0 : i32
    %dma_wait3A_222 = arith.constant 0 : i32
    %dma_wait3A_223 = tpu.memref_slice %arg12[%dma_wait3A_221, %dma_wait3A_222] : memref<1x80xi32, #tpu.memory_space<vmem>> -> memref<1x80xi32, #tpu.memory_space<vmem>>
    %dma_wait3A_224 = tpu.memref_squeeze %dma_wait3A_223 : memref<1x80xi32, #tpu.memory_space<vmem>> -> memref<80xi32, #tpu.memory_space<vmem>>
    %dma_wait3A_225 = arith.constant 0 : i32
    %dma_wait3A_226 = arith.constant 0 : i32
    %dma_wait3A_227 = tpu.memref_slice %arg6[%dma_wait3A_225, %dma_wait3A_226] : memref<10000x128xf32, #tpu.memory_space<vmem_shared>> -> memref<10000x128xf32, #tpu.memory_space<vmem_shared>>
    tpu.wait_indirect_dma semaphore(%arg27 : memref<!tpu.dma_semaphore, #tpu.memory_space<semaphore_mem>>) src(%arg16 : memref<80x128xf32, #tpu.memory_space<vmem>>) dst(%dma_wait3A_227 : memref<10000x128xf32, #tpu.memory_space<vmem_shared>>)
    "tpu.region"() ({
      %run_scoped3A = tpu.sem_alloc : memref<!tpu.dma_semaphore, #tpu.memory_space<semaphore_mem>>
      %dma_start3A_293 = arith.constant 0 : i32
      %dma_start3A_294 = tpu.memref_slice %arg7[%arg1, %dma_start3A_293] : memref<16x10240xf32, #tpu.memory_space<vmem_shared>> -> memref<1x10240xf32, #tpu.memory_space<vmem_shared>>
      %dma_start3A_295 = tpu.memref_squeeze %dma_start3A_294 : memref<1x10240xf32, #tpu.memory_space<vmem_shared>> -> memref<10240xf32, #tpu.memory_space<vmem_shared>>
      %dma_start3A_296 = arith.constant 0 : i32
      %dma_start3A_297 = tpu.memref_slice %arg7[%arg1, %dma_start3A_296] : memref<16x10240xf32, #tpu.memory_space<vmem_shared>> -> memref<1x10240xf32, #tpu.memory_space<vmem_shared>>
      %dma_start3A_298 = tpu.memref_squeeze %dma_start3A_297 : memref<1x10240xf32, #tpu.memory_space<vmem_shared>> -> memref<10240xf32, #tpu.memory_space<vmem_shared>>
      tpu.enqueue_dma source(%arg18 : memref<10240xf32, #tpu.memory_space<vmem>>) target(%dma_start3A_298 : memref<10240xf32, #tpu.memory_space<vmem_shared>>) target_semaphore(%run_scoped3A : memref<!tpu.dma_semaphore, #tpu.memory_space<semaphore_mem>>)
      %dma_wait3A_299 = arith.constant 0 : i32
      %dma_wait3A_300 = tpu.memref_slice %arg7[%arg1, %dma_wait3A_299] : memref<16x10240xf32, #tpu.memory_space<vmem_shared>> -> memref<1x10240xf32, #tpu.memory_space<vmem_shared>>
      %dma_wait3A_301 = tpu.memref_squeeze %dma_wait3A_300 : memref<1x10240xf32, #tpu.memory_space<vmem_shared>> -> memref<10240xf32, #tpu.memory_space<vmem_shared>>
      %dma_wait3A_302 = arith.constant 0 : i32
      %dma_wait3A_303 = tpu.memref_slice %arg7[%arg1, %dma_wait3A_302] : memref<16x10240xf32, #tpu.memory_space<vmem_shared>> -> memref<1x10240xf32, #tpu.memory_space<vmem_shared>>
      %dma_wait3A_304 = tpu.memref_squeeze %dma_wait3A_303 : memref<1x10240xf32, #tpu.memory_space<vmem_shared>> -> memref<10240xf32, #tpu.memory_space<vmem_shared>>
      tpu.wait_dma2 semaphore(%run_scoped3A : memref<!tpu.dma_semaphore, #tpu.memory_space<semaphore_mem>>) src(%arg18 : memref<10240xf32, #tpu.memory_space<vmem>>) dst(%dma_wait3A_304 : memref<10240xf32, #tpu.memory_space<vmem_shared>>)
      tpu.yield
    }) : () -> ()
    %barrier3A_228 = arith.constant 0 : index
    tpu.barrier barrier_id(%barrier3A_228)
    %mul3A_229 = arith.constant 640 : i32
    %mul3A_230 = arith.muli %arg1, %mul3A_229 : i32
    %add3A_231 = arith.constant 0 : i32
    %add3A_232 = arith.addi %mul3A_230, %add3A_231 : i32
    "tpu.region"() ({
      %run_scoped3A = tpu.sem_alloc : memref<!tpu.dma_semaphore, #tpu.memory_space<semaphore_mem>>
      %dma_start3A_293 = arith.constant 0 : i32
      %dma_start3A_294 = tpu.memref_slice %arg7[%dma_start3A_293, %add3A_232] : memref<16x10240xf32, #tpu.memory_space<vmem_shared>> -> memref<16x128xf32, #tpu.memory_space<vmem_shared>>
      %dma_start3A_295 = arith.constant 0 : i32
      %dma_start3A_296 = tpu.memref_slice %arg7[%dma_start3A_295, %add3A_232] : memref<16x10240xf32, #tpu.memory_space<vmem_shared>> -> memref<16x128xf32, #tpu.memory_space<vmem_shared>>
      tpu.enqueue_dma source(%dma_start3A_296 : memref<16x128xf32, #tpu.memory_space<vmem_shared>>) target(%arg19 : memref<16x128xf32, #tpu.memory_space<vmem>>) target_semaphore(%run_scoped3A : memref<!tpu.dma_semaphore, #tpu.memory_space<semaphore_mem>>)
      %dma_wait3A_297 = arith.constant 0 : i32
      %dma_wait3A_298 = tpu.memref_slice %arg7[%dma_wait3A_297, %add3A_232] : memref<16x10240xf32, #tpu.memory_space<vmem_shared>> -> memref<16x128xf32, #tpu.memory_space<vmem_shared>>
      %dma_wait3A_299 = arith.constant 0 : i32
      %dma_wait3A_300 = tpu.memref_slice %arg7[%dma_wait3A_299, %add3A_232] : memref<16x10240xf32, #tpu.memory_space<vmem_shared>> -> memref<16x128xf32, #tpu.memory_space<vmem_shared>>
      tpu.wait_dma2 semaphore(%run_scoped3A : memref<!tpu.dma_semaphore, #tpu.memory_space<semaphore_mem>>) src(%dma_wait3A_300 : memref<16x128xf32, #tpu.memory_space<vmem_shared>>) dst(%arg19 : memref<16x128xf32, #tpu.memory_space<vmem>>)
      tpu.yield
    }) : () -> ()
    %scan3A_233 = arith.constant 0 : i32
    %scan3A_234 = arith.constant 0 : i32
    %scan3A_235 = arith.constant 8 : i32
    %scan3A_236 = arith.addi %scan3A_234, %scan3A_235 : i32
    %scan3A_237 = arith.constant 1 : i32
    %scan3A_238 = scf.for %scan3A_293 = %scan3A_234 to %scan3A_236 step %scan3A_237 iter_args(%scan3A_294 = %scan3A_233) -> (i32)  : i32 {
      %mul3A_295 = arith.constant 16 : i32
      %mul3A_296 = arith.muli %scan3A_293, %mul3A_295 : i32
      %get3A_297 = arith.constant 0 : i32
      %get3A_298 = arith.index_cast %get3A_297 : i32 to index
      %get3A_299 = arith.index_cast %mul3A_296 : i32 to index
      %get3A_300 = tpu.vector_load %arg19[%get3A_298, %get3A_299] {strides = array<i32>} : memref<16x128xf32, #tpu.memory_space<vmem>>, vector<16xf32>,
      %mul3A_301 = arith.constant 16 : i32
      %mul3A_302 = arith.muli %scan3A_293, %mul3A_301 : i32
      %get3A_303 = arith.constant 1 : i32
      %get3A_304 = arith.index_cast %get3A_303 : i32 to index
      %get3A_305 = arith.index_cast %mul3A_302 : i32 to index
      %get3A_306 = tpu.vector_load %arg19[%get3A_304, %get3A_305] {strides = array<i32>} : memref<16x128xf32, #tpu.memory_space<vmem>>, vector<16xf32>,
      %add3A_307 = arith.addf %get3A_300, %get3A_306 : vector<16xf32>
      %mul3A_308 = arith.constant 16 : i32
      %mul3A_309 = arith.muli %scan3A_293, %mul3A_308 : i32
      %get3A_310 = arith.constant 2 : i32
      %get3A_311 = arith.index_cast %get3A_310 : i32 to index
      %get3A_312 = arith.index_cast %mul3A_309 : i32 to index
      %get3A_313 = tpu.vector_load %arg19[%get3A_311, %get3A_312] {strides = array<i32>} : memref<16x128xf32, #tpu.memory_space<vmem>>, vector<16xf32>,
      %add3A_314 = arith.addf %add3A_307, %get3A_313 : vector<16xf32>
      %mul3A_315 = arith.constant 16 : i32
      %mul3A_316 = arith.muli %scan3A_293, %mul3A_315 : i32
      %get3A_317 = arith.constant 3 : i32
      %get3A_318 = arith.index_cast %get3A_317 : i32 to index
      %get3A_319 = arith.index_cast %mul3A_316 : i32 to index
      %get3A_320 = tpu.vector_load %arg19[%get3A_318, %get3A_319] {strides = array<i32>} : memref<16x128xf32, #tpu.memory_space<vmem>>, vector<16xf32>,
      %add3A_321 = arith.addf %add3A_314, %get3A_320 : vector<16xf32>
      %mul3A_322 = arith.constant 16 : i32
      %mul3A_323 = arith.muli %scan3A_293, %mul3A_322 : i32
      %get3A_324 = arith.constant 4 : i32
      %get3A_325 = arith.index_cast %get3A_324 : i32 to index
      %get3A_326 = arith.index_cast %mul3A_323 : i32 to index
      %get3A_327 = tpu.vector_load %arg19[%get3A_325, %get3A_326] {strides = array<i32>} : memref<16x128xf32, #tpu.memory_space<vmem>>, vector<16xf32>,
      %add3A_328 = arith.addf %add3A_321, %get3A_327 : vector<16xf32>
      %mul3A_329 = arith.constant 16 : i32
      %mul3A_330 = arith.muli %scan3A_293, %mul3A_329 : i32
      %get3A_331 = arith.constant 5 : i32
      %get3A_332 = arith.index_cast %get3A_331 : i32 to index
      %get3A_333 = arith.index_cast %mul3A_330 : i32 to index
      %get3A_334 = tpu.vector_load %arg19[%get3A_332, %get3A_333] {strides = array<i32>} : memref<16x128xf32, #tpu.memory_space<vmem>>, vector<16xf32>,
      %add3A_335 = arith.addf %add3A_328, %get3A_334 : vector<16xf32>
      %mul3A_336 = arith.constant 16 : i32
      %mul3A_337 = arith.muli %scan3A_293, %mul3A_336 : i32
      %get3A_338 = arith.constant 6 : i32
      %get3A_339 = arith.index_cast %get3A_338 : i32 to index
      %get3A_340 = arith.index_cast %mul3A_337 : i32 to index
      %get3A_341 = tpu.vector_load %arg19[%get3A_339, %get3A_340] {strides = array<i32>} : memref<16x128xf32, #tpu.memory_space<vmem>>, vector<16xf32>,
      %add3A_342 = arith.addf %add3A_335, %get3A_341 : vector<16xf32>
      %mul3A_343 = arith.constant 16 : i32
      %mul3A_344 = arith.muli %scan3A_293, %mul3A_343 : i32
      %get3A_345 = arith.constant 7 : i32
      %get3A_346 = arith.index_cast %get3A_345 : i32 to index
      %get3A_347 = arith.index_cast %mul3A_344 : i32 to index
      %get3A_348 = tpu.vector_load %arg19[%get3A_346, %get3A_347] {strides = array<i32>} : memref<16x128xf32, #tpu.memory_space<vmem>>, vector<16xf32>,
      %add3A_349 = arith.addf %add3A_342, %get3A_348 : vector<16xf32>
      %mul3A_350 = arith.constant 16 : i32
      %mul3A_351 = arith.muli %scan3A_293, %mul3A_350 : i32
      %get3A_352 = arith.constant 8 : i32
      %get3A_353 = arith.index_cast %get3A_352 : i32 to index
      %get3A_354 = arith.index_cast %mul3A_351 : i32 to index
      %get3A_355 = tpu.vector_load %arg19[%get3A_353, %get3A_354] {strides = array<i32>} : memref<16x128xf32, #tpu.memory_space<vmem>>, vector<16xf32>,
      %add3A_356 = arith.addf %add3A_349, %get3A_355 : vector<16xf32>
      %mul3A_357 = arith.constant 16 : i32
      %mul3A_358 = arith.muli %scan3A_293, %mul3A_357 : i32
      %get3A_359 = arith.constant 9 : i32
      %get3A_360 = arith.index_cast %get3A_359 : i32 to index
      %get3A_361 = arith.index_cast %mul3A_358 : i32 to index
      %get3A_362 = tpu.vector_load %arg19[%get3A_360, %get3A_361] {strides = array<i32>} : memref<16x128xf32, #tpu.memory_space<vmem>>, vector<16xf32>,
      %add3A_363 = arith.addf %add3A_356, %get3A_362 : vector<16xf32>
      %mul3A_364 = arith.constant 16 : i32
      %mul3A_365 = arith.muli %scan3A_293, %mul3A_364 : i32
      %get3A_366 = arith.constant 10 : i32
      %get3A_367 = arith.index_cast %get3A_366 : i32 to index
      %get3A_368 = arith.index_cast %mul3A_365 : i32 to index
      %get3A_369 = tpu.vector_load %arg19[%get3A_367, %get3A_368] {strides = array<i32>} : memref<16x128xf32, #tpu.memory_space<vmem>>, vector<16xf32>,
      %add3A_370 = arith.addf %add3A_363, %get3A_369 : vector<16xf32>
      %mul3A_371 = arith.constant 16 : i32
      %mul3A_372 = arith.muli %scan3A_293, %mul3A_371 : i32
      %get3A_373 = arith.constant 11 : i32
      %get3A_374 = arith.index_cast %get3A_373 : i32 to index
      %get3A_375 = arith.index_cast %mul3A_372 : i32 to index
      %get3A_376 = tpu.vector_load %arg19[%get3A_374, %get3A_375] {strides = array<i32>} : memref<16x128xf32, #tpu.memory_space<vmem>>, vector<16xf32>,
      %add3A_377 = arith.addf %add3A_370, %get3A_376 : vector<16xf32>
      %mul3A_378 = arith.constant 16 : i32
      %mul3A_379 = arith.muli %scan3A_293, %mul3A_378 : i32
      %get3A_380 = arith.constant 12 : i32
      %get3A_381 = arith.index_cast %get3A_380 : i32 to index
      %get3A_382 = arith.index_cast %mul3A_379 : i32 to index
      %get3A_383 = tpu.vector_load %arg19[%get3A_381, %get3A_382] {strides = array<i32>} : memref<16x128xf32, #tpu.memory_space<vmem>>, vector<16xf32>,
      %add3A_384 = arith.addf %add3A_377, %get3A_383 : vector<16xf32>
      %mul3A_385 = arith.constant 16 : i32
      %mul3A_386 = arith.muli %scan3A_293, %mul3A_385 : i32
      %get3A_387 = arith.constant 13 : i32
      %get3A_388 = arith.index_cast %get3A_387 : i32 to index
      %get3A_389 = arith.index_cast %mul3A_386 : i32 to index
      %get3A_390 = tpu.vector_load %arg19[%get3A_388, %get3A_389] {strides = array<i32>} : memref<16x128xf32, #tpu.memory_space<vmem>>, vector<16xf32>,
      %add3A_391 = arith.addf %add3A_384, %get3A_390 : vector<16xf32>
      %mul3A_392 = arith.constant 16 : i32
      %mul3A_393 = arith.muli %scan3A_293, %mul3A_392 : i32
      %get3A_394 = arith.constant 14 : i32
      %get3A_395 = arith.index_cast %get3A_394 : i32 to index
      %get3A_396 = arith.index_cast %mul3A_393 : i32 to index
      %get3A_397 = tpu.vector_load %arg19[%get3A_395, %get3A_396] {strides = array<i32>} : memref<16x128xf32, #tpu.memory_space<vmem>>, vector<16xf32>,
      %add3A_398 = arith.addf %add3A_391, %get3A_397 : vector<16xf32>
      %mul3A_399 = arith.constant 16 : i32
      %mul3A_400 = arith.muli %scan3A_293, %mul3A_399 : i32
      %get3A_401 = arith.constant 15 : i32
      %get3A_402 = arith.index_cast %get3A_401 : i32 to index
      %get3A_403 = arith.index_cast %mul3A_400 : i32 to index
      %get3A_404 = tpu.vector_load %arg19[%get3A_402, %get3A_403] {strides = array<i32>} : memref<16x128xf32, #tpu.memory_space<vmem>>, vector<16xf32>,
      %add3A_405 = arith.addf %add3A_398, %get3A_404 : vector<16xf32>
      %mul3A_406 = arith.constant 16 : i32
      %mul3A_407 = arith.muli %scan3A_293, %mul3A_406 : i32
      %swap3A = arith.index_cast %mul3A_407 : i32 to index
      %swap3A_408 = tpu.vector_load %arg20[%swap3A] {strides = array<i32>} : memref<128xf32, #tpu.memory_space<vmem>>, vector<16xf32>,
      tpu.vector_store %arg20[%swap3A], %add3A_405 {strides = array<i32>} : memref<128xf32, #tpu.memory_space<vmem>>, vector<16xf32>,
      %scan3A_409 = arith.constant 0 : i32
      scf.yield %scan3A_409 : i32
    }
    %scan3A_239 = arith.constant 8 : i32
    "tpu.region"() ({
      %run_scoped3A = tpu.sem_alloc : memref<!tpu.dma_semaphore, #tpu.memory_space<semaphore_mem>>
      %dma_start3A_293 = tpu.memref_slice %arg5[%arg0, %add3A_232] : memref<2x10240xf32, #tpu.memory_space<hbm>> -> memref<1x128xf32, #tpu.memory_space<hbm>>
      %dma_start3A_294 = tpu.memref_squeeze %dma_start3A_293 : memref<1x128xf32, #tpu.memory_space<hbm>> -> memref<128xf32, #tpu.memory_space<hbm>>
      %dma_start3A_295 = tpu.memref_slice %arg5[%arg0, %add3A_232] : memref<2x10240xf32, #tpu.memory_space<hbm>> -> memref<1x128xf32, #tpu.memory_space<hbm>>
      %dma_start3A_296 = tpu.memref_squeeze %dma_start3A_295 : memref<1x128xf32, #tpu.memory_space<hbm>> -> memref<128xf32, #tpu.memory_space<hbm>>
      tpu.enqueue_dma source(%arg20 : memref<128xf32, #tpu.memory_space<vmem>>) target(%dma_start3A_296 : memref<128xf32, #tpu.memory_space<hbm>>) target_semaphore(%run_scoped3A : memref<!tpu.dma_semaphore, #tpu.memory_space<semaphore_mem>>)
      %dma_wait3A_297 = tpu.memref_slice %arg5[%arg0, %add3A_232] : memref<2x10240xf32, #tpu.memory_space<hbm>> -> memref<1x128xf32, #tpu.memory_space<hbm>>
      %dma_wait3A_298 = tpu.memref_squeeze %dma_wait3A_297 : memref<1x128xf32, #tpu.memory_space<hbm>> -> memref<128xf32, #tpu.memory_space<hbm>>
      %dma_wait3A_299 = tpu.memref_slice %arg5[%arg0, %add3A_232] : memref<2x10240xf32, #tpu.memory_space<hbm>> -> memref<1x128xf32, #tpu.memory_space<hbm>>
      %dma_wait3A_300 = tpu.memref_squeeze %dma_wait3A_299 : memref<1x128xf32, #tpu.memory_space<hbm>> -> memref<128xf32, #tpu.memory_space<hbm>>
      tpu.wait_dma2 semaphore(%run_scoped3A : memref<!tpu.dma_semaphore, #tpu.memory_space<semaphore_mem>>) src(%arg20 : memref<128xf32, #tpu.memory_space<vmem>>) dst(%dma_wait3A_300 : memref<128xf32, #tpu.memory_space<hbm>>)
      tpu.yield
    }) : () -> ()
    %mul3A_240 = arith.constant 640 : i32
    %mul3A_241 = arith.muli %arg1, %mul3A_240 : i32
    %add3A_242 = arith.constant 128 : i32
    %add3A_243 = arith.addi %mul3A_241, %add3A_242 : i32
    "tpu.region"() ({
      %run_scoped3A = tpu.sem_alloc : memref<!tpu.dma_semaphore, #tpu.memory_space<semaphore_mem>>
      %dma_start3A_293 = arith.constant 0 : i32
      %dma_start3A_294 = tpu.memref_slice %arg7[%dma_start3A_293, %add3A_243] : memref<16x10240xf32, #tpu.memory_space<vmem_shared>> -> memref<16x128xf32, #tpu.memory_space<vmem_shared>>
      %dma_start3A_295 = arith.constant 0 : i32
      %dma_start3A_296 = tpu.memref_slice %arg7[%dma_start3A_295, %add3A_243] : memref<16x10240xf32, #tpu.memory_space<vmem_shared>> -> memref<16x128xf32, #tpu.memory_space<vmem_shared>>
      tpu.enqueue_dma source(%dma_start3A_296 : memref<16x128xf32, #tpu.memory_space<vmem_shared>>) target(%arg19 : memref<16x128xf32, #tpu.memory_space<vmem>>) target_semaphore(%run_scoped3A : memref<!tpu.dma_semaphore, #tpu.memory_space<semaphore_mem>>)
      %dma_wait3A_297 = arith.constant 0 : i32
      %dma_wait3A_298 = tpu.memref_slice %arg7[%dma_wait3A_297, %add3A_243] : memref<16x10240xf32, #tpu.memory_space<vmem_shared>> -> memref<16x128xf32, #tpu.memory_space<vmem_shared>>
      %dma_wait3A_299 = arith.constant 0 : i32
      %dma_wait3A_300 = tpu.memref_slice %arg7[%dma_wait3A_299, %add3A_243] : memref<16x10240xf32, #tpu.memory_space<vmem_shared>> -> memref<16x128xf32, #tpu.memory_space<vmem_shared>>
      tpu.wait_dma2 semaphore(%run_scoped3A : memref<!tpu.dma_semaphore, #tpu.memory_space<semaphore_mem>>) src(%dma_wait3A_300 : memref<16x128xf32, #tpu.memory_space<vmem_shared>>) dst(%arg19 : memref<16x128xf32, #tpu.memory_space<vmem>>)
      tpu.yield
    }) : () -> ()
    %scan3A_244 = arith.constant 0 : i32
    %scan3A_245 = arith.constant 0 : i32
    %scan3A_246 = arith.constant 8 : i32
    %scan3A_247 = arith.addi %scan3A_245, %scan3A_246 : i32
    %scan3A_248 = arith.constant 1 : i32
    %scan3A_249 = scf.for %scan3A_293 = %scan3A_245 to %scan3A_247 step %scan3A_248 iter_args(%scan3A_294 = %scan3A_244) -> (i32)  : i32 {
      %mul3A_295 = arith.constant 16 : i32
      %mul3A_296 = arith.muli %scan3A_293, %mul3A_295 : i32
      %get3A_297 = arith.constant 0 : i32
      %get3A_298 = arith.index_cast %get3A_297 : i32 to index
      %get3A_299 = arith.index_cast %mul3A_296 : i32 to index
      %get3A_300 = tpu.vector_load %arg19[%get3A_298, %get3A_299] {strides = array<i32>} : memref<16x128xf32, #tpu.memory_space<vmem>>, vector<16xf32>,
      %mul3A_301 = arith.constant 16 : i32
      %mul3A_302 = arith.muli %scan3A_293, %mul3A_301 : i32
      %get3A_303 = arith.constant 1 : i32
      %get3A_304 = arith.index_cast %get3A_303 : i32 to index
      %get3A_305 = arith.index_cast %mul3A_302 : i32 to index
      %get3A_306 = tpu.vector_load %arg19[%get3A_304, %get3A_305] {strides = array<i32>} : memref<16x128xf32, #tpu.memory_space<vmem>>, vector<16xf32>,
      %add3A_307 = arith.addf %get3A_300, %get3A_306 : vector<16xf32>
      %mul3A_308 = arith.constant 16 : i32
      %mul3A_309 = arith.muli %scan3A_293, %mul3A_308 : i32
      %get3A_310 = arith.constant 2 : i32
      %get3A_311 = arith.index_cast %get3A_310 : i32 to index
      %get3A_312 = arith.index_cast %mul3A_309 : i32 to index
      %get3A_313 = tpu.vector_load %arg19[%get3A_311, %get3A_312] {strides = array<i32>} : memref<16x128xf32, #tpu.memory_space<vmem>>, vector<16xf32>,
      %add3A_314 = arith.addf %add3A_307, %get3A_313 : vector<16xf32>
      %mul3A_315 = arith.constant 16 : i32
      %mul3A_316 = arith.muli %scan3A_293, %mul3A_315 : i32
      %get3A_317 = arith.constant 3 : i32
      %get3A_318 = arith.index_cast %get3A_317 : i32 to index
      %get3A_319 = arith.index_cast %mul3A_316 : i32 to index
      %get3A_320 = tpu.vector_load %arg19[%get3A_318, %get3A_319] {strides = array<i32>} : memref<16x128xf32, #tpu.memory_space<vmem>>, vector<16xf32>,
      %add3A_321 = arith.addf %add3A_314, %get3A_320 : vector<16xf32>
      %mul3A_322 = arith.constant 16 : i32
      %mul3A_323 = arith.muli %scan3A_293, %mul3A_322 : i32
      %get3A_324 = arith.constant 4 : i32
      %get3A_325 = arith.index_cast %get3A_324 : i32 to index
      %get3A_326 = arith.index_cast %mul3A_323 : i32 to index
      %get3A_327 = tpu.vector_load %arg19[%get3A_325, %get3A_326] {strides = array<i32>} : memref<16x128xf32, #tpu.memory_space<vmem>>, vector<16xf32>,
      %add3A_328 = arith.addf %add3A_321, %get3A_327 : vector<16xf32>
      %mul3A_329 = arith.constant 16 : i32
      %mul3A_330 = arith.muli %scan3A_293, %mul3A_329 : i32
      %get3A_331 = arith.constant 5 : i32
      %get3A_332 = arith.index_cast %get3A_331 : i32 to index
      %get3A_333 = arith.index_cast %mul3A_330 : i32 to index
      %get3A_334 = tpu.vector_load %arg19[%get3A_332, %get3A_333] {strides = array<i32>} : memref<16x128xf32, #tpu.memory_space<vmem>>, vector<16xf32>,
      %add3A_335 = arith.addf %add3A_328, %get3A_334 : vector<16xf32>
      %mul3A_336 = arith.constant 16 : i32
      %mul3A_337 = arith.muli %scan3A_293, %mul3A_336 : i32
      %get3A_338 = arith.constant 6 : i32
      %get3A_339 = arith.index_cast %get3A_338 : i32 to index
      %get3A_340 = arith.index_cast %mul3A_337 : i32 to index
      %get3A_341 = tpu.vector_load %arg19[%get3A_339, %get3A_340] {strides = array<i32>} : memref<16x128xf32, #tpu.memory_space<vmem>>, vector<16xf32>,
      %add3A_342 = arith.addf %add3A_335, %get3A_341 : vector<16xf32>
      %mul3A_343 = arith.constant 16 : i32
      %mul3A_344 = arith.muli %scan3A_293, %mul3A_343 : i32
      %get3A_345 = arith.constant 7 : i32
      %get3A_346 = arith.index_cast %get3A_345 : i32 to index
      %get3A_347 = arith.index_cast %mul3A_344 : i32 to index
      %get3A_348 = tpu.vector_load %arg19[%get3A_346, %get3A_347] {strides = array<i32>} : memref<16x128xf32, #tpu.memory_space<vmem>>, vector<16xf32>,
      %add3A_349 = arith.addf %add3A_342, %get3A_348 : vector<16xf32>
      %mul3A_350 = arith.constant 16 : i32
      %mul3A_351 = arith.muli %scan3A_293, %mul3A_350 : i32
      %get3A_352 = arith.constant 8 : i32
      %get3A_353 = arith.index_cast %get3A_352 : i32 to index
      %get3A_354 = arith.index_cast %mul3A_351 : i32 to index
      %get3A_355 = tpu.vector_load %arg19[%get3A_353, %get3A_354] {strides = array<i32>} : memref<16x128xf32, #tpu.memory_space<vmem>>, vector<16xf32>,
      %add3A_356 = arith.addf %add3A_349, %get3A_355 : vector<16xf32>
      %mul3A_357 = arith.constant 16 : i32
      %mul3A_358 = arith.muli %scan3A_293, %mul3A_357 : i32
      %get3A_359 = arith.constant 9 : i32
      %get3A_360 = arith.index_cast %get3A_359 : i32 to index
      %get3A_361 = arith.index_cast %mul3A_358 : i32 to index
      %get3A_362 = tpu.vector_load %arg19[%get3A_360, %get3A_361] {strides = array<i32>} : memref<16x128xf32, #tpu.memory_space<vmem>>, vector<16xf32>,
      %add3A_363 = arith.addf %add3A_356, %get3A_362 : vector<16xf32>
      %mul3A_364 = arith.constant 16 : i32
      %mul3A_365 = arith.muli %scan3A_293, %mul3A_364 : i32
      %get3A_366 = arith.constant 10 : i32
      %get3A_367 = arith.index_cast %get3A_366 : i32 to index
      %get3A_368 = arith.index_cast %mul3A_365 : i32 to index
      %get3A_369 = tpu.vector_load %arg19[%get3A_367, %get3A_368] {strides = array<i32>} : memref<16x128xf32, #tpu.memory_space<vmem>>, vector<16xf32>,
      %add3A_370 = arith.addf %add3A_363, %get3A_369 : vector<16xf32>
      %mul3A_371 = arith.constant 16 : i32
      %mul3A_372 = arith.muli %scan3A_293, %mul3A_371 : i32
      %get3A_373 = arith.constant 11 : i32
      %get3A_374 = arith.index_cast %get3A_373 : i32 to index
      %get3A_375 = arith.index_cast %mul3A_372 : i32 to index
      %get3A_376 = tpu.vector_load %arg19[%get3A_374, %get3A_375] {strides = array<i32>} : memref<16x128xf32, #tpu.memory_space<vmem>>, vector<16xf32>,
      %add3A_377 = arith.addf %add3A_370, %get3A_376 : vector<16xf32>
      %mul3A_378 = arith.constant 16 : i32
      %mul3A_379 = arith.muli %scan3A_293, %mul3A_378 : i32
      %get3A_380 = arith.constant 12 : i32
      %get3A_381 = arith.index_cast %get3A_380 : i32 to index
      %get3A_382 = arith.index_cast %mul3A_379 : i32 to index
      %get3A_383 = tpu.vector_load %arg19[%get3A_381, %get3A_382] {strides = array<i32>} : memref<16x128xf32, #tpu.memory_space<vmem>>, vector<16xf32>,
      %add3A_384 = arith.addf %add3A_377, %get3A_383 : vector<16xf32>
      %mul3A_385 = arith.constant 16 : i32
      %mul3A_386 = arith.muli %scan3A_293, %mul3A_385 : i32
      %get3A_387 = arith.constant 13 : i32
      %get3A_388 = arith.index_cast %get3A_387 : i32 to index
      %get3A_389 = arith.index_cast %mul3A_386 : i32 to index
      %get3A_390 = tpu.vector_load %arg19[%get3A_388, %get3A_389] {strides = array<i32>} : memref<16x128xf32, #tpu.memory_space<vmem>>, vector<16xf32>,
      %add3A_391 = arith.addf %add3A_384, %get3A_390 : vector<16xf32>
      %mul3A_392 = arith.constant 16 : i32
      %mul3A_393 = arith.muli %scan3A_293, %mul3A_392 : i32
      %get3A_394 = arith.constant 14 : i32
      %get3A_395 = arith.index_cast %get3A_394 : i32 to index
      %get3A_396 = arith.index_cast %mul3A_393 : i32 to index
      %get3A_397 = tpu.vector_load %arg19[%get3A_395, %get3A_396] {strides = array<i32>} : memref<16x128xf32, #tpu.memory_space<vmem>>, vector<16xf32>,
      %add3A_398 = arith.addf %add3A_391, %get3A_397 : vector<16xf32>
      %mul3A_399 = arith.constant 16 : i32
      %mul3A_400 = arith.muli %scan3A_293, %mul3A_399 : i32
      %get3A_401 = arith.constant 15 : i32
      %get3A_402 = arith.index_cast %get3A_401 : i32 to index
      %get3A_403 = arith.index_cast %mul3A_400 : i32 to index
      %get3A_404 = tpu.vector_load %arg19[%get3A_402, %get3A_403] {strides = array<i32>} : memref<16x128xf32, #tpu.memory_space<vmem>>, vector<16xf32>,
      %add3A_405 = arith.addf %add3A_398, %get3A_404 : vector<16xf32>
      %mul3A_406 = arith.constant 16 : i32
      %mul3A_407 = arith.muli %scan3A_293, %mul3A_406 : i32
      %swap3A = arith.index_cast %mul3A_407 : i32 to index
      %swap3A_408 = tpu.vector_load %arg20[%swap3A] {strides = array<i32>} : memref<128xf32, #tpu.memory_space<vmem>>, vector<16xf32>,
      tpu.vector_store %arg20[%swap3A], %add3A_405 {strides = array<i32>} : memref<128xf32, #tpu.memory_space<vmem>>, vector<16xf32>,
      %scan3A_409 = arith.constant 0 : i32
      scf.yield %scan3A_409 : i32
    }
    %scan3A_250 = arith.constant 8 : i32
    "tpu.region"() ({
      %run_scoped3A = tpu.sem_alloc : memref<!tpu.dma_semaphore, #tpu.memory_space<semaphore_mem>>
      %dma_start3A_293 = tpu.memref_slice %arg5[%arg0, %add3A_243] : memref<2x10240xf32, #tpu.memory_space<hbm>> -> memref<1x128xf32, #tpu.memory_space<hbm>>
      %dma_start3A_294 = tpu.memref_squeeze %dma_start3A_293 : memref<1x128xf32, #tpu.memory_space<hbm>> -> memref<128xf32, #tpu.memory_space<hbm>>
      %dma_start3A_295 = tpu.memref_slice %arg5[%arg0, %add3A_243] : memref<2x10240xf32, #tpu.memory_space<hbm>> -> memref<1x128xf32, #tpu.memory_space<hbm>>
      %dma_start3A_296 = tpu.memref_squeeze %dma_start3A_295 : memref<1x128xf32, #tpu.memory_space<hbm>> -> memref<128xf32, #tpu.memory_space<hbm>>
      tpu.enqueue_dma source(%arg20 : memref<128xf32, #tpu.memory_space<vmem>>) target(%dma_start3A_296 : memref<128xf32, #tpu.memory_space<hbm>>) target_semaphore(%run_scoped3A : memref<!tpu.dma_semaphore, #tpu.memory_space<semaphore_mem>>)
      %dma_wait3A_297 = tpu.memref_slice %arg5[%arg0, %add3A_243] : memref<2x10240xf32, #tpu.memory_space<hbm>> -> memref<1x128xf32, #tpu.memory_space<hbm>>
      %dma_wait3A_298 = tpu.memref_squeeze %dma_wait3A_297 : memref<1x128xf32, #tpu.memory_space<hbm>> -> memref<128xf32, #tpu.memory_space<hbm>>
      %dma_wait3A_299 = tpu.memref_slice %arg5[%arg0, %add3A_243] : memref<2x10240xf32, #tpu.memory_space<hbm>> -> memref<1x128xf32, #tpu.memory_space<hbm>>
      %dma_wait3A_300 = tpu.memref_squeeze %dma_wait3A_299 : memref<1x128xf32, #tpu.memory_space<hbm>> -> memref<128xf32, #tpu.memory_space<hbm>>
      tpu.wait_dma2 semaphore(%run_scoped3A : memref<!tpu.dma_semaphore, #tpu.memory_space<semaphore_mem>>) src(%arg20 : memref<128xf32, #tpu.memory_space<vmem>>) dst(%dma_wait3A_300 : memref<128xf32, #tpu.memory_space<hbm>>)
      tpu.yield
    }) : () -> ()
    %mul3A_251 = arith.constant 640 : i32
    %mul3A_252 = arith.muli %arg1, %mul3A_251 : i32
    %add3A_253 = arith.constant 256 : i32
    %add3A_254 = arith.addi %mul3A_252, %add3A_253 : i32
    "tpu.region"() ({
      %run_scoped3A = tpu.sem_alloc : memref<!tpu.dma_semaphore, #tpu.memory_space<semaphore_mem>>
      %dma_start3A_293 = arith.constant 0 : i32
      %dma_start3A_294 = tpu.memref_slice %arg7[%dma_start3A_293, %add3A_254] : memref<16x10240xf32, #tpu.memory_space<vmem_shared>> -> memref<16x128xf32, #tpu.memory_space<vmem_shared>>
      %dma_start3A_295 = arith.constant 0 : i32
      %dma_start3A_296 = tpu.memref_slice %arg7[%dma_start3A_295, %add3A_254] : memref<16x10240xf32, #tpu.memory_space<vmem_shared>> -> memref<16x128xf32, #tpu.memory_space<vmem_shared>>
      tpu.enqueue_dma source(%dma_start3A_296 : memref<16x128xf32, #tpu.memory_space<vmem_shared>>) target(%arg19 : memref<16x128xf32, #tpu.memory_space<vmem>>) target_semaphore(%run_scoped3A : memref<!tpu.dma_semaphore, #tpu.memory_space<semaphore_mem>>)
      %dma_wait3A_297 = arith.constant 0 : i32
      %dma_wait3A_298 = tpu.memref_slice %arg7[%dma_wait3A_297, %add3A_254] : memref<16x10240xf32, #tpu.memory_space<vmem_shared>> -> memref<16x128xf32, #tpu.memory_space<vmem_shared>>
      %dma_wait3A_299 = arith.constant 0 : i32
      %dma_wait3A_300 = tpu.memref_slice %arg7[%dma_wait3A_299, %add3A_254] : memref<16x10240xf32, #tpu.memory_space<vmem_shared>> -> memref<16x128xf32, #tpu.memory_space<vmem_shared>>
      tpu.wait_dma2 semaphore(%run_scoped3A : memref<!tpu.dma_semaphore, #tpu.memory_space<semaphore_mem>>) src(%dma_wait3A_300 : memref<16x128xf32, #tpu.memory_space<vmem_shared>>) dst(%arg19 : memref<16x128xf32, #tpu.memory_space<vmem>>)
      tpu.yield
    }) : () -> ()
    %scan3A_255 = arith.constant 0 : i32
    %scan3A_256 = arith.constant 0 : i32
    %scan3A_257 = arith.constant 8 : i32
    %scan3A_258 = arith.addi %scan3A_256, %scan3A_257 : i32
    %scan3A_259 = arith.constant 1 : i32
    %scan3A_260 = scf.for %scan3A_293 = %scan3A_256 to %scan3A_258 step %scan3A_259 iter_args(%scan3A_294 = %scan3A_255) -> (i32)  : i32 {
      %mul3A_295 = arith.constant 16 : i32
      %mul3A_296 = arith.muli %scan3A_293, %mul3A_295 : i32
      %get3A_297 = arith.constant 0 : i32
      %get3A_298 = arith.index_cast %get3A_297 : i32 to index
      %get3A_299 = arith.index_cast %mul3A_296 : i32 to index
      %get3A_300 = tpu.vector_load %arg19[%get3A_298, %get3A_299] {strides = array<i32>} : memref<16x128xf32, #tpu.memory_space<vmem>>, vector<16xf32>,
      %mul3A_301 = arith.constant 16 : i32
      %mul3A_302 = arith.muli %scan3A_293, %mul3A_301 : i32
      %get3A_303 = arith.constant 1 : i32
      %get3A_304 = arith.index_cast %get3A_303 : i32 to index
      %get3A_305 = arith.index_cast %mul3A_302 : i32 to index
      %get3A_306 = tpu.vector_load %arg19[%get3A_304, %get3A_305] {strides = array<i32>} : memref<16x128xf32, #tpu.memory_space<vmem>>, vector<16xf32>,
      %add3A_307 = arith.addf %get3A_300, %get3A_306 : vector<16xf32>
      %mul3A_308 = arith.constant 16 : i32
      %mul3A_309 = arith.muli %scan3A_293, %mul3A_308 : i32
      %get3A_310 = arith.constant 2 : i32
      %get3A_311 = arith.index_cast %get3A_310 : i32 to index
      %get3A_312 = arith.index_cast %mul3A_309 : i32 to index
      %get3A_313 = tpu.vector_load %arg19[%get3A_311, %get3A_312] {strides = array<i32>} : memref<16x128xf32, #tpu.memory_space<vmem>>, vector<16xf32>,
      %add3A_314 = arith.addf %add3A_307, %get3A_313 : vector<16xf32>
      %mul3A_315 = arith.constant 16 : i32
      %mul3A_316 = arith.muli %scan3A_293, %mul3A_315 : i32
      %get3A_317 = arith.constant 3 : i32
      %get3A_318 = arith.index_cast %get3A_317 : i32 to index
      %get3A_319 = arith.index_cast %mul3A_316 : i32 to index
      %get3A_320 = tpu.vector_load %arg19[%get3A_318, %get3A_319] {strides = array<i32>} : memref<16x128xf32, #tpu.memory_space<vmem>>, vector<16xf32>,
      %add3A_321 = arith.addf %add3A_314, %get3A_320 : vector<16xf32>
      %mul3A_322 = arith.constant 16 : i32
      %mul3A_323 = arith.muli %scan3A_293, %mul3A_322 : i32
      %get3A_324 = arith.constant 4 : i32
      %get3A_325 = arith.index_cast %get3A_324 : i32 to index
      %get3A_326 = arith.index_cast %mul3A_323 : i32 to index
      %get3A_327 = tpu.vector_load %arg19[%get3A_325, %get3A_326] {strides = array<i32>} : memref<16x128xf32, #tpu.memory_space<vmem>>, vector<16xf32>,
      %add3A_328 = arith.addf %add3A_321, %get3A_327 : vector<16xf32>
      %mul3A_329 = arith.constant 16 : i32
      %mul3A_330 = arith.muli %scan3A_293, %mul3A_329 : i32
      %get3A_331 = arith.constant 5 : i32
      %get3A_332 = arith.index_cast %get3A_331 : i32 to index
      %get3A_333 = arith.index_cast %mul3A_330 : i32 to index
      %get3A_334 = tpu.vector_load %arg19[%get3A_332, %get3A_333] {strides = array<i32>} : memref<16x128xf32, #tpu.memory_space<vmem>>, vector<16xf32>,
      %add3A_335 = arith.addf %add3A_328, %get3A_334 : vector<16xf32>
      %mul3A_336 = arith.constant 16 : i32
      %mul3A_337 = arith.muli %scan3A_293, %mul3A_336 : i32
      %get3A_338 = arith.constant 6 : i32
      %get3A_339 = arith.index_cast %get3A_338 : i32 to index
      %get3A_340 = arith.index_cast %mul3A_337 : i32 to index
      %get3A_341 = tpu.vector_load %arg19[%get3A_339, %get3A_340] {strides = array<i32>} : memref<16x128xf32, #tpu.memory_space<vmem>>, vector<16xf32>,
      %add3A_342 = arith.addf %add3A_335, %get3A_341 : vector<16xf32>
      %mul3A_343 = arith.constant 16 : i32
      %mul3A_344 = arith.muli %scan3A_293, %mul3A_343 : i32
      %get3A_345 = arith.constant 7 : i32
      %get3A_346 = arith.index_cast %get3A_345 : i32 to index
      %get3A_347 = arith.index_cast %mul3A_344 : i32 to index
      %get3A_348 = tpu.vector_load %arg19[%get3A_346, %get3A_347] {strides = array<i32>} : memref<16x128xf32, #tpu.memory_space<vmem>>, vector<16xf32>,
      %add3A_349 = arith.addf %add3A_342, %get3A_348 : vector<16xf32>
      %mul3A_350 = arith.constant 16 : i32
      %mul3A_351 = arith.muli %scan3A_293, %mul3A_350 : i32
      %get3A_352 = arith.constant 8 : i32
      %get3A_353 = arith.index_cast %get3A_352 : i32 to index
      %get3A_354 = arith.index_cast %mul3A_351 : i32 to index
      %get3A_355 = tpu.vector_load %arg19[%get3A_353, %get3A_354] {strides = array<i32>} : memref<16x128xf32, #tpu.memory_space<vmem>>, vector<16xf32>,
      %add3A_356 = arith.addf %add3A_349, %get3A_355 : vector<16xf32>
      %mul3A_357 = arith.constant 16 : i32
      %mul3A_358 = arith.muli %scan3A_293, %mul3A_357 : i32
      %get3A_359 = arith.constant 9 : i32
      %get3A_360 = arith.index_cast %get3A_359 : i32 to index
      %get3A_361 = arith.index_cast %mul3A_358 : i32 to index
      %get3A_362 = tpu.vector_load %arg19[%get3A_360, %get3A_361] {strides = array<i32>} : memref<16x128xf32, #tpu.memory_space<vmem>>, vector<16xf32>,
      %add3A_363 = arith.addf %add3A_356, %get3A_362 : vector<16xf32>
      %mul3A_364 = arith.constant 16 : i32
      %mul3A_365 = arith.muli %scan3A_293, %mul3A_364 : i32
      %get3A_366 = arith.constant 10 : i32
      %get3A_367 = arith.index_cast %get3A_366 : i32 to index
      %get3A_368 = arith.index_cast %mul3A_365 : i32 to index
      %get3A_369 = tpu.vector_load %arg19[%get3A_367, %get3A_368] {strides = array<i32>} : memref<16x128xf32, #tpu.memory_space<vmem>>, vector<16xf32>,
      %add3A_370 = arith.addf %add3A_363, %get3A_369 : vector<16xf32>
      %mul3A_371 = arith.constant 16 : i32
      %mul3A_372 = arith.muli %scan3A_293, %mul3A_371 : i32
      %get3A_373 = arith.constant 11 : i32
      %get3A_374 = arith.index_cast %get3A_373 : i32 to index
      %get3A_375 = arith.index_cast %mul3A_372 : i32 to index
      %get3A_376 = tpu.vector_load %arg19[%get3A_374, %get3A_375] {strides = array<i32>} : memref<16x128xf32, #tpu.memory_space<vmem>>, vector<16xf32>,
      %add3A_377 = arith.addf %add3A_370, %get3A_376 : vector<16xf32>
      %mul3A_378 = arith.constant 16 : i32
      %mul3A_379 = arith.muli %scan3A_293, %mul3A_378 : i32
      %get3A_380 = arith.constant 12 : i32
      %get3A_381 = arith.index_cast %get3A_380 : i32 to index
      %get3A_382 = arith.index_cast %mul3A_379 : i32 to index
      %get3A_383 = tpu.vector_load %arg19[%get3A_381, %get3A_382] {strides = array<i32>} : memref<16x128xf32, #tpu.memory_space<vmem>>, vector<16xf32>,
      %add3A_384 = arith.addf %add3A_377, %get3A_383 : vector<16xf32>
      %mul3A_385 = arith.constant 16 : i32
      %mul3A_386 = arith.muli %scan3A_293, %mul3A_385 : i32
      %get3A_387 = arith.constant 13 : i32
      %get3A_388 = arith.index_cast %get3A_387 : i32 to index
      %get3A_389 = arith.index_cast %mul3A_386 : i32 to index
      %get3A_390 = tpu.vector_load %arg19[%get3A_388, %get3A_389] {strides = array<i32>} : memref<16x128xf32, #tpu.memory_space<vmem>>, vector<16xf32>,
      %add3A_391 = arith.addf %add3A_384, %get3A_390 : vector<16xf32>
      %mul3A_392 = arith.constant 16 : i32
      %mul3A_393 = arith.muli %scan3A_293, %mul3A_392 : i32
      %get3A_394 = arith.constant 14 : i32
      %get3A_395 = arith.index_cast %get3A_394 : i32 to index
      %get3A_396 = arith.index_cast %mul3A_393 : i32 to index
      %get3A_397 = tpu.vector_load %arg19[%get3A_395, %get3A_396] {strides = array<i32>} : memref<16x128xf32, #tpu.memory_space<vmem>>, vector<16xf32>,
      %add3A_398 = arith.addf %add3A_391, %get3A_397 : vector<16xf32>
      %mul3A_399 = arith.constant 16 : i32
      %mul3A_400 = arith.muli %scan3A_293, %mul3A_399 : i32
      %get3A_401 = arith.constant 15 : i32
      %get3A_402 = arith.index_cast %get3A_401 : i32 to index
      %get3A_403 = arith.index_cast %mul3A_400 : i32 to index
      %get3A_404 = tpu.vector_load %arg19[%get3A_402, %get3A_403] {strides = array<i32>} : memref<16x128xf32, #tpu.memory_space<vmem>>, vector<16xf32>,
      %add3A_405 = arith.addf %add3A_398, %get3A_404 : vector<16xf32>
      %mul3A_406 = arith.constant 16 : i32
      %mul3A_407 = arith.muli %scan3A_293, %mul3A_406 : i32
      %swap3A = arith.index_cast %mul3A_407 : i32 to index
      %swap3A_408 = tpu.vector_load %arg20[%swap3A] {strides = array<i32>} : memref<128xf32, #tpu.memory_space<vmem>>, vector<16xf32>,
      tpu.vector_store %arg20[%swap3A], %add3A_405 {strides = array<i32>} : memref<128xf32, #tpu.memory_space<vmem>>, vector<16xf32>,
      %scan3A_409 = arith.constant 0 : i32
      scf.yield %scan3A_409 : i32
    }
    %scan3A_261 = arith.constant 8 : i32
    "tpu.region"() ({
      %run_scoped3A = tpu.sem_alloc : memref<!tpu.dma_semaphore, #tpu.memory_space<semaphore_mem>>
      %dma_start3A_293 = tpu.memref_slice %arg5[%arg0, %add3A_254] : memref<2x10240xf32, #tpu.memory_space<hbm>> -> memref<1x128xf32, #tpu.memory_space<hbm>>
      %dma_start3A_294 = tpu.memref_squeeze %dma_start3A_293 : memref<1x128xf32, #tpu.memory_space<hbm>> -> memref<128xf32, #tpu.memory_space<hbm>>
      %dma_start3A_295 = tpu.memref_slice %arg5[%arg0, %add3A_254] : memref<2x10240xf32, #tpu.memory_space<hbm>> -> memref<1x128xf32, #tpu.memory_space<hbm>>
      %dma_start3A_296 = tpu.memref_squeeze %dma_start3A_295 : memref<1x128xf32, #tpu.memory_space<hbm>> -> memref<128xf32, #tpu.memory_space<hbm>>
      tpu.enqueue_dma source(%arg20 : memref<128xf32, #tpu.memory_space<vmem>>) target(%dma_start3A_296 : memref<128xf32, #tpu.memory_space<hbm>>) target_semaphore(%run_scoped3A : memref<!tpu.dma_semaphore, #tpu.memory_space<semaphore_mem>>)
      %dma_wait3A_297 = tpu.memref_slice %arg5[%arg0, %add3A_254] : memref<2x10240xf32, #tpu.memory_space<hbm>> -> memref<1x128xf32, #tpu.memory_space<hbm>>
      %dma_wait3A_298 = tpu.memref_squeeze %dma_wait3A_297 : memref<1x128xf32, #tpu.memory_space<hbm>> -> memref<128xf32, #tpu.memory_space<hbm>>
      %dma_wait3A_299 = tpu.memref_slice %arg5[%arg0, %add3A_254] : memref<2x10240xf32, #tpu.memory_space<hbm>> -> memref<1x128xf32, #tpu.memory_space<hbm>>
      %dma_wait3A_300 = tpu.memref_squeeze %dma_wait3A_299 : memref<1x128xf32, #tpu.memory_space<hbm>> -> memref<128xf32, #tpu.memory_space<hbm>>
      tpu.wait_dma2 semaphore(%run_scoped3A : memref<!tpu.dma_semaphore, #tpu.memory_space<semaphore_mem>>) src(%arg20 : memref<128xf32, #tpu.memory_space<vmem>>) dst(%dma_wait3A_300 : memref<128xf32, #tpu.memory_space<hbm>>)
      tpu.yield
    }) : () -> ()
    %mul3A_262 = arith.constant 640 : i32
    %mul3A_263 = arith.muli %arg1, %mul3A_262 : i32
    %add3A_264 = arith.constant 384 : i32
    %add3A_265 = arith.addi %mul3A_263, %add3A_264 : i32
    "tpu.region"() ({
      %run_scoped3A = tpu.sem_alloc : memref<!tpu.dma_semaphore, #tpu.memory_space<semaphore_mem>>
      %dma_start3A_293 = arith.constant 0 : i32
      %dma_start3A_294 = tpu.memref_slice %arg7[%dma_start3A_293, %add3A_265] : memref<16x10240xf32, #tpu.memory_space<vmem_shared>> -> memref<16x128xf32, #tpu.memory_space<vmem_shared>>
      %dma_start3A_295 = arith.constant 0 : i32
      %dma_start3A_296 = tpu.memref_slice %arg7[%dma_start3A_295, %add3A_265] : memref<16x10240xf32, #tpu.memory_space<vmem_shared>> -> memref<16x128xf32, #tpu.memory_space<vmem_shared>>
      tpu.enqueue_dma source(%dma_start3A_296 : memref<16x128xf32, #tpu.memory_space<vmem_shared>>) target(%arg19 : memref<16x128xf32, #tpu.memory_space<vmem>>) target_semaphore(%run_scoped3A : memref<!tpu.dma_semaphore, #tpu.memory_space<semaphore_mem>>)
      %dma_wait3A_297 = arith.constant 0 : i32
      %dma_wait3A_298 = tpu.memref_slice %arg7[%dma_wait3A_297, %add3A_265] : memref<16x10240xf32, #tpu.memory_space<vmem_shared>> -> memref<16x128xf32, #tpu.memory_space<vmem_shared>>
      %dma_wait3A_299 = arith.constant 0 : i32
      %dma_wait3A_300 = tpu.memref_slice %arg7[%dma_wait3A_299, %add3A_265] : memref<16x10240xf32, #tpu.memory_space<vmem_shared>> -> memref<16x128xf32, #tpu.memory_space<vmem_shared>>
      tpu.wait_dma2 semaphore(%run_scoped3A : memref<!tpu.dma_semaphore, #tpu.memory_space<semaphore_mem>>) src(%dma_wait3A_300 : memref<16x128xf32, #tpu.memory_space<vmem_shared>>) dst(%arg19 : memref<16x128xf32, #tpu.memory_space<vmem>>)
      tpu.yield
    }) : () -> ()
    %scan3A_266 = arith.constant 0 : i32
    %scan3A_267 = arith.constant 0 : i32
    %scan3A_268 = arith.constant 8 : i32
    %scan3A_269 = arith.addi %scan3A_267, %scan3A_268 : i32
    %scan3A_270 = arith.constant 1 : i32
    %scan3A_271 = scf.for %scan3A_293 = %scan3A_267 to %scan3A_269 step %scan3A_270 iter_args(%scan3A_294 = %scan3A_266) -> (i32)  : i32 {
      %mul3A_295 = arith.constant 16 : i32
      %mul3A_296 = arith.muli %scan3A_293, %mul3A_295 : i32
      %get3A_297 = arith.constant 0 : i32
      %get3A_298 = arith.index_cast %get3A_297 : i32 to index
      %get3A_299 = arith.index_cast %mul3A_296 : i32 to index
      %get3A_300 = tpu.vector_load %arg19[%get3A_298, %get3A_299] {strides = array<i32>} : memref<16x128xf32, #tpu.memory_space<vmem>>, vector<16xf32>,
      %mul3A_301 = arith.constant 16 : i32
      %mul3A_302 = arith.muli %scan3A_293, %mul3A_301 : i32
      %get3A_303 = arith.constant 1 : i32
      %get3A_304 = arith.index_cast %get3A_303 : i32 to index
      %get3A_305 = arith.index_cast %mul3A_302 : i32 to index
      %get3A_306 = tpu.vector_load %arg19[%get3A_304, %get3A_305] {strides = array<i32>} : memref<16x128xf32, #tpu.memory_space<vmem>>, vector<16xf32>,
      %add3A_307 = arith.addf %get3A_300, %get3A_306 : vector<16xf32>
      %mul3A_308 = arith.constant 16 : i32
      %mul3A_309 = arith.muli %scan3A_293, %mul3A_308 : i32
      %get3A_310 = arith.constant 2 : i32
      %get3A_311 = arith.index_cast %get3A_310 : i32 to index
      %get3A_312 = arith.index_cast %mul3A_309 : i32 to index
      %get3A_313 = tpu.vector_load %arg19[%get3A_311, %get3A_312] {strides = array<i32>} : memref<16x128xf32, #tpu.memory_space<vmem>>, vector<16xf32>,
      %add3A_314 = arith.addf %add3A_307, %get3A_313 : vector<16xf32>
      %mul3A_315 = arith.constant 16 : i32
      %mul3A_316 = arith.muli %scan3A_293, %mul3A_315 : i32
      %get3A_317 = arith.constant 3 : i32
      %get3A_318 = arith.index_cast %get3A_317 : i32 to index
      %get3A_319 = arith.index_cast %mul3A_316 : i32 to index
      %get3A_320 = tpu.vector_load %arg19[%get3A_318, %get3A_319] {strides = array<i32>} : memref<16x128xf32, #tpu.memory_space<vmem>>, vector<16xf32>,
      %add3A_321 = arith.addf %add3A_314, %get3A_320 : vector<16xf32>
      %mul3A_322 = arith.constant 16 : i32
      %mul3A_323 = arith.muli %scan3A_293, %mul3A_322 : i32
      %get3A_324 = arith.constant 4 : i32
      %get3A_325 = arith.index_cast %get3A_324 : i32 to index
      %get3A_326 = arith.index_cast %mul3A_323 : i32 to index
      %get3A_327 = tpu.vector_load %arg19[%get3A_325, %get3A_326] {strides = array<i32>} : memref<16x128xf32, #tpu.memory_space<vmem>>, vector<16xf32>,
      %add3A_328 = arith.addf %add3A_321, %get3A_327 : vector<16xf32>
      %mul3A_329 = arith.constant 16 : i32
      %mul3A_330 = arith.muli %scan3A_293, %mul3A_329 : i32
      %get3A_331 = arith.constant 5 : i32
      %get3A_332 = arith.index_cast %get3A_331 : i32 to index
      %get3A_333 = arith.index_cast %mul3A_330 : i32 to index
      %get3A_334 = tpu.vector_load %arg19[%get3A_332, %get3A_333] {strides = array<i32>} : memref<16x128xf32, #tpu.memory_space<vmem>>, vector<16xf32>,
      %add3A_335 = arith.addf %add3A_328, %get3A_334 : vector<16xf32>
      %mul3A_336 = arith.constant 16 : i32
      %mul3A_337 = arith.muli %scan3A_293, %mul3A_336 : i32
      %get3A_338 = arith.constant 6 : i32
      %get3A_339 = arith.index_cast %get3A_338 : i32 to index
      %get3A_340 = arith.index_cast %mul3A_337 : i32 to index
      %get3A_341 = tpu.vector_load %arg19[%get3A_339, %get3A_340] {strides = array<i32>} : memref<16x128xf32, #tpu.memory_space<vmem>>, vector<16xf32>,
      %add3A_342 = arith.addf %add3A_335, %get3A_341 : vector<16xf32>
      %mul3A_343 = arith.constant 16 : i32
      %mul3A_344 = arith.muli %scan3A_293, %mul3A_343 : i32
      %get3A_345 = arith.constant 7 : i32
      %get3A_346 = arith.index_cast %get3A_345 : i32 to index
      %get3A_347 = arith.index_cast %mul3A_344 : i32 to index
      %get3A_348 = tpu.vector_load %arg19[%get3A_346, %get3A_347] {strides = array<i32>} : memref<16x128xf32, #tpu.memory_space<vmem>>, vector<16xf32>,
      %add3A_349 = arith.addf %add3A_342, %get3A_348 : vector<16xf32>
      %mul3A_350 = arith.constant 16 : i32
      %mul3A_351 = arith.muli %scan3A_293, %mul3A_350 : i32
      %get3A_352 = arith.constant 8 : i32
      %get3A_353 = arith.index_cast %get3A_352 : i32 to index
      %get3A_354 = arith.index_cast %mul3A_351 : i32 to index
      %get3A_355 = tpu.vector_load %arg19[%get3A_353, %get3A_354] {strides = array<i32>} : memref<16x128xf32, #tpu.memory_space<vmem>>, vector<16xf32>,
      %add3A_356 = arith.addf %add3A_349, %get3A_355 : vector<16xf32>
      %mul3A_357 = arith.constant 16 : i32
      %mul3A_358 = arith.muli %scan3A_293, %mul3A_357 : i32
      %get3A_359 = arith.constant 9 : i32
      %get3A_360 = arith.index_cast %get3A_359 : i32 to index
      %get3A_361 = arith.index_cast %mul3A_358 : i32 to index
      %get3A_362 = tpu.vector_load %arg19[%get3A_360, %get3A_361] {strides = array<i32>} : memref<16x128xf32, #tpu.memory_space<vmem>>, vector<16xf32>,
      %add3A_363 = arith.addf %add3A_356, %get3A_362 : vector<16xf32>
      %mul3A_364 = arith.constant 16 : i32
      %mul3A_365 = arith.muli %scan3A_293, %mul3A_364 : i32
      %get3A_366 = arith.constant 10 : i32
      %get3A_367 = arith.index_cast %get3A_366 : i32 to index
      %get3A_368 = arith.index_cast %mul3A_365 : i32 to index
      %get3A_369 = tpu.vector_load %arg19[%get3A_367, %get3A_368] {strides = array<i32>} : memref<16x128xf32, #tpu.memory_space<vmem>>, vector<16xf32>,
      %add3A_370 = arith.addf %add3A_363, %get3A_369 : vector<16xf32>
      %mul3A_371 = arith.constant 16 : i32
      %mul3A_372 = arith.muli %scan3A_293, %mul3A_371 : i32
      %get3A_373 = arith.constant 11 : i32
      %get3A_374 = arith.index_cast %get3A_373 : i32 to index
      %get3A_375 = arith.index_cast %mul3A_372 : i32 to index
      %get3A_376 = tpu.vector_load %arg19[%get3A_374, %get3A_375] {strides = array<i32>} : memref<16x128xf32, #tpu.memory_space<vmem>>, vector<16xf32>,
      %add3A_377 = arith.addf %add3A_370, %get3A_376 : vector<16xf32>
      %mul3A_378 = arith.constant 16 : i32
      %mul3A_379 = arith.muli %scan3A_293, %mul3A_378 : i32
      %get3A_380 = arith.constant 12 : i32
      %get3A_381 = arith.index_cast %get3A_380 : i32 to index
      %get3A_382 = arith.index_cast %mul3A_379 : i32 to index
      %get3A_383 = tpu.vector_load %arg19[%get3A_381, %get3A_382] {strides = array<i32>} : memref<16x128xf32, #tpu.memory_space<vmem>>, vector<16xf32>,
      %add3A_384 = arith.addf %add3A_377, %get3A_383 : vector<16xf32>
      %mul3A_385 = arith.constant 16 : i32
      %mul3A_386 = arith.muli %scan3A_293, %mul3A_385 : i32
      %get3A_387 = arith.constant 13 : i32
      %get3A_388 = arith.index_cast %get3A_387 : i32 to index
      %get3A_389 = arith.index_cast %mul3A_386 : i32 to index
      %get3A_390 = tpu.vector_load %arg19[%get3A_388, %get3A_389] {strides = array<i32>} : memref<16x128xf32, #tpu.memory_space<vmem>>, vector<16xf32>,
      %add3A_391 = arith.addf %add3A_384, %get3A_390 : vector<16xf32>
      %mul3A_392 = arith.constant 16 : i32
      %mul3A_393 = arith.muli %scan3A_293, %mul3A_392 : i32
      %get3A_394 = arith.constant 14 : i32
      %get3A_395 = arith.index_cast %get3A_394 : i32 to index
      %get3A_396 = arith.index_cast %mul3A_393 : i32 to index
      %get3A_397 = tpu.vector_load %arg19[%get3A_395, %get3A_396] {strides = array<i32>} : memref<16x128xf32, #tpu.memory_space<vmem>>, vector<16xf32>,
      %add3A_398 = arith.addf %add3A_391, %get3A_397 : vector<16xf32>
      %mul3A_399 = arith.constant 16 : i32
      %mul3A_400 = arith.muli %scan3A_293, %mul3A_399 : i32
      %get3A_401 = arith.constant 15 : i32
      %get3A_402 = arith.index_cast %get3A_401 : i32 to index
      %get3A_403 = arith.index_cast %mul3A_400 : i32 to index
      %get3A_404 = tpu.vector_load %arg19[%get3A_402, %get3A_403] {strides = array<i32>} : memref<16x128xf32, #tpu.memory_space<vmem>>, vector<16xf32>,
      %add3A_405 = arith.addf %add3A_398, %get3A_404 : vector<16xf32>
      %mul3A_406 = arith.constant 16 : i32
      %mul3A_407 = arith.muli %scan3A_293, %mul3A_406 : i32
      %swap3A = arith.index_cast %mul3A_407 : i32 to index
      %swap3A_408 = tpu.vector_load %arg20[%swap3A] {strides = array<i32>} : memref<128xf32, #tpu.memory_space<vmem>>, vector<16xf32>,
      tpu.vector_store %arg20[%swap3A], %add3A_405 {strides = array<i32>} : memref<128xf32, #tpu.memory_space<vmem>>, vector<16xf32>,
      %scan3A_409 = arith.constant 0 : i32
      scf.yield %scan3A_409 : i32
    }
    %scan3A_272 = arith.constant 8 : i32
    "tpu.region"() ({
      %run_scoped3A = tpu.sem_alloc : memref<!tpu.dma_semaphore, #tpu.memory_space<semaphore_mem>>
      %dma_start3A_293 = tpu.memref_slice %arg5[%arg0, %add3A_265] : memref<2x10240xf32, #tpu.memory_space<hbm>> -> memref<1x128xf32, #tpu.memory_space<hbm>>
      %dma_start3A_294 = tpu.memref_squeeze %dma_start3A_293 : memref<1x128xf32, #tpu.memory_space<hbm>> -> memref<128xf32, #tpu.memory_space<hbm>>
      %dma_start3A_295 = tpu.memref_slice %arg5[%arg0, %add3A_265] : memref<2x10240xf32, #tpu.memory_space<hbm>> -> memref<1x128xf32, #tpu.memory_space<hbm>>
      %dma_start3A_296 = tpu.memref_squeeze %dma_start3A_295 : memref<1x128xf32, #tpu.memory_space<hbm>> -> memref<128xf32, #tpu.memory_space<hbm>>
      tpu.enqueue_dma source(%arg20 : memref<128xf32, #tpu.memory_space<vmem>>) target(%dma_start3A_296 : memref<128xf32, #tpu.memory_space<hbm>>) target_semaphore(%run_scoped3A : memref<!tpu.dma_semaphore, #tpu.memory_space<semaphore_mem>>)
      %dma_wait3A_297 = tpu.memref_slice %arg5[%arg0, %add3A_265] : memref<2x10240xf32, #tpu.memory_space<hbm>> -> memref<1x128xf32, #tpu.memory_space<hbm>>
      %dma_wait3A_298 = tpu.memref_squeeze %dma_wait3A_297 : memref<1x128xf32, #tpu.memory_space<hbm>> -> memref<128xf32, #tpu.memory_space<hbm>>
      %dma_wait3A_299 = tpu.memref_slice %arg5[%arg0, %add3A_265] : memref<2x10240xf32, #tpu.memory_space<hbm>> -> memref<1x128xf32, #tpu.memory_space<hbm>>
      %dma_wait3A_300 = tpu.memref_squeeze %dma_wait3A_299 : memref<1x128xf32, #tpu.memory_space<hbm>> -> memref<128xf32, #tpu.memory_space<hbm>>
      tpu.wait_dma2 semaphore(%run_scoped3A : memref<!tpu.dma_semaphore, #tpu.memory_space<semaphore_mem>>) src(%arg20 : memref<128xf32, #tpu.memory_space<vmem>>) dst(%dma_wait3A_300 : memref<128xf32, #tpu.memory_space<hbm>>)
      tpu.yield
    }) : () -> ()
    %mul3A_273 = arith.constant 640 : i32
    %mul3A_274 = arith.muli %arg1, %mul3A_273 : i32
    %add3A_275 = arith.constant 512 : i32
    %add3A_276 = arith.addi %mul3A_274, %add3A_275 : i32
    "tpu.region"() ({
      %run_scoped3A = tpu.sem_alloc : memref<!tpu.dma_semaphore, #tpu.memory_space<semaphore_mem>>
      %dma_start3A_293 = arith.constant 0 : i32
      %dma_start3A_294 = tpu.memref_slice %arg7[%dma_start3A_293, %add3A_276] : memref<16x10240xf32, #tpu.memory_space<vmem_shared>> -> memref<16x128xf32, #tpu.memory_space<vmem_shared>>
      %dma_start3A_295 = arith.constant 0 : i32
      %dma_start3A_296 = tpu.memref_slice %arg7[%dma_start3A_295, %add3A_276] : memref<16x10240xf32, #tpu.memory_space<vmem_shared>> -> memref<16x128xf32, #tpu.memory_space<vmem_shared>>
      tpu.enqueue_dma source(%dma_start3A_296 : memref<16x128xf32, #tpu.memory_space<vmem_shared>>) target(%arg19 : memref<16x128xf32, #tpu.memory_space<vmem>>) target_semaphore(%run_scoped3A : memref<!tpu.dma_semaphore, #tpu.memory_space<semaphore_mem>>)
      %dma_wait3A_297 = arith.constant 0 : i32
      %dma_wait3A_298 = tpu.memref_slice %arg7[%dma_wait3A_297, %add3A_276] : memref<16x10240xf32, #tpu.memory_space<vmem_shared>> -> memref<16x128xf32, #tpu.memory_space<vmem_shared>>
      %dma_wait3A_299 = arith.constant 0 : i32
      %dma_wait3A_300 = tpu.memref_slice %arg7[%dma_wait3A_299, %add3A_276] : memref<16x10240xf32, #tpu.memory_space<vmem_shared>> -> memref<16x128xf32, #tpu.memory_space<vmem_shared>>
      tpu.wait_dma2 semaphore(%run_scoped3A : memref<!tpu.dma_semaphore, #tpu.memory_space<semaphore_mem>>) src(%dma_wait3A_300 : memref<16x128xf32, #tpu.memory_space<vmem_shared>>) dst(%arg19 : memref<16x128xf32, #tpu.memory_space<vmem>>)
      tpu.yield
    }) : () -> ()
    %scan3A_277 = arith.constant 0 : i32
    %scan3A_278 = arith.constant 0 : i32
    %scan3A_279 = arith.constant 8 : i32
    %scan3A_280 = arith.addi %scan3A_278, %scan3A_279 : i32
    %scan3A_281 = arith.constant 1 : i32
    %scan3A_282 = scf.for %scan3A_293 = %scan3A_278 to %scan3A_280 step %scan3A_281 iter_args(%scan3A_294 = %scan3A_277) -> (i32)  : i32 {
      %mul3A_295 = arith.constant 16 : i32
      %mul3A_296 = arith.muli %scan3A_293, %mul3A_295 : i32
      %get3A_297 = arith.constant 0 : i32
      %get3A_298 = arith.index_cast %get3A_297 : i32 to index
      %get3A_299 = arith.index_cast %mul3A_296 : i32 to index
      %get3A_300 = tpu.vector_load %arg19[%get3A_298, %get3A_299] {strides = array<i32>} : memref<16x128xf32, #tpu.memory_space<vmem>>, vector<16xf32>,
      %mul3A_301 = arith.constant 16 : i32
      %mul3A_302 = arith.muli %scan3A_293, %mul3A_301 : i32
      %get3A_303 = arith.constant 1 : i32
      %get3A_304 = arith.index_cast %get3A_303 : i32 to index
      %get3A_305 = arith.index_cast %mul3A_302 : i32 to index
      %get3A_306 = tpu.vector_load %arg19[%get3A_304, %get3A_305] {strides = array<i32>} : memref<16x128xf32, #tpu.memory_space<vmem>>, vector<16xf32>,
      %add3A_307 = arith.addf %get3A_300, %get3A_306 : vector<16xf32>
      %mul3A_308 = arith.constant 16 : i32
      %mul3A_309 = arith.muli %scan3A_293, %mul3A_308 : i32
      %get3A_310 = arith.constant 2 : i32
      %get3A_311 = arith.index_cast %get3A_310 : i32 to index
      %get3A_312 = arith.index_cast %mul3A_309 : i32 to index
      %get3A_313 = tpu.vector_load %arg19[%get3A_311, %get3A_312] {strides = array<i32>} : memref<16x128xf32, #tpu.memory_space<vmem>>, vector<16xf32>,
      %add3A_314 = arith.addf %add3A_307, %get3A_313 : vector<16xf32>
      %mul3A_315 = arith.constant 16 : i32
      %mul3A_316 = arith.muli %scan3A_293, %mul3A_315 : i32
      %get3A_317 = arith.constant 3 : i32
      %get3A_318 = arith.index_cast %get3A_317 : i32 to index
      %get3A_319 = arith.index_cast %mul3A_316 : i32 to index
      %get3A_320 = tpu.vector_load %arg19[%get3A_318, %get3A_319] {strides = array<i32>} : memref<16x128xf32, #tpu.memory_space<vmem>>, vector<16xf32>,
      %add3A_321 = arith.addf %add3A_314, %get3A_320 : vector<16xf32>
      %mul3A_322 = arith.constant 16 : i32
      %mul3A_323 = arith.muli %scan3A_293, %mul3A_322 : i32
      %get3A_324 = arith.constant 4 : i32
      %get3A_325 = arith.index_cast %get3A_324 : i32 to index
      %get3A_326 = arith.index_cast %mul3A_323 : i32 to index
      %get3A_327 = tpu.vector_load %arg19[%get3A_325, %get3A_326] {strides = array<i32>} : memref<16x128xf32, #tpu.memory_space<vmem>>, vector<16xf32>,
      %add3A_328 = arith.addf %add3A_321, %get3A_327 : vector<16xf32>
      %mul3A_329 = arith.constant 16 : i32
      %mul3A_330 = arith.muli %scan3A_293, %mul3A_329 : i32
      %get3A_331 = arith.constant 5 : i32
      %get3A_332 = arith.index_cast %get3A_331 : i32 to index
      %get3A_333 = arith.index_cast %mul3A_330 : i32 to index
      %get3A_334 = tpu.vector_load %arg19[%get3A_332, %get3A_333] {strides = array<i32>} : memref<16x128xf32, #tpu.memory_space<vmem>>, vector<16xf32>,
      %add3A_335 = arith.addf %add3A_328, %get3A_334 : vector<16xf32>
      %mul3A_336 = arith.constant 16 : i32
      %mul3A_337 = arith.muli %scan3A_293, %mul3A_336 : i32
      %get3A_338 = arith.constant 6 : i32
      %get3A_339 = arith.index_cast %get3A_338 : i32 to index
      %get3A_340 = arith.index_cast %mul3A_337 : i32 to index
      %get3A_341 = tpu.vector_load %arg19[%get3A_339, %get3A_340] {strides = array<i32>} : memref<16x128xf32, #tpu.memory_space<vmem>>, vector<16xf32>,
      %add3A_342 = arith.addf %add3A_335, %get3A_341 : vector<16xf32>
      %mul3A_343 = arith.constant 16 : i32
      %mul3A_344 = arith.muli %scan3A_293, %mul3A_343 : i32
      %get3A_345 = arith.constant 7 : i32
      %get3A_346 = arith.index_cast %get3A_345 : i32 to index
      %get3A_347 = arith.index_cast %mul3A_344 : i32 to index
      %get3A_348 = tpu.vector_load %arg19[%get3A_346, %get3A_347] {strides = array<i32>} : memref<16x128xf32, #tpu.memory_space<vmem>>, vector<16xf32>,
      %add3A_349 = arith.addf %add3A_342, %get3A_348 : vector<16xf32>
      %mul3A_350 = arith.constant 16 : i32
      %mul3A_351 = arith.muli %scan3A_293, %mul3A_350 : i32
      %get3A_352 = arith.constant 8 : i32
      %get3A_353 = arith.index_cast %get3A_352 : i32 to index
      %get3A_354 = arith.index_cast %mul3A_351 : i32 to index
      %get3A_355 = tpu.vector_load %arg19[%get3A_353, %get3A_354] {strides = array<i32>} : memref<16x128xf32, #tpu.memory_space<vmem>>, vector<16xf32>,
      %add3A_356 = arith.addf %add3A_349, %get3A_355 : vector<16xf32>
      %mul3A_357 = arith.constant 16 : i32
      %mul3A_358 = arith.muli %scan3A_293, %mul3A_357 : i32
      %get3A_359 = arith.constant 9 : i32
      %get3A_360 = arith.index_cast %get3A_359 : i32 to index
      %get3A_361 = arith.index_cast %mul3A_358 : i32 to index
      %get3A_362 = tpu.vector_load %arg19[%get3A_360, %get3A_361] {strides = array<i32>} : memref<16x128xf32, #tpu.memory_space<vmem>>, vector<16xf32>,
      %add3A_363 = arith.addf %add3A_356, %get3A_362 : vector<16xf32>
      %mul3A_364 = arith.constant 16 : i32
      %mul3A_365 = arith.muli %scan3A_293, %mul3A_364 : i32
      %get3A_366 = arith.constant 10 : i32
      %get3A_367 = arith.index_cast %get3A_366 : i32 to index
      %get3A_368 = arith.index_cast %mul3A_365 : i32 to index
      %get3A_369 = tpu.vector_load %arg19[%get3A_367, %get3A_368] {strides = array<i32>} : memref<16x128xf32, #tpu.memory_space<vmem>>, vector<16xf32>,
      %add3A_370 = arith.addf %add3A_363, %get3A_369 : vector<16xf32>
      %mul3A_371 = arith.constant 16 : i32
      %mul3A_372 = arith.muli %scan3A_293, %mul3A_371 : i32
      %get3A_373 = arith.constant 11 : i32
      %get3A_374 = arith.index_cast %get3A_373 : i32 to index
      %get3A_375 = arith.index_cast %mul3A_372 : i32 to index
      %get3A_376 = tpu.vector_load %arg19[%get3A_374, %get3A_375] {strides = array<i32>} : memref<16x128xf32, #tpu.memory_space<vmem>>, vector<16xf32>,
      %add3A_377 = arith.addf %add3A_370, %get3A_376 : vector<16xf32>
      %mul3A_378 = arith.constant 16 : i32
      %mul3A_379 = arith.muli %scan3A_293, %mul3A_378 : i32
      %get3A_380 = arith.constant 12 : i32
      %get3A_381 = arith.index_cast %get3A_380 : i32 to index
      %get3A_382 = arith.index_cast %mul3A_379 : i32 to index
      %get3A_383 = tpu.vector_load %arg19[%get3A_381, %get3A_382] {strides = array<i32>} : memref<16x128xf32, #tpu.memory_space<vmem>>, vector<16xf32>,
      %add3A_384 = arith.addf %add3A_377, %get3A_383 : vector<16xf32>
      %mul3A_385 = arith.constant 16 : i32
      %mul3A_386 = arith.muli %scan3A_293, %mul3A_385 : i32
      %get3A_387 = arith.constant 13 : i32
      %get3A_388 = arith.index_cast %get3A_387 : i32 to index
      %get3A_389 = arith.index_cast %mul3A_386 : i32 to index
      %get3A_390 = tpu.vector_load %arg19[%get3A_388, %get3A_389] {strides = array<i32>} : memref<16x128xf32, #tpu.memory_space<vmem>>, vector<16xf32>,
      %add3A_391 = arith.addf %add3A_384, %get3A_390 : vector<16xf32>
      %mul3A_392 = arith.constant 16 : i32
      %mul3A_393 = arith.muli %scan3A_293, %mul3A_392 : i32
      %get3A_394 = arith.constant 14 : i32
      %get3A_395 = arith.index_cast %get3A_394 : i32 to index
      %get3A_396 = arith.index_cast %mul3A_393 : i32 to index
      %get3A_397 = tpu.vector_load %arg19[%get3A_395, %get3A_396] {strides = array<i32>} : memref<16x128xf32, #tpu.memory_space<vmem>>, vector<16xf32>,
      %add3A_398 = arith.addf %add3A_391, %get3A_397 : vector<16xf32>
      %mul3A_399 = arith.constant 16 : i32
      %mul3A_400 = arith.muli %scan3A_293, %mul3A_399 : i32
      %get3A_401 = arith.constant 15 : i32
      %get3A_402 = arith.index_cast %get3A_401 : i32 to index
      %get3A_403 = arith.index_cast %mul3A_400 : i32 to index
      %get3A_404 = tpu.vector_load %arg19[%get3A_402, %get3A_403] {strides = array<i32>} : memref<16x128xf32, #tpu.memory_space<vmem>>, vector<16xf32>,
      %add3A_405 = arith.addf %add3A_398, %get3A_404 : vector<16xf32>
      %mul3A_406 = arith.constant 16 : i32
      %mul3A_407 = arith.muli %scan3A_293, %mul3A_406 : i32
      %swap3A = arith.index_cast %mul3A_407 : i32 to index
      %swap3A_408 = tpu.vector_load %arg20[%swap3A] {strides = array<i32>} : memref<128xf32, #tpu.memory_space<vmem>>, vector<16xf32>,
      tpu.vector_store %arg20[%swap3A], %add3A_405 {strides = array<i32>} : memref<128xf32, #tpu.memory_space<vmem>>, vector<16xf32>,
      %scan3A_409 = arith.constant 0 : i32
      scf.yield %scan3A_409 : i32
    }
    %scan3A_283 = arith.constant 8 : i32
    "tpu.region"() ({
      %run_scoped3A = tpu.sem_alloc : memref<!tpu.dma_semaphore, #tpu.memory_space<semaphore_mem>>
      %dma_start3A_293 = tpu.memref_slice %arg5[%arg0, %add3A_276] : memref<2x10240xf32, #tpu.memory_space<hbm>> -> memref<1x128xf32, #tpu.memory_space<hbm>>
      %dma_start3A_294 = tpu.memref_squeeze %dma_start3A_293 : memref<1x128xf32, #tpu.memory_space<hbm>> -> memref<128xf32, #tpu.memory_space<hbm>>
      %dma_start3A_295 = tpu.memref_slice %arg5[%arg0, %add3A_276] : memref<2x10240xf32, #tpu.memory_space<hbm>> -> memref<1x128xf32, #tpu.memory_space<hbm>>
      %dma_start3A_296 = tpu.memref_squeeze %dma_start3A_295 : memref<1x128xf32, #tpu.memory_space<hbm>> -> memref<128xf32, #tpu.memory_space<hbm>>
      tpu.enqueue_dma source(%arg20 : memref<128xf32, #tpu.memory_space<vmem>>) target(%dma_start3A_296 : memref<128xf32, #tpu.memory_space<hbm>>) target_semaphore(%run_scoped3A : memref<!tpu.dma_semaphore, #tpu.memory_space<semaphore_mem>>)
      %dma_wait3A_297 = tpu.memref_slice %arg5[%arg0, %add3A_276] : memref<2x10240xf32, #tpu.memory_space<hbm>> -> memref<1x128xf32, #tpu.memory_space<hbm>>
      %dma_wait3A_298 = tpu.memref_squeeze %dma_wait3A_297 : memref<1x128xf32, #tpu.memory_space<hbm>> -> memref<128xf32, #tpu.memory_space<hbm>>
      %dma_wait3A_299 = tpu.memref_slice %arg5[%arg0, %add3A_276] : memref<2x10240xf32, #tpu.memory_space<hbm>> -> memref<1x128xf32, #tpu.memory_space<hbm>>
      %dma_wait3A_300 = tpu.memref_squeeze %dma_wait3A_299 : memref<1x128xf32, #tpu.memory_space<hbm>> -> memref<128xf32, #tpu.memory_space<hbm>>
      tpu.wait_dma2 semaphore(%run_scoped3A : memref<!tpu.dma_semaphore, #tpu.memory_space<semaphore_mem>>) src(%arg20 : memref<128xf32, #tpu.memory_space<vmem>>) dst(%dma_wait3A_300 : memref<128xf32, #tpu.memory_space<hbm>>)
      tpu.yield
    }) : () -> ()
    %mul3A_284 = arith.constant 624 : i32
    %mul3A_285 = arith.muli %arg1, %mul3A_284 : i32
    %mul3A_286 = arith.constant 624 : i32
    %mul3A_287 = arith.muli %arg1, %mul3A_286 : i32
    "tpu.region"() ({
      %run_scoped3A = tpu.sem_alloc : memref<!tpu.dma_semaphore, #tpu.memory_space<semaphore_mem>>
      %dma_start3A_293 = arith.constant 0 : i32
      %dma_start3A_294 = tpu.memref_slice %arg4[%arg0, %mul3A_287, %dma_start3A_293] : memref<2x10000x128xf32, #tpu.memory_space<hbm>> -> memref<1x624x128xf32, #tpu.memory_space<hbm>>
      %dma_start3A_295 = tpu.memref_squeeze %dma_start3A_294 : memref<1x624x128xf32, #tpu.memory_space<hbm>> -> memref<624x128xf32, #tpu.memory_space<hbm>>
      %dma_start3A_296 = arith.constant 0 : i32
      %dma_start3A_297 = tpu.memref_slice %arg6[%mul3A_285, %dma_start3A_296] : memref<10000x128xf32, #tpu.memory_space<vmem_shared>> -> memref<624x128xf32, #tpu.memory_space<vmem_shared>>
      tpu.enqueue_dma source(%dma_start3A_297 : memref<624x128xf32, #tpu.memory_space<vmem_shared>>) target(%dma_start3A_295 : memref<624x128xf32, #tpu.memory_space<hbm>>) target_semaphore(%run_scoped3A : memref<!tpu.dma_semaphore, #tpu.memory_space<semaphore_mem>>)
      %dma_wait3A_298 = arith.constant 0 : i32
      %dma_wait3A_299 = tpu.memref_slice %arg4[%arg0, %mul3A_287, %dma_wait3A_298] : memref<2x10000x128xf32, #tpu.memory_space<hbm>> -> memref<1x624x128xf32, #tpu.memory_space<hbm>>
      %dma_wait3A_300 = tpu.memref_squeeze %dma_wait3A_299 : memref<1x624x128xf32, #tpu.memory_space<hbm>> -> memref<624x128xf32, #tpu.memory_space<hbm>>
      %dma_wait3A_301 = arith.constant 0 : i32
      %dma_wait3A_302 = tpu.memref_slice %arg6[%mul3A_285, %dma_wait3A_301] : memref<10000x128xf32, #tpu.memory_space<vmem_shared>> -> memref<624x128xf32, #tpu.memory_space<vmem_shared>>
      tpu.wait_dma2 semaphore(%run_scoped3A : memref<!tpu.dma_semaphore, #tpu.memory_space<semaphore_mem>>) src(%dma_wait3A_302 : memref<624x128xf32, #tpu.memory_space<vmem_shared>>) dst(%dma_wait3A_300 : memref<624x128xf32, #tpu.memory_space<hbm>>)
      tpu.yield
    }) : () -> ()
    %eq3A_288 = arith.constant 0 : i32
    %eq3A_289 = arith.cmpi eq, %arg1, %eq3A_288 : i32
    %convert_element_type3A_290 = arith.extui %eq3A_289 : i1 to i32
    %cond3A_291 = arith.constant 0 : i32
    %cond3A_292 = arith.cmpi ne, %convert_element_type3A_290, %cond3A_291 : i32
    scf.if %cond3A_292 {
      "tpu.region"() ({
        %run_scoped3A = tpu.sem_alloc : memref<!tpu.dma_semaphore, #tpu.memory_space<semaphore_mem>>
        %dma_start3A_293 = arith.constant 9984 : i32
        %dma_start3A_294 = arith.constant 0 : i32
        %dma_start3A_295 = tpu.memref_slice %arg4[%arg0, %dma_start3A_293, %dma_start3A_294] : memref<2x10000x128xf32, #tpu.memory_space<hbm>> -> memref<1x16x128xf32, #tpu.memory_space<hbm>>
        %dma_start3A_296 = tpu.memref_squeeze %dma_start3A_295 : memref<1x16x128xf32, #tpu.memory_space<hbm>> -> memref<16x128xf32, #tpu.memory_space<hbm>>
        %dma_start3A_297 = arith.constant 9984 : i32
        %dma_start3A_298 = arith.constant 0 : i32
        %dma_start3A_299 = tpu.memref_slice %arg6[%dma_start3A_297, %dma_start3A_298] : memref<10000x128xf32, #tpu.memory_space<vmem_shared>> -> memref<16x128xf32, #tpu.memory_space<vmem_shared>>
        tpu.enqueue_dma source(%dma_start3A_299 : memref<16x128xf32, #tpu.memory_space<vmem_shared>>) target(%dma_start3A_296 : memref<16x128xf32, #tpu.memory_space<hbm>>) target_semaphore(%run_scoped3A : memref<!tpu.dma_semaphore, #tpu.memory_space<semaphore_mem>>)
        %dma_wait3A_300 = arith.constant 9984 : i32
        %dma_wait3A_301 = arith.constant 0 : i32
        %dma_wait3A_302 = tpu.memref_slice %arg4[%arg0, %dma_wait3A_300, %dma_wait3A_301] : memref<2x10000x128xf32, #tpu.memory_space<hbm>> -> memref<1x16x128xf32, #tpu.memory_space<hbm>>
        %dma_wait3A_303 = tpu.memref_squeeze %dma_wait3A_302 : memref<1x16x128xf32, #tpu.memory_space<hbm>> -> memref<16x128xf32, #tpu.memory_space<hbm>>
        %dma_wait3A_304 = arith.constant 9984 : i32
        %dma_wait3A_305 = arith.constant 0 : i32
        %dma_wait3A_306 = tpu.memref_slice %arg6[%dma_wait3A_304, %dma_wait3A_305] : memref<10000x128xf32, #tpu.memory_space<vmem_shared>> -> memref<16x128xf32, #tpu.memory_space<vmem_shared>>
        tpu.wait_dma2 semaphore(%run_scoped3A : memref<!tpu.dma_semaphore, #tpu.memory_space<semaphore_mem>>) src(%dma_wait3A_306 : memref<16x128xf32, #tpu.memory_space<vmem_shared>>) dst(%dma_wait3A_303 : memref<16x128xf32, #tpu.memory_space<hbm>>)
        tpu.yield
      }) : () -> ()
    } else {
    }
    return
  }
}

#map = affine_map<(d0, d1) -> (0, 0)>
#map1 = affine_map<(d0, d1) -> (0)>
module attributes {stable_mosaic.version = 14 : i64} {
  func.func @k(%arg0: i32, %arg1: i32, %arg2: memref<2x10240xf32, #tpu.memory_space<hbm>>, %arg3: memref<640000xi32, #tpu.memory_space<hbm>>, %arg4: memref<2x10240xf32, #tpu.memory_space<hbm>>, %arg5: memref<10240xf32, #tpu.memory_space<hbm>>, %arg6: memref<16x10240xf32, #tpu.memory_space<vmem_shared>>, %arg7: memref<2x10240xf32, #tpu.memory_space<vmem>>, %arg8: memref<10240xf32, #tpu.memory_space<vmem>>, %arg9: memref<10240xf32, #tpu.memory_space<vmem>>, %arg10: memref<10000xi32, #tpu.memory_space<vmem>>, %arg11: memref<10000xi32, #tpu.memory_space<vmem>>, %arg12: memref<16x640xf32, #tpu.memory_space<vmem>>, %arg13: memref<640xf32, #tpu.memory_space<vmem>>, %arg14: memref<!tpu.dma_semaphore, #tpu.memory_space<semaphore_mem>>, %arg15: memref<!tpu.dma_semaphore, #tpu.memory_space<semaphore_mem>>) attributes {dimension_semantics = [#tpu.dimension_semantics<core_parallel>, #tpu.dimension_semantics<subcore_parallel>], iteration_bounds = array<i64: 2, 16>, scalar_prefetch = 0 : i64, scratch_operands = 10 : i64, tpu.core_type = #tpu.core_type<sc_vector_subcore>, window_params = [{transform_indices = #map}, {transform_indices = #map1}, {transform_indices = #map}, {transform_indices = #map1}]} {
    %mul3A = arith.constant 16 : i32
    %mul3A_0 = arith.muli %arg0, %mul3A : i32
    %add3A = arith.addi %mul3A_0, %arg1 : i32
    tpu.enqueue_dma source(%arg2 : memref<2x10240xf32, #tpu.memory_space<hbm>>) target(%arg7 : memref<2x10240xf32, #tpu.memory_space<vmem>>) target_semaphore(%arg14 : memref<!tpu.dma_semaphore, #tpu.memory_space<semaphore_mem>>)
    %mul3A_1 = arith.constant 10000 : i32
    %mul3A_2 = arith.muli %add3A, %mul3A_1 : i32
    %dma_start3A = tpu.memref_slice %arg3[%mul3A_2] : memref<640000xi32, #tpu.memory_space<hbm>> -> memref<10000xi32, #tpu.memory_space<hbm>>
    %dma_start3A_3 = tpu.memref_slice %arg3[%mul3A_2] : memref<640000xi32, #tpu.memory_space<hbm>> -> memref<10000xi32, #tpu.memory_space<hbm>>
    tpu.enqueue_dma source(%dma_start3A_3 : memref<10000xi32, #tpu.memory_space<hbm>>) target(%arg10 : memref<10000xi32, #tpu.memory_space<vmem>>) target_semaphore(%arg15 : memref<!tpu.dma_semaphore, #tpu.memory_space<semaphore_mem>>)
    %mul3A_4 = arith.constant 10000 : i32
    %mul3A_5 = arith.muli %add3A, %mul3A_4 : i32
    %add3A_6 = arith.constant 320000 : i32
    %add3A_7 = arith.addi %add3A_6, %mul3A_5 : i32
    %dma_start3A_8 = tpu.memref_slice %arg3[%add3A_7] : memref<640000xi32, #tpu.memory_space<hbm>> -> memref<10000xi32, #tpu.memory_space<hbm>>
    %dma_start3A_9 = tpu.memref_slice %arg3[%add3A_7] : memref<640000xi32, #tpu.memory_space<hbm>> -> memref<10000xi32, #tpu.memory_space<hbm>>
    tpu.enqueue_dma source(%dma_start3A_9 : memref<10000xi32, #tpu.memory_space<hbm>>) target(%arg11 : memref<10000xi32, #tpu.memory_space<vmem>>) target_semaphore(%arg15 : memref<!tpu.dma_semaphore, #tpu.memory_space<semaphore_mem>>)
    %broadcast_in_dim3A = arith.constant 0.000000e+00 : f32
    %broadcast_in_dim3A_10 = vector.broadcast %broadcast_in_dim3A : f32 to vector<16xf32>
    %scan3A = arith.constant 0 : i32
    %scan3A_11 = arith.constant 0 : i32
    %scan3A_12 = arith.constant 128 : i32
    %scan3A_13 = arith.addi %scan3A_11, %scan3A_12 : i32
    %scan3A_14 = arith.constant 1 : i32
    %scan3A_15 = scf.for %scan3A_51 = %scan3A_11 to %scan3A_13 step %scan3A_14 iter_args(%scan3A_52 = %scan3A) -> (i32)  : i32 {
      %mul3A_53 = arith.constant 5 : i32
      %mul3A_54 = arith.muli %scan3A_51, %mul3A_53 : i32
      %add3A_55 = arith.constant 0 : i32
      %add3A_56 = arith.addi %mul3A_54, %add3A_55 : i32
      %mul3A_57 = arith.constant 16 : i32
      %mul3A_58 = arith.muli %add3A_56, %mul3A_57 : i32
      %swap3A = arith.index_cast %mul3A_58 : i32 to index
      %swap3A_59 = tpu.vector_load %arg9[%swap3A] {strides = array<i32>} : memref<10240xf32, #tpu.memory_space<vmem>>, vector<16xf32>,
      tpu.vector_store %arg9[%swap3A], %broadcast_in_dim3A_10 {strides = array<i32>} : memref<10240xf32, #tpu.memory_space<vmem>>, vector<16xf32>,
      %mul3A_60 = arith.constant 5 : i32
      %mul3A_61 = arith.muli %scan3A_51, %mul3A_60 : i32
      %add3A_62 = arith.constant 1 : i32
      %add3A_63 = arith.addi %mul3A_61, %add3A_62 : i32
      %mul3A_64 = arith.constant 16 : i32
      %mul3A_65 = arith.muli %add3A_63, %mul3A_64 : i32
      %swap3A_66 = arith.index_cast %mul3A_65 : i32 to index
      %swap3A_67 = tpu.vector_load %arg9[%swap3A_66] {strides = array<i32>} : memref<10240xf32, #tpu.memory_space<vmem>>, vector<16xf32>,
      tpu.vector_store %arg9[%swap3A_66], %broadcast_in_dim3A_10 {strides = array<i32>} : memref<10240xf32, #tpu.memory_space<vmem>>, vector<16xf32>,
      %mul3A_68 = arith.constant 5 : i32
      %mul3A_69 = arith.muli %scan3A_51, %mul3A_68 : i32
      %add3A_70 = arith.constant 2 : i32
      %add3A_71 = arith.addi %mul3A_69, %add3A_70 : i32
      %mul3A_72 = arith.constant 16 : i32
      %mul3A_73 = arith.muli %add3A_71, %mul3A_72 : i32
      %swap3A_74 = arith.index_cast %mul3A_73 : i32 to index
      %swap3A_75 = tpu.vector_load %arg9[%swap3A_74] {strides = array<i32>} : memref<10240xf32, #tpu.memory_space<vmem>>, vector<16xf32>,
      tpu.vector_store %arg9[%swap3A_74], %broadcast_in_dim3A_10 {strides = array<i32>} : memref<10240xf32, #tpu.memory_space<vmem>>, vector<16xf32>,
      %mul3A_76 = arith.constant 5 : i32
      %mul3A_77 = arith.muli %scan3A_51, %mul3A_76 : i32
      %add3A_78 = arith.constant 3 : i32
      %add3A_79 = arith.addi %mul3A_77, %add3A_78 : i32
      %mul3A_80 = arith.constant 16 : i32
      %mul3A_81 = arith.muli %add3A_79, %mul3A_80 : i32
      %swap3A_82 = arith.index_cast %mul3A_81 : i32 to index
      %swap3A_83 = tpu.vector_load %arg9[%swap3A_82] {strides = array<i32>} : memref<10240xf32, #tpu.memory_space<vmem>>, vector<16xf32>,
      tpu.vector_store %arg9[%swap3A_82], %broadcast_in_dim3A_10 {strides = array<i32>} : memref<10240xf32, #tpu.memory_space<vmem>>, vector<16xf32>,
      %mul3A_84 = arith.constant 5 : i32
      %mul3A_85 = arith.muli %scan3A_51, %mul3A_84 : i32
      %add3A_86 = arith.constant 4 : i32
      %add3A_87 = arith.addi %mul3A_85, %add3A_86 : i32
      %mul3A_88 = arith.constant 16 : i32
      %mul3A_89 = arith.muli %add3A_87, %mul3A_88 : i32
      %swap3A_90 = arith.index_cast %mul3A_89 : i32 to index
      %swap3A_91 = tpu.vector_load %arg9[%swap3A_90] {strides = array<i32>} : memref<10240xf32, #tpu.memory_space<vmem>>, vector<16xf32>,
      tpu.vector_store %arg9[%swap3A_90], %broadcast_in_dim3A_10 {strides = array<i32>} : memref<10240xf32, #tpu.memory_space<vmem>>, vector<16xf32>,
      %scan3A_92 = arith.constant 0 : i32
      scf.yield %scan3A_92 : i32
    }
    %scan3A_16 = arith.constant 128 : i32
    tpu.wait_dma2 semaphore(%arg14 : memref<!tpu.dma_semaphore, #tpu.memory_space<semaphore_mem>>) src(%arg2 : memref<2x10240xf32, #tpu.memory_space<hbm>>) dst(%arg7 : memref<2x10240xf32, #tpu.memory_space<vmem>>)
    %scan3A_17 = arith.constant 0 : i32
    %scan3A_18 = arith.constant 0 : i32
    %scan3A_19 = arith.constant 128 : i32
    %scan3A_20 = arith.addi %scan3A_18, %scan3A_19 : i32
    %scan3A_21 = arith.constant 1 : i32
    %scan3A_22 = scf.for %scan3A_51 = %scan3A_18 to %scan3A_20 step %scan3A_21 iter_args(%scan3A_52 = %scan3A_17) -> (i32)  : i32 {
      %mul3A_53 = arith.constant 5 : i32
      %mul3A_54 = arith.muli %scan3A_51, %mul3A_53 : i32
      %add3A_55 = arith.constant 0 : i32
      %add3A_56 = arith.addi %mul3A_54, %add3A_55 : i32
      %mul3A_57 = arith.constant 16 : i32
      %mul3A_58 = arith.muli %add3A_56, %mul3A_57 : i32
      %get3A = arith.constant 0 : i32
      %get3A_59 = arith.index_cast %get3A : i32 to index
      %get3A_60 = arith.index_cast %mul3A_58 : i32 to index
      %get3A_61 = tpu.vector_load %arg7[%get3A_59, %get3A_60] {strides = array<i32>} : memref<2x10240xf32, #tpu.memory_space<vmem>>, vector<16xf32>,
      %get3A_62 = arith.constant 1 : i32
      %get3A_63 = arith.index_cast %get3A_62 : i32 to index
      %get3A_64 = arith.index_cast %mul3A_58 : i32 to index
      %get3A_65 = tpu.vector_load %arg7[%get3A_63, %get3A_64] {strides = array<i32>} : memref<2x10240xf32, #tpu.memory_space<vmem>>, vector<16xf32>,
      %add3A_66 = arith.addf %get3A_61, %get3A_65 : vector<16xf32>
      %max3A = arith.constant 1.000000e+00 : f32
      %max3A_67 = vector.broadcast %max3A : f32 to vector<16xf32>
      %max3A_68 = arith.maximumf %add3A_66, %max3A_67 : vector<16xf32>
      %div3A = arith.constant 1.000000e+00 : f32
      %div3A_69 = vector.broadcast %div3A : f32 to vector<16xf32>
      %div3A_70 = arith.divf %div3A_69, %max3A_68 : vector<16xf32>
      %swap3A = arith.index_cast %mul3A_58 : i32 to index
      %swap3A_71 = tpu.vector_load %arg8[%swap3A] {strides = array<i32>} : memref<10240xf32, #tpu.memory_space<vmem>>, vector<16xf32>,
      tpu.vector_store %arg8[%swap3A], %div3A_70 {strides = array<i32>} : memref<10240xf32, #tpu.memory_space<vmem>>, vector<16xf32>,
      %mul3A_72 = arith.constant 5 : i32
      %mul3A_73 = arith.muli %scan3A_51, %mul3A_72 : i32
      %add3A_74 = arith.constant 1 : i32
      %add3A_75 = arith.addi %mul3A_73, %add3A_74 : i32
      %mul3A_76 = arith.constant 16 : i32
      %mul3A_77 = arith.muli %add3A_75, %mul3A_76 : i32
      %get3A_78 = arith.constant 0 : i32
      %get3A_79 = arith.index_cast %get3A_78 : i32 to index
      %get3A_80 = arith.index_cast %mul3A_77 : i32 to index
      %get3A_81 = tpu.vector_load %arg7[%get3A_79, %get3A_80] {strides = array<i32>} : memref<2x10240xf32, #tpu.memory_space<vmem>>, vector<16xf32>,
      %get3A_82 = arith.constant 1 : i32
      %get3A_83 = arith.index_cast %get3A_82 : i32 to index
      %get3A_84 = arith.index_cast %mul3A_77 : i32 to index
      %get3A_85 = tpu.vector_load %arg7[%get3A_83, %get3A_84] {strides = array<i32>} : memref<2x10240xf32, #tpu.memory_space<vmem>>, vector<16xf32>,
      %add3A_86 = arith.addf %get3A_81, %get3A_85 : vector<16xf32>
      %max3A_87 = arith.constant 1.000000e+00 : f32
      %max3A_88 = vector.broadcast %max3A_87 : f32 to vector<16xf32>
      %max3A_89 = arith.maximumf %add3A_86, %max3A_88 : vector<16xf32>
      %div3A_90 = arith.constant 1.000000e+00 : f32
      %div3A_91 = vector.broadcast %div3A_90 : f32 to vector<16xf32>
      %div3A_92 = arith.divf %div3A_91, %max3A_89 : vector<16xf32>
      %swap3A_93 = arith.index_cast %mul3A_77 : i32 to index
      %swap3A_94 = tpu.vector_load %arg8[%swap3A_93] {strides = array<i32>} : memref<10240xf32, #tpu.memory_space<vmem>>, vector<16xf32>,
      tpu.vector_store %arg8[%swap3A_93], %div3A_92 {strides = array<i32>} : memref<10240xf32, #tpu.memory_space<vmem>>, vector<16xf32>,
      %mul3A_95 = arith.constant 5 : i32
      %mul3A_96 = arith.muli %scan3A_51, %mul3A_95 : i32
      %add3A_97 = arith.constant 2 : i32
      %add3A_98 = arith.addi %mul3A_96, %add3A_97 : i32
      %mul3A_99 = arith.constant 16 : i32
      %mul3A_100 = arith.muli %add3A_98, %mul3A_99 : i32
      %get3A_101 = arith.constant 0 : i32
      %get3A_102 = arith.index_cast %get3A_101 : i32 to index
      %get3A_103 = arith.index_cast %mul3A_100 : i32 to index
      %get3A_104 = tpu.vector_load %arg7[%get3A_102, %get3A_103] {strides = array<i32>} : memref<2x10240xf32, #tpu.memory_space<vmem>>, vector<16xf32>,
      %get3A_105 = arith.constant 1 : i32
      %get3A_106 = arith.index_cast %get3A_105 : i32 to index
      %get3A_107 = arith.index_cast %mul3A_100 : i32 to index
      %get3A_108 = tpu.vector_load %arg7[%get3A_106, %get3A_107] {strides = array<i32>} : memref<2x10240xf32, #tpu.memory_space<vmem>>, vector<16xf32>,
      %add3A_109 = arith.addf %get3A_104, %get3A_108 : vector<16xf32>
      %max3A_110 = arith.constant 1.000000e+00 : f32
      %max3A_111 = vector.broadcast %max3A_110 : f32 to vector<16xf32>
      %max3A_112 = arith.maximumf %add3A_109, %max3A_111 : vector<16xf32>
      %div3A_113 = arith.constant 1.000000e+00 : f32
      %div3A_114 = vector.broadcast %div3A_113 : f32 to vector<16xf32>
      %div3A_115 = arith.divf %div3A_114, %max3A_112 : vector<16xf32>
      %swap3A_116 = arith.index_cast %mul3A_100 : i32 to index
      %swap3A_117 = tpu.vector_load %arg8[%swap3A_116] {strides = array<i32>} : memref<10240xf32, #tpu.memory_space<vmem>>, vector<16xf32>,
      tpu.vector_store %arg8[%swap3A_116], %div3A_115 {strides = array<i32>} : memref<10240xf32, #tpu.memory_space<vmem>>, vector<16xf32>,
      %mul3A_118 = arith.constant 5 : i32
      %mul3A_119 = arith.muli %scan3A_51, %mul3A_118 : i32
      %add3A_120 = arith.constant 3 : i32
      %add3A_121 = arith.addi %mul3A_119, %add3A_120 : i32
      %mul3A_122 = arith.constant 16 : i32
      %mul3A_123 = arith.muli %add3A_121, %mul3A_122 : i32
      %get3A_124 = arith.constant 0 : i32
      %get3A_125 = arith.index_cast %get3A_124 : i32 to index
      %get3A_126 = arith.index_cast %mul3A_123 : i32 to index
      %get3A_127 = tpu.vector_load %arg7[%get3A_125, %get3A_126] {strides = array<i32>} : memref<2x10240xf32, #tpu.memory_space<vmem>>, vector<16xf32>,
      %get3A_128 = arith.constant 1 : i32
      %get3A_129 = arith.index_cast %get3A_128 : i32 to index
      %get3A_130 = arith.index_cast %mul3A_123 : i32 to index
      %get3A_131 = tpu.vector_load %arg7[%get3A_129, %get3A_130] {strides = array<i32>} : memref<2x10240xf32, #tpu.memory_space<vmem>>, vector<16xf32>,
      %add3A_132 = arith.addf %get3A_127, %get3A_131 : vector<16xf32>
      %max3A_133 = arith.constant 1.000000e+00 : f32
      %max3A_134 = vector.broadcast %max3A_133 : f32 to vector<16xf32>
      %max3A_135 = arith.maximumf %add3A_132, %max3A_134 : vector<16xf32>
      %div3A_136 = arith.constant 1.000000e+00 : f32
      %div3A_137 = vector.broadcast %div3A_136 : f32 to vector<16xf32>
      %div3A_138 = arith.divf %div3A_137, %max3A_135 : vector<16xf32>
      %swap3A_139 = arith.index_cast %mul3A_123 : i32 to index
      %swap3A_140 = tpu.vector_load %arg8[%swap3A_139] {strides = array<i32>} : memref<10240xf32, #tpu.memory_space<vmem>>, vector<16xf32>,
      tpu.vector_store %arg8[%swap3A_139], %div3A_138 {strides = array<i32>} : memref<10240xf32, #tpu.memory_space<vmem>>, vector<16xf32>,
      %mul3A_141 = arith.constant 5 : i32
      %mul3A_142 = arith.muli %scan3A_51, %mul3A_141 : i32
      %add3A_143 = arith.constant 4 : i32
      %add3A_144 = arith.addi %mul3A_142, %add3A_143 : i32
      %mul3A_145 = arith.constant 16 : i32
      %mul3A_146 = arith.muli %add3A_144, %mul3A_145 : i32
      %get3A_147 = arith.constant 0 : i32
      %get3A_148 = arith.index_cast %get3A_147 : i32 to index
      %get3A_149 = arith.index_cast %mul3A_146 : i32 to index
      %get3A_150 = tpu.vector_load %arg7[%get3A_148, %get3A_149] {strides = array<i32>} : memref<2x10240xf32, #tpu.memory_space<vmem>>, vector<16xf32>,
      %get3A_151 = arith.constant 1 : i32
      %get3A_152 = arith.index_cast %get3A_151 : i32 to index
      %get3A_153 = arith.index_cast %mul3A_146 : i32 to index
      %get3A_154 = tpu.vector_load %arg7[%get3A_152, %get3A_153] {strides = array<i32>} : memref<2x10240xf32, #tpu.memory_space<vmem>>, vector<16xf32>,
      %add3A_155 = arith.addf %get3A_150, %get3A_154 : vector<16xf32>
      %max3A_156 = arith.constant 1.000000e+00 : f32
      %max3A_157 = vector.broadcast %max3A_156 : f32 to vector<16xf32>
      %max3A_158 = arith.maximumf %add3A_155, %max3A_157 : vector<16xf32>
      %div3A_159 = arith.constant 1.000000e+00 : f32
      %div3A_160 = vector.broadcast %div3A_159 : f32 to vector<16xf32>
      %div3A_161 = arith.divf %div3A_160, %max3A_158 : vector<16xf32>
      %swap3A_162 = arith.index_cast %mul3A_146 : i32 to index
      %swap3A_163 = tpu.vector_load %arg8[%swap3A_162] {strides = array<i32>} : memref<10240xf32, #tpu.memory_space<vmem>>, vector<16xf32>,
      tpu.vector_store %arg8[%swap3A_162], %div3A_161 {strides = array<i32>} : memref<10240xf32, #tpu.memory_space<vmem>>, vector<16xf32>,
      %scan3A_164 = arith.constant 0 : i32
      scf.yield %scan3A_164 : i32
    }
    %scan3A_23 = arith.constant 128 : i32
    %dma_wait3A = arith.constant 0 : i32
    %dma_wait3A_24 = tpu.memref_slice %arg3[%dma_wait3A] : memref<640000xi32, #tpu.memory_space<hbm>> -> memref<10000xi32, #tpu.memory_space<hbm>>
    %dma_wait3A_25 = arith.constant 0 : i32
    %dma_wait3A_26 = tpu.memref_slice %arg3[%dma_wait3A_25] : memref<640000xi32, #tpu.memory_space<hbm>> -> memref<10000xi32, #tpu.memory_space<hbm>>
    tpu.wait_dma2 semaphore(%arg15 : memref<!tpu.dma_semaphore, #tpu.memory_space<semaphore_mem>>) src(%dma_wait3A_26 : memref<10000xi32, #tpu.memory_space<hbm>>) dst(%arg10 : memref<10000xi32, #tpu.memory_space<vmem>>)
    %dma_wait3A_27 = arith.constant 0 : i32
    %dma_wait3A_28 = tpu.memref_slice %arg3[%dma_wait3A_27] : memref<640000xi32, #tpu.memory_space<hbm>> -> memref<10000xi32, #tpu.memory_space<hbm>>
    %dma_wait3A_29 = arith.constant 0 : i32
    %dma_wait3A_30 = tpu.memref_slice %arg3[%dma_wait3A_29] : memref<640000xi32, #tpu.memory_space<hbm>> -> memref<10000xi32, #tpu.memory_space<hbm>>
    tpu.wait_dma2 semaphore(%arg15 : memref<!tpu.dma_semaphore, #tpu.memory_space<semaphore_mem>>) src(%dma_wait3A_30 : memref<10000xi32, #tpu.memory_space<hbm>>) dst(%arg11 : memref<10000xi32, #tpu.memory_space<vmem>>)
    %scan3A_31 = arith.constant 0 : i32
    %scan3A_32 = arith.constant 0 : i32
    %scan3A_33 = arith.constant 125 : i32
    %scan3A_34 = arith.addi %scan3A_32, %scan3A_33 : i32
    %scan3A_35 = arith.constant 1 : i32
    %scan3A_36 = scf.for %scan3A_51 = %scan3A_32 to %scan3A_34 step %scan3A_35 iter_args(%scan3A_52 = %scan3A_31) -> (i32)  : i32 {
      %mul3A_53 = arith.constant 5 : i32
      %mul3A_54 = arith.muli %scan3A_51, %mul3A_53 : i32
      %add3A_55 = arith.constant 0 : i32
      %add3A_56 = arith.addi %mul3A_54, %add3A_55 : i32
      %mul3A_57 = arith.constant 16 : i32
      %mul3A_58 = arith.muli %add3A_56, %mul3A_57 : i32
      %get3A = arith.index_cast %mul3A_58 : i32 to index
      %get3A_59 = tpu.vector_load %arg11[%get3A] {strides = array<i32>} : memref<10000xi32, #tpu.memory_space<vmem>>, vector<16xi32>,
      %gather3A = tpu.vector_load_idx %arg8[%get3A_59] : memref<10240xf32, #tpu.memory_space<vmem>>[vector<16xi32>], vector<16xf32>,
      %get3A_60 = arith.index_cast %mul3A_58 : i32 to index
      %get3A_61 = tpu.vector_load %arg10[%get3A_60] {strides = array<i32>} : memref<10000xi32, #tpu.memory_space<vmem>>, vector<16xi32>,
      tpu.vector_store_idx %arg9[%get3A_61], %gather3A {add = true} : memref<10240xf32, #tpu.memory_space<vmem>>[vector<16xi32>], vector<16xf32>,
      %mul3A_62 = arith.constant 5 : i32
      %mul3A_63 = arith.muli %scan3A_51, %mul3A_62 : i32
      %add3A_64 = arith.constant 1 : i32
      %add3A_65 = arith.addi %mul3A_63, %add3A_64 : i32
      %mul3A_66 = arith.constant 16 : i32
      %mul3A_67 = arith.muli %add3A_65, %mul3A_66 : i32
      %get3A_68 = arith.index_cast %mul3A_67 : i32 to index
      %get3A_69 = tpu.vector_load %arg11[%get3A_68] {strides = array<i32>} : memref<10000xi32, #tpu.memory_space<vmem>>, vector<16xi32>,
      %gather3A_70 = tpu.vector_load_idx %arg8[%get3A_69] : memref<10240xf32, #tpu.memory_space<vmem>>[vector<16xi32>], vector<16xf32>,
      %get3A_71 = arith.index_cast %mul3A_67 : i32 to index
      %get3A_72 = tpu.vector_load %arg10[%get3A_71] {strides = array<i32>} : memref<10000xi32, #tpu.memory_space<vmem>>, vector<16xi32>,
      tpu.vector_store_idx %arg9[%get3A_72], %gather3A_70 {add = true} : memref<10240xf32, #tpu.memory_space<vmem>>[vector<16xi32>], vector<16xf32>,
      %mul3A_73 = arith.constant 5 : i32
      %mul3A_74 = arith.muli %scan3A_51, %mul3A_73 : i32
      %add3A_75 = arith.constant 2 : i32
      %add3A_76 = arith.addi %mul3A_74, %add3A_75 : i32
      %mul3A_77 = arith.constant 16 : i32
      %mul3A_78 = arith.muli %add3A_76, %mul3A_77 : i32
      %get3A_79 = arith.index_cast %mul3A_78 : i32 to index
      %get3A_80 = tpu.vector_load %arg11[%get3A_79] {strides = array<i32>} : memref<10000xi32, #tpu.memory_space<vmem>>, vector<16xi32>,
      %gather3A_81 = tpu.vector_load_idx %arg8[%get3A_80] : memref<10240xf32, #tpu.memory_space<vmem>>[vector<16xi32>], vector<16xf32>,
      %get3A_82 = arith.index_cast %mul3A_78 : i32 to index
      %get3A_83 = tpu.vector_load %arg10[%get3A_82] {strides = array<i32>} : memref<10000xi32, #tpu.memory_space<vmem>>, vector<16xi32>,
      tpu.vector_store_idx %arg9[%get3A_83], %gather3A_81 {add = true} : memref<10240xf32, #tpu.memory_space<vmem>>[vector<16xi32>], vector<16xf32>,
      %mul3A_84 = arith.constant 5 : i32
      %mul3A_85 = arith.muli %scan3A_51, %mul3A_84 : i32
      %add3A_86 = arith.constant 3 : i32
      %add3A_87 = arith.addi %mul3A_85, %add3A_86 : i32
      %mul3A_88 = arith.constant 16 : i32
      %mul3A_89 = arith.muli %add3A_87, %mul3A_88 : i32
      %get3A_90 = arith.index_cast %mul3A_89 : i32 to index
      %get3A_91 = tpu.vector_load %arg11[%get3A_90] {strides = array<i32>} : memref<10000xi32, #tpu.memory_space<vmem>>, vector<16xi32>,
      %gather3A_92 = tpu.vector_load_idx %arg8[%get3A_91] : memref<10240xf32, #tpu.memory_space<vmem>>[vector<16xi32>], vector<16xf32>,
      %get3A_93 = arith.index_cast %mul3A_89 : i32 to index
      %get3A_94 = tpu.vector_load %arg10[%get3A_93] {strides = array<i32>} : memref<10000xi32, #tpu.memory_space<vmem>>, vector<16xi32>,
      tpu.vector_store_idx %arg9[%get3A_94], %gather3A_92 {add = true} : memref<10240xf32, #tpu.memory_space<vmem>>[vector<16xi32>], vector<16xf32>,
      %mul3A_95 = arith.constant 5 : i32
      %mul3A_96 = arith.muli %scan3A_51, %mul3A_95 : i32
      %add3A_97 = arith.constant 4 : i32
      %add3A_98 = arith.addi %mul3A_96, %add3A_97 : i32
      %mul3A_99 = arith.constant 16 : i32
      %mul3A_100 = arith.muli %add3A_98, %mul3A_99 : i32
      %get3A_101 = arith.index_cast %mul3A_100 : i32 to index
      %get3A_102 = tpu.vector_load %arg11[%get3A_101] {strides = array<i32>} : memref<10000xi32, #tpu.memory_space<vmem>>, vector<16xi32>,
      %gather3A_103 = tpu.vector_load_idx %arg8[%get3A_102] : memref<10240xf32, #tpu.memory_space<vmem>>[vector<16xi32>], vector<16xf32>,
      %get3A_104 = arith.index_cast %mul3A_100 : i32 to index
      %get3A_105 = tpu.vector_load %arg10[%get3A_104] {strides = array<i32>} : memref<10000xi32, #tpu.memory_space<vmem>>, vector<16xi32>,
      tpu.vector_store_idx %arg9[%get3A_105], %gather3A_103 {add = true} : memref<10240xf32, #tpu.memory_space<vmem>>[vector<16xi32>], vector<16xf32>,
      %scan3A_106 = arith.constant 0 : i32
      scf.yield %scan3A_106 : i32
    }
    %scan3A_37 = arith.constant 125 : i32
    "tpu.region"() ({
      %run_scoped3A = tpu.sem_alloc : memref<!tpu.dma_semaphore, #tpu.memory_space<semaphore_mem>>
      %dma_start3A_51 = arith.constant 0 : i32
      %dma_start3A_52 = tpu.memref_slice %arg6[%arg1, %dma_start3A_51] : memref<16x10240xf32, #tpu.memory_space<vmem_shared>> -> memref<1x10240xf32, #tpu.memory_space<vmem_shared>>
      %dma_start3A_53 = tpu.memref_squeeze %dma_start3A_52 : memref<1x10240xf32, #tpu.memory_space<vmem_shared>> -> memref<10240xf32, #tpu.memory_space<vmem_shared>>
      %dma_start3A_54 = arith.constant 0 : i32
      %dma_start3A_55 = tpu.memref_slice %arg6[%arg1, %dma_start3A_54] : memref<16x10240xf32, #tpu.memory_space<vmem_shared>> -> memref<1x10240xf32, #tpu.memory_space<vmem_shared>>
      %dma_start3A_56 = tpu.memref_squeeze %dma_start3A_55 : memref<1x10240xf32, #tpu.memory_space<vmem_shared>> -> memref<10240xf32, #tpu.memory_space<vmem_shared>>
      tpu.enqueue_dma source(%arg9 : memref<10240xf32, #tpu.memory_space<vmem>>) target(%dma_start3A_56 : memref<10240xf32, #tpu.memory_space<vmem_shared>>) target_semaphore(%run_scoped3A : memref<!tpu.dma_semaphore, #tpu.memory_space<semaphore_mem>>)
      %dma_wait3A_57 = arith.constant 0 : i32
      %dma_wait3A_58 = tpu.memref_slice %arg6[%arg1, %dma_wait3A_57] : memref<16x10240xf32, #tpu.memory_space<vmem_shared>> -> memref<1x10240xf32, #tpu.memory_space<vmem_shared>>
      %dma_wait3A_59 = tpu.memref_squeeze %dma_wait3A_58 : memref<1x10240xf32, #tpu.memory_space<vmem_shared>> -> memref<10240xf32, #tpu.memory_space<vmem_shared>>
      %dma_wait3A_60 = arith.constant 0 : i32
      %dma_wait3A_61 = tpu.memref_slice %arg6[%arg1, %dma_wait3A_60] : memref<16x10240xf32, #tpu.memory_space<vmem_shared>> -> memref<1x10240xf32, #tpu.memory_space<vmem_shared>>
      %dma_wait3A_62 = tpu.memref_squeeze %dma_wait3A_61 : memref<1x10240xf32, #tpu.memory_space<vmem_shared>> -> memref<10240xf32, #tpu.memory_space<vmem_shared>>
      tpu.wait_dma2 semaphore(%run_scoped3A : memref<!tpu.dma_semaphore, #tpu.memory_space<semaphore_mem>>) src(%arg9 : memref<10240xf32, #tpu.memory_space<vmem>>) dst(%dma_wait3A_62 : memref<10240xf32, #tpu.memory_space<vmem_shared>>)
      tpu.yield
    }) : () -> ()
    %barrier3A = arith.constant 0 : index
    tpu.barrier barrier_id(%barrier3A)
    %mul3A_38 = arith.constant 640 : i32
    %mul3A_39 = arith.muli %arg1, %mul3A_38 : i32
    "tpu.region"() ({
      %run_scoped3A = tpu.sem_alloc : memref<!tpu.dma_semaphore, #tpu.memory_space<semaphore_mem>>
      %dma_start3A_51 = arith.constant 0 : i32
      %dma_start3A_52 = tpu.memref_slice %arg6[%dma_start3A_51, %mul3A_39] : memref<16x10240xf32, #tpu.memory_space<vmem_shared>> -> memref<16x640xf32, #tpu.memory_space<vmem_shared>>
      %dma_start3A_53 = arith.constant 0 : i32
      %dma_start3A_54 = tpu.memref_slice %arg6[%dma_start3A_53, %mul3A_39] : memref<16x10240xf32, #tpu.memory_space<vmem_shared>> -> memref<16x640xf32, #tpu.memory_space<vmem_shared>>
      tpu.enqueue_dma source(%dma_start3A_54 : memref<16x640xf32, #tpu.memory_space<vmem_shared>>) target(%arg12 : memref<16x640xf32, #tpu.memory_space<vmem>>) target_semaphore(%run_scoped3A : memref<!tpu.dma_semaphore, #tpu.memory_space<semaphore_mem>>)
      %dma_wait3A_55 = arith.constant 0 : i32
      %dma_wait3A_56 = tpu.memref_slice %arg6[%dma_wait3A_55, %mul3A_39] : memref<16x10240xf32, #tpu.memory_space<vmem_shared>> -> memref<16x640xf32, #tpu.memory_space<vmem_shared>>
      %dma_wait3A_57 = arith.constant 0 : i32
      %dma_wait3A_58 = tpu.memref_slice %arg6[%dma_wait3A_57, %mul3A_39] : memref<16x10240xf32, #tpu.memory_space<vmem_shared>> -> memref<16x640xf32, #tpu.memory_space<vmem_shared>>
      tpu.wait_dma2 semaphore(%run_scoped3A : memref<!tpu.dma_semaphore, #tpu.memory_space<semaphore_mem>>) src(%dma_wait3A_58 : memref<16x640xf32, #tpu.memory_space<vmem_shared>>) dst(%arg12 : memref<16x640xf32, #tpu.memory_space<vmem>>)
      tpu.yield
    }) : () -> ()
    %scan3A_40 = arith.constant 0 : i32
    %scan3A_41 = arith.constant 0 : i32
    %scan3A_42 = arith.constant 40 : i32
    %scan3A_43 = arith.addi %scan3A_41, %scan3A_42 : i32
    %scan3A_44 = arith.constant 1 : i32
    %scan3A_45 = scf.for %scan3A_51 = %scan3A_41 to %scan3A_43 step %scan3A_44 iter_args(%scan3A_52 = %scan3A_40) -> (i32)  : i32 {
      %mul3A_53 = arith.constant 16 : i32
      %mul3A_54 = arith.muli %scan3A_51, %mul3A_53 : i32
      %get3A = arith.constant 0 : i32
      %get3A_55 = arith.index_cast %get3A : i32 to index
      %get3A_56 = arith.index_cast %mul3A_54 : i32 to index
      %get3A_57 = tpu.vector_load %arg12[%get3A_55, %get3A_56] {strides = array<i32>} : memref<16x640xf32, #tpu.memory_space<vmem>>, vector<16xf32>,
      %mul3A_58 = arith.constant 16 : i32
      %mul3A_59 = arith.muli %scan3A_51, %mul3A_58 : i32
      %get3A_60 = arith.constant 1 : i32
      %get3A_61 = arith.index_cast %get3A_60 : i32 to index
      %get3A_62 = arith.index_cast %mul3A_59 : i32 to index
      %get3A_63 = tpu.vector_load %arg12[%get3A_61, %get3A_62] {strides = array<i32>} : memref<16x640xf32, #tpu.memory_space<vmem>>, vector<16xf32>,
      %add3A_64 = arith.addf %get3A_57, %get3A_63 : vector<16xf32>
      %mul3A_65 = arith.constant 16 : i32
      %mul3A_66 = arith.muli %scan3A_51, %mul3A_65 : i32
      %get3A_67 = arith.constant 2 : i32
      %get3A_68 = arith.index_cast %get3A_67 : i32 to index
      %get3A_69 = arith.index_cast %mul3A_66 : i32 to index
      %get3A_70 = tpu.vector_load %arg12[%get3A_68, %get3A_69] {strides = array<i32>} : memref<16x640xf32, #tpu.memory_space<vmem>>, vector<16xf32>,
      %add3A_71 = arith.addf %add3A_64, %get3A_70 : vector<16xf32>
      %mul3A_72 = arith.constant 16 : i32
      %mul3A_73 = arith.muli %scan3A_51, %mul3A_72 : i32
      %get3A_74 = arith.constant 3 : i32
      %get3A_75 = arith.index_cast %get3A_74 : i32 to index
      %get3A_76 = arith.index_cast %mul3A_73 : i32 to index
      %get3A_77 = tpu.vector_load %arg12[%get3A_75, %get3A_76] {strides = array<i32>} : memref<16x640xf32, #tpu.memory_space<vmem>>, vector<16xf32>,
      %add3A_78 = arith.addf %add3A_71, %get3A_77 : vector<16xf32>
      %mul3A_79 = arith.constant 16 : i32
      %mul3A_80 = arith.muli %scan3A_51, %mul3A_79 : i32
      %get3A_81 = arith.constant 4 : i32
      %get3A_82 = arith.index_cast %get3A_81 : i32 to index
      %get3A_83 = arith.index_cast %mul3A_80 : i32 to index
      %get3A_84 = tpu.vector_load %arg12[%get3A_82, %get3A_83] {strides = array<i32>} : memref<16x640xf32, #tpu.memory_space<vmem>>, vector<16xf32>,
      %add3A_85 = arith.addf %add3A_78, %get3A_84 : vector<16xf32>
      %mul3A_86 = arith.constant 16 : i32
      %mul3A_87 = arith.muli %scan3A_51, %mul3A_86 : i32
      %get3A_88 = arith.constant 5 : i32
      %get3A_89 = arith.index_cast %get3A_88 : i32 to index
      %get3A_90 = arith.index_cast %mul3A_87 : i32 to index
      %get3A_91 = tpu.vector_load %arg12[%get3A_89, %get3A_90] {strides = array<i32>} : memref<16x640xf32, #tpu.memory_space<vmem>>, vector<16xf32>,
      %add3A_92 = arith.addf %add3A_85, %get3A_91 : vector<16xf32>
      %mul3A_93 = arith.constant 16 : i32
      %mul3A_94 = arith.muli %scan3A_51, %mul3A_93 : i32
      %get3A_95 = arith.constant 6 : i32
      %get3A_96 = arith.index_cast %get3A_95 : i32 to index
      %get3A_97 = arith.index_cast %mul3A_94 : i32 to index
      %get3A_98 = tpu.vector_load %arg12[%get3A_96, %get3A_97] {strides = array<i32>} : memref<16x640xf32, #tpu.memory_space<vmem>>, vector<16xf32>,
      %add3A_99 = arith.addf %add3A_92, %get3A_98 : vector<16xf32>
      %mul3A_100 = arith.constant 16 : i32
      %mul3A_101 = arith.muli %scan3A_51, %mul3A_100 : i32
      %get3A_102 = arith.constant 7 : i32
      %get3A_103 = arith.index_cast %get3A_102 : i32 to index
      %get3A_104 = arith.index_cast %mul3A_101 : i32 to index
      %get3A_105 = tpu.vector_load %arg12[%get3A_103, %get3A_104] {strides = array<i32>} : memref<16x640xf32, #tpu.memory_space<vmem>>, vector<16xf32>,
      %add3A_106 = arith.addf %add3A_99, %get3A_105 : vector<16xf32>
      %mul3A_107 = arith.constant 16 : i32
      %mul3A_108 = arith.muli %scan3A_51, %mul3A_107 : i32
      %get3A_109 = arith.constant 8 : i32
      %get3A_110 = arith.index_cast %get3A_109 : i32 to index
      %get3A_111 = arith.index_cast %mul3A_108 : i32 to index
      %get3A_112 = tpu.vector_load %arg12[%get3A_110, %get3A_111] {strides = array<i32>} : memref<16x640xf32, #tpu.memory_space<vmem>>, vector<16xf32>,
      %add3A_113 = arith.addf %add3A_106, %get3A_112 : vector<16xf32>
      %mul3A_114 = arith.constant 16 : i32
      %mul3A_115 = arith.muli %scan3A_51, %mul3A_114 : i32
      %get3A_116 = arith.constant 9 : i32
      %get3A_117 = arith.index_cast %get3A_116 : i32 to index
      %get3A_118 = arith.index_cast %mul3A_115 : i32 to index
      %get3A_119 = tpu.vector_load %arg12[%get3A_117, %get3A_118] {strides = array<i32>} : memref<16x640xf32, #tpu.memory_space<vmem>>, vector<16xf32>,
      %add3A_120 = arith.addf %add3A_113, %get3A_119 : vector<16xf32>
      %mul3A_121 = arith.constant 16 : i32
      %mul3A_122 = arith.muli %scan3A_51, %mul3A_121 : i32
      %get3A_123 = arith.constant 10 : i32
      %get3A_124 = arith.index_cast %get3A_123 : i32 to index
      %get3A_125 = arith.index_cast %mul3A_122 : i32 to index
      %get3A_126 = tpu.vector_load %arg12[%get3A_124, %get3A_125] {strides = array<i32>} : memref<16x640xf32, #tpu.memory_space<vmem>>, vector<16xf32>,
      %add3A_127 = arith.addf %add3A_120, %get3A_126 : vector<16xf32>
      %mul3A_128 = arith.constant 16 : i32
      %mul3A_129 = arith.muli %scan3A_51, %mul3A_128 : i32
      %get3A_130 = arith.constant 11 : i32
      %get3A_131 = arith.index_cast %get3A_130 : i32 to index
      %get3A_132 = arith.index_cast %mul3A_129 : i32 to index
      %get3A_133 = tpu.vector_load %arg12[%get3A_131, %get3A_132] {strides = array<i32>} : memref<16x640xf32, #tpu.memory_space<vmem>>, vector<16xf32>,
      %add3A_134 = arith.addf %add3A_127, %get3A_133 : vector<16xf32>
      %mul3A_135 = arith.constant 16 : i32
      %mul3A_136 = arith.muli %scan3A_51, %mul3A_135 : i32
      %get3A_137 = arith.constant 12 : i32
      %get3A_138 = arith.index_cast %get3A_137 : i32 to index
      %get3A_139 = arith.index_cast %mul3A_136 : i32 to index
      %get3A_140 = tpu.vector_load %arg12[%get3A_138, %get3A_139] {strides = array<i32>} : memref<16x640xf32, #tpu.memory_space<vmem>>, vector<16xf32>,
      %add3A_141 = arith.addf %add3A_134, %get3A_140 : vector<16xf32>
      %mul3A_142 = arith.constant 16 : i32
      %mul3A_143 = arith.muli %scan3A_51, %mul3A_142 : i32
      %get3A_144 = arith.constant 13 : i32
      %get3A_145 = arith.index_cast %get3A_144 : i32 to index
      %get3A_146 = arith.index_cast %mul3A_143 : i32 to index
      %get3A_147 = tpu.vector_load %arg12[%get3A_145, %get3A_146] {strides = array<i32>} : memref<16x640xf32, #tpu.memory_space<vmem>>, vector<16xf32>,
      %add3A_148 = arith.addf %add3A_141, %get3A_147 : vector<16xf32>
      %mul3A_149 = arith.constant 16 : i32
      %mul3A_150 = arith.muli %scan3A_51, %mul3A_149 : i32
      %get3A_151 = arith.constant 14 : i32
      %get3A_152 = arith.index_cast %get3A_151 : i32 to index
      %get3A_153 = arith.index_cast %mul3A_150 : i32 to index
      %get3A_154 = tpu.vector_load %arg12[%get3A_152, %get3A_153] {strides = array<i32>} : memref<16x640xf32, #tpu.memory_space<vmem>>, vector<16xf32>,
      %add3A_155 = arith.addf %add3A_148, %get3A_154 : vector<16xf32>
      %mul3A_156 = arith.constant 16 : i32
      %mul3A_157 = arith.muli %scan3A_51, %mul3A_156 : i32
      %get3A_158 = arith.constant 15 : i32
      %get3A_159 = arith.index_cast %get3A_158 : i32 to index
      %get3A_160 = arith.index_cast %mul3A_157 : i32 to index
      %get3A_161 = tpu.vector_load %arg12[%get3A_159, %get3A_160] {strides = array<i32>} : memref<16x640xf32, #tpu.memory_space<vmem>>, vector<16xf32>,
      %add3A_162 = arith.addf %add3A_155, %get3A_161 : vector<16xf32>
      %mul3A_163 = arith.constant 16 : i32
      %mul3A_164 = arith.muli %scan3A_51, %mul3A_163 : i32
      %swap3A = arith.index_cast %mul3A_164 : i32 to index
      %swap3A_165 = tpu.vector_load %arg13[%swap3A] {strides = array<i32>} : memref<640xf32, #tpu.memory_space<vmem>>, vector<16xf32>,
      tpu.vector_store %arg13[%swap3A], %add3A_162 {strides = array<i32>} : memref<640xf32, #tpu.memory_space<vmem>>, vector<16xf32>,
      %scan3A_166 = arith.constant 0 : i32
      scf.yield %scan3A_166 : i32
    }
    %scan3A_46 = arith.constant 40 : i32
    %mul3A_47 = arith.constant 640 : i32
    %mul3A_48 = arith.muli %arg1, %mul3A_47 : i32
    "tpu.region"() ({
      %run_scoped3A = tpu.sem_alloc : memref<!tpu.dma_semaphore, #tpu.memory_space<semaphore_mem>>
      %dma_start3A_51 = tpu.memref_slice %arg4[%arg0, %mul3A_48] : memref<2x10240xf32, #tpu.memory_space<hbm>> -> memref<1x640xf32, #tpu.memory_space<hbm>>
      %dma_start3A_52 = tpu.memref_squeeze %dma_start3A_51 : memref<1x640xf32, #tpu.memory_space<hbm>> -> memref<640xf32, #tpu.memory_space<hbm>>
      %dma_start3A_53 = tpu.memref_slice %arg4[%arg0, %mul3A_48] : memref<2x10240xf32, #tpu.memory_space<hbm>> -> memref<1x640xf32, #tpu.memory_space<hbm>>
      %dma_start3A_54 = tpu.memref_squeeze %dma_start3A_53 : memref<1x640xf32, #tpu.memory_space<hbm>> -> memref<640xf32, #tpu.memory_space<hbm>>
      tpu.enqueue_dma source(%arg13 : memref<640xf32, #tpu.memory_space<vmem>>) target(%dma_start3A_54 : memref<640xf32, #tpu.memory_space<hbm>>) target_semaphore(%run_scoped3A : memref<!tpu.dma_semaphore, #tpu.memory_space<semaphore_mem>>)
      %dma_wait3A_55 = tpu.memref_slice %arg4[%arg0, %mul3A_48] : memref<2x10240xf32, #tpu.memory_space<hbm>> -> memref<1x640xf32, #tpu.memory_space<hbm>>
      %dma_wait3A_56 = tpu.memref_squeeze %dma_wait3A_55 : memref<1x640xf32, #tpu.memory_space<hbm>> -> memref<640xf32, #tpu.memory_space<hbm>>
      %dma_wait3A_57 = tpu.memref_slice %arg4[%arg0, %mul3A_48] : memref<2x10240xf32, #tpu.memory_space<hbm>> -> memref<1x640xf32, #tpu.memory_space<hbm>>
      %dma_wait3A_58 = tpu.memref_squeeze %dma_wait3A_57 : memref<1x640xf32, #tpu.memory_space<hbm>> -> memref<640xf32, #tpu.memory_space<hbm>>
      tpu.wait_dma2 semaphore(%run_scoped3A : memref<!tpu.dma_semaphore, #tpu.memory_space<semaphore_mem>>) src(%arg13 : memref<640xf32, #tpu.memory_space<vmem>>) dst(%dma_wait3A_58 : memref<640xf32, #tpu.memory_space<hbm>>)
      tpu.yield
    }) : () -> ()
    %eq3A = arith.constant 0 : i32
    %eq3A_49 = arith.cmpi eq, %arg0, %eq3A : i32
    %convert_element_type3A = arith.extui %eq3A_49 : i1 to i32
    %cond3A = arith.constant 0 : i32
    %cond3A_50 = arith.cmpi ne, %convert_element_type3A, %cond3A : i32
    scf.if %cond3A_50 {
      %mul3A_51 = arith.constant 640 : i32
      %mul3A_52 = arith.muli %arg1, %mul3A_51 : i32
      %mul3A_53 = arith.constant 640 : i32
      %mul3A_54 = arith.muli %arg1, %mul3A_53 : i32
      "tpu.region"() ({
        %run_scoped3A = tpu.sem_alloc : memref<!tpu.dma_semaphore, #tpu.memory_space<semaphore_mem>>
        %dma_start3A_55 = tpu.memref_slice %arg8[%mul3A_52] : memref<10240xf32, #tpu.memory_space<vmem>> -> memref<640xf32, #tpu.memory_space<vmem>>
        %dma_start3A_56 = tpu.memref_slice %arg5[%mul3A_54] : memref<10240xf32, #tpu.memory_space<hbm>> -> memref<640xf32, #tpu.memory_space<hbm>>
        %dma_start3A_57 = tpu.memref_slice %arg5[%mul3A_54] : memref<10240xf32, #tpu.memory_space<hbm>> -> memref<640xf32, #tpu.memory_space<hbm>>
        %dma_start3A_58 = tpu.memref_slice %arg8[%mul3A_52] : memref<10240xf32, #tpu.memory_space<vmem>> -> memref<640xf32, #tpu.memory_space<vmem>>
        tpu.enqueue_dma source(%dma_start3A_58 : memref<640xf32, #tpu.memory_space<vmem>>) target(%dma_start3A_57 : memref<640xf32, #tpu.memory_space<hbm>>) target_semaphore(%run_scoped3A : memref<!tpu.dma_semaphore, #tpu.memory_space<semaphore_mem>>)
        %dma_wait3A_59 = tpu.memref_slice %arg8[%mul3A_52] : memref<10240xf32, #tpu.memory_space<vmem>> -> memref<640xf32, #tpu.memory_space<vmem>>
        %dma_wait3A_60 = tpu.memref_slice %arg5[%mul3A_54] : memref<10240xf32, #tpu.memory_space<hbm>> -> memref<640xf32, #tpu.memory_space<hbm>>
        %dma_wait3A_61 = tpu.memref_slice %arg5[%mul3A_54] : memref<10240xf32, #tpu.memory_space<hbm>> -> memref<640xf32, #tpu.memory_space<hbm>>
        %dma_wait3A_62 = tpu.memref_slice %arg8[%mul3A_52] : memref<10240xf32, #tpu.memory_space<vmem>> -> memref<640xf32, #tpu.memory_space<vmem>>
        tpu.wait_dma2 semaphore(%run_scoped3A : memref<!tpu.dma_semaphore, #tpu.memory_space<semaphore_mem>>) src(%dma_wait3A_62 : memref<640xf32, #tpu.memory_space<vmem>>) dst(%dma_wait3A_61 : memref<640xf32, #tpu.memory_space<hbm>>)
        tpu.yield
      }) : () -> ()
    } else {
    }
    return
  }
}

module attributes {stable_mosaic.version = 14 : i64} {
  func.func @body(%arg0: i32, %arg1: memref<1000x128xf32, #tpu.memory_space<vmem>>, %arg2: memref<2x1000x128xf32, #tpu.memory_space<vmem>>, %arg3: memref<128x128xf32, #tpu.memory_space<vmem>>, %arg4: memref<1x128xf32, #tpu.memory_space<vmem>>, %arg5: memref<128x128xf32, #tpu.memory_space<vmem>>, %arg6: memref<2x1000x128xf32, #tpu.memory_space<vmem>>) attributes {dimension_semantics = [#tpu.dimension_semantics<arbitrary>], iteration_bounds = array<i64: 10>, scalar_prefetch = 0 : i64, scratch_operands = 0 : i64, tpu.core_type = #tpu.core_type<tc>, window_params = [{transform_indices = @transform_0, window_bounds = array<i64: 1000, 128>}, {transform_indices = @transform_1, window_bounds = array<i64: 2, 1000, 128>}, {pipeline_mode = #tpu.pipeline_mode<synchronous>, transform_indices = @transform_2, window_bounds = array<i64: 128, 128>}, {pipeline_mode = #tpu.pipeline_mode<synchronous>, transform_indices = @transform_3, window_bounds = array<i64: 1, 128>}, {pipeline_mode = #tpu.pipeline_mode<synchronous>, transform_indices = @transform_4, window_bounds = array<i64: 128, 128>}, {transform_indices = @transform_5, window_bounds = array<i64: 2, 1000, 128>}]} {
    %get3A = arith.constant 0 : index
    %get3A_0 = arith.constant 0 : index
    %get3A_1 = arith.constant 0 : index
    %get3A_2 = vector.load %arg2[%get3A, %get3A_0, %get3A_1] : memref<2x1000x128xf32, #tpu.memory_space<vmem>>, vector<1x1000x128xf32>
    %get3A_3 = vector.shape_cast %get3A_2 : vector<1x1000x128xf32> to vector<1000x128xf32>
    %get3A_4 = arith.constant 1 : index
    %get3A_5 = arith.constant 0 : index
    %get3A_6 = arith.constant 0 : index
    %get3A_7 = vector.load %arg2[%get3A_4, %get3A_5, %get3A_6] : memref<2x1000x128xf32, #tpu.memory_space<vmem>>, vector<1x1000x128xf32>
    %get3A_8 = vector.shape_cast %get3A_7 : vector<1x1000x128xf32> to vector<1000x128xf32>
    %add3A = arith.addf %get3A_3, %get3A_8 : vector<1000x128xf32>
    %get3A_9 = arith.constant 0 : index
    %get3A_10 = arith.constant 0 : index
    %get3A_11 = vector.load %arg3[%get3A_9, %get3A_10] : memref<128x128xf32, #tpu.memory_space<vmem>>, vector<128x128xf32>
    %dot_general3A = arith.constant dense<0.000000e+00> : vector<1000x128xf32>
    %dot_general3A_12 = tpu.matmul %add3A, %get3A_11, %dot_general3A {dimension_numbers = #tpu.dot_dimension_numbers<[1], [0], [0], [1], [0, 0, 1, 1], [], []>, transpose_lhs_hint = false} : vector<1000x128xf32>, vector<128x128xf32>, vector<1000x128xf32> -> vector<1000x128xf32>
    %swap3A = arith.constant 0 : index
    %swap3A_13 = arith.constant 0 : index
    %swap3A_14 = arith.constant 0 : index
    %swap3A_15 = vector.load %arg6[%swap3A, %swap3A_13, %swap3A_14] : memref<2x1000x128xf32, #tpu.memory_space<vmem>>, vector<1x1000x128xf32>
    %swap3A_16 = vector.shape_cast %swap3A_15 : vector<1x1000x128xf32> to vector<1000x128xf32>
    %swap3A_17 = vector.shape_cast %dot_general3A_12 : vector<1000x128xf32> to vector<1x1000x128xf32>
    tpu.vector_store %arg6[%swap3A, %swap3A_13, %swap3A_14], %swap3A_17 {strides = array<i32>} : memref<2x1000x128xf32, #tpu.memory_space<vmem>>, vector<1x1000x128xf32>,
    %get3A_18 = arith.constant 0 : index
    %get3A_19 = arith.constant 0 : index
    %get3A_20 = vector.load %arg1[%get3A_18, %get3A_19] : memref<1000x128xf32, #tpu.memory_space<vmem>>, vector<1000x128xf32>
    %get3A_21 = arith.constant 0 : index
    %get3A_22 = arith.constant 0 : index
    %get3A_23 = vector.load %arg5[%get3A_21, %get3A_22] : memref<128x128xf32, #tpu.memory_space<vmem>>, vector<128x128xf32>
    %dot_general3A_24 = arith.constant dense<0.000000e+00> : vector<1000x128xf32>
    %dot_general3A_25 = tpu.matmul %get3A_20, %get3A_23, %dot_general3A_24 {dimension_numbers = #tpu.dot_dimension_numbers<[1], [0], [0], [1], [0, 0, 1, 1], [], []>, transpose_lhs_hint = false} : vector<1000x128xf32>, vector<128x128xf32>, vector<1000x128xf32> -> vector<1000x128xf32>
    %get3A_26 = arith.constant 0 : index
    %get3A_27 = arith.constant 0 : index
    %get3A_28 = vector.load %arg4[%get3A_26, %get3A_27] : memref<1x128xf32, #tpu.memory_space<vmem>>, vector<1x128xf32>
    %add3A_29 = vector.broadcast %get3A_28 : vector<1x128xf32> to vector<1000x128xf32>
    %add3A_30 = arith.addf %dot_general3A_25, %add3A_29 : vector<1000x128xf32>
    %swap3A_31 = arith.constant 1 : index
    %swap3A_32 = arith.constant 0 : index
    %swap3A_33 = arith.constant 0 : index
    %swap3A_34 = vector.load %arg6[%swap3A_31, %swap3A_32, %swap3A_33] : memref<2x1000x128xf32, #tpu.memory_space<vmem>>, vector<1x1000x128xf32>
    %swap3A_35 = vector.shape_cast %swap3A_34 : vector<1x1000x128xf32> to vector<1000x128xf32>
    %swap3A_36 = vector.shape_cast %add3A_30 : vector<1000x128xf32> to vector<1x1000x128xf32>
    tpu.vector_store %arg6[%swap3A_31, %swap3A_32, %swap3A_33], %swap3A_36 {strides = array<i32>} : memref<2x1000x128xf32, #tpu.memory_space<vmem>>, vector<1x1000x128xf32>,
    return
  }
  func.func @transform_0(%arg0: i32) -> (i32, i32) {
    %c0_i32 = arith.constant 0 : i32
    %c0_i32_0 = arith.constant 0 : i32
    return %arg0, %c0_i32 : i32, i32
  }
  func.func @transform_1(%arg0: i32) -> (i32, i32, i32) {
    %c0_i32 = arith.constant 0 : i32
    %c0_i32_0 = arith.constant 0 : i32
    %c0_i32_1 = arith.constant 0 : i32
    return %c0_i32, %arg0, %c0_i32_0 : i32, i32, i32
  }
  func.func @transform_2(%arg0: i32) -> (i32, i32) {
    %c0_i32 = arith.constant 0 : i32
    %c0_i32_0 = arith.constant 0 : i32
    %c0_i32_1 = arith.constant 0 : i32
    return %c0_i32, %c0_i32_0 : i32, i32
  }
  func.func @transform_3(%arg0: i32) -> (i32, i32) {
    %c0_i32 = arith.constant 0 : i32
    %c0_i32_0 = arith.constant 0 : i32
    %c0_i32_1 = arith.constant 0 : i32
    return %c0_i32, %c0_i32_0 : i32, i32
  }
  func.func @transform_4(%arg0: i32) -> (i32, i32) {
    %c0_i32 = arith.constant 0 : i32
    %c0_i32_0 = arith.constant 0 : i32
    %c0_i32_1 = arith.constant 0 : i32
    return %c0_i32, %c0_i32_0 : i32, i32
  }
  func.func @transform_5(%arg0: i32) -> (i32, i32, i32) {
    %c0_i32 = arith.constant 0 : i32
    %c0_i32_0 = arith.constant 0 : i32
    %c0_i32_1 = arith.constant 0 : i32
    return %c0_i32, %arg0, %c0_i32_0 : i32, i32, i32
  }
}

module attributes {stable_mosaic.version = 14 : i64} {
  func.func @body(%arg0: i32, %arg1: memref<2x1000x128xf32, #tpu.memory_space<vmem>>, %arg2: memref<1000x1xf32, #tpu.memory_space<vmem>>, %arg3: memref<2x1000x1xf32, #tpu.memory_space<vmem>>, %arg4: memref<128x128xf32, #tpu.memory_space<vmem>>, %arg5: memref<1x128xf32, #tpu.memory_space<vmem>>, %arg6: memref<128x128xf32, #tpu.memory_space<vmem>>, %arg7: memref<128x256xf32, #tpu.memory_space<vmem>>, %arg8: memref<1x256xf32, #tpu.memory_space<vmem>>, %arg9: memref<256x256xf32, #tpu.memory_space<vmem>>, %arg10: memref<1x256xf32, #tpu.memory_space<vmem>>, %arg11: memref<256x8xf32, #tpu.memory_space<vmem>>, %arg12: memref<1x8xf32, #tpu.memory_space<vmem>>, %arg13: memref<1x8xf32, #tpu.memory_space<vmem>>, %arg14: memref<8x128xf32, #tpu.memory_space<vmem>>, %arg15: memref<8x128xf32, #tpu.memory_space<vmem>>) attributes {dimension_semantics = [#tpu.dimension_semantics<arbitrary>], iteration_bounds = array<i64: 10>, scalar_prefetch = 0 : i64, scratch_operands = 2 : i64, tpu.core_type = #tpu.core_type<tc>, window_params = [{transform_indices = @transform_0, window_bounds = array<i64: 2, 1000, 128>}, {transform_indices = @transform_1, window_bounds = array<i64: 1000, 1>}, {transform_indices = @transform_2, window_bounds = array<i64: 2, 1000, 1>}, {pipeline_mode = #tpu.pipeline_mode<synchronous>, transform_indices = @transform_3, window_bounds = array<i64: 128, 128>}, {pipeline_mode = #tpu.pipeline_mode<synchronous>, transform_indices = @transform_4, window_bounds = array<i64: 1, 128>}, {pipeline_mode = #tpu.pipeline_mode<synchronous>, transform_indices = @transform_5, window_bounds = array<i64: 128, 128>}, {pipeline_mode = #tpu.pipeline_mode<synchronous>, transform_indices = @transform_6, window_bounds = array<i64: 128, 256>}, {pipeline_mode = #tpu.pipeline_mode<synchronous>, transform_indices = @transform_7, window_bounds = array<i64: 1, 256>}, {pipeline_mode = #tpu.pipeline_mode<synchronous>, transform_indices = @transform_8, window_bounds = array<i64: 256, 256>}, {pipeline_mode = #tpu.pipeline_mode<synchronous>, transform_indices = @transform_9, window_bounds = array<i64: 1, 256>}, {pipeline_mode = #tpu.pipeline_mode<synchronous>, transform_indices = @transform_10, window_bounds = array<i64: 256, 8>}, {pipeline_mode = #tpu.pipeline_mode<synchronous>, transform_indices = @transform_11, window_bounds = array<i64: 1, 8>}, {pipeline_mode = #tpu.pipeline_mode<synchronous>, transform_indices = @transform_12, window_bounds = array<i64: 1, 8>}]} {
    %eq3A = arith.constant 0 : i32
    %eq3A_0 = arith.cmpi eq, %arg0, %eq3A : i32
    %convert_element_type3A = arith.extui %eq3A_0 : i1 to i32
    %cond3A = arith.constant 0 : i32
    %cond3A_1 = arith.cmpi ne, %convert_element_type3A, %cond3A : i32
    scf.if %cond3A_1 {
      %broadcast_in_dim3A = arith.constant 0.000000e+00 : f32
      %broadcast_in_dim3A_52 = vector.broadcast %broadcast_in_dim3A : f32 to vector<8x128xf32>
      %swap3A_53 = arith.constant 0 : index
      %swap3A_54 = arith.constant 0 : index
      %swap3A_55 = vector.load %arg14[%swap3A_53, %swap3A_54] : memref<8x128xf32, #tpu.memory_space<vmem>>, vector<8x128xf32>
      tpu.vector_store %arg14[%swap3A_53, %swap3A_54], %broadcast_in_dim3A_52 {strides = array<i32>} : memref<8x128xf32, #tpu.memory_space<vmem>>, vector<8x128xf32>,
      %broadcast_in_dim3A_56 = arith.constant 0.000000e+00 : f32
      %broadcast_in_dim3A_57 = vector.broadcast %broadcast_in_dim3A_56 : f32 to vector<8x128xf32>
      %swap3A_58 = arith.constant 0 : index
      %swap3A_59 = arith.constant 0 : index
      %swap3A_60 = vector.load %arg15[%swap3A_58, %swap3A_59] : memref<8x128xf32, #tpu.memory_space<vmem>>, vector<8x128xf32>
      tpu.vector_store %arg15[%swap3A_58, %swap3A_59], %broadcast_in_dim3A_57 {strides = array<i32>} : memref<8x128xf32, #tpu.memory_space<vmem>>, vector<8x128xf32>,
    } else {
    }
    %get3A = arith.constant 0 : index
    %get3A_2 = arith.constant 0 : index
    %get3A_3 = arith.constant 0 : index
    %get3A_4 = vector.load %arg1[%get3A, %get3A_2, %get3A_3] : memref<2x1000x128xf32, #tpu.memory_space<vmem>>, vector<1x1000x128xf32>
    %get3A_5 = vector.shape_cast %get3A_4 : vector<1x1000x128xf32> to vector<1000x128xf32>
    %get3A_6 = arith.constant 0 : index
    %get3A_7 = arith.constant 0 : index
    %get3A_8 = vector.load %arg2[%get3A_6, %get3A_7] : memref<1000x1xf32, #tpu.memory_space<vmem>>, vector<1000x1xf32>
    %mul3A = vector.broadcast %get3A_8 : vector<1000x1xf32> to vector<1000x128xf32>
    %mul3A_9 = arith.mulf %get3A_5, %mul3A : vector<1000x128xf32>
    %get3A_10 = arith.constant 1 : index
    %get3A_11 = arith.constant 0 : index
    %get3A_12 = arith.constant 0 : index
    %get3A_13 = vector.load %arg1[%get3A_10, %get3A_11, %get3A_12] : memref<2x1000x128xf32, #tpu.memory_space<vmem>>, vector<1x1000x128xf32>
    %get3A_14 = vector.shape_cast %get3A_13 : vector<1x1000x128xf32> to vector<1000x128xf32>
    %add3A = arith.addf %mul3A_9, %get3A_14 : vector<1000x128xf32>
    %max3A = arith.constant 0.000000e+00 : f32
    %max3A_15 = vector.broadcast %max3A : f32 to vector<1000x128xf32>
    %max3A_16 = arith.maximumf %add3A, %max3A_15 : vector<1000x128xf32>
    %get3A_17 = arith.constant 0 : index
    %get3A_18 = arith.constant 0 : index
    %get3A_19 = arith.constant 0 : index
    %get3A_20 = vector.load %arg3[%get3A_17, %get3A_18, %get3A_19] : memref<2x1000x1xf32, #tpu.memory_space<vmem>>, vector<1x1000x1xf32>
    %get3A_21 = vector.shape_cast %get3A_20 : vector<1x1000x1xf32> to vector<1000x1xf32>
    %get3A_22 = arith.constant 1 : index
    %get3A_23 = arith.constant 0 : index
    %get3A_24 = arith.constant 0 : index
    %get3A_25 = vector.load %arg3[%get3A_22, %get3A_23, %get3A_24] : memref<2x1000x1xf32, #tpu.memory_space<vmem>>, vector<1x1000x1xf32>
    %get3A_26 = vector.shape_cast %get3A_25 : vector<1x1000x1xf32> to vector<1000x1xf32>
    %add3A_27 = arith.addf %get3A_21, %get3A_26 : vector<1000x1xf32>
    %get3A_28 = arith.constant 0 : index
    %get3A_29 = arith.constant 0 : index
    %get3A_30 = vector.load %arg14[%get3A_28, %get3A_29] : memref<8x128xf32, #tpu.memory_space<vmem>>, vector<8x128xf32>
    %reshape3A = vector.shape_cast %max3A_16 : vector<1000x128xf32> to vector<125x8x128xf32>
    %reduce_sum3A = arith.constant dense<0.000000e+00> : vector<8x128xf32>
    %reduce_sum3A_31 = vector.multi_reduction <add>, %reshape3A, %reduce_sum3A [0] : vector<125x8x128xf32> to vector<8x128xf32>
    %add3A_32 = arith.addf %get3A_30, %reduce_sum3A_31 : vector<8x128xf32>
    %swap3A = arith.constant 0 : index
    %swap3A_33 = arith.constant 0 : index
    %swap3A_34 = vector.load %arg14[%swap3A, %swap3A_33] : memref<8x128xf32, #tpu.memory_space<vmem>>, vector<8x128xf32>
    tpu.vector_store %arg14[%swap3A, %swap3A_33], %add3A_32 {strides = array<i32>} : memref<8x128xf32, #tpu.memory_space<vmem>>, vector<8x128xf32>,
    %get3A_35 = arith.constant 0 : index
    %get3A_36 = arith.constant 0 : index
    %get3A_37 = vector.load %arg15[%get3A_35, %get3A_36] : memref<8x128xf32, #tpu.memory_space<vmem>>, vector<8x128xf32>
    %mul3A_38 = vector.broadcast %add3A_27 : vector<1000x1xf32> to vector<1000x128xf32>
    %mul3A_39 = arith.mulf %mul3A_38, %max3A_16 : vector<1000x128xf32>
    %reshape3A_40 = vector.shape_cast %mul3A_39 : vector<1000x128xf32> to vector<125x8x128xf32>
    %reduce_sum3A_41 = arith.constant dense<0.000000e+00> : vector<8x128xf32>
    %reduce_sum3A_42 = vector.multi_reduction <add>, %reshape3A_40, %reduce_sum3A_41 [0] : vector<125x8x128xf32> to vector<8x128xf32>
    %add3A_43 = arith.addf %get3A_37, %reduce_sum3A_42 : vector<8x128xf32>
    %swap3A_44 = arith.constant 0 : index
    %swap3A_45 = arith.constant 0 : index
    %swap3A_46 = vector.load %arg15[%swap3A_44, %swap3A_45] : memref<8x128xf32, #tpu.memory_space<vmem>>, vector<8x128xf32>
    tpu.vector_store %arg15[%swap3A_44, %swap3A_45], %add3A_43 {strides = array<i32>} : memref<8x128xf32, #tpu.memory_space<vmem>>, vector<8x128xf32>,
    %eq3A_47 = arith.constant 9 : i32
    %eq3A_48 = arith.cmpi eq, %arg0, %eq3A_47 : i32
    %convert_element_type3A_49 = arith.extui %eq3A_48 : i1 to i32
    %cond3A_50 = arith.constant 0 : i32
    %cond3A_51 = arith.cmpi ne, %convert_element_type3A_49, %cond3A_50 : i32
    scf.if %cond3A_51 {
      %get3A_52 = arith.constant 0 : index
      %get3A_53 = arith.constant 0 : index
      %get3A_54 = vector.load %arg14[%get3A_52, %get3A_53] : memref<8x128xf32, #tpu.memory_space<vmem>>, vector<8x128xf32>
      %reduce_sum3A_55 = arith.constant dense<0.000000e+00> : vector<128xf32>
      %reduce_sum3A_56 = vector.multi_reduction <add>, %get3A_54, %reduce_sum3A_55 [0] : vector<8x128xf32> to vector<128xf32>
      %broadcast_in_dim3A = vector.shape_cast %reduce_sum3A_56 : vector<128xf32> to vector<1x128xf32>
      %div3A = arith.constant 1.000000e+04 : f32
      %div3A_57 = vector.broadcast %div3A : f32 to vector<1x128xf32>
      %div3A_58 = arith.divf %broadcast_in_dim3A, %div3A_57 : vector<1x128xf32>
      %get3A_59 = arith.constant 0 : index
      %get3A_60 = arith.constant 0 : index
      %get3A_61 = vector.load %arg15[%get3A_59, %get3A_60] : memref<8x128xf32, #tpu.memory_space<vmem>>, vector<8x128xf32>
      %reduce_sum3A_62 = arith.constant dense<0.000000e+00> : vector<128xf32>
      %reduce_sum3A_63 = vector.multi_reduction <add>, %get3A_61, %reduce_sum3A_62 [0] : vector<8x128xf32> to vector<128xf32>
      %broadcast_in_dim3A_64 = vector.shape_cast %reduce_sum3A_63 : vector<128xf32> to vector<1x128xf32>
      %div3A_65 = arith.constant 1.000000e+04 : f32
      %div3A_66 = vector.broadcast %div3A_65 : f32 to vector<1x128xf32>
      %div3A_67 = arith.divf %broadcast_in_dim3A_64, %div3A_66 : vector<1x128xf32>
      %get3A_68 = arith.constant 0 : index
      %get3A_69 = arith.constant 0 : index
      %get3A_70 = vector.load %arg4[%get3A_68, %get3A_69] : memref<128x128xf32, #tpu.memory_space<vmem>>, vector<128x128xf32>
      %dot_general3A = arith.constant dense<0.000000e+00> : vector<1x128xf32>
      %dot_general3A_71 = tpu.matmul %div3A_67, %get3A_70, %dot_general3A {dimension_numbers = #tpu.dot_dimension_numbers<[1], [0], [0], [1], [0, 0, 1, 1], [], []>, transpose_lhs_hint = false} : vector<1x128xf32>, vector<128x128xf32>, vector<1x128xf32> -> vector<1x128xf32>
      %get3A_72 = arith.constant 0 : index
      %get3A_73 = arith.constant 0 : index
      %get3A_74 = vector.load %arg5[%get3A_72, %get3A_73] : memref<1x128xf32, #tpu.memory_space<vmem>>, vector<1x128xf32>
      %add3A_75 = arith.addf %dot_general3A_71, %get3A_74 : vector<1x128xf32>
      %get3A_76 = arith.constant 0 : index
      %get3A_77 = arith.constant 0 : index
      %get3A_78 = vector.load %arg6[%get3A_76, %get3A_77] : memref<128x128xf32, #tpu.memory_space<vmem>>, vector<128x128xf32>
      %dot_general3A_79 = arith.constant dense<0.000000e+00> : vector<1x128xf32>
      %dot_general3A_80 = tpu.matmul %div3A_58, %get3A_78, %dot_general3A_79 {dimension_numbers = #tpu.dot_dimension_numbers<[1], [0], [0], [1], [0, 0, 1, 1], [], []>, transpose_lhs_hint = false} : vector<1x128xf32>, vector<128x128xf32>, vector<1x128xf32> -> vector<1x128xf32>
      %add3A_81 = arith.addf %add3A_75, %dot_general3A_80 : vector<1x128xf32>
      %get3A_82 = arith.constant 0 : index
      %get3A_83 = arith.constant 0 : index
      %get3A_84 = vector.load %arg7[%get3A_82, %get3A_83] : memref<128x256xf32, #tpu.memory_space<vmem>>, vector<128x256xf32>
      %dot_general3A_85 = arith.constant dense<0.000000e+00> : vector<1x256xf32>
      %dot_general3A_86 = tpu.matmul %add3A_81, %get3A_84, %dot_general3A_85 {dimension_numbers = #tpu.dot_dimension_numbers<[1], [0], [0], [1], [0, 0, 1, 1], [], []>, transpose_lhs_hint = false} : vector<1x128xf32>, vector<128x256xf32>, vector<1x256xf32> -> vector<1x256xf32>
      %get3A_87 = arith.constant 0 : index
      %get3A_88 = arith.constant 0 : index
      %get3A_89 = vector.load %arg8[%get3A_87, %get3A_88] : memref<1x256xf32, #tpu.memory_space<vmem>>, vector<1x256xf32>
      %add3A_90 = arith.addf %dot_general3A_86, %get3A_89 : vector<1x256xf32>
      %max3A_91 = arith.constant 0.000000e+00 : f32
      %max3A_92 = vector.broadcast %max3A_91 : f32 to vector<1x256xf32>
      %max3A_93 = arith.maximumf %add3A_90, %max3A_92 : vector<1x256xf32>
      %get3A_94 = arith.constant 0 : index
      %get3A_95 = arith.constant 0 : index
      %get3A_96 = vector.load %arg9[%get3A_94, %get3A_95] : memref<256x256xf32, #tpu.memory_space<vmem>>, vector<256x256xf32>
      %dot_general3A_97 = arith.constant dense<0.000000e+00> : vector<1x256xf32>
      %dot_general3A_98 = tpu.matmul %max3A_93, %get3A_96, %dot_general3A_97 {dimension_numbers = #tpu.dot_dimension_numbers<[1], [0], [0], [1], [0, 0, 1, 1], [], []>, transpose_lhs_hint = false} : vector<1x256xf32>, vector<256x256xf32>, vector<1x256xf32> -> vector<1x256xf32>
      %get3A_99 = arith.constant 0 : index
      %get3A_100 = arith.constant 0 : index
      %get3A_101 = vector.load %arg10[%get3A_99, %get3A_100] : memref<1x256xf32, #tpu.memory_space<vmem>>, vector<1x256xf32>
      %add3A_102 = arith.addf %dot_general3A_98, %get3A_101 : vector<1x256xf32>
      %max3A_103 = arith.constant 0.000000e+00 : f32
      %max3A_104 = vector.broadcast %max3A_103 : f32 to vector<1x256xf32>
      %max3A_105 = arith.maximumf %add3A_102, %max3A_104 : vector<1x256xf32>
      %get3A_106 = arith.constant 0 : index
      %get3A_107 = arith.constant 0 : index
      %get3A_108 = vector.load %arg11[%get3A_106, %get3A_107] : memref<256x8xf32, #tpu.memory_space<vmem>>, vector<256x8xf32>
      %dot_general3A_109 = arith.constant dense<0.000000e+00> : vector<1x8xf32>
      %dot_general3A_110 = tpu.matmul %max3A_105, %get3A_108, %dot_general3A_109 {dimension_numbers = #tpu.dot_dimension_numbers<[1], [0], [0], [1], [0, 0, 1, 1], [], []>, transpose_lhs_hint = false} : vector<1x256xf32>, vector<256x8xf32>, vector<1x8xf32> -> vector<1x8xf32>
      %get3A_111 = arith.constant 0 : index
      %get3A_112 = arith.constant 0 : index
      %get3A_113 = vector.load %arg12[%get3A_111, %get3A_112] : memref<1x8xf32, #tpu.memory_space<vmem>>, vector<1x8xf32>
      %add3A_114 = arith.addf %dot_general3A_110, %get3A_113 : vector<1x8xf32>
      %add3A_115 = arith.constant 3.14159274 : f32
      %add3A_116 = vector.broadcast %add3A_115 : f32 to vector<1x8xf32>
      %add3A_117 = arith.addf %add3A_114, %add3A_116 : vector<1x8xf32>
      %mul3A_118 = arith.constant 2.000000e+00 : f32
      %mul3A_119 = arith.constant 3.14159274 : f32
      %mul3A_120 = arith.mulf %mul3A_118, %mul3A_119 : f32
      %rem3A = vector.broadcast %mul3A_120 : f32 to vector<1x8xf32>
      %rem3A_121 = arith.remf %add3A_117, %rem3A : vector<1x8xf32>
      %ne3A = arith.constant 0.000000e+00 : f32
      %ne3A_122 = vector.broadcast %ne3A : f32 to vector<1x8xf32>
      %ne3A_123 = arith.cmpf one, %rem3A_121, %ne3A_122 : vector<1x8xf32>
      %lt3A = arith.constant 0.000000e+00 : f32
      %lt3A_124 = vector.broadcast %lt3A : f32 to vector<1x8xf32>
      %lt3A_125 = arith.cmpf olt, %rem3A_121, %lt3A_124 : vector<1x8xf32>
      %lt3A_126 = arith.constant 0.000000e+00 : f32
      %lt3A_127 = arith.cmpf olt, %mul3A_120, %lt3A_126 : f32
      %ne3A_128 = vector.broadcast %lt3A_127 : i1 to vector<1x8xi1>
      %ne3A_129 = vector.broadcast %ne3A_128 : vector<1x8xi1> to vector<1x8xi1>
      %ne3A_130 = arith.xori %lt3A_125, %ne3A_129 : vector<1x8xi1>
      %and3A = arith.andi %ne3A_130, %ne3A_123 : vector<1x8xi1>
      %add3A_131 = vector.broadcast %mul3A_120 : f32 to vector<1x8xf32>
      %add3A_132 = arith.addf %rem3A_121, %add3A_131 : vector<1x8xf32>
      %select_n3A = arith.select %and3A, %add3A_132, %rem3A_121 : vector<1x8xi1>, vector<1x8xf32>
      %sub3A = arith.constant 3.14159274 : f32
      %sub3A_133 = vector.broadcast %sub3A : f32 to vector<1x8xf32>
      %sub3A_134 = arith.subf %select_n3A, %sub3A_133 : vector<1x8xf32>
      %swap3A_135 = arith.constant 0 : index
      %swap3A_136 = arith.constant 0 : index
      %swap3A_137 = vector.load %arg13[%swap3A_135, %swap3A_136] : memref<1x8xf32, #tpu.memory_space<vmem>>, vector<1x8xf32>
      tpu.vector_store %arg13[%swap3A_135, %swap3A_136], %sub3A_134 {strides = array<i32>} : memref<1x8xf32, #tpu.memory_space<vmem>>, vector<1x8xf32>,
    } else {
    }
    return
  }
  func.func @transform_0(%arg0: i32) -> (i32, i32, i32) {
    %c0_i32 = arith.constant 0 : i32
    %c0_i32_0 = arith.constant 0 : i32
    %c0_i32_1 = arith.constant 0 : i32
    return %c0_i32, %arg0, %c0_i32_0 : i32, i32, i32
  }
  func.func @transform_1(%arg0: i32) -> (i32, i32) {
    %c0_i32 = arith.constant 0 : i32
    %c0_i32_0 = arith.constant 0 : i32
    return %arg0, %c0_i32 : i32, i32
  }
  func.func @transform_2(%arg0: i32) -> (i32, i32, i32) {
    %c0_i32 = arith.constant 0 : i32
    %c0_i32_0 = arith.constant 0 : i32
    %c0_i32_1 = arith.constant 0 : i32
    return %c0_i32, %arg0, %c0_i32_0 : i32, i32, i32
  }
  func.func @transform_3(%arg0: i32) -> (i32, i32) {
    %c0_i32 = arith.constant 0 : i32
    %c0_i32_0 = arith.constant 0 : i32
    %c0_i32_1 = arith.constant 0 : i32
    return %c0_i32, %c0_i32_0 : i32, i32
  }
  func.func @transform_4(%arg0: i32) -> (i32, i32) {
    %c0_i32 = arith.constant 0 : i32
    %c0_i32_0 = arith.constant 0 : i32
    %c0_i32_1 = arith.constant 0 : i32
    return %c0_i32, %c0_i32_0 : i32, i32
  }
  func.func @transform_5(%arg0: i32) -> (i32, i32) {
    %c0_i32 = arith.constant 0 : i32
    %c0_i32_0 = arith.constant 0 : i32
    %c0_i32_1 = arith.constant 0 : i32
    return %c0_i32, %c0_i32_0 : i32, i32
  }
  func.func @transform_6(%arg0: i32) -> (i32, i32) {
    %c0_i32 = arith.constant 0 : i32
    %c0_i32_0 = arith.constant 0 : i32
    %c0_i32_1 = arith.constant 0 : i32
    return %c0_i32, %c0_i32_0 : i32, i32
  }
  func.func @transform_7(%arg0: i32) -> (i32, i32) {
    %c0_i32 = arith.constant 0 : i32
    %c0_i32_0 = arith.constant 0 : i32
    %c0_i32_1 = arith.constant 0 : i32
    return %c0_i32, %c0_i32_0 : i32, i32
  }
  func.func @transform_8(%arg0: i32) -> (i32, i32) {
    %c0_i32 = arith.constant 0 : i32
    %c0_i32_0 = arith.constant 0 : i32
    %c0_i32_1 = arith.constant 0 : i32
    return %c0_i32, %c0_i32_0 : i32, i32
  }
  func.func @transform_9(%arg0: i32) -> (i32, i32) {
    %c0_i32 = arith.constant 0 : i32
    %c0_i32_0 = arith.constant 0 : i32
    %c0_i32_1 = arith.constant 0 : i32
    return %c0_i32, %c0_i32_0 : i32, i32
  }
  func.func @transform_10(%arg0: i32) -> (i32, i32) {
    %c0_i32 = arith.constant 0 : i32
    %c0_i32_0 = arith.constant 0 : i32
    %c0_i32_1 = arith.constant 0 : i32
    return %c0_i32, %c0_i32_0 : i32, i32
  }
  func.func @transform_11(%arg0: i32) -> (i32, i32) {
    %c0_i32 = arith.constant 0 : i32
    %c0_i32_0 = arith.constant 0 : i32
    %c0_i32_1 = arith.constant 0 : i32
    return %c0_i32, %c0_i32_0 : i32, i32
  }
  func.func @transform_12(%arg0: i32) -> (i32, i32) {
    %c0_i32 = arith.constant 0 : i32
    %c0_i32_0 = arith.constant 0 : i32
    %c0_i32_1 = arith.constant 0 : i32
    return %c0_i32, %c0_i32_0 : i32, i32
  }
}

</mosaic_0001>

<sc_bundles>
// kernel: kernel.6.cloned.1.call-start
scs
__scs_entry_jumppad:
0x0: {  	(pc) =	sbr.rel $0x88, $3  }
0x1: {  	(tag) =	ssettag $0x0;
	lr =	simm.s32 $0x1  }
0x2: {  	[smem:$0x3F93] =	sst lr;
	_ =	strace $0xD0000000  }
0x3: {  	_ = 	snop  }
0x4: {  	_ = 	snop  }
0x5: {  	_ = 	snop  }
0x6: {  	_ = 	snop  }
0x7: {  	_ = 	snop  }
__scs_overlays_trampoline_lowered:
0x8: {  	[smem:$0x3FA2] =	sst s0  }
0x9: {  	[smem:$0x3FA3] =	sst s1  }
0xa: {  	[smem:$0x3FA4] =	sst s2  }
0xb: {  	[smem:$0x3FA5] =	sst s3  }
0xc: {  	[smem:$0x3FA6] =	sst s4  }
0xd: {  	[smem:$0x3FA7] =	sst s5  }
0xe: {  	[smem:$0x3FA8] =	sst s6  }
0xf: {  	[smem:$0x3FA9] =	sst s7  }
0x10: {  	[smem:$0x3FAA] =	sst s8  }
0x11: {  	[smem:$0x3FAB] =	sst s9;
	s0 =	simm.s32 @!p0 $0x0  }
0x12: {  	s1 =	sld [smem:$0x3F91];
	s0 =	simm.s32 @p0 $0x1  }
0x13: {  	[smem:$0x3FAC] =	sst s0;
	s0 =	simm.s32 @!p1 $0x0  }
0x14: {  	s2 =	sld [smem:$0x3F90];
	s0 =	simm.s32 @p1 $0x1  }
0x15: {  	[smem:$0x3FAD] =	sst s0;
	s0 =	simm.s32 @!p2 $0x0  }
0x16: {  	s3 =	sld [smem:$0x3FDB];
	s0 =	simm.s32 @p2 $0x1  }
0x17: {  	s4 =	simm.s32 $0x1BF5;
	[smem:$0x3FAF] =	sst s0  }
0x18: {  	s0 =	sld [smem:$0x3F92];
	_ =	swait.ge [sflag:s4], $0x0  }
0x19: {  	s7 =	sld [smem:$0x3F93]  }
0x1a: {  	s8 =	sadd.s32 $0xFFFFE003, lr  }
0x1b: {  	s9 =	sadd.s32 $0xFFFFFEF7, lr;
	s5 =	simm.s32 $0xFFFFFFFF;
	p2 =	slt.u32 s8, $0xFFFFF086  }
0x1c: {  	p1 =	slt.u32 s9, $0xF7A;
	s5 =	simm.s32 @!p2 $0x0  }
0x1d: {  	s5 =	simm.s32 @p1 $0x1;
	p0 =	seq.s32 s7, s2  }
0x1e: {  	s7 =	smul.u32 @!p0 $0xF7A, s2;
	p2 =	seq.s32 @!p0 s5, $0x0  }
0x1f: {  	s9 =	smul.u32 $0xF7A, s1;
	s8 =	simm.s32 @!p0 $0x1BF5;
	p2 =	por !p2, p0  }
0x20: {  	[sflag:s8] =	ssyncset.s32 @!p0 $0xFFFFF086;
	s6 =	sadd.s32 @!p0 s3, s7;
	s7 =	simm.s32 @!p0 $0x108  }
0x21: {  	s3 =	sadd.s32 s3, s9;
	s6 =	sadd.s32 @!p0 $0x88, s6;
	s7 =	simm.s32 @p2 $0x1082  }
0x22: {  	[simem:s7], [sflag:s8] =	dma.local @!p0 [hbm:s6], $0xF7A  }
0x23: {  	s9 =	sor.u32 $0xD0000000, s2;
	s6 =	simm.s32 $0x108;
	_ =	swait.ge @!p0 [sflag:s8], $0x0  }
0x24: {  	s3 =	sadd.s32 $0x88, s3;
	s6 =	simm.s32 @!p1 $0x1082;
	[sflag:s4] =	ssyncset.s32 $0xFFFFF086  }
0x25: {  	[simem:s6], [sflag:s4] =	dma.local [hbm:s3], $0xF7A  }
0x26: {  	[smem:$0x3F93] =	sst s1;
	(tag) =	ssettag s2;
	_ =	strace s9  }
0x27: {  	s1 =	sld [smem:$0x3FA3]  }
0x28: {  	s2 =	sld [smem:$0x3FA4]  }
0x29: {  	s4 =	sld [smem:$0x3FA6]  }
0x2a: {  	p0 =	seq.s32 s5, $0x0;
	s5 =	sld [smem:$0x3FA7]  }
0x2b: {  	s6 =	sld [smem:$0x3FA8]  }
0x2c: {  	s7 =	sld [smem:$0x3FA9]  }
0x2d: {  	s3 =	simm.s32 $0x108;
	s8 =	sld [smem:$0x3FAA]  }
0x2e: {  	s3 =	simm.s32 @!p0 $0x1082;
	s9 =	sld [smem:$0x3FAB]  }
0x2f: {  	lr =	sadd.s32 s0, s3;
	s0 =	sld [smem:$0x3FA2]  }
0x30: {  	s3 =	sld [smem:$0x3FA5]  }
0x31: {  	[smem:$0x3FAE] =	sst s10  }
0x32: {  	s10 =	sld [smem:$0x3FAC];
	_ =	sdelay $0x3  }
0x33: {  	p0 =	seq.s32 s10, $0x1;
	s10 =	sld [smem:$0x3FAE];
	_ =	sdelay $0x3  }
0x34: {  	[smem:$0x3FAE] =	sst s10  }
0x35: {  	s10 =	sld [smem:$0x3FAD];
	_ =	sdelay $0x3  }
0x36: {  	p1 =	seq.s32 s10, $0x1;
	s10 =	sld [smem:$0x3FAE];
	_ =	sdelay $0x3  }
0x37: {  	[smem:$0x3FAE] =	sst s10  }
0x38: {  	s10 =	sld [smem:$0x3FAF]  }
0x39: {  	_ = 	snop;
	(pc) =	sbr.ind lr, $3  }
0x3a: {  	_ = 	snop  }
0x3b: {  	_ = 	snop  }
0x3c: {  	p2 =	seq.s32 s10, $0x1;
	s10 =	sld [smem:$0x3FAE]  }
0x3d: {  	_ =	shalt  }
0x3e: {  	_ =	shalt  }
0x3f: {  	_ =	shalt  }
0x40: {  	_ =	shalt  }
0x41: {  	_ =	shalt  }
0x42: {  	_ =	shalt  }
0x43: {  	_ =	shalt  }
0x44: {  	_ =	shalt  }
0x45: {  	_ =	shalt  }
0x46: {  	_ =	shalt  }
0x47: {  	_ =	shalt  }
0x48: {  	_ =	shalt  }
0x49: {  	_ =	shalt  }
0x4a: {  	_ =	shalt  }
0x4b: {  	_ =	shalt  }
0x4c: {  	_ =	shalt  }
0x4d: {  	_ =	shalt  }
0x4e: {  	_ =	shalt  }
0x4f: {  	_ =	shalt  }
0x50: {  	_ =	shalt  }
0x51: {  	_ =	shalt  }
0x52: {  	_ =	shalt  }
0x53: {  	_ =	shalt  }
0x54: {  	_ =	shalt  }
0x55: {  	_ =	shalt  }
0x56: {  	_ =	shalt  }
0x57: {  	_ =	shalt  }
0x58: {  	_ =	shalt  }
0x59: {  	_ =	shalt  }
0x5a: {  	_ =	shalt  }
0x5b: {  	_ =	shalt  }
0x5c: {  	_ =	shalt  }
0x5d: {  	_ =	shalt  }
0x5e: {  	_ =	shalt  }
0x5f: {  	_ =	shalt  }
0x60: {  	_ =	shalt  }
0x61: {  	_ =	shalt  }
0x62: {  	_ =	shalt  }
0x63: {  	_ =	shalt  }
0x64: {  	_ =	shalt  }
0x65: {  	_ =	shalt  }
0x66: {  	_ =	shalt  }
0x67: {  	_ =	shalt  }
0x68: {  	_ =	shalt  }
0x69: {  	_ =	shalt  }
0x6a: {  	_ =	shalt  }
0x6b: {  	_ =	shalt  }
0x6c: {  	_ =	shalt  }
0x6d: {  	_ =	shalt  }
0x6e: {  	_ =	shalt  }
0x6f: {  	_ =	shalt  }
0x70: {  	_ =	shalt  }
0x71: {  	_ =	shalt  }
0x72: {  	_ =	shalt  }
0x73: {  	_ =	shalt  }
0x74: {  	_ =	shalt  }
0x75: {  	_ =	shalt  }
0x76: {  	_ =	shalt  }
0x77: {  	_ =	shalt  }
0x78: {  	_ =	shalt  }
0x79: {  	_ =	shalt  }
0x7a: {  	_ =	shalt  }
0x7b: {  	_ =	shalt  }
0x7c: {  	_ =	shalt  }
0x7d: {  	_ =	shalt  }
0x7e: {  	_ =	shalt  }
0x7f: {  	_ =	shalt  }
0x80: {  	_ =	shalt  }
0x81: {  	_ =	shalt  }
0x82: {  	_ =	shalt  }
0x83: {  	_ =	shalt  }
0x84: {  	_ =	shalt  }
0x85: {  	_ =	shalt  }
0x86: {  	_ =	shalt  }
0x87: {  	_ =	shalt  }
.Lfunc_end0:
.L_simem_size_0:
called_computation_lowered:
.L_overlay_start_0:
0x88: {  	s2 =	sld [smem:$0x3FD9]  }
0x89: {  	s3 =	sld [smem:$0x3FFE];
	_ =	sdelay $0x1  }
0x8a: {  	s1 =	srdreg.scid  }
0x8b: {  	s0 =	sand.u32 $0x1, s1  }
0x8c: {  	s17 =	sshll.u32 s0, $0xA;
	s2 =	sadd.s32 s3, s2  }
0x8d: {  	s2 =	sadd.s32 s2, s17  }
0x8e: {  	[smem:$0x3FBA] =	sst s2  }
0x8f: {  	_ = 	snop  }
0x90: {  	s2 =	sld [smem:$0x3FC9];
	(tm) =	ssettm $0x1  }
0x91: {  	s18 =	sld [smem:$0x3FFB];
	_ =	sdelay $0x3  }
0x92: {  	_ =	strace s18  }
0x93: {  	s3 =	sld [smem:$0x3FFC];
	_ =	sdelay $0x3  }
0x94: {  	_ =	strace s3  }
0x95: {  	s3 =	sld [smem:$0x3FFD];
	_ =	sdelay $0x3  }
0x96: {  	_ =	strace s3  }
0x97: {  	_ =	strace $0x8FFFFFFF  }
0x98: {  	s19 =	sld [smem:$0x3FDB];
	_ =	sdelay $0x1  }
0x99: {  	s4 =	simm.s32 $_scs_section_size  }
0x9a: {  	s5 =	simm.s32 $_size__tile_overlayer_lowered;
	s6 =	simm.s32 $_tile_overlayer_lowered  }
0x9b: {  	s22 =	simm.s32 $0x1BFF;
	s21 =	sshll.u32 s6, $0x1;
	s3 =	sadd.s32 s4, s19  }
0x9c: {  	s7 =	simm.s32 $0x0;
	s20 =	sshll.u32 s5, $0x1;
	s5 =	sadd.s32 s21, s3  }
0x9d: {  	[timem:s7], [sflag:s22] =	dma.local [hbm:s5], s20  }
0x9e: {  	_ =	swait.ge [sflag:s22], s20  }
0x9f: {  	s4 =	ssub.s32 $0x0, s20;
	[sflag:s22] =	ssyncset.done $0x0  }
0xa0: {  	[sflag:s22] =	ssyncadd.s32 s4;
	_ =	sdelay $0x1  }
0xa1: {  	s23 =	simm.s32 $0x1B8B  }
0xa2: {  	_ =	swait.ge [sflag:s23], $0x1  }
0xa3: {  	[sflag:s23] =	ssyncset.done $0x0  }
0xa4: {  	s25 =	simm.s32 $0x1B8E;
	s24 =	sld [smem:$0x3FFE];
	[sflag:s23] =	ssyncadd.s32 $0xFFFFFFFF  }
0xa5: {  	s26 =	simm.s32 $execute0_lowered;
	[smem:$0x3FD2] =	sst s25  }
0xa6: {  	s5 =	sshll.u32 s26, $0x1;
	_ =	strace $0x80000046;
	[dreg:$0x1] =	wrdreg $0xFFFFFFFF  }
0xa7: {  	s28 =	simm.s32 $_size_execute0_lowered;
	s3 =	sadd.s32 s3, s5;
	[dreg:$0x0] =	wrdreg $0x0  }
0xa8: {  	s5 =	sshll.u32 s28, $0x1;
	[dreg:$0x2] =	wrdreg s3  }
0xa9: {  	[dreg:$0x3] =	wrdreg s5  }
0xaa: {  	[dreg:$0x4] =	wrdreg $0xC0  }
0xab: {  	_ =	task [dreg:s7], $0x5FFFF  }
0xac: {  	[dreg:$0x1] =	wrdreg $0xFFFFFFFF  }
0xad: {  	[dreg:$0x0] =	wrdreg $0x60  }
0xae: {  	[dreg:$0x2] =	wrdreg s2  }
0xaf: {  	[dreg:$0x3] =	wrdreg s24  }
0xb0: {  	[dreg:$0x4] =	wrdreg $0x0  }
0xb1: {  	[dreg:$0x5] =	wrdreg $0x138800  }
0xb2: {  	[dreg:$0x6] =	wrdreg $0x9  }
0xb3: {  	_ =	task.clear_ibuf [dreg:s7], $0x7FFFF;
	_ =	strace $0x90000046  }
0xb4: {  	s29 =	simm.s32 $0x9;
	_ =	strace $0x80000048  }
0xb5: {  	_ =	swait.ge [sflag:s29], $0x1  }
0xb6: {  	[sflag:s29] =	ssyncadd.s32 $0xFFFFFFFF  }
0xb7: {  	_ =	strace $0x90000048  }
0xb8: {  	_ =	sfence  }
0xb9: {  	s30 =	sld [smem:$0x0];
	_ =	sdelay $0x2  }
0xba: {  	s31 =	sshll.u32 s1, $0xD;
	s1 =	sshrl.u32 s1, $0x2  }
0xbb: {  	s3 =	sand.u32 $0x4000, s31;
	s1 =	sadd.s32 s1, s30  }
0xbc: {  	s0 =	sor.u32 s3, s0;
	s1 =	sshll.u32 s1, $0x11  }
0xbd: {  	s0 =	sor.u32 s1, s0  }
0xbe: {  	s0 =	sadd.s32 $0x8F2B, s0  }
0xbf: {  	[sflag:s0] =	ssyncadd.remote.s32 $0x1  }
0xc0: {  	_ =	sfence.sel $0xFFFF  }
0xc1: {  	[dreg:$0x0] =	wrdreg $0xFFFFFFFF;
	(pc) =	sbr.abs _section_cstart, $3  }
0xc2: {  	[dreg:$0x1] =	wrdreg $0xFFFFFFFF  }
0xc3: {  	_ =	task.clear_ibuf [dreg:s7], $0x2FFFF;
	_ =	strace $0x9FFFFFFF  }
0xc4: {  	(tm) =	ssettm $0x7FFFFFFF  }
0xc5: {  	_ =	shalt  }
tec
execute0_lowered:
.L_overlay_start_1:
0x0: {  	(tag) =	ssettag $0x1  }
0x1: {  	s1 =	rddreg [dreg:$0x0]  }
0x2: {  	s4 =	rddreg [dreg:$0x1]  }
0x3: {  	s2 =	rddreg [dreg:$0x2]  }
0x4: {  	s6 =	rddreg [dreg:$0x3];
	s3 =	simm.s32 $0x0;
	s0 =	srdreg.scid  }
0x5: {  	s17 =	stileid.u32;
	s29 =	simm.s32 $0x18C80;
	[smem:$0x7FF] =	sst s3  }
0x6: {  	s5 =	sand.u32 $0x1, s0;
	s0 =	sadd.s32 $0x3400, s4;
	s9 =	smul.u32 $0x4E000, s17  }
0x7: {  	s8 =	sadd.s32 $0x22800, s4;
	s12 =	sshrl.u32 s17, $0x3;
	s15 =	smul.u32 $0x5000, s17  }
0x8: {  	s13 =	sadd.s32 $0x70A00, s4;
	s14 =	sshll.u32 s17, $0x7;
	s16 =	smul.u32 $0x500, s17  }
0x9: {  	p0 =	sne.s32 s17, $0x0;
	_ =	strace $0x80000047;
	s7 =	sshll.u32 s5, $0x4  }
0xa: {  	s10 =	ssub.s32 $0x2, s5;
	s12 =	smul.u32 $0x50000, s12;
	s14 =	sand.u32 $0x380, s14  }
0xb: {  	s7 =	sor.u32 s17, s7;
	s24 =	sshrl.u32 s10, $0x1;
	s9 =	sshrl.u32 s9, $0x2  }
0xc: {  	s4 =	ssub.s32 s10, s24;
	s10 =	smul.u32 $0x280, s17;
	s12 =	sshrl.u32 s12, $0x2  }
0xd: {  	s25 =	sshrl.u32 s15, $0x2;
	s11 =	smul.u32 $0x7D0, s7;
	s12 =	sadd.s32 s12, s6  }
0xe: {  	s7 =	smul.u32 $0x3E80, s7;
	s12 =	sadd.s32 s14, s12;
	s28 =	sadd.s32 $0x80, s10  }
0xf: {  	s14 =	sadd.s32 s25, s6;
	s22 =	sadd.s32 $0x100, s10;
	s25 =	sadd.s32 $0x180, s10  }
0x10: {  	s10 =	sadd.s32 $0x200, s10;
	s7 =	sshrl.u32 s7, $0x3;
	[dreg:$0x5] =	wrdreg s12  }
0x11: {  	s12 =	sshll.u32 s5, $0x7;
	[dreg:$0x6] =	wrdreg s14;
	s19 =	sshll.u32 s28, $0x1  }
0x12: {  	s20 =	sshll.u32 s28, $0x3;
	s23 =	sshll.u32 s22, $0x3;
	s28 =	sshll.u32 s10, $0x3  }
0x13: {  	s7 =	sadd.s32 s0, s7;
	s26 =	sor.u32 s12, s16;
	s15 =	sor.u32 s12, s19  }
0x14: {  	s19 =	smul.u32 $0x13800, s17;
	s18 =	sshrl.u32 s26, $0x3;
	s21 =	sshrl.u32 s15, $0x3  }
0x15: {  	s15 =	sshll.u32 s22, $0x1;
	s26 =	sshll.u32 s25, $0x3;
	s22 =	smul.u32 $0x7D0, s5  }
0x16: {  	s14 =	sadd.s32 s13, s18;
	s24 =	sor.u32 s12, s15;
	s16 =	sadd.s32 s26, s6  }
0x17: {  	s15 =	sshll.u32 s25, $0x1;
	s18 =	smul.u32 $0x138800, s5;
	[dreg:$0x7] =	wrdreg s14  }
0x18: {  	s25 =	sadd.s32 s0, s11;
	s5 =	smul.u32 $0x7D00, s5;
	[dreg:$0xb] =	wrdreg s16  }
0x19: {  	s26 =	smul.u32 $0x7D0, s17;
	s11 =	sadd.s32 $0xFA10, s7;
	[dreg:$0x12] =	wrdreg s25  }
0x1a: {  	s14 =	sadd.s32 s20, s6;
	s16 =	sshll.u32 s10, $0x1;
	[dreg:$0x15] =	wrdreg s11  }
0x1b: {  	s15 =	sor.u32 s12, s15;
	[dreg:$0x8] =	wrdreg s14;
	s14 =	sadd.s32 s13, s21  }
0x1c: {  	s20 =	sshrl.u32 s15, $0x3;
	s21 =	sadd.s32 s19, s18;
	s10 =	sshrl.u32 s18, $0x3  }
0x1d: {  	s5 =	sadd.s32 s5, s0;
	s15 =	sadd.s32 $0xFA30, s7;
	[dreg:$0x9] =	wrdreg s14  }
0x1e: {  	s18 =	smax.u32 s4, $0x1;
	s14 =	sadd.s32 s23, s6;
	[dreg:$0x19] =	wrdreg s15  }
0x1f: {  	s6 =	sadd.s32 s28, s6;
	s23 =	sadd.s32 s8, s10;
	[dreg:$0x1b] =	wrdreg s18  }
0x20: {  	s19 =	sadd.s32 s26, s5;
	s28 =	sadd.s32 $0xFA00, s7;
	[dreg:$0xa] =	wrdreg s14  }
0x21: {  	s10 =	sadd.s32 $0x10, s7;
	s15 =	simm.s32 $0x16080;
	[dreg:$0xc] =	wrdreg s6  }
0x22: {  	s18 =	simm.s32 $0x5;
	s5 =	simm.s32 $0x1B480;
	[dreg:$0x13] =	wrdreg s28  }
0x23: {  	s6 =	sor.u32 s12, s16;
	[dreg:$0x14] =	wrdreg s10;
	s12 =	sadd.s32 $0x20, s7  }
0x24: {  	s14 =	sshrl.u32 s24, $0x3;
	s16 =	sadd.s32 $0x27000, s23;
	[dreg:$0x16] =	wrdreg s12  }
0x25: {  	s24 =	smul.u32 $0x7D, s17;
	s14 =	sadd.s32 s13, s14;
	[dreg:$0x1a] =	wrdreg s16  }
0x26: {  	s6 =	sshrl.u32 s6, $0x3;
	[dreg:$0xd] =	wrdreg s14;
	s14 =	sadd.s32 s13, s20  }
0x27: {  	s10 =	simm.s32 $0x8;
	s6 =	sadd.s32 s13, s6;
	[dreg:$0xe] =	wrdreg s14  }
0x28: {  	s17 =	simm.s32 $0x0;
	s13 =	sadd.s32 $0xFA20, s7;
	[dreg:$0xf] =	wrdreg s6  }
0x29: {  	s16 =	simm.s32 $0x16280;
	s20 =	sadd.s32 s9, s2;
	[dreg:$0x17] =	wrdreg s13  }
0x2a: {  	s6 =	sshrl.u32 s21, $0x3;
	s14 =	sadd.s32 $0x30, s7;
	[dreg:$0x11] =	wrdreg s20  }
0x2b: {  	s21 =	sadd.s32 $0x2800, s20;
	s23 =	sadd.s32 $0x7800, s20;
	[dreg:$0x18] =	wrdreg s14  }
0x2c: {  	s25 =	sadd.s32 $0xC800, s20;
	s26 =	sadd.s32 $0xF000, s20;
	[dreg:$0x1c] =	wrdreg s21  }
0x2d: {  	s28 =	sadd.s32 $0x11800, s20;
	s13 =	simm.s32 $0x16480;
	[dreg:$0x1e] =	wrdreg s23  }
0x2e: {  	s7 =	simm.s32 $0x7;
	s6 =	sadd.s32 s8, s6;
	[smem:$0x7FA] =	sst s25  }
0x2f: {  	s8 =	sadd.s32 s24, s22;
	s22 =	sadd.s32 $0x5000, s20;
	[smem:$0x7FB] =	sst s26  }
0x30: {  	s24 =	sadd.s32 $0xA000, s20;
	[smem:$0x7FC] =	sst s28;
	s21 =	sadd.s32 $0x138000, s2  }
0x31: {  	s14 =	simm.s32 $0x9;
	s23 =	simm.s32 $0x16200;
	[dreg:$0x10] =	wrdreg s6  }
0x32: {  	s25 =	simm.s32 $0x1;
	s26 =	simm.s32 $0x50;
	[dreg:$0x1d] =	wrdreg s22  }
0x33: {  	s8 =	sshll.u32 s8, $0x4;
	[dreg:$0x1f] =	wrdreg s24;
	s24 =	simm.s32 $0x16400  }
0x34: {  	s6 =	simm.s32 $0x3;
	[smem:$0x7FD] =	sst s21;
	s9 =	sadd.s32 s8, s0  }
0x35: {  	s8 =	simm.s32 $0x6;
	s30 =	sadd.s32 $0x70, s9;
	s31 =	sadd.s32 $0x60, s9  }
0x36: {  	v0 =	vimm.f32 $0.0e+00;
	v1 =	vimm.f32 $1.000000000e+00;
	s0 =	sadd.s32 $0x50, s9;
	s4 =	sadd.s32 $0x40, s9;
	s9 =	simm.s32 $0x4  }
.LBB2_1:
0x37: {  	[smem:$0x7F9] =	sst s17;
	s11 =	simm.s32 $0x0;
	s12 =	simm.s32 $0x0  }
.LBB2_2:
0x38: {  	p1 =	sne.s32 s12, $0x9FC0  }
.Ltmp0:
0x39: {  	_ = 	snop;
	(pc) =	sbr.rel @p1 .LBB2_2-.Ltmp0, $4  }
0x3a: {  	s17 =	sand.u32 $0xFE00, s12  }
0x3b: {  	s28 =	sand.u32 $0x70, s11;
	s17 =	sshrl.u32 s17, $0x2  }
0x3c: {  	s17 =	sor.u32 s28, s17  }
0x3d: {  	s11 =	sadd.s32 $0x10, s11;
	s12 =	sadd.s32 $0x40, s12;
	[tilespmem:s17+$0x16480] =	vst v0  }
0x3e: {  	s11 =	simm.s32 $0x40;
	s12 =	simm.s32 $0x0  }
.LBB2_4:
0x3f: {  	p1 =	sne.s32 s11, $0x9FC0;
	[tilespmem:s12+$0x1B480] =	vst v0;
	s12 =	smov.u32 s11;
	s11 =	sadd.s32 $0x40, s11  }
.Ltmp1:
0x40: {  	(pc) =	sbr.rel @p1 .LBB2_4-.Ltmp1, $2  }
0x41: {  	_ =	sdelay $0x2  }
0x42: {  	s12 =	sshra.s32 s12, $0x2  }
0x43: {  	[tilespmem:s12+$0x1B480] =	vst v0  }
0x44: {  	[spmem:s20] =	stream.linear.scatter [tilespmem:s13], [sflag:$0x9], $0x2800, $0x38;
	[tilespmem:$0x1E500] =	vst v63  }
0x45: {  	_ =	swait.ge [sflag:s14], $0x2800  }
0x46: {  	[sflag:s14] =	ssyncset.done $0x0  }
0x47: {  	s11 =	rddreg [dreg:$0x1c];
	[sflag:s14] =	ssyncadd.s32 $0xFFFFD800  }
0x48: {  	[spmem:s11] =	stream.linear.scatter [tilespmem:s13], [sflag:$0x9], $0x2800, $0x38;
	[tilespmem:$0x1E500] =	vst v63  }
0x49: {  	_ =	swait.ge [sflag:s14], $0x2800  }
0x4a: {  	[sflag:s14] =	ssyncset.done $0x0  }
0x4b: {  	s12 =	rddreg [dreg:$0x1d];
	[sflag:s14] =	ssyncadd.s32 $0xFFFFD800  }
0x4c: {  	[spmem:s12] =	stream.linear.scatter [tilespmem:s13], [sflag:$0x9], $0x2800, $0x38;
	[tilespmem:$0x1E500] =	vst v63  }
0x4d: {  	_ =	swait.ge [sflag:s14], $0x2800  }
0x4e: {  	[sflag:s14] =	ssyncset.done $0x0  }
0x4f: {  	s17 =	rddreg [dreg:$0x1e];
	[sflag:s14] =	ssyncadd.s32 $0xFFFFD800  }
0x50: {  	[spmem:s17] =	stream.linear.scatter [tilespmem:s13], [sflag:$0x9], $0x2800, $0x38;
	[tilespmem:$0x1E500] =	vst v63  }
0x51: {  	_ =	swait.ge [sflag:s14], $0x2800  }
0x52: {  	[sflag:s14] =	ssyncset.done $0x0  }
0x53: {  	s20 =	rddreg [dreg:$0x1f];
	[sflag:s14] =	ssyncadd.s32 $0xFFFFD800  }
0x54: {  	[spmem:s20] =	stream.linear.scatter [tilespmem:s13], [sflag:$0x9], $0x2800, $0x38;
	[tilespmem:$0x1E500] =	vst v63  }
0x55: {  	_ =	swait.ge [sflag:s14], $0x2800  }
0x56: {  	s22 =	sld [smem:$0x7FA]  }
0x57: {  	[sflag:s14] =	ssyncset.done $0x0  }
0x58: {  	[sflag:s14] =	ssyncadd.s32 $0xFFFFD800  }
0x59: {  	[spmem:s22] =	stream.linear.scatter [tilespmem:s13], [sflag:$0x9], $0x2800, $0x38;
	[tilespmem:$0x1E500] =	vst v63  }
0x5a: {  	_ =	swait.ge [sflag:s14], $0x2800  }
0x5b: {  	s28 =	sld [smem:$0x7FB]  }
0x5c: {  	[sflag:s14] =	ssyncset.done $0x0  }
0x5d: {  	[sflag:s14] =	ssyncadd.s32 $0xFFFFD800  }
0x5e: {  	[spmem:s28] =	stream.linear.scatter [tilespmem:s13], [sflag:$0x9], $0x2800, $0x38;
	[tilespmem:$0x1E500] =	vst v63  }
0x5f: {  	_ =	swait.ge [sflag:s14], $0x2800  }
0x60: {  	s12 =	sld [smem:$0x7FC]  }
0x61: {  	[sflag:s14] =	ssyncset.done $0x0  }
0x62: {  	[sflag:s14] =	ssyncadd.s32 $0xFFFFD800  }
0x63: {  	[spmem:s12] =	stream.linear.scatter [tilespmem:s13], [sflag:$0x9], $0x2000, $0x38;
	[tilespmem:$0x1E500] =	vst v63  }
0x64: {  	_ =	swait.ge [sflag:s14], $0x2000  }
0x65: {  	[sflag:s14] =	ssyncset.done $0x0  }
0x66: {  	s11 =	simm.s32 @!p0 $0x16480;
	[sflag:s14] =	ssyncadd.s32 $0xFFFFE000  }
0x67: {  	[spmem:s21] =	stream.linear.scatter @!p0 [tilespmem:s11], [sflag:$0x9], $0x800, $0x38;
	[tilespmem:$0x1E500] =	vst v63  }
0x68: {  	s11 =	simm.s32 @!p0 $0x9  }
0x69: {  	_ =	swait.ge @!p0 [sflag:s11], $0x800  }
0x6a: {  	[sflag:s11] =	ssyncset.done @!p0 $0x0  }
0x6b: {  	[sflag:s11] =	ssyncadd.s32 @!p0 $0xFFFFF800  }
0x6c: {  	[bflag:$0x0] =	sbarrier.arrive $0xFFFF  }
0x6d: {  	s12 =	simm.s32 $0x0;
	s17 =	rddreg [dreg:$0x12]  }
0x6e: {  	[tilespmem:s15], [sflag:$0x1] =	stream.linear.gather [hbm4b:s17+s12], $0x80, $0x38;
	[tilespmem:$0x1E500] =	vst v63  }
0x6f: {  	s20 =	rddreg [dreg:$0x13]  }
0x70: {  	[tilespmem:s16], [sflag:$0x1] =	stream.linear.gather [hbm4b:s20+s12], $0x80, $0x38;
	[tilespmem:$0x1E500] =	vst v63  }
0x71: {  	s21 =	rddreg [dreg:$0x14];
	s17 =	simm.s32 $0x16100  }
0x72: {  	[tilespmem:s17], [sflag:$0x2] =	stream.linear.gather [hbm4b:s21+s12], $0x80, $0x38;
	[tilespmem:$0x1E500] =	vst v63  }
0x73: {  	s28 =	simm.s32 $0x16300;
	s22 =	rddreg [dreg:$0x15]  }
0x74: {  	[tilespmem:s28], [sflag:$0x2] =	stream.linear.gather [hbm4b:s22+s12], $0x80, $0x38;
	[tilespmem:$0x1E500] =	vst v63  }
0x75: {  	s20 =	rddreg [dreg:$0x16];
	s21 =	simm.s32 $0x16180  }
0x76: {  	[tilespmem:s21], [sflag:$0x3] =	stream.linear.gather [hbm4b:s20+s12], $0x80, $0x38;
	[tilespmem:$0x1E500] =	vst v63  }
0x77: {  	s22 =	rddreg [dreg:$0x17];
	s28 =	simm.s32 $0x16380  }
0x78: {  	[tilespmem:s28], [sflag:$0x3] =	stream.linear.gather [hbm4b:s22+s12], $0x80, $0x38;
	[tilespmem:$0x1E500] =	vst v63  }
0x79: {  	s21 =	rddreg [dreg:$0x18]  }
0x7a: {  	[tilespmem:s23], [sflag:$0x4] =	stream.linear.gather [hbm4b:s21+s12], $0x80, $0x38;
	[tilespmem:$0x1E500] =	vst v63  }
0x7b: {  	s22 =	rddreg [dreg:$0x19]  }
0x7c: {  	[tilespmem:s24], [sflag:$0x4] =	stream.linear.gather [hbm4b:s22+s12], $0x80, $0x38;
	[tilespmem:$0x1E500] =	vst v63  }
0x7d: {  	_ =	swait.ge [sflag:s25], $0x80  }
0x7e: {  	[sflag:s25] =	ssyncset.done $0x0  }
0x7f: {  	[sflag:s25] =	ssyncadd.s32 $0xFFFFFF80  }
0x80: {  	_ =	swait.ge [sflag:s25], $0x80  }
0x81: {  	[sflag:s25] =	ssyncset.done $0x0  }
0x82: {  	s28 =	simm.s32 $0x2;
	[sflag:s25] =	ssyncadd.s32 $0xFFFFFF80  }
0x83: {  	[tilespmem:s13], [sflag:$0x5] =	stream.indirect.gather [hbm4b:s1+s26], $0x80, s15, s26, $0xb8;
	[tilespmem:$0x1E500] =	vst v63  }
0x84: {  	_ =	swait.ge [sflag:s28], $0x80  }
0x85: {  	[sflag:s28] =	ssyncset.done $0x0  }
0x86: {  	[sflag:s28] =	ssyncadd.s32 $0xFFFFFF80  }
0x87: {  	_ =	swait.ge [sflag:s28], $0x80  }
0x88: {  	[sflag:s28] =	ssyncset.done $0x0  }
0x89: {  	[sflag:s28] =	ssyncadd.s32 $0xFFFFFF80  }
0x8a: {  	[tilespmem:s29], [sflag:$0x6] =	stream.indirect.gather [hbm4b:s1+s26], $0x80, s17, s26, $0xb8;
	[tilespmem:$0x1E500] =	vst v63  }
0x8b: {  	_ =	swait.ge [sflag:s18], $0x2800  }
0x8c: {  	[sflag:s18] =	ssyncset.done $0x0  }
0x8d: {  	[sflag:s18] =	ssyncadd.s32 $0xFFFFD800  }
0x8e: {  	[spmem:s2] =	stream.indirect.scatter.add.f32 [tilespmem:s13], [sflag:$0x7], $0x80, s16, s26, $0xb8;
	[tilespmem:$0x1E500] =	vst v63  }
0x8f: {  	v2 =	vld [tilespmem:$0x16280];
	_ =	sdelay $0x7  }
0x90: {  	[tilespmem:v2+s5+$0x0] =	vst.idx.add.f32.msk $0xffff, v1  }
0x91: {  	v2 =	vld [tilespmem:$0x16290];
	_ =	sdelay $0x7  }
0x92: {  	[tilespmem:v2+s5+$0x0] =	vst.idx.add.f32.msk $0xffff, v1  }
0x93: {  	v2 =	vld [tilespmem:$0x162A0];
	_ =	sdelay $0x7  }
0x94: {  	[tilespmem:v2+s5+$0x0] =	vst.idx.add.f32.msk $0xffff, v1  }
0x95: {  	v2 =	vld [tilespmem:$0x162B0];
	_ =	sdelay $0x7  }
0x96: {  	[tilespmem:v2+s5+$0x0] =	vst.idx.add.f32.msk $0xffff, v1  }
0x97: {  	v2 =	vld [tilespmem:$0x162C0];
	_ =	sdelay $0x7  }
0x98: {  	[tilespmem:v2+s5+$0x0] =	vst.idx.add.f32.msk $0xffff, v1  }
.LBB2_6:
0x99: {  	_ =	swait.ge [sflag:s6], $0x80  }
0x9a: {  	[sflag:s6] =	ssyncset.done $0x0  }
0x9b: {  	[sflag:s6] =	ssyncadd.s32 $0xFFFFFF80  }
0x9c: {  	_ =	swait.ge [sflag:s6], $0x80  }
0x9d: {  	[sflag:s6] =	ssyncset.done $0x0  }
0x9e: {  	[sflag:s6] =	ssyncadd.s32 $0xFFFFFF80  }
0x9f: {  	_ =	swait.ge [sflag:s7], $0x2800  }
0xa0: {  	[sflag:s7] =	ssyncset.done $0x0  }
0xa1: {  	s11 =	simm.s32 $0x16180;
	[sflag:s7] =	ssyncadd.s32 $0xFFFFD800  }
0xa2: {  	[tilespmem:s13], [sflag:$0x5] =	stream.indirect.gather [hbm4b:s1+s26], $0x80, s11, s26, $0xb8;
	[tilespmem:$0x1E500] =	vst v63  }
0xa3: {  	_ =	swait.ge [sflag:s8], $0x2800  }
0xa4: {  	[sflag:s8] =	ssyncset.done $0x0  }
0xa5: {  	s17 =	simm.s32 $0x16300;
	[sflag:s8] =	ssyncadd.s32 $0xFFFFD800  }
0xa6: {  	[spmem:s2] =	stream.indirect.scatter.add.f32 [tilespmem:s29], [sflag:$0x8], $0x80, s17, s26, $0xb8;
	[tilespmem:$0x1E500] =	vst v63  }
0xa7: {  	v2 =	vld [tilespmem:$0x16300];
	_ =	sdelay $0x7  }
0xa8: {  	[tilespmem:v2+s5+$0x0] =	vst.idx.add.f32.msk $0xffff, v1  }
0xa9: {  	v2 =	vld [tilespmem:$0x16310];
	_ =	sdelay $0x7  }
0xaa: {  	[tilespmem:v2+s5+$0x0] =	vst.idx.add.f32.msk $0xffff, v1  }
0xab: {  	v2 =	vld [tilespmem:$0x16320];
	_ =	sdelay $0x7  }
0xac: {  	[tilespmem:v2+s5+$0x0] =	vst.idx.add.f32.msk $0xffff, v1  }
0xad: {  	v2 =	vld [tilespmem:$0x16330];
	_ =	sdelay $0x7  }
0xae: {  	[tilespmem:v2+s5+$0x0] =	vst.idx.add.f32.msk $0xffff, v1  }
0xaf: {  	v2 =	vld [tilespmem:$0x16340];
	_ =	sdelay $0x7  }
0xb0: {  	s20 =	sadd.s32 s12, s4;
	s28 =	sadd.s32 s12, s19;
	[tilespmem:v2+s5+$0x0] =	vst.idx.add.f32.msk $0xffff, v1  }
0xb1: {  	[tilespmem:s15], [sflag:$0x1] =	stream.linear.gather [hbm4b:s20+s3], $0x80, $0x38;
	[tilespmem:$0x1E500] =	vst v63  }
0xb2: {  	s21 =	sadd.s32 $0xFA40, s28  }
0xb3: {  	[tilespmem:s16], [sflag:$0x1] =	stream.linear.gather [hbm4b:s21+s3], $0x80, $0x38;
	[tilespmem:$0x1E500] =	vst v63  }
0xb4: {  	_ =	swait.ge [sflag:s9], $0x80  }
0xb5: {  	[sflag:s9] =	ssyncset.done $0x0  }
0xb6: {  	[sflag:s9] =	ssyncadd.s32 $0xFFFFFF80  }
0xb7: {  	_ =	swait.ge [sflag:s9], $0x80  }
0xb8: {  	[sflag:s9] =	ssyncset.done $0x0  }
0xb9: {  	[sflag:s9] =	ssyncadd.s32 $0xFFFFFF80  }
0xba: {  	_ =	swait.ge [sflag:s10], $0x2800  }
0xbb: {  	[sflag:s10] =	ssyncset.done $0x0  }
0xbc: {  	[sflag:s10] =	ssyncadd.s32 $0xFFFFD800  }
0xbd: {  	[tilespmem:s29], [sflag:$0x6] =	stream.indirect.gather [hbm4b:s1+s26], $0x80, s23, s26, $0xb8;
	[tilespmem:$0x1E500] =	vst v63  }
0xbe: {  	_ =	swait.ge [sflag:s18], $0x2800  }
0xbf: {  	[sflag:s18] =	ssyncset.done $0x0  }
0xc0: {  	s22 =	simm.s32 $0x16380;
	[sflag:s18] =	ssyncadd.s32 $0xFFFFD800  }
0xc1: {  	[spmem:s2] =	stream.indirect.scatter.add.f32 [tilespmem:s13], [sflag:$0x7], $0x80, s22, s26, $0xb8;
	[tilespmem:$0x1E500] =	vst v63  }
0xc2: {  	v2 =	vld [tilespmem:$0x16380];
	_ =	sdelay $0x7  }
0xc3: {  	[tilespmem:v2+s5+$0x0] =	vst.idx.add.f32.msk $0xffff, v1  }
0xc4: {  	v2 =	vld [tilespmem:$0x16390];
	_ =	sdelay $0x7  }
0xc5: {  	[tilespmem:v2+s5+$0x0] =	vst.idx.add.f32.msk $0xffff, v1  }
0xc6: {  	v2 =	vld [tilespmem:$0x163A0];
	_ =	sdelay $0x7  }
0xc7: {  	[tilespmem:v2+s5+$0x0] =	vst.idx.add.f32.msk $0xffff, v1  }
0xc8: {  	v2 =	vld [tilespmem:$0x163B0];
	_ =	sdelay $0x7  }
0xc9: {  	[tilespmem:v2+s5+$0x0] =	vst.idx.add.f32.msk $0xffff, v1  }
0xca: {  	v2 =	vld [tilespmem:$0x163C0];
	_ =	sdelay $0x6  }
0xcb: {  	p1 =	seq.s32 s12, $0x780  }
0xcc: {  	s11 =	sadd.s32 @!p1 s12, s0;
	s17 =	simm.s32 @!p1 $0x0;
	s20 =	simm.s32 @!p1 $0x16100;
	[tilespmem:v2+s5+$0x0] =	vst.idx.add.f32.msk $0xffff, v1  }
0xcd: {  	[tilespmem:s20], [sflag:$0x2] =	stream.linear.gather @!p1 [hbm4b:s11+s17], $0x80, $0x38;
	[tilespmem:$0x1E500] =	vst v63  }
0xce: {  	s11 =	sadd.s32 @!p1 s12, s19  }
0xcf: {  	s22 =	simm.s32 @!p1 $0x16300;
	s21 =	sadd.s32 @!p1 $0xFA50, s11  }
0xd0: {  	[tilespmem:s22], [sflag:$0x2] =	stream.linear.gather @!p1 [hbm4b:s21+s17], $0x80, $0x38;
	[tilespmem:$0x1E500] =	vst v63  }
0xd1: {  	_ =	swait.ge [sflag:s25], $0x80  }
0xd2: {  	[sflag:s25] =	ssyncset.done $0x0  }
0xd3: {  	[sflag:s25] =	ssyncadd.s32 $0xFFFFFF80  }
0xd4: {  	_ =	swait.ge [sflag:s25], $0x80  }
0xd5: {  	[sflag:s25] =	ssyncset.done $0x0  }
0xd6: {  	[sflag:s25] =	ssyncadd.s32 $0xFFFFFF80  }
0xd7: {  	_ =	swait.ge [sflag:s7], $0x2800  }
0xd8: {  	[sflag:s7] =	ssyncset.done $0x0  }
0xd9: {  	[sflag:s7] =	ssyncadd.s32 $0xFFFFD800  }
0xda: {  	[tilespmem:s13], [sflag:$0x5] =	stream.indirect.gather [hbm4b:s1+s26], $0x80, s15, s26, $0xb8;
	[tilespmem:$0x1E500] =	vst v63  }
0xdb: {  	_ =	swait.ge [sflag:s8], $0x2800  }
0xdc: {  	[sflag:s8] =	ssyncset.done $0x0  }
0xdd: {  	[sflag:s8] =	ssyncadd.s32 $0xFFFFD800  }
0xde: {  	[spmem:s2] =	stream.indirect.scatter.add.f32 [tilespmem:s29], [sflag:$0x8], $0x80, s24, s26, $0xb8;
	[tilespmem:$0x1E500] =	vst v63  }
0xdf: {  	v2 =	vld [tilespmem:$0x16400];
	_ =	sdelay $0x7  }
0xe0: {  	[tilespmem:v2+s5+$0x0] =	vst.idx.add.f32.msk $0xffff, v1  }
0xe1: {  	v2 =	vld [tilespmem:$0x16410];
	_ =	sdelay $0x7  }
0xe2: {  	[tilespmem:v2+s5+$0x0] =	vst.idx.add.f32.msk $0xffff, v1  }
0xe3: {  	v2 =	vld [tilespmem:$0x16420];
	_ =	sdelay $0x7  }
0xe4: {  	[tilespmem:v2+s5+$0x0] =	vst.idx.add.f32.msk $0xffff, v1  }
0xe5: {  	v2 =	vld [tilespmem:$0x16430];
	_ =	sdelay $0x7  }
0xe6: {  	[tilespmem:v2+s5+$0x0] =	vst.idx.add.f32.msk $0xffff, v1  }
0xe7: {  	v2 =	vld [tilespmem:$0x16440];
	_ =	sdelay $0x7  }
0xe8: {  	s21 =	simm.s32 @p1 $0x8;
	[tilespmem:v2+s5+$0x0] =	vst.idx.add.f32.msk $0xffff, v1  }
0xe9: {  	_ =	swait.ge @p1 [sflag:s21], $0x2800  }
0xea: {  	[sflag:s21] =	ssyncset.done @p1 $0x0  }
0xeb: {  	s22 =	simm.s32 @!p1 $0x16180;
	[sflag:s21] =	ssyncadd.s32 @p1 $0xFFFFD800;
	s21 =	sadd.s32 @!p1 s12, s31  }
0xec: {  	[tilespmem:s22], [sflag:$0x3] =	stream.linear.gather @!p1 [hbm4b:s21+s17], $0x80, $0x38;
	[tilespmem:$0x1E500] =	vst v63  }
0xed: {  	s11 =	sadd.s32 @!p1 $0xFA60, s11;
	s21 =	simm.s32 @!p1 $0x16380  }
0xee: {  	[tilespmem:s21], [sflag:$0x3] =	stream.linear.gather @!p1 [hbm4b:s11+s17], $0x80, $0x38;
	[tilespmem:$0x1E500] =	vst v63  }
0xef: {  	s11 =	simm.s32 @!p1 $0x2  }
0xf0: {  	_ =	swait.ge @!p1 [sflag:s11], $0x80  }
0xf1: {  	[sflag:s11] =	ssyncset.done @!p1 $0x0  }
0xf2: {  	[sflag:s11] =	ssyncadd.s32 @!p1 $0xFFFFFF80  }
0xf3: {  	_ =	swait.ge @!p1 [sflag:s11], $0x80  }
0xf4: {  	[sflag:s11] =	ssyncset.done @!p1 $0x0  }
0xf5: {  	[sflag:s11] =	ssyncadd.s32 @!p1 $0xFFFFFF80;
	s11 =	simm.s32 @!p1 $0x8  }
0xf6: {  	_ =	swait.ge @!p1 [sflag:s11], $0x2800  }
0xf7: {  	[sflag:s11] =	ssyncset.done @!p1 $0x0  }
0xf8: {  	s17 =	simm.s32 @!p1 $0x18C80;
	[sflag:s11] =	ssyncadd.s32 @!p1 $0xFFFFD800;
	s11 =	simm.s32 @!p1 $0x50  }
0xf9: {  	[tilespmem:s17], [sflag:$0x6] =	stream.indirect.gather @!p1 [hbm4b:s1+s11], $0x80, s20, s11, $0xb8;
	[tilespmem:$0x1E500] =	vst v63  }
0xfa: {  	_ =	swait.ge [sflag:s18], $0x2800  }
0xfb: {  	[sflag:s18] =	ssyncset.done $0x0  }
0xfc: {  	[sflag:s18] =	ssyncadd.s32 $0xFFFFD800  }
0xfd: {  	[spmem:s2] =	stream.indirect.scatter.add.f32 [tilespmem:s13], [sflag:$0x7], $0x80, s16, s26, $0xb8;
	[tilespmem:$0x1E500] =	vst v63  }
0xfe: {  	v2 =	vld [tilespmem:$0x16280];
	_ =	sdelay $0x7  }
0xff: {  	[tilespmem:v2+s5+$0x0] =	vst.idx.add.f32.msk $0xffff, v1  }
0x100: {  	v2 =	vld [tilespmem:$0x16290];
	_ =	sdelay $0x7  }
0x101: {  	[tilespmem:v2+s5+$0x0] =	vst.idx.add.f32.msk $0xffff, v1  }
0x102: {  	v2 =	vld [tilespmem:$0x162A0];
	_ =	sdelay $0x7  }
0x103: {  	[tilespmem:v2+s5+$0x0] =	vst.idx.add.f32.msk $0xffff, v1  }
0x104: {  	v2 =	vld [tilespmem:$0x162B0];
	_ =	sdelay $0x7  }
0x105: {  	[tilespmem:v2+s5+$0x0] =	vst.idx.add.f32.msk $0xffff, v1  }
0x106: {  	v2 =	vld [tilespmem:$0x162C0];
	_ =	sdelay $0x3  }
.Ltmp2:
0x107: {  	_ = 	snop;
	(pc) =	sbr.rel @p1 .LBB2_8-.Ltmp2, $2  }
0x108: {  	_ =	sdelay $0x2  }
0x109: {  	[tilespmem:v2+s5+$0x0] =	vst.idx.add.f32.msk $0xffff, v1  }
.Ltmp3:
0x10a: {  	(pc) =	sbr.rel .LBB2_6-.Ltmp3, $4  }
0x10b: {  	s11 =	sadd.s32 s12, s30  }
0x10c: {  	[tilespmem:s23], [sflag:$0x4] =	stream.linear.gather [hbm4b:s11+s3], $0x80, $0x38;
	[tilespmem:$0x1E500] =	vst v63  }
0x10d: {  	s28 =	sadd.s32 $0xFA70, s28;
	s12 =	sadd.s32 $0x40, s12  }
0x10e: {  	[tilespmem:s24], [sflag:$0x4] =	stream.linear.gather [hbm4b:s28+s3], $0x80, $0x38;
	[tilespmem:$0x1E500] =	vst v63  }
.LBB2_8:
0x10f: {  	_ =	swait.ge [sflag:s7], $0x2800  }
0x110: {  	s12 =	simm.s32 $0x80;
	[sflag:s7] =	ssyncset.done $0x0  }
0x111: {  	s22 =	simm.s32 $0x400;
	s11 =	rddreg [dreg:$0x5];
	[sflag:s7] =	ssyncadd.s32 $0xFFFFD800  }
0x112: {  	[spmem:s11] =	stream.strided.scatter [tilespmem:s5], [sflag:$0x9], $0x2800, s22, s12, $0x38;
	[tilespmem:$0x1E500] =	vst v63  }
0x113: {  	_ =	swait.ge [sflag:s14], $0x2800  }
0x114: {  	[sflag:s14] =	ssyncset.done $0x0  }
0x115: {  	[sflag:s14] =	ssyncadd.s32 $0xFFFFD800  }
0x116: {  	[bflag:$0x0] =	sbarrier.arrive $0xFFFF  }
0x117: {  	s21 =	simm.s32 $0x14000;
	s17 =	simm.s32 $0x1DC80;
	s20 =	rddreg [dreg:$0x6]  }
0x118: {  	[tilespmem:s17], [sflag:$0x9] =	stream.strided.gather [spmem:s20], $0x800, s21, s22, $0x38;
	[tilespmem:$0x1E500] =	vst v63  }
0x119: {  	_ =	swait.ge [sflag:s14], $0x800  }
0x11a: {  	[sflag:s14] =	ssyncset.done $0x0  }
0x11b: {  	s28 =	simm.s32 $0x0;
	[sflag:s14] =	ssyncadd.s32 $0xFFFFF800  }
0x11c: {  	v2 =	vld [tilespmem:s28+$0x1DC80]  }
0x11d: {  	v3 =	vld [tilespmem:s28+$0x1DD00];
	_ =	sdelay $0x1  }
0x11e: {  	v4 =	vld [tilespmem:s28+$0x1DD80];
	_ =	sdelay $0x1  }
0x11f: {  	v5 =	vld [tilespmem:s28+$0x1DE00]  }
0x120: {  	v2 =	vadd.f32 v3, v2  }
0x121: {  	v3 =	vld [tilespmem:s28+$0x1DE80]  }
0x122: {  	v2 =	vadd.f32 v4, v2  }
0x123: {  	v4 =	vld [tilespmem:s28+$0x1DF00]  }
0x124: {  	v2 =	vadd.f32 v5, v2  }
0x125: {  	v5 =	vld [tilespmem:s28+$0x1DF80]  }
0x126: {  	v2 =	vadd.f32 v3, v2  }
0x127: {  	v3 =	vld [tilespmem:s28+$0x1E000]  }
0x128: {  	s12 =	simm.s32 $0x10;
	v6 =	vld [tilespmem:s28+$0x1E080];
	v2 =	vadd.f32 v4, v2  }
0x129: {  	v7 =	vld [tilespmem:s12+$0x1DC80]  }
0x12a: {  	v4 =	vld [tilespmem:s28+$0x1E100];
	v2 =	vadd.f32 v5, v2  }
0x12b: {  	v5 =	vld [tilespmem:s12+$0x1DD00]  }
0x12c: {  	v8 =	vld [tilespmem:s12+$0x1DD80];
	v2 =	vadd.f32 v3, v2  }
0x12d: {  	v3 =	vld [tilespmem:s28+$0x1E180]  }
0x12e: {  	v9 =	vld [tilespmem:s12+$0x1DE00];
	v2 =	vadd.f32 v6, v2  }
0x12f: {  	v6 =	vld [tilespmem:s28+$0x1E200]  }
0x130: {  	v5 =	vadd.f32 v5, v7;
	v7 =	vld [tilespmem:s12+$0x1DE80];
	v2 =	vadd.f32 v4, v2  }
0x131: {  	v4 =	vld [tilespmem:s28+$0x1E280]  }
0x132: {  	v5 =	vadd.f32 v8, v5;
	v8 =	vld [tilespmem:s12+$0x1DF00];
	v2 =	vadd.f32 v3, v2  }
0x133: {  	v3 =	vld [tilespmem:s28+$0x1E300]  }
0x134: {  	v10 =	vld [tilespmem:s12+$0x1DF80];
	v5 =	vadd.f32 v9, v5;
	v2 =	vadd.f32 v6, v2  }
0x135: {  	v9 =	vld [tilespmem:s28+$0x1E380]  }
0x136: {  	v6 =	vadd.f32 v7, v5;
	v5 =	vld [tilespmem:s12+$0x1E000];
	v7 =	vadd.f32 v4, v2  }
0x137: {  	v4 =	vld [tilespmem:s28+$0x1E400]  }
0x138: {  	v2 =	vld [tilespmem:s12+$0x1E100];
	v8 =	vadd.f32 v8, v6;
	v11 =	vadd.f32 v3, v7  }
0x139: {  	s11 =	simm.s32 $0x20;
	v6 =	vld [tilespmem:s12+$0x1E080]  }
0x13a: {  	s17 =	simm.s32 $0xC0;
	v3 =	vld [tilespmem:s11+$0x1DC80];
	v7 =	vadd.f32 v10, v8;
	v8 =	vadd.f32 v9, v11  }
.LBB2_9:
0x13b: {  	p1 =	sne.s32 s17, $0x1C0;
	v9 =	vld [tilespmem:s11+$0x1DD00]  }
0x13c: {  	v5 =	vadd.f32 v5, v7;
	v7 =	vld [tilespmem:s12+$0x1E180];
	v4 =	vadd.f32 v4, v8  }
0x13d: {  	v8 =	vld [tilespmem:s11+$0x1DD80]  }
0x13e: {  	v5 =	vadd.f32 v6, v5;
	v6 =	vld [tilespmem:s12+$0x1E200];
	[tilespmem:s28+$0x1E480] =	vst v4;
	s28 =	smov.u32 s12;
	s12 =	smov.u32 s11  }
0x13f: {  	v4 =	vld [tilespmem:s12+$0x1DE00]  }
0x140: {  	v3 =	vadd.f32 v9, v3;
	v2 =	vadd.f32 v2, v5;
	v5 =	vld [tilespmem:s28+$0x1E280]  }
0x141: {  	v9 =	vld [tilespmem:s12+$0x1DE80]  }
0x142: {  	v3 =	vadd.f32 v8, v3;
	v2 =	vadd.f32 v7, v2;
	v7 =	vld [tilespmem:s28+$0x1E300]  }
0x143: {  	v8 =	vld [tilespmem:s12+$0x1DF00]  }
0x144: {  	v3 =	vadd.f32 v4, v3;
	v2 =	vadd.f32 v6, v2;
	v10 =	vld [tilespmem:s28+$0x1E380]  }
0x145: {  	v11 =	vld [tilespmem:s12+$0x1DF80]  }
.Ltmp4:
0x146: {  	v3 =	vadd.f32 v9, v3;
	v6 =	vadd.f32 v5, v2;
	v4 =	vld [tilespmem:s28+$0x1E400];
	(pc) =	sbr.rel @p1 .LBB2_9-.Ltmp4, $4  }
0x147: {  	v5 =	vld [tilespmem:s12+$0x1E000]  }
0x148: {  	v8 =	vadd.f32 v8, v3;
	v2 =	vld [tilespmem:s12+$0x1E100];
	v9 =	vadd.f32 v7, v6  }
0x149: {  	s11 =	sshra.s32 s17, $0x2;
	v6 =	vld [tilespmem:s12+$0x1E080]  }
0x14a: {  	s17 =	sadd.s32 $0x40, s17;
	v3 =	vld [tilespmem:s11+$0x1DC80];
	v7 =	vadd.f32 v11, v8;
	v8 =	vadd.f32 v10, v9  }
0x14b: {  	v9 =	vld [tilespmem:s11+$0x1DD00]  }
0x14c: {  	v10 =	vld [tilespmem:s12+$0x1E180];
	v4 =	vadd.f32 v4, v8  }
0x14d: {  	v8 =	vld [tilespmem:s11+$0x1DD80]  }
0x14e: {  	v11 =	vld [tilespmem:s12+$0x1E200];
	v5 =	vadd.f32 v5, v7;
	[tilespmem:s28+$0x1E480] =	vst v4  }
0x14f: {  	v4 =	vld [tilespmem:s11+$0x1DE00]  }
0x150: {  	v5 =	vadd.f32 v6, v5;
	v3 =	vadd.f32 v9, v3  }
0x151: {  	v6 =	vld [tilespmem:s11+$0x1DE80]  }
0x152: {  	v7 =	vld [tilespmem:s11+$0x1DF00];
	v2 =	vadd.f32 v2, v5;
	v3 =	vadd.f32 v8, v3  }
0x153: {  	v5 =	vld [tilespmem:s12+$0x1E280]  }
0x154: {  	v2 =	vadd.f32 v10, v2;
	v8 =	vld [tilespmem:s12+$0x1E300];
	v3 =	vadd.f32 v4, v3  }
0x155: {  	v4 =	vld [tilespmem:s11+$0x1DF80]  }
0x156: {  	v9 =	vld [tilespmem:s12+$0x1E380];
	v2 =	vadd.f32 v11, v2;
	v3 =	vadd.f32 v6, v3  }
0x157: {  	v6 =	vld [tilespmem:s11+$0x1E000]  }
0x158: {  	v2 =	vadd.f32 v5, v2;
	v5 =	vld [tilespmem:s12+$0x1E400];
	v3 =	vadd.f32 v7, v3  }
0x159: {  	v7 =	vld [tilespmem:s11+$0x1E080]  }
0x15a: {  	v2 =	vadd.f32 v8, v2;
	v3 =	vadd.f32 v4, v3  }
0x15b: {  	v4 =	vld [tilespmem:s11+$0x1E100]  }
0x15c: {  	v2 =	vadd.f32 v9, v2;
	v3 =	vadd.f32 v6, v3  }
0x15d: {  	v6 =	vld [tilespmem:s11+$0x1E180]  }
0x15e: {  	v2 =	vadd.f32 v5, v2;
	v3 =	vadd.f32 v7, v3  }
0x15f: {  	v5 =	vld [tilespmem:s11+$0x1E200]  }
0x160: {  	[tilespmem:s12+$0x1E480] =	vst v2;
	v2 =	vadd.f32 v4, v3  }
0x161: {  	v3 =	vld [tilespmem:s11+$0x1E280]  }
0x162: {  	v2 =	vadd.f32 v6, v2  }
0x163: {  	v4 =	vld [tilespmem:s11+$0x1E300]  }
0x164: {  	v2 =	vadd.f32 v5, v2  }
0x165: {  	v5 =	vld [tilespmem:s11+$0x1E380]  }
0x166: {  	v2 =	vadd.f32 v3, v2  }
0x167: {  	v3 =	vld [tilespmem:s11+$0x1E400]  }
0x168: {  	v2 =	vadd.f32 v4, v2;
	_ =	sdelay $0x1  }
0x169: {  	v2 =	vadd.f32 v5, v2;
	_ =	sdelay $0x1  }
0x16a: {  	v2 =	vadd.f32 v3, v2;
	_ =	sdelay $0x1  }
0x16b: {  	s20 =	simm.s32 $0x0;
	s21 =	rddreg [dreg:$0x7];
	s17 =	simm.s32 $0x1E480;
	[tilespmem:s11+$0x1E480] =	vst v2  }
0x16c: {  	[hbm4b:s21+s20] =	stream.linear.scatter [tilespmem:s17], [sflag:$0x9], $0x80, $0x38;
	[tilespmem:$0x1E500] =	vst v63  }
0x16d: {  	_ =	swait.ge [sflag:s14], $0x80  }
0x16e: {  	s20 =	simm.s32 $0x14000;
	[sflag:s14] =	ssyncset.done $0x0  }
0x16f: {  	s21 =	simm.s32 $0x1DC80;
	s17 =	rddreg [dreg:$0x8];
	[sflag:s14] =	ssyncadd.s32 $0xFFFFFF80  }
0x170: {  	[tilespmem:s21], [sflag:$0x9] =	stream.strided.gather [spmem:s17], $0x800, s20, s22, $0x38;
	[tilespmem:$0x1E500] =	vst v63  }
0x171: {  	_ =	swait.ge [sflag:s14], $0x800  }
0x172: {  	[sflag:s14] =	ssyncset.done $0x0  }
0x173: {  	s28 =	simm.s32 $0x0;
	[sflag:s14] =	ssyncadd.s32 $0xFFFFF800  }
0x174: {  	v2 =	vld [tilespmem:s28+$0x1DC80]  }
0x175: {  	v3 =	vld [tilespmem:s28+$0x1DD00];
	_ =	sdelay $0x1  }
0x176: {  	v4 =	vld [tilespmem:s28+$0x1DD80];
	_ =	sdelay $0x1  }
0x177: {  	v5 =	vld [tilespmem:s28+$0x1DE00]  }
0x178: {  	v2 =	vadd.f32 v3, v2  }
0x179: {  	v3 =	vld [tilespmem:s28+$0x1DE80]  }
0x17a: {  	v2 =	vadd.f32 v4, v2  }
0x17b: {  	v4 =	vld [tilespmem:s28+$0x1DF00]  }
0x17c: {  	v2 =	vadd.f32 v5, v2  }
0x17d: {  	v5 =	vld [tilespmem:s28+$0x1DF80]  }
0x17e: {  	v2 =	vadd.f32 v3, v2  }
0x17f: {  	v3 =	vld [tilespmem:s28+$0x1E000]  }
0x180: {  	s12 =	simm.s32 $0x10;
	v6 =	vld [tilespmem:s28+$0x1E080];
	v2 =	vadd.f32 v4, v2  }
0x181: {  	v7 =	vld [tilespmem:s12+$0x1DC80]  }
0x182: {  	v4 =	vld [tilespmem:s28+$0x1E100];
	v2 =	vadd.f32 v5, v2  }
0x183: {  	v5 =	vld [tilespmem:s12+$0x1DD00]  }
0x184: {  	v8 =	vld [tilespmem:s12+$0x1DD80];
	v2 =	vadd.f32 v3, v2  }
0x185: {  	v3 =	vld [tilespmem:s28+$0x1E180]  }
0x186: {  	v9 =	vld [tilespmem:s12+$0x1DE00];
	v2 =	vadd.f32 v6, v2  }
0x187: {  	v6 =	vld [tilespmem:s28+$0x1E200]  }
0x188: {  	v5 =	vadd.f32 v5, v7;
	v7 =	vld [tilespmem:s12+$0x1DE80];
	v2 =	vadd.f32 v4, v2  }
0x189: {  	v4 =	vld [tilespmem:s28+$0x1E280]  }
0x18a: {  	v5 =	vadd.f32 v8, v5;
	v8 =	vld [tilespmem:s12+$0x1DF00];
	v2 =	vadd.f32 v3, v2  }
0x18b: {  	v3 =	vld [tilespmem:s28+$0x1E300]  }
0x18c: {  	v10 =	vld [tilespmem:s12+$0x1DF80];
	v5 =	vadd.f32 v9, v5;
	v2 =	vadd.f32 v6, v2  }
0x18d: {  	v9 =	vld [tilespmem:s28+$0x1E380]  }
0x18e: {  	v6 =	vadd.f32 v7, v5;
	v5 =	vld [tilespmem:s12+$0x1E000];
	v7 =	vadd.f32 v4, v2  }
0x18f: {  	v4 =	vld [tilespmem:s28+$0x1E400]  }
0x190: {  	v2 =	vld [tilespmem:s12+$0x1E100];
	v8 =	vadd.f32 v8, v6;
	v11 =	vadd.f32 v3, v7  }
0x191: {  	s11 =	simm.s32 $0x20;
	s20 =	rddreg [dreg:$0x11];
	v6 =	vld [tilespmem:s12+$0x1E080]  }
0x192: {  	s17 =	simm.s32 $0xC0;
	s21 =	sld [smem:$0x7FD];
	v3 =	vld [tilespmem:s11+$0x1DC80];
	v7 =	vadd.f32 v10, v8;
	v8 =	vadd.f32 v9, v11  }
.LBB2_11:
0x193: {  	p1 =	sne.s32 s17, $0x1C0;
	v9 =	vld [tilespmem:s11+$0x1DD00]  }
0x194: {  	v5 =	vadd.f32 v5, v7;
	v7 =	vld [tilespmem:s12+$0x1E180];
	v4 =	vadd.f32 v4, v8  }
0x195: {  	v8 =	vld [tilespmem:s11+$0x1DD80]  }
0x196: {  	v5 =	vadd.f32 v6, v5;
	v6 =	vld [tilespmem:s12+$0x1E200];
	[tilespmem:s28+$0x1E480] =	vst v4;
	s28 =	smov.u32 s12;
	s12 =	smov.u32 s11  }
0x197: {  	v4 =	vld [tilespmem:s12+$0x1DE00]  }
0x198: {  	v3 =	vadd.f32 v9, v3;
	v2 =	vadd.f32 v2, v5;
	v5 =	vld [tilespmem:s28+$0x1E280]  }
0x199: {  	v9 =	vld [tilespmem:s12+$0x1DE80]  }
0x19a: {  	v3 =	vadd.f32 v8, v3;
	v2 =	vadd.f32 v7, v2;
	v7 =	vld [tilespmem:s28+$0x1E300]  }
0x19b: {  	v8 =	vld [tilespmem:s12+$0x1DF00]  }
0x19c: {  	v3 =	vadd.f32 v4, v3;
	v2 =	vadd.f32 v6, v2;
	v10 =	vld [tilespmem:s28+$0x1E380]  }
0x19d: {  	v11 =	vld [tilespmem:s12+$0x1DF80]  }
.Ltmp5:
0x19e: {  	v3 =	vadd.f32 v9, v3;
	v6 =	vadd.f32 v5, v2;
	v4 =	vld [tilespmem:s28+$0x1E400];
	(pc) =	sbr.rel @p1 .LBB2_11-.Ltmp5, $4  }
0x19f: {  	v5 =	vld [tilespmem:s12+$0x1E000]  }
0x1a0: {  	v8 =	vadd.f32 v8, v3;
	v2 =	vld [tilespmem:s12+$0x1E100];
	v9 =	vadd.f32 v7, v6  }
0x1a1: {  	s11 =	sshra.s32 s17, $0x2;
	v6 =	vld [tilespmem:s12+$0x1E080]  }
0x1a2: {  	s17 =	sadd.s32 $0x40, s17;
	v3 =	vld [tilespmem:s11+$0x1DC80];
	v7 =	vadd.f32 v11, v8;
	v8 =	vadd.f32 v10, v9  }
0x1a3: {  	v9 =	vld [tilespmem:s11+$0x1DD00]  }
0x1a4: {  	v10 =	vld [tilespmem:s12+$0x1E180];
	v4 =	vadd.f32 v4, v8  }
0x1a5: {  	v8 =	vld [tilespmem:s11+$0x1DD80]  }
0x1a6: {  	v11 =	vld [tilespmem:s12+$0x1E200];
	v5 =	vadd.f32 v5, v7;
	[tilespmem:s28+$0x1E480] =	vst v4  }
0x1a7: {  	v4 =	vld [tilespmem:s11+$0x1DE00]  }
0x1a8: {  	v5 =	vadd.f32 v6, v5;
	v3 =	vadd.f32 v9, v3  }
0x1a9: {  	v6 =	vld [tilespmem:s11+$0x1DE80]  }
0x1aa: {  	v7 =	vld [tilespmem:s11+$0x1DF00];
	v2 =	vadd.f32 v2, v5;
	v3 =	vadd.f32 v8, v3  }
0x1ab: {  	v5 =	vld [tilespmem:s12+$0x1E280]  }
0x1ac: {  	v2 =	vadd.f32 v10, v2;
	v8 =	vld [tilespmem:s12+$0x1E300];
	v3 =	vadd.f32 v4, v3  }
0x1ad: {  	v4 =	vld [tilespmem:s11+$0x1DF80]  }
0x1ae: {  	v9 =	vld [tilespmem:s12+$0x1E380];
	v2 =	vadd.f32 v11, v2;
	v3 =	vadd.f32 v6, v3  }
0x1af: {  	v6 =	vld [tilespmem:s11+$0x1E000]  }
0x1b0: {  	v2 =	vadd.f32 v5, v2;
	v5 =	vld [tilespmem:s12+$0x1E400];
	v3 =	vadd.f32 v7, v3  }
0x1b1: {  	v7 =	vld [tilespmem:s11+$0x1E080]  }
0x1b2: {  	v2 =	vadd.f32 v8, v2;
	v3 =	vadd.f32 v4, v3  }
0x1b3: {  	v4 =	vld [tilespmem:s11+$0x1E100]  }
0x1b4: {  	v2 =	vadd.f32 v9, v2;
	v3 =	vadd.f32 v6, v3  }
0x1b5: {  	v6 =	vld [tilespmem:s11+$0x1E180]  }
0x1b6: {  	v2 =	vadd.f32 v5, v2;
	v3 =	vadd.f32 v7, v3  }
0x1b7: {  	v5 =	vld [tilespmem:s11+$0x1E200]  }
0x1b8: {  	[tilespmem:s12+$0x1E480] =	vst v2;
	v2 =	vadd.f32 v4, v3  }
0x1b9: {  	v3 =	vld [tilespmem:s11+$0x1E280]  }
0x1ba: {  	v2 =	vadd.f32 v6, v2  }
0x1bb: {  	v4 =	vld [tilespmem:s11+$0x1E300]  }
0x1bc: {  	v2 =	vadd.f32 v5, v2  }
0x1bd: {  	v5 =	vld [tilespmem:s11+$0x1E380]  }
0x1be: {  	v2 =	vadd.f32 v3, v2  }
0x1bf: {  	v3 =	vld [tilespmem:s11+$0x1E400]  }
0x1c0: {  	v2 =	vadd.f32 v4, v2;
	_ =	sdelay $0x1  }
0x1c1: {  	v2 =	vadd.f32 v5, v2;
	_ =	sdelay $0x1  }
0x1c2: {  	v2 =	vadd.f32 v3, v2;
	_ =	sdelay $0x1  }
0x1c3: {  	s17 =	simm.s32 $0x1E480;
	s12 =	rddreg [dreg:$0x9];
	[tilespmem:s11+$0x1E480] =	vst v2;
	s11 =	simm.s32 $0x0  }
0x1c4: {  	[hbm4b:s12+s11] =	stream.linear.scatter [tilespmem:s17], [sflag:$0x9], $0x80, $0x38;
	[tilespmem:$0x1E500] =	vst v63  }
0x1c5: {  	_ =	swait.ge [sflag:s14], $0x80  }
0x1c6: {  	s12 =	simm.s32 $0x14000;
	[sflag:s14] =	ssyncset.done $0x0  }
0x1c7: {  	s17 =	simm.s32 $0x1DC80;
	s11 =	rddreg [dreg:$0xa];
	[sflag:s14] =	ssyncadd.s32 $0xFFFFFF80  }
0x1c8: {  	[tilespmem:s17], [sflag:$0x9] =	stream.strided.gather [spmem:s11], $0x800, s12, s22, $0x38;
	[tilespmem:$0x1E500] =	vst v63  }
0x1c9: {  	_ =	swait.ge [sflag:s14], $0x800  }
0x1ca: {  	[sflag:s14] =	ssyncset.done $0x0  }
0x1cb: {  	s28 =	simm.s32 $0x0;
	[sflag:s14] =	ssyncadd.s32 $0xFFFFF800  }
0x1cc: {  	v2 =	vld [tilespmem:s28+$0x1DC80]  }
0x1cd: {  	v3 =	vld [tilespmem:s28+$0x1DD00];
	_ =	sdelay $0x1  }
0x1ce: {  	v4 =	vld [tilespmem:s28+$0x1DD80];
	_ =	sdelay $0x1  }
0x1cf: {  	v5 =	vld [tilespmem:s28+$0x1DE00]  }
0x1d0: {  	v2 =	vadd.f32 v3, v2  }
0x1d1: {  	v3 =	vld [tilespmem:s28+$0x1DE80]  }
0x1d2: {  	v2 =	vadd.f32 v4, v2  }
0x1d3: {  	v4 =	vld [tilespmem:s28+$0x1DF00]  }
0x1d4: {  	v2 =	vadd.f32 v5, v2  }
0x1d5: {  	v5 =	vld [tilespmem:s28+$0x1DF80]  }
0x1d6: {  	v2 =	vadd.f32 v3, v2  }
0x1d7: {  	v3 =	vld [tilespmem:s28+$0x1E000]  }
0x1d8: {  	s12 =	simm.s32 $0x10;
	v6 =	vld [tilespmem:s28+$0x1E080];
	v2 =	vadd.f32 v4, v2  }
0x1d9: {  	v7 =	vld [tilespmem:s12+$0x1DC80]  }
0x1da: {  	v4 =	vld [tilespmem:s28+$0x1E100];
	v2 =	vadd.f32 v5, v2  }
0x1db: {  	v5 =	vld [tilespmem:s12+$0x1DD00]  }
0x1dc: {  	v8 =	vld [tilespmem:s12+$0x1DD80];
	v2 =	vadd.f32 v3, v2  }
0x1dd: {  	v3 =	vld [tilespmem:s28+$0x1E180]  }
0x1de: {  	v9 =	vld [tilespmem:s12+$0x1DE00];
	v2 =	vadd.f32 v6, v2  }
0x1df: {  	v6 =	vld [tilespmem:s28+$0x1E200]  }
0x1e0: {  	v5 =	vadd.f32 v5, v7;
	v7 =	vld [tilespmem:s12+$0x1DE80];
	v2 =	vadd.f32 v4, v2  }
0x1e1: {  	v4 =	vld [tilespmem:s28+$0x1E280]  }
0x1e2: {  	v5 =	vadd.f32 v8, v5;
	v8 =	vld [tilespmem:s12+$0x1DF00];
	v2 =	vadd.f32 v3, v2  }
0x1e3: {  	v3 =	vld [tilespmem:s28+$0x1E300]  }
0x1e4: {  	v10 =	vld [tilespmem:s12+$0x1DF80];
	v5 =	vadd.f32 v9, v5;
	v2 =	vadd.f32 v6, v2  }
0x1e5: {  	v9 =	vld [tilespmem:s28+$0x1E380]  }
0x1e6: {  	v6 =	vadd.f32 v7, v5;
	v5 =	vld [tilespmem:s12+$0x1E000];
	v7 =	vadd.f32 v4, v2  }
0x1e7: {  	v4 =	vld [tilespmem:s28+$0x1E400]  }
0x1e8: {  	v2 =	vld [tilespmem:s12+$0x1E100];
	v8 =	vadd.f32 v8, v6;
	v11 =	vadd.f32 v3, v7  }
0x1e9: {  	s11 =	simm.s32 $0x20;
	v6 =	vld [tilespmem:s12+$0x1E080]  }
0x1ea: {  	s17 =	simm.s32 $0xC0;
	v3 =	vld [tilespmem:s11+$0x1DC80];
	v7 =	vadd.f32 v10, v8;
	v8 =	vadd.f32 v9, v11  }
.LBB2_13:
0x1eb: {  	p1 =	sne.s32 s17, $0x1C0;
	v9 =	vld [tilespmem:s11+$0x1DD00]  }
0x1ec: {  	v5 =	vadd.f32 v5, v7;
	v7 =	vld [tilespmem:s12+$0x1E180];
	v4 =	vadd.f32 v4, v8  }
0x1ed: {  	v8 =	vld [tilespmem:s11+$0x1DD80]  }
0x1ee: {  	v5 =	vadd.f32 v6, v5;
	v6 =	vld [tilespmem:s12+$0x1E200];
	[tilespmem:s28+$0x1E480] =	vst v4;
	s28 =	smov.u32 s12;
	s12 =	smov.u32 s11  }
0x1ef: {  	v4 =	vld [tilespmem:s12+$0x1DE00]  }
0x1f0: {  	v3 =	vadd.f32 v9, v3;
	v2 =	vadd.f32 v2, v5;
	v5 =	vld [tilespmem:s28+$0x1E280]  }
0x1f1: {  	v9 =	vld [tilespmem:s12+$0x1DE80]  }
0x1f2: {  	v3 =	vadd.f32 v8, v3;
	v2 =	vadd.f32 v7, v2;
	v7 =	vld [tilespmem:s28+$0x1E300]  }
0x1f3: {  	v8 =	vld [tilespmem:s12+$0x1DF00]  }
0x1f4: {  	v3 =	vadd.f32 v4, v3;
	v2 =	vadd.f32 v6, v2;
	v10 =	vld [tilespmem:s28+$0x1E380]  }
0x1f5: {  	v11 =	vld [tilespmem:s12+$0x1DF80]  }
.Ltmp6:
0x1f6: {  	v3 =	vadd.f32 v9, v3;
	v6 =	vadd.f32 v5, v2;
	v4 =	vld [tilespmem:s28+$0x1E400];
	(pc) =	sbr.rel @p1 .LBB2_13-.Ltmp6, $4  }
0x1f7: {  	v5 =	vld [tilespmem:s12+$0x1E000]  }
0x1f8: {  	v8 =	vadd.f32 v8, v3;
	v2 =	vld [tilespmem:s12+$0x1E100];
	v9 =	vadd.f32 v7, v6  }
0x1f9: {  	s11 =	sshra.s32 s17, $0x2;
	v6 =	vld [tilespmem:s12+$0x1E080]  }
0x1fa: {  	s17 =	sadd.s32 $0x40, s17;
	v3 =	vld [tilespmem:s11+$0x1DC80];
	v7 =	vadd.f32 v11, v8;
	v8 =	vadd.f32 v10, v9  }
0x1fb: {  	v9 =	vld [tilespmem:s11+$0x1DD00]  }
0x1fc: {  	v10 =	vld [tilespmem:s12+$0x1E180];
	v4 =	vadd.f32 v4, v8  }
0x1fd: {  	v8 =	vld [tilespmem:s11+$0x1DD80]  }
0x1fe: {  	v11 =	vld [tilespmem:s12+$0x1E200];
	v5 =	vadd.f32 v5, v7;
	[tilespmem:s28+$0x1E480] =	vst v4  }
0x1ff: {  	v4 =	vld [tilespmem:s11+$0x1DE00]  }
0x200: {  	v5 =	vadd.f32 v6, v5;
	v3 =	vadd.f32 v9, v3  }
0x201: {  	v6 =	vld [tilespmem:s11+$0x1DE80]  }
0x202: {  	v7 =	vld [tilespmem:s11+$0x1DF00];
	v2 =	vadd.f32 v2, v5;
	v3 =	vadd.f32 v8, v3  }
0x203: {  	v5 =	vld [tilespmem:s12+$0x1E280]  }
0x204: {  	v2 =	vadd.f32 v10, v2;
	v8 =	vld [tilespmem:s12+$0x1E300];
	v3 =	vadd.f32 v4, v3  }
0x205: {  	v4 =	vld [tilespmem:s11+$0x1DF80]  }
0x206: {  	v9 =	vld [tilespmem:s12+$0x1E380];
	v2 =	vadd.f32 v11, v2;
	v3 =	vadd.f32 v6, v3  }
0x207: {  	v6 =	vld [tilespmem:s11+$0x1E000]  }
0x208: {  	v2 =	vadd.f32 v5, v2;
	v5 =	vld [tilespmem:s12+$0x1E400];
	v3 =	vadd.f32 v7, v3  }
0x209: {  	v7 =	vld [tilespmem:s11+$0x1E080]  }
0x20a: {  	v2 =	vadd.f32 v8, v2;
	v3 =	vadd.f32 v4, v3  }
0x20b: {  	v4 =	vld [tilespmem:s11+$0x1E100]  }
0x20c: {  	v2 =	vadd.f32 v9, v2;
	v3 =	vadd.f32 v6, v3  }
0x20d: {  	v6 =	vld [tilespmem:s11+$0x1E180]  }
0x20e: {  	v2 =	vadd.f32 v5, v2;
	v3 =	vadd.f32 v7, v3  }
0x20f: {  	v5 =	vld [tilespmem:s11+$0x1E200]  }
0x210: {  	[tilespmem:s12+$0x1E480] =	vst v2;
	v2 =	vadd.f32 v4, v3  }
0x211: {  	v3 =	vld [tilespmem:s11+$0x1E280]  }
0x212: {  	v2 =	vadd.f32 v6, v2  }
0x213: {  	v4 =	vld [tilespmem:s11+$0x1E300]  }
0x214: {  	v2 =	vadd.f32 v5, v2  }
0x215: {  	v5 =	vld [tilespmem:s11+$0x1E380]  }
0x216: {  	v2 =	vadd.f32 v3, v2  }
0x217: {  	v3 =	vld [tilespmem:s11+$0x1E400]  }
0x218: {  	v2 =	vadd.f32 v4, v2;
	_ =	sdelay $0x1  }
0x219: {  	v2 =	vadd.f32 v5, v2;
	_ =	sdelay $0x1  }
0x21a: {  	v2 =	vadd.f32 v3, v2;
	_ =	sdelay $0x1  }
0x21b: {  	s17 =	simm.s32 $0x1E480;
	s12 =	rddreg [dreg:$0xd];
	[tilespmem:s11+$0x1E480] =	vst v2;
	s11 =	simm.s32 $0x0  }
0x21c: {  	[hbm4b:s12+s11] =	stream.linear.scatter [tilespmem:s17], [sflag:$0x9], $0x80, $0x38;
	[tilespmem:$0x1E500] =	vst v63  }
0x21d: {  	_ =	swait.ge [sflag:s14], $0x80  }
0x21e: {  	s12 =	simm.s32 $0x14000;
	[sflag:s14] =	ssyncset.done $0x0  }
0x21f: {  	s17 =	simm.s32 $0x1DC80;
	s11 =	rddreg [dreg:$0xb];
	[sflag:s14] =	ssyncadd.s32 $0xFFFFFF80  }
0x220: {  	[tilespmem:s17], [sflag:$0x9] =	stream.strided.gather [spmem:s11], $0x800, s12, s22, $0x38;
	[tilespmem:$0x1E500] =	vst v63  }
0x221: {  	_ =	swait.ge [sflag:s14], $0x800  }
0x222: {  	[sflag:s14] =	ssyncset.done $0x0  }
0x223: {  	s28 =	simm.s32 $0x0;
	[sflag:s14] =	ssyncadd.s32 $0xFFFFF800  }
0x224: {  	v2 =	vld [tilespmem:s28+$0x1DC80]  }
0x225: {  	v3 =	vld [tilespmem:s28+$0x1DD00];
	_ =	sdelay $0x1  }
0x226: {  	v4 =	vld [tilespmem:s28+$0x1DD80];
	_ =	sdelay $0x1  }
0x227: {  	v5 =	vld [tilespmem:s28+$0x1DE00]  }
0x228: {  	v2 =	vadd.f32 v3, v2  }
0x229: {  	v3 =	vld [tilespmem:s28+$0x1DE80]  }
0x22a: {  	v2 =	vadd.f32 v4, v2  }
0x22b: {  	v4 =	vld [tilespmem:s28+$0x1DF00]  }
0x22c: {  	v2 =	vadd.f32 v5, v2  }
0x22d: {  	v5 =	vld [tilespmem:s28+$0x1DF80]  }
0x22e: {  	v2 =	vadd.f32 v3, v2  }
0x22f: {  	v3 =	vld [tilespmem:s28+$0x1E000]  }
0x230: {  	s12 =	simm.s32 $0x10;
	v6 =	vld [tilespmem:s28+$0x1E080];
	v2 =	vadd.f32 v4, v2  }
0x231: {  	v7 =	vld [tilespmem:s12+$0x1DC80]  }
0x232: {  	v4 =	vld [tilespmem:s28+$0x1E100];
	v2 =	vadd.f32 v5, v2  }
0x233: {  	v5 =	vld [tilespmem:s12+$0x1DD00]  }
0x234: {  	v8 =	vld [tilespmem:s12+$0x1DD80];
	v2 =	vadd.f32 v3, v2  }
0x235: {  	v3 =	vld [tilespmem:s28+$0x1E180]  }
0x236: {  	v9 =	vld [tilespmem:s12+$0x1DE00];
	v2 =	vadd.f32 v6, v2  }
0x237: {  	v6 =	vld [tilespmem:s28+$0x1E200]  }
0x238: {  	v5 =	vadd.f32 v5, v7;
	v7 =	vld [tilespmem:s12+$0x1DE80];
	v2 =	vadd.f32 v4, v2  }
0x239: {  	v4 =	vld [tilespmem:s28+$0x1E280]  }
0x23a: {  	v5 =	vadd.f32 v8, v5;
	v8 =	vld [tilespmem:s12+$0x1DF00];
	v2 =	vadd.f32 v3, v2  }
0x23b: {  	v3 =	vld [tilespmem:s28+$0x1E300]  }
0x23c: {  	v10 =	vld [tilespmem:s12+$0x1DF80];
	v5 =	vadd.f32 v9, v5;
	v2 =	vadd.f32 v6, v2  }
0x23d: {  	v9 =	vld [tilespmem:s28+$0x1E380]  }
0x23e: {  	v6 =	vadd.f32 v7, v5;
	v5 =	vld [tilespmem:s12+$0x1E000];
	v7 =	vadd.f32 v4, v2  }
0x23f: {  	v4 =	vld [tilespmem:s28+$0x1E400]  }
0x240: {  	v2 =	vld [tilespmem:s12+$0x1E100];
	v8 =	vadd.f32 v8, v6;
	v11 =	vadd.f32 v3, v7  }
0x241: {  	s11 =	simm.s32 $0x20;
	v6 =	vld [tilespmem:s12+$0x1E080]  }
0x242: {  	s17 =	simm.s32 $0xC0;
	v3 =	vld [tilespmem:s11+$0x1DC80];
	v7 =	vadd.f32 v10, v8;
	v8 =	vadd.f32 v9, v11  }
.LBB2_15:
0x243: {  	p1 =	sne.s32 s17, $0x1C0;
	v9 =	vld [tilespmem:s11+$0x1DD00]  }
0x244: {  	v5 =	vadd.f32 v5, v7;
	v7 =	vld [tilespmem:s12+$0x1E180];
	v4 =	vadd.f32 v4, v8  }
0x245: {  	v8 =	vld [tilespmem:s11+$0x1DD80]  }
0x246: {  	v5 =	vadd.f32 v6, v5;
	v6 =	vld [tilespmem:s12+$0x1E200];
	[tilespmem:s28+$0x1E480] =	vst v4;
	s28 =	smov.u32 s12;
	s12 =	smov.u32 s11  }
0x247: {  	v4 =	vld [tilespmem:s12+$0x1DE00]  }
0x248: {  	v3 =	vadd.f32 v9, v3;
	v2 =	vadd.f32 v2, v5;
	v5 =	vld [tilespmem:s28+$0x1E280]  }
0x249: {  	v9 =	vld [tilespmem:s12+$0x1DE80]  }
0x24a: {  	v3 =	vadd.f32 v8, v3;
	v2 =	vadd.f32 v7, v2;
	v7 =	vld [tilespmem:s28+$0x1E300]  }
0x24b: {  	v8 =	vld [tilespmem:s12+$0x1DF00]  }
0x24c: {  	v3 =	vadd.f32 v4, v3;
	v2 =	vadd.f32 v6, v2;
	v10 =	vld [tilespmem:s28+$0x1E380]  }
0x24d: {  	v11 =	vld [tilespmem:s12+$0x1DF80]  }
.Ltmp7:
0x24e: {  	v3 =	vadd.f32 v9, v3;
	v6 =	vadd.f32 v5, v2;
	v4 =	vld [tilespmem:s28+$0x1E400];
	(pc) =	sbr.rel @p1 .LBB2_15-.Ltmp7, $4  }
0x24f: {  	v5 =	vld [tilespmem:s12+$0x1E000]  }
0x250: {  	v8 =	vadd.f32 v8, v3;
	v2 =	vld [tilespmem:s12+$0x1E100];
	v9 =	vadd.f32 v7, v6  }
0x251: {  	s11 =	sshra.s32 s17, $0x2;
	v6 =	vld [tilespmem:s12+$0x1E080]  }
0x252: {  	s17 =	sadd.s32 $0x40, s17;
	v3 =	vld [tilespmem:s11+$0x1DC80];
	v7 =	vadd.f32 v11, v8;
	v8 =	vadd.f32 v10, v9  }
0x253: {  	v9 =	vld [tilespmem:s11+$0x1DD00]  }
0x254: {  	v10 =	vld [tilespmem:s12+$0x1E180];
	v4 =	vadd.f32 v4, v8  }
0x255: {  	v8 =	vld [tilespmem:s11+$0x1DD80]  }
0x256: {  	v11 =	vld [tilespmem:s12+$0x1E200];
	v5 =	vadd.f32 v5, v7;
	[tilespmem:s28+$0x1E480] =	vst v4  }
0x257: {  	v4 =	vld [tilespmem:s11+$0x1DE00]  }
0x258: {  	v5 =	vadd.f32 v6, v5;
	v3 =	vadd.f32 v9, v3  }
0x259: {  	v6 =	vld [tilespmem:s11+$0x1DE80]  }
0x25a: {  	v7 =	vld [tilespmem:s11+$0x1DF00];
	v2 =	vadd.f32 v2, v5;
	v3 =	vadd.f32 v8, v3  }
0x25b: {  	v5 =	vld [tilespmem:s12+$0x1E280]  }
0x25c: {  	v2 =	vadd.f32 v10, v2;
	v8 =	vld [tilespmem:s12+$0x1E300];
	v3 =	vadd.f32 v4, v3  }
0x25d: {  	v4 =	vld [tilespmem:s11+$0x1DF80]  }
0x25e: {  	v9 =	vld [tilespmem:s12+$0x1E380];
	v2 =	vadd.f32 v11, v2;
	v3 =	vadd.f32 v6, v3  }
0x25f: {  	v6 =	vld [tilespmem:s11+$0x1E000]  }
0x260: {  	v2 =	vadd.f32 v5, v2;
	v5 =	vld [tilespmem:s12+$0x1E400];
	v3 =	vadd.f32 v7, v3  }
0x261: {  	v7 =	vld [tilespmem:s11+$0x1E080]  }
0x262: {  	v2 =	vadd.f32 v8, v2;
	v3 =	vadd.f32 v4, v3  }
0x263: {  	v4 =	vld [tilespmem:s11+$0x1E100]  }
0x264: {  	v2 =	vadd.f32 v9, v2;
	v3 =	vadd.f32 v6, v3  }
0x265: {  	v6 =	vld [tilespmem:s11+$0x1E180]  }
0x266: {  	v2 =	vadd.f32 v5, v2;
	v3 =	vadd.f32 v7, v3  }
0x267: {  	v5 =	vld [tilespmem:s11+$0x1E200]  }
0x268: {  	[tilespmem:s12+$0x1E480] =	vst v2;
	v2 =	vadd.f32 v4, v3  }
0x269: {  	v3 =	vld [tilespmem:s11+$0x1E280]  }
0x26a: {  	v2 =	vadd.f32 v6, v2  }
0x26b: {  	v4 =	vld [tilespmem:s11+$0x1E300]  }
0x26c: {  	v2 =	vadd.f32 v5, v2  }
0x26d: {  	v5 =	vld [tilespmem:s11+$0x1E380]  }
0x26e: {  	v2 =	vadd.f32 v3, v2  }
0x26f: {  	v3 =	vld [tilespmem:s11+$0x1E400]  }
0x270: {  	v2 =	vadd.f32 v4, v2;
	_ =	sdelay $0x1  }
0x271: {  	v2 =	vadd.f32 v5, v2;
	_ =	sdelay $0x1  }
0x272: {  	v2 =	vadd.f32 v3, v2;
	_ =	sdelay $0x1  }
0x273: {  	s17 =	simm.s32 $0x1E480;
	s12 =	rddreg [dreg:$0xe];
	[tilespmem:s11+$0x1E480] =	vst v2;
	s11 =	simm.s32 $0x0  }
0x274: {  	[hbm4b:s12+s11] =	stream.linear.scatter [tilespmem:s17], [sflag:$0x9], $0x80, $0x38;
	[tilespmem:$0x1E500] =	vst v63  }
0x275: {  	_ =	swait.ge [sflag:s14], $0x80  }
0x276: {  	s12 =	simm.s32 $0x14000;
	[sflag:s14] =	ssyncset.done $0x0  }
0x277: {  	s17 =	simm.s32 $0x1DC80;
	s11 =	rddreg [dreg:$0xc];
	[sflag:s14] =	ssyncadd.s32 $0xFFFFFF80  }
0x278: {  	[tilespmem:s17], [sflag:$0x9] =	stream.strided.gather [spmem:s11], $0x800, s12, s22, $0x38;
	[tilespmem:$0x1E500] =	vst v63  }
0x279: {  	_ =	swait.ge [sflag:s14], $0x800  }
0x27a: {  	[sflag:s14] =	ssyncset.done $0x0  }
0x27b: {  	s28 =	simm.s32 $0x0;
	[sflag:s14] =	ssyncadd.s32 $0xFFFFF800  }
0x27c: {  	v2 =	vld [tilespmem:s28+$0x1DC80]  }
0x27d: {  	v3 =	vld [tilespmem:s28+$0x1DD00];
	_ =	sdelay $0x1  }
0x27e: {  	v4 =	vld [tilespmem:s28+$0x1DD80];
	_ =	sdelay $0x1  }
0x27f: {  	v5 =	vld [tilespmem:s28+$0x1DE00]  }
0x280: {  	v2 =	vadd.f32 v3, v2  }
0x281: {  	v3 =	vld [tilespmem:s28+$0x1DE80]  }
0x282: {  	v2 =	vadd.f32 v4, v2  }
0x283: {  	v4 =	vld [tilespmem:s28+$0x1DF00]  }
0x284: {  	v2 =	vadd.f32 v5, v2  }
0x285: {  	v5 =	vld [tilespmem:s28+$0x1DF80]  }
0x286: {  	v2 =	vadd.f32 v3, v2  }
0x287: {  	v3 =	vld [tilespmem:s28+$0x1E000]  }
0x288: {  	s12 =	simm.s32 $0x10;
	v6 =	vld [tilespmem:s28+$0x1E080];
	v2 =	vadd.f32 v4, v2  }
0x289: {  	v7 =	vld [tilespmem:s12+$0x1DC80]  }
0x28a: {  	v4 =	vld [tilespmem:s28+$0x1E100];
	v2 =	vadd.f32 v5, v2  }
0x28b: {  	v5 =	vld [tilespmem:s12+$0x1DD00]  }
0x28c: {  	v8 =	vld [tilespmem:s12+$0x1DD80];
	v2 =	vadd.f32 v3, v2  }
0x28d: {  	v3 =	vld [tilespmem:s28+$0x1E180]  }
0x28e: {  	v9 =	vld [tilespmem:s12+$0x1DE00];
	v2 =	vadd.f32 v6, v2  }
0x28f: {  	v6 =	vld [tilespmem:s28+$0x1E200]  }
0x290: {  	v5 =	vadd.f32 v5, v7;
	v7 =	vld [tilespmem:s12+$0x1DE80];
	v2 =	vadd.f32 v4, v2  }
0x291: {  	v4 =	vld [tilespmem:s28+$0x1E280]  }
0x292: {  	v5 =	vadd.f32 v8, v5;
	v8 =	vld [tilespmem:s12+$0x1DF00];
	v2 =	vadd.f32 v3, v2  }
0x293: {  	v3 =	vld [tilespmem:s28+$0x1E300]  }
0x294: {  	v10 =	vld [tilespmem:s12+$0x1DF80];
	v5 =	vadd.f32 v9, v5;
	v2 =	vadd.f32 v6, v2  }
0x295: {  	v9 =	vld [tilespmem:s28+$0x1E380]  }
0x296: {  	v6 =	vadd.f32 v7, v5;
	v5 =	vld [tilespmem:s12+$0x1E000];
	v7 =	vadd.f32 v4, v2  }
0x297: {  	v4 =	vld [tilespmem:s28+$0x1E400]  }
0x298: {  	v2 =	vld [tilespmem:s12+$0x1E100];
	v8 =	vadd.f32 v8, v6;
	v11 =	vadd.f32 v3, v7  }
0x299: {  	s11 =	simm.s32 $0x20;
	v6 =	vld [tilespmem:s12+$0x1E080]  }
0x29a: {  	s17 =	simm.s32 $0xC0;
	v3 =	vld [tilespmem:s11+$0x1DC80];
	v7 =	vadd.f32 v10, v8;
	v8 =	vadd.f32 v9, v11  }
.LBB2_17:
0x29b: {  	p1 =	sne.s32 s17, $0x1C0;
	v9 =	vld [tilespmem:s11+$0x1DD00]  }
0x29c: {  	v5 =	vadd.f32 v5, v7;
	v7 =	vld [tilespmem:s12+$0x1E180];
	v4 =	vadd.f32 v4, v8  }
0x29d: {  	v8 =	vld [tilespmem:s11+$0x1DD80]  }
0x29e: {  	v5 =	vadd.f32 v6, v5;
	v6 =	vld [tilespmem:s12+$0x1E200];
	[tilespmem:s28+$0x1E480] =	vst v4;
	s28 =	smov.u32 s12;
	s12 =	smov.u32 s11  }
0x29f: {  	v4 =	vld [tilespmem:s12+$0x1DE00]  }
0x2a0: {  	v3 =	vadd.f32 v9, v3;
	v2 =	vadd.f32 v2, v5;
	v5 =	vld [tilespmem:s28+$0x1E280]  }
0x2a1: {  	v9 =	vld [tilespmem:s12+$0x1DE80]  }
0x2a2: {  	v3 =	vadd.f32 v8, v3;
	v2 =	vadd.f32 v7, v2;
	v7 =	vld [tilespmem:s28+$0x1E300]  }
0x2a3: {  	v8 =	vld [tilespmem:s12+$0x1DF00]  }
0x2a4: {  	v3 =	vadd.f32 v4, v3;
	v2 =	vadd.f32 v6, v2;
	v10 =	vld [tilespmem:s28+$0x1E380]  }
0x2a5: {  	v11 =	vld [tilespmem:s12+$0x1DF80]  }
.Ltmp8:
0x2a6: {  	v3 =	vadd.f32 v9, v3;
	v6 =	vadd.f32 v5, v2;
	v4 =	vld [tilespmem:s28+$0x1E400];
	(pc) =	sbr.rel @p1 .LBB2_17-.Ltmp8, $4  }
0x2a7: {  	v5 =	vld [tilespmem:s12+$0x1E000]  }
0x2a8: {  	v8 =	vadd.f32 v8, v3;
	v2 =	vld [tilespmem:s12+$0x1E100];
	v9 =	vadd.f32 v7, v6  }
0x2a9: {  	s11 =	sshra.s32 s17, $0x2;
	v6 =	vld [tilespmem:s12+$0x1E080]  }
0x2aa: {  	s17 =	sadd.s32 $0x40, s17;
	v3 =	vld [tilespmem:s11+$0x1DC80];
	v7 =	vadd.f32 v11, v8;
	v8 =	vadd.f32 v10, v9  }
0x2ab: {  	v9 =	vld [tilespmem:s11+$0x1DD00]  }
0x2ac: {  	v10 =	vld [tilespmem:s12+$0x1E180];
	v4 =	vadd.f32 v4, v8  }
0x2ad: {  	v49 =	vld [tilespmem:s11+$0x1DD80]  }
0x2ae: {  	v11 =	vld [tilespmem:s12+$0x1E200];
	v5 =	vadd.f32 v5, v7;
	[tilespmem:s28+$0x1E480] =	vst v4  }
0x2af: {  	v4 =	vld [tilespmem:s11+$0x1DE00]  }
0x2b0: {  	v5 =	vadd.f32 v6, v5;
	v3 =	vadd.f32 v9, v3  }
0x2b1: {  	v50 =	vld [tilespmem:s11+$0x1DE80]  }
0x2b2: {  	v51 =	vld [tilespmem:s12+$0x1E280];
	v2 =	vadd.f32 v2, v5;
	v3 =	vadd.f32 v49, v3  }
0x2b3: {  	v52 =	vld [tilespmem:s11+$0x1DF00]  }
0x2b4: {  	v53 =	vld [tilespmem:s12+$0x1E300];
	v2 =	vadd.f32 v10, v2;
	v3 =	vadd.f32 v4, v3  }
0x2b5: {  	v54 =	vld [tilespmem:s11+$0x1DF80]  }
0x2b6: {  	v55 =	vld [tilespmem:s12+$0x1E380];
	v2 =	vadd.f32 v11, v2;
	v3 =	vadd.f32 v50, v3  }
0x2b7: {  	v56 =	vld [tilespmem:s11+$0x1E000]  }
0x2b8: {  	v57 =	vld [tilespmem:s12+$0x1E400];
	v2 =	vadd.f32 v51, v2;
	v3 =	vadd.f32 v52, v3  }
0x2b9: {  	v58 =	vld [tilespmem:s11+$0x1E080]  }
0x2ba: {  	v2 =	vadd.f32 v53, v2;
	v3 =	vadd.f32 v54, v3  }
0x2bb: {  	v59 =	vld [tilespmem:s11+$0x1E100]  }
0x2bc: {  	v2 =	vadd.f32 v55, v2;
	v3 =	vadd.f32 v56, v3  }
0x2bd: {  	v60 =	vld [tilespmem:s11+$0x1E180]  }
0x2be: {  	v2 =	vadd.f32 v57, v2;
	v3 =	vadd.f32 v58, v3  }
0x2bf: {  	v61 =	vld [tilespmem:s11+$0x1E200]  }
0x2c0: {  	[tilespmem:s12+$0x1E480] =	vst v2;
	v2 =	vadd.f32 v59, v3  }
0x2c1: {  	v3 =	vld [tilespmem:s11+$0x1E280]  }
0x2c2: {  	v2 =	vadd.f32 v60, v2  }
0x2c3: {  	v62 =	vld [tilespmem:s11+$0x1E300]  }
0x2c4: {  	v2 =	vadd.f32 v61, v2  }
0x2c5: {  	v63 =	vld [tilespmem:s11+$0x1E380]  }
0x2c6: {  	v2 =	vadd.f32 v3, v2  }
0x2c7: {  	v3 =	vld [tilespmem:s11+$0x1E400]  }
0x2c8: {  	v2 =	vadd.f32 v62, v2;
	_ =	sdelay $0x1  }
0x2c9: {  	v2 =	vadd.f32 v63, v2;
	_ =	sdelay $0x1  }
0x2ca: {  	v2 =	vadd.f32 v3, v2;
	_ =	sdelay $0x1  }
0x2cb: {  	s17 =	simm.s32 $0x1E480;
	s12 =	rddreg [dreg:$0xf];
	[tilespmem:s11+$0x1E480] =	vst v2  }
0x2cc: {  	[hbm4b:s12+s3] =	stream.linear.scatter [tilespmem:s17], [sflag:$0x9], $0x80, $0x38;
	[tilespmem:$0x1E500] =	vst v63  }
0x2cd: {  	s22 =	stileid.u32;
	_ =	swait.ge [sflag:s14], $0x80  }
0x2ce: {  	s28 =	sshrl.u32 s20, $0x3;
	s11 =	sshll.u32 s22, $0x6;
	[sflag:s14] =	ssyncset.done $0x0  }
0x2cf: {  	s11 =	sor.u32 $0x1C09, s11;
	s17 =	rddreg [dreg:$0x10];
	[sflag:s14] =	ssyncadd.s32 $0xFFFFFF80  }
0x2d0: {  	[hbm:s17], [sflag:s11] =	dma.local [spmem:s28], $0x2700  }
0x2d1: {  	_ =	swait.ge [sflag:s14], $0x2700  }
0x2d2: {  	[sflag:s14] =	ssyncset.done $0x0  }
0x2d3: {  	s12 =	sshrl.u32 @!p0 s21, $0x3;
	s17 =	rddreg [dreg:$0x1a];
	[sflag:s14] =	ssyncadd.s32 $0xFFFFD900  }
0x2d4: {  	[hbm:s17], [sflag:s11] =	dma.local @!p0 [spmem:s12], $0x100  }
0x2d5: {  	s11 =	simm.s32 @!p0 $0x9  }
0x2d6: {  	_ =	swait.ge @!p0 [sflag:s11], $0x100  }
0x2d7: {  	s22 =	sld [smem:$0x7F9];
	_ =	sdelay $0x2  }
0x2d8: {  	s28 =	rddreg [dreg:$0x1b];
	s17 =	sadd.s32 $0x1, s22  }
0x2d9: {  	p1 =	sne.s32 s17, s28  }
.Ltmp9:
0x2da: {  	_ = 	snop;
	(pc) =	sbr.rel @p1 .LBB2_1-.Ltmp9, $3  }
0x2db: {  	_ =	sdelay $0x1  }
0x2dc: {  	[sflag:s11] =	ssyncset.done @!p0 $0x0  }
0x2dd: {  	[sflag:s11] =	ssyncadd.s32 @!p0 $0xFFFFFF00  }
0x2de: {  	_ =	sfence.sel $0x180000  }
0x2df: {  	[bflag:$0x0] =	sbarrier.arrive $0xFFFF  }
0x2e0: {  	_ =	strace $0x90000047  }
0x2e1: {  	[bflag:$0x2] =	sbarrier.arrive $0xFFFF  }
0x2e2: {  	s0 =	rddreg [dreg:$0x4]  }
0x2e3: {  	s0 =	sadd.s32 @!p0 $0x100000, s0  }
0x2e4: {  	[sflag:s0] =	ssyncadd.tile.s32 @!p0 $0x1;
	_ =	shalt  }
.Lfunc_end2:
_tile_overlayer_lowered:
.L_overlay_start_2:
0x2e5: {  	(tag) =	ssettag $0x2  }
0x2e6: {  	s0 =	rddreg [dreg:$0x0];
	s2 =	stileid.u32  }
0x2e7: {  	s1 =	rddreg [dreg:$0x1];
	p0 =	sne.s32 s2, $0x0  }
0x2e8: {  	s3 =	rddreg [dreg:$0x2];
	[bflag:$0x3] =	sbarrier.arrive $0xFFFF;
	s2 =	simm.s32 @!p0 $0x1C09  }
0x2e9: {  	[timem:s3], [sflag:s2] =	dma.local @!p0 [hbm:s0], s1  }
0x2ea: {  	s0 =	simm.s32 @!p0 $0x9  }
0x2eb: {  	_ =	swait.ge @!p0 [sflag:s0], s1  }
0x2ec: {  	s1 =	ssub.s32 @!p0 $0x0, s1;
	[sflag:s0] =	ssyncset.done @!p0 $0x0  }
0x2ed: {  	[sflag:s0] =	ssyncadd.s32 @!p0 s1  }
0x2ee: {  	[bflag:$0x3] =	sbarrier.arrive $0xFFFF  }
0x2ef: {  	_ =	shalt  }

// kernel: kernel.9.cloned.1.call-start
scs
__scs_entry_jumppad:
0x0: {  	(pc) =	sbr.rel $0x88, $3  }
0x1: {  	(tag) =	ssettag $0x0;
	lr =	simm.s32 $0x1  }
0x2: {  	[smem:$0x3F93] =	sst lr;
	_ =	strace $0xD0000000  }
0x3: {  	_ = 	snop  }
0x4: {  	_ = 	snop  }
0x5: {  	_ = 	snop  }
0x6: {  	_ = 	snop  }
0x7: {  	_ = 	snop  }
__scs_overlays_trampoline_lowered:
0x8: {  	[smem:$0x3FA2] =	sst s0  }
0x9: {  	[smem:$0x3FA3] =	sst s1  }
0xa: {  	[smem:$0x3FA4] =	sst s2  }
0xb: {  	[smem:$0x3FA5] =	sst s3  }
0xc: {  	[smem:$0x3FA6] =	sst s4  }
0xd: {  	[smem:$0x3FA7] =	sst s5  }
0xe: {  	[smem:$0x3FA8] =	sst s6  }
0xf: {  	[smem:$0x3FA9] =	sst s7  }
0x10: {  	[smem:$0x3FAA] =	sst s8  }
0x11: {  	[smem:$0x3FAB] =	sst s9;
	s0 =	simm.s32 @!p0 $0x0  }
0x12: {  	s1 =	sld [smem:$0x3F91];
	s0 =	simm.s32 @p0 $0x1  }
0x13: {  	[smem:$0x3FAC] =	sst s0;
	s0 =	simm.s32 @!p1 $0x0  }
0x14: {  	s2 =	sld [smem:$0x3F90];
	s0 =	simm.s32 @p1 $0x1  }
0x15: {  	[smem:$0x3FAD] =	sst s0;
	s0 =	simm.s32 @!p2 $0x0  }
0x16: {  	s3 =	sld [smem:$0x3FDB];
	s0 =	simm.s32 @p2 $0x1  }
0x17: {  	s4 =	simm.s32 $0x1BF5;
	[smem:$0x3FAF] =	sst s0  }
0x18: {  	s0 =	sld [smem:$0x3F92];
	_ =	swait.ge [sflag:s4], $0x0  }
0x19: {  	s7 =	sld [smem:$0x3F93]  }
0x1a: {  	s8 =	sadd.s32 $0xFFFFE003, lr  }
0x1b: {  	s9 =	sadd.s32 $0xFFFFFEF7, lr;
	s5 =	simm.s32 $0xFFFFFFFF;
	p2 =	slt.u32 s8, $0xFFFFF086  }
0x1c: {  	p1 =	slt.u32 s9, $0xF7A;
	s5 =	simm.s32 @!p2 $0x0  }
0x1d: {  	s5 =	simm.s32 @p1 $0x1;
	p0 =	seq.s32 s7, s2  }
0x1e: {  	s7 =	smul.u32 @!p0 $0xF7A, s2;
	p2 =	seq.s32 @!p0 s5, $0x0  }
0x1f: {  	s9 =	smul.u32 $0xF7A, s1;
	s8 =	simm.s32 @!p0 $0x1BF5;
	p2 =	por !p2, p0  }
0x20: {  	[sflag:s8] =	ssyncset.s32 @!p0 $0xFFFFF086;
	s6 =	sadd.s32 @!p0 s3, s7;
	s7 =	simm.s32 @!p0 $0x108  }
0x21: {  	s3 =	sadd.s32 s3, s9;
	s6 =	sadd.s32 @!p0 $0x88, s6;
	s7 =	simm.s32 @p2 $0x1082  }
0x22: {  	[simem:s7], [sflag:s8] =	dma.local @!p0 [hbm:s6], $0xF7A  }
0x23: {  	s9 =	sor.u32 $0xD0000000, s2;
	s6 =	simm.s32 $0x108;
	_ =	swait.ge @!p0 [sflag:s8], $0x0  }
0x24: {  	s3 =	sadd.s32 $0x88, s3;
	s6 =	simm.s32 @!p1 $0x1082;
	[sflag:s4] =	ssyncset.s32 $0xFFFFF086  }
0x25: {  	[simem:s6], [sflag:s4] =	dma.local [hbm:s3], $0xF7A  }
0x26: {  	[smem:$0x3F93] =	sst s1;
	(tag) =	ssettag s2;
	_ =	strace s9  }
0x27: {  	s1 =	sld [smem:$0x3FA3]  }
0x28: {  	s2 =	sld [smem:$0x3FA4]  }
0x29: {  	s4 =	sld [smem:$0x3FA6]  }
0x2a: {  	p0 =	seq.s32 s5, $0x0;
	s5 =	sld [smem:$0x3FA7]  }
0x2b: {  	s6 =	sld [smem:$0x3FA8]  }
0x2c: {  	s7 =	sld [smem:$0x3FA9]  }
0x2d: {  	s3 =	simm.s32 $0x108;
	s8 =	sld [smem:$0x3FAA]  }
0x2e: {  	s3 =	simm.s32 @!p0 $0x1082;
	s9 =	sld [smem:$0x3FAB]  }
0x2f: {  	lr =	sadd.s32 s0, s3;
	s0 =	sld [smem:$0x3FA2]  }
0x30: {  	s3 =	sld [smem:$0x3FA5]  }
0x31: {  	[smem:$0x3FAE] =	sst s10  }
0x32: {  	s10 =	sld [smem:$0x3FAC];
	_ =	sdelay $0x3  }
0x33: {  	p0 =	seq.s32 s10, $0x1;
	s10 =	sld [smem:$0x3FAE];
	_ =	sdelay $0x3  }
0x34: {  	[smem:$0x3FAE] =	sst s10  }
0x35: {  	s10 =	sld [smem:$0x3FAD];
	_ =	sdelay $0x3  }
0x36: {  	p1 =	seq.s32 s10, $0x1;
	s10 =	sld [smem:$0x3FAE];
	_ =	sdelay $0x3  }
0x37: {  	[smem:$0x3FAE] =	sst s10  }
0x38: {  	s10 =	sld [smem:$0x3FAF]  }
0x39: {  	_ = 	snop;
	(pc) =	sbr.ind lr, $3  }
0x3a: {  	_ = 	snop  }
0x3b: {  	_ = 	snop  }
0x3c: {  	p2 =	seq.s32 s10, $0x1;
	s10 =	sld [smem:$0x3FAE]  }
0x3d: {  	_ =	shalt  }
0x3e: {  	_ =	shalt  }
0x3f: {  	_ =	shalt  }
0x40: {  	_ =	shalt  }
0x41: {  	_ =	shalt  }
0x42: {  	_ =	shalt  }
0x43: {  	_ =	shalt  }
0x44: {  	_ =	shalt  }
0x45: {  	_ =	shalt  }
0x46: {  	_ =	shalt  }
0x47: {  	_ =	shalt  }
0x48: {  	_ =	shalt  }
0x49: {  	_ =	shalt  }
0x4a: {  	_ =	shalt  }
0x4b: {  	_ =	shalt  }
0x4c: {  	_ =	shalt  }
0x4d: {  	_ =	shalt  }
0x4e: {  	_ =	shalt  }
0x4f: {  	_ =	shalt  }
0x50: {  	_ =	shalt  }
0x51: {  	_ =	shalt  }
0x52: {  	_ =	shalt  }
0x53: {  	_ =	shalt  }
0x54: {  	_ =	shalt  }
0x55: {  	_ =	shalt  }
0x56: {  	_ =	shalt  }
0x57: {  	_ =	shalt  }
0x58: {  	_ =	shalt  }
0x59: {  	_ =	shalt  }
0x5a: {  	_ =	shalt  }
0x5b: {  	_ =	shalt  }
0x5c: {  	_ =	shalt  }
0x5d: {  	_ =	shalt  }
0x5e: {  	_ =	shalt  }
0x5f: {  	_ =	shalt  }
0x60: {  	_ =	shalt  }
0x61: {  	_ =	shalt  }
0x62: {  	_ =	shalt  }
0x63: {  	_ =	shalt  }
0x64: {  	_ =	shalt  }
0x65: {  	_ =	shalt  }
0x66: {  	_ =	shalt  }
0x67: {  	_ =	shalt  }
0x68: {  	_ =	shalt  }
0x69: {  	_ =	shalt  }
0x6a: {  	_ =	shalt  }
0x6b: {  	_ =	shalt  }
0x6c: {  	_ =	shalt  }
0x6d: {  	_ =	shalt  }
0x6e: {  	_ =	shalt  }
0x6f: {  	_ =	shalt  }
0x70: {  	_ =	shalt  }
0x71: {  	_ =	shalt  }
0x72: {  	_ =	shalt  }
0x73: {  	_ =	shalt  }
0x74: {  	_ =	shalt  }
0x75: {  	_ =	shalt  }
0x76: {  	_ =	shalt  }
0x77: {  	_ =	shalt  }
0x78: {  	_ =	shalt  }
0x79: {  	_ =	shalt  }
0x7a: {  	_ =	shalt  }
0x7b: {  	_ =	shalt  }
0x7c: {  	_ =	shalt  }
0x7d: {  	_ =	shalt  }
0x7e: {  	_ =	shalt  }
0x7f: {  	_ =	shalt  }
0x80: {  	_ =	shalt  }
0x81: {  	_ =	shalt  }
0x82: {  	_ =	shalt  }
0x83: {  	_ =	shalt  }
0x84: {  	_ =	shalt  }
0x85: {  	_ =	shalt  }
0x86: {  	_ =	shalt  }
0x87: {  	_ =	shalt  }
.Lfunc_end0:
.L_simem_size_0:
called_computation.1_lowered:
.L_overlay_start_0:
0x88: {  	s2 =	sld [smem:$0x3FD9]  }
0x89: {  	s3 =	sld [smem:$0x3FFE];
	_ =	sdelay $0x1  }
0x8a: {  	s1 =	srdreg.scid  }
0x8b: {  	s0 =	sand.u32 $0x1, s1  }
0x8c: {  	s16 =	sshll.u32 s0, $0xA;
	s2 =	sadd.s32 s3, s2  }
0x8d: {  	s2 =	sadd.s32 s2, s16  }
0x8e: {  	[smem:$0x3FBA] =	sst s2  }
0x8f: {  	_ = 	snop  }
0x90: {  	(tm) =	ssettm $0x1  }
0x91: {  	s17 =	sld [smem:$0x3FFB];
	_ =	sdelay $0x3  }
0x92: {  	_ =	strace s17  }
0x93: {  	s2 =	sld [smem:$0x3FFC];
	_ =	sdelay $0x3  }
0x94: {  	_ =	strace s2  }
0x95: {  	s2 =	sld [smem:$0x3FFD];
	_ =	sdelay $0x3  }
0x96: {  	_ =	strace s2  }
0x97: {  	_ =	strace $0x8FFFFFFF  }
0x98: {  	s18 =	sld [smem:$0x3FDB];
	_ =	sdelay $0x1  }
0x99: {  	s19 =	simm.s32 $_scs_section_size  }
0x9a: {  	s4 =	simm.s32 $_size__tile_overlayer_lowered;
	s5 =	simm.s32 $_tile_overlayer_lowered  }
0x9b: {  	s22 =	simm.s32 $0x1BFF;
	s21 =	sshll.u32 s5, $0x1;
	s2 =	sadd.s32 s19, s18  }
0x9c: {  	s6 =	simm.s32 $0x0;
	s20 =	sshll.u32 s4, $0x1;
	s4 =	sadd.s32 s21, s2  }
0x9d: {  	[timem:s6], [sflag:s22] =	dma.local [hbm:s4], s20  }
0x9e: {  	_ =	swait.ge [sflag:s22], s20  }
0x9f: {  	s3 =	ssub.s32 $0x0, s20;
	[sflag:s22] =	ssyncset.done $0x0  }
0xa0: {  	[sflag:s22] =	ssyncadd.s32 s3;
	_ =	sdelay $0x1  }
0xa1: {  	s23 =	simm.s32 $0x1B8B  }
0xa2: {  	_ =	swait.ge [sflag:s23], $0x1  }
0xa3: {  	[sflag:s23] =	ssyncset.done $0x0  }
0xa4: {  	s25 =	simm.s32 $0x1B8E;
	s24 =	sld [smem:$0x3FFE];
	[sflag:s23] =	ssyncadd.s32 $0xFFFFFFFF  }
0xa5: {  	s26 =	simm.s32 $execute0_lowered;
	[smem:$0x3FD2] =	sst s25  }
0xa6: {  	s4 =	sshll.u32 s26, $0x1;
	_ =	strace $0x80000049;
	[dreg:$0x1] =	wrdreg $0xFFFFFFFF  }
0xa7: {  	s28 =	simm.s32 $_size_execute0_lowered;
	s2 =	sadd.s32 s2, s4;
	[dreg:$0x0] =	wrdreg $0x0  }
0xa8: {  	s4 =	sshll.u32 s28, $0x1;
	[dreg:$0x2] =	wrdreg s2  }
0xa9: {  	[dreg:$0x3] =	wrdreg s4  }
0xaa: {  	[dreg:$0x4] =	wrdreg $0xC0  }
0xab: {  	_ =	task [dreg:s6], $0x5FFFF  }
0xac: {  	[dreg:$0x1] =	wrdreg $0xFFFFFFFF  }
0xad: {  	[dreg:$0x0] =	wrdreg $0x60  }
0xae: {  	[dreg:$0x2] =	wrdreg s24  }
0xaf: {  	[dreg:$0x3] =	wrdreg $0x0  }
0xb0: {  	[dreg:$0x4] =	wrdreg $0x9  }
0xb1: {  	_ =	task.clear_ibuf [dreg:s6], $0x5FFFF;
	_ =	strace $0x90000049  }
0xb2: {  	s29 =	simm.s32 $0x9;
	_ =	strace $0x8000004B  }
0xb3: {  	_ =	swait.ge [sflag:s29], $0x1  }
0xb4: {  	[sflag:s29] =	ssyncadd.s32 $0xFFFFFFFF  }
0xb5: {  	_ =	strace $0x9000004B  }
0xb6: {  	_ =	sfence  }
0xb7: {  	s30 =	sld [smem:$0x0];
	_ =	sdelay $0x2  }
0xb8: {  	s31 =	sshll.u32 s1, $0xD;
	s1 =	sshrl.u32 s1, $0x2  }
0xb9: {  	s3 =	sand.u32 $0x4000, s31;
	s1 =	sadd.s32 s1, s30  }
0xba: {  	s0 =	sor.u32 s3, s0;
	s1 =	sshll.u32 s1, $0x11  }
0xbb: {  	s0 =	sor.u32 s1, s0  }
0xbc: {  	s0 =	sadd.s32 $0x8F2B, s0  }
0xbd: {  	[sflag:s0] =	ssyncadd.remote.s32 $0x1  }
0xbe: {  	_ =	sfence.sel $0xFFFF  }
0xbf: {  	[dreg:$0x0] =	wrdreg $0xFFFFFFFF;
	(pc) =	sbr.abs _section_cstart, $3  }
0xc0: {  	[dreg:$0x1] =	wrdreg $0xFFFFFFFF  }
0xc1: {  	_ =	task.clear_ibuf [dreg:s6], $0x2FFFF;
	_ =	strace $0x9FFFFFFF  }
0xc2: {  	(tm) =	ssettm $0x7FFFFFFF  }
0xc3: {  	_ =	shalt  }
tec
execute0_lowered:
.L_overlay_start_1:
0x0: {  	(tag) =	ssettag $0x1  }
0x1: {  	s0 =	srdreg.scid;
	s1 =	rddreg [dreg:$0x0]  }
0x2: {  	s12 =	stileid.u32;
	s7 =	rddreg [dreg:$0x1];
	s14 =	simm.s32 $0xEF80  }
0x3: {  	s15 =	simm.s32 $0x1;
	s16 =	simm.s32 $0x2;
	s17 =	simm.s32 $0x7800  }
0x4: {  	s18 =	simm.s32 $0xA000;
	s19 =	simm.s32 $0x80;
	s20 =	simm.s32 $0x400  }
0x5: {  	s21 =	simm.s32 $0x3;
	s22 =	simm.s32 $0x1400;
	s23 =	simm.s32 $0x14000  }
0x6: {  	s24 =	simm.s32 $0x11700;
	s28 =	simm.s32 $0x0;
	s5 =	smul.u32 $0x500, s12  }
0x7: {  	s0 =	sand.u32 $0x1, s0;
	s10 =	smul.u32 $0x280, s12;
	s30 =	sshrl.u32 s12, $0x3  }
0x8: {  	s31 =	smul.u32 $0x5000, s12;
	s2 =	sshll.u32 s0, $0x4;
	s6 =	sshll.u32 s0, $0x7  }
0x9: {  	s29 =	ssub.s32 $0x2, s0;
	p0 =	sne.s32 s0, $0x0;
	s3 =	sor.u32 s12, s2  }
0xa: {  	s2 =	simm.s32 $0x0;
	s5 =	sor.u32 s6, s5;
	s9 =	sshrl.u32 s10, $0x3  }
0xb: {  	s11 =	sshrl.u32 s29, $0x1;
	s12 =	sshll.u32 s12, $0x7;
	s10 =	sadd.s32 $0x7800, s10  }
0xc: {  	s4 =	smul.u32 $0x2710, s3;
	[smem:$0x7FF] =	sst s2;
	s3 =	sadd.s32 $0x70A00, s1  }
0xd: {  	s26 =	sshrl.u32 s5, $0x3;
	s5 =	smul.u32 $0x50000, s30;
	s11 =	ssub.s32 s29, s11  }
0xe: {  	s12 =	sand.u32 $0x380, s12;
	_ =	strace $0x8000004A;
	s8 =	sadd.s32 s26, s1  }
0xf: {  	s11 =	smax.u32 s11, $0x1;
	s26 =	simm.s32 $0x13F00;
	s4 =	sshrl.u32 s4, $0x3  }
0x10: {  	s5 =	sshrl.u32 s5, $0x2;
	s8 =	sadd.s32 $0x3A00, s8;
	s25 =	sadd.s32 s4, s1  }
0x11: {  	s1 =	sadd.s32 s9, s1;
	s13 =	sadd.s32 s5, s7;
	s9 =	sshrl.u32 s31, $0x2  }
0x12: {  	s4 =	sadd.s32 $0x71400, s25;
	s5 =	sadd.s32 $0x7B040, s25;
	s6 =	sadd.s32 s12, s13  }
0x13: {  	v0 =	vimm.f32 $0.0e+00;
	s7 =	sadd.s32 s9, s7;
	s9 =	sadd.s32 $0x3400, s1;
	s25 =	simm.s32 $0x100  }
.LBB2_1:
0x14: {  	s0 =	simm.s32 $0x2800  }
0x15: {  	[tilespmem:s0], [sflag:$0x1] =	stream.linear.gather [hbm4b:s3+s2], $0x5000, $0x38;
	[tilespmem:$0x14180] =	vst v63  }
0x16: {  	s31 =	simm.s32 $0xC800  }
0x17: {  	[tilespmem:s31], [sflag:$0x2] =	stream.linear.gather [hbm4b:s4+s2], $0x2710, $0x38;
	[tilespmem:$0x14180] =	vst v63  }
0x18: {  	s1 =	simm.s32 $0x140;
	s0 =	simm.s32 $0x0  }
0x19: {  	[tilespmem:s14], [sflag:$0x2] =	stream.linear.gather [hbm4b:s5+s2], $0x2710, $0x38;
	[tilespmem:$0x14180] =	vst v63  }
.LBB2_2:
0x1a: {  	p1 =	sne.s32 s1, $0x9EC0;
	[tilespmem:s0+$0xA040] =	vst v0;
	s29 =	smov.u32 s1;
	s1 =	sadd.s32 $0x140, s1  }
.Ltmp0:
0x1b: {  	[tilespmem:s0+$0xA030] =	vst v0;
	(pc) =	sbr.rel @p1 .LBB2_2-.Ltmp0, $4  }
0x1c: {  	[tilespmem:s0+$0xA020] =	vst v0  }
0x1d: {  	[tilespmem:s0+$0xA000] =	vst v0  }
0x1e: {  	[tilespmem:s0+$0xA010] =	vst v0  }
0x1f: {  	s0 =	sshra.s32 s29, $0x2  }
0x20: {  	[tilespmem:s0+$0xA040] =	vst v0  }
0x21: {  	[tilespmem:s0+$0xA030] =	vst v0  }
0x22: {  	[tilespmem:s0+$0xA020] =	vst v0  }
0x23: {  	[tilespmem:s0+$0xA000] =	vst v0  }
0x24: {  	[tilespmem:s0+$0xA010] =	vst v0  }
0x25: {  	s29 =	simm.s32 $0x0;
	_ =	swait.ge [sflag:s15], $0x5000  }
0x26: {  	s13 =	sand.u32 $0x70, s29;
	s1 =	sand.u32 $0x7F00, s29;
	[sflag:s15] =	ssyncset.done $0x0  }
0x27: {  	s0 =	sor.u32 s13, s1;
	[sflag:s15] =	ssyncadd.s32 $0xFFFFB000  }
0x28: {  	v1 =	vld [tilespmem:s0+$0x2800]  }
0x29: {  	v2 =	vld [tilespmem:s0+$0x2880];
	_ =	sdelay $0x4  }
0x2a: {  	v1 =	vadd.f32 v2, v1;
	_ =	sdelay $0x1  }
0x2b: {  	v1 =	vmax.f32 v1, $1.000000000e+00  }
0x2c: {  	(erf) = vrcp.f32 v1;
	_ =	sdelay $0x7  }
0x2d: {  	s12 =	simm.s32 $0x10;
	s13 =	simm.s32 $0x20  }
0x2e: {  	s30 =	simm.s32 $0x7820;
	s1 =	sand.u32 $0xFF00, s13;
	s0 =	sand.u32 $0x70, s12;
	v1 =	vpop (erf)  }
0x2f: {  	s0 =	sor.u32 s0, s1;
	[tilespmem:s30+$0xFFFFFFE0] =	vst v1  }
0x30: {  	v1 =	vld [tilespmem:s0+$0x2800]  }
0x31: {  	v2 =	vld [tilespmem:s0+$0x2880];
	_ =	sdelay $0x4  }
0x32: {  	v1 =	vadd.f32 v2, v1;
	_ =	sdelay $0x1  }
0x33: {  	v1 =	vmax.f32 v1, $1.000000000e+00  }
0x34: {  	(erf) = vrcp.f32 v1;
	_ =	sdelay $0x7  }
0x35: {  	s13 =	simm.s32 $0x40;
	s12 =	simm.s32 $0x20  }
0x36: {  	s1 =	sand.u32 $0xFF00, s13;
	s0 =	sand.u32 $0x70, s12;
	v1 =	vpop (erf)  }
0x37: {  	s0 =	sor.u32 s0, s1;
	[tilespmem:s30+$0xFFFFFFF0] =	vst v1  }
0x38: {  	v1 =	vld [tilespmem:s0+$0x2800]  }
0x39: {  	v2 =	vld [tilespmem:s0+$0x2880];
	_ =	sdelay $0x4  }
0x3a: {  	v1 =	vadd.f32 v2, v1;
	_ =	sdelay $0x1  }
0x3b: {  	v1 =	vmax.f32 v1, $1.000000000e+00  }
0x3c: {  	(erf) = vrcp.f32 v1;
	_ =	sdelay $0x7  }
0x3d: {  	s13 =	simm.s32 $0x60;
	s12 =	simm.s32 $0x30  }
0x3e: {  	s1 =	sand.u32 $0xFF00, s13;
	s0 =	sand.u32 $0x70, s12;
	v1 =	vpop (erf)  }
0x3f: {  	s0 =	sor.u32 s0, s1;
	[tilespmem:s30+$0x0] =	vst v1  }
0x40: {  	v1 =	vld [tilespmem:s0+$0x2800]  }
0x41: {  	v2 =	vld [tilespmem:s0+$0x2880];
	_ =	sdelay $0x4  }
0x42: {  	v1 =	vadd.f32 v2, v1;
	_ =	sdelay $0x1  }
0x43: {  	v1 =	vmax.f32 v1, $1.000000000e+00  }
0x44: {  	(erf) = vrcp.f32 v1;
	_ =	sdelay $0x7  }
0x45: {  	s13 =	simm.s32 $0x80;
	s12 =	simm.s32 $0x40  }
0x46: {  	s1 =	sand.u32 $0xFF00, s13;
	s0 =	sand.u32 $0x70, s12;
	v1 =	vpop (erf)  }
0x47: {  	s0 =	sor.u32 s0, s1;
	[tilespmem:s30+$0x10] =	vst v1  }
0x48: {  	v1 =	vld [tilespmem:s0+$0x2800]  }
0x49: {  	v2 =	vld [tilespmem:s0+$0x2880];
	_ =	sdelay $0x4  }
0x4a: {  	v1 =	vadd.f32 v2, v1;
	_ =	sdelay $0x1  }
0x4b: {  	v1 =	vmax.f32 v1, $1.000000000e+00  }
0x4c: {  	s31 =	simm.s32 $0xA0;
	s1 =	simm.s32 $0x7820;
	(erf) = vrcp.f32 v1  }
.LBB2_4:
0x4d: {  	_ =	sdelay $0x3  }
0x4e: {  	p1 =	sne.s32 s31, $0x4F60;
	s29 =	sadd.s32 $0x50, s29;
	s30 =	sadd.s32 $0x50, s30  }
0x4f: {  	s0 =	smov.u32 s31;
	s31 =	sadd.s32 $0xA0, s31;
	_ =	sdelay $0x2  }
0x50: {  	s12 =	sand.u32 $0x70, s29;
	s13 =	sand.u32 $0x7F00, s0;
	v1 =	vpop (erf)  }
0x51: {  	s12 =	sor.u32 s12, s13;
	[tilespmem:s1+$0x20] =	vst v1;
	s1 =	smov.u32 s30  }
0x52: {  	v1 =	vld [tilespmem:s12+$0x2800]  }
0x53: {  	v2 =	vld [tilespmem:s12+$0x2880];
	_ =	sdelay $0x4  }
0x54: {  	v1 =	vadd.f32 v2, v1;
	_ =	sdelay $0x1  }
0x55: {  	v1 =	vmax.f32 v1, $1.000000000e+00  }
0x56: {  	(erf) = vrcp.f32 v1;
	_ =	sdelay $0x7  }
0x57: {  	s13 =	sadd.s32 $0x20, s0;
	s12 =	sadd.s32 $0x10, s29  }
0x58: {  	s13 =	sand.u32 $0xFF00, s13;
	s12 =	sand.u32 $0x70, s12;
	v1 =	vpop (erf)  }
0x59: {  	s12 =	sor.u32 s12, s13;
	[tilespmem:s30+$0xFFFFFFE0] =	vst v1  }
0x5a: {  	v1 =	vld [tilespmem:s12+$0x2800]  }
0x5b: {  	v2 =	vld [tilespmem:s12+$0x2880];
	_ =	sdelay $0x4  }
0x5c: {  	v1 =	vadd.f32 v2, v1;
	_ =	sdelay $0x1  }
0x5d: {  	v1 =	vmax.f32 v1, $1.000000000e+00  }
0x5e: {  	(erf) = vrcp.f32 v1;
	_ =	sdelay $0x7  }
0x5f: {  	s13 =	sadd.s32 $0x40, s0;
	s12 =	sadd.s32 $0x20, s29  }
0x60: {  	s13 =	sand.u32 $0xFF00, s13;
	s12 =	sand.u32 $0x70, s12;
	v1 =	vpop (erf)  }
0x61: {  	s12 =	sor.u32 s12, s13;
	[tilespmem:s30+$0xFFFFFFF0] =	vst v1  }
0x62: {  	v1 =	vld [tilespmem:s12+$0x2800]  }
0x63: {  	v2 =	vld [tilespmem:s12+$0x2880];
	_ =	sdelay $0x4  }
0x64: {  	v1 =	vadd.f32 v2, v1;
	_ =	sdelay $0x1  }
0x65: {  	v1 =	vmax.f32 v1, $1.000000000e+00  }
0x66: {  	(erf) = vrcp.f32 v1;
	_ =	sdelay $0x7  }
0x67: {  	s13 =	sadd.s32 $0x60, s0;
	s12 =	sadd.s32 $0x30, s29  }
0x68: {  	s13 =	sand.u32 $0xFF00, s13;
	s12 =	sand.u32 $0x70, s12;
	v1 =	vpop (erf)  }
0x69: {  	s12 =	sor.u32 s12, s13;
	[tilespmem:s30+$0x0] =	vst v1  }
0x6a: {  	v1 =	vld [tilespmem:s12+$0x2800]  }
0x6b: {  	v2 =	vld [tilespmem:s12+$0x2880];
	_ =	sdelay $0x4  }
0x6c: {  	v1 =	vadd.f32 v2, v1;
	_ =	sdelay $0x1  }
0x6d: {  	v1 =	vmax.f32 v1, $1.000000000e+00  }
0x6e: {  	(erf) = vrcp.f32 v1;
	_ =	sdelay $0x7  }
0x6f: {  	s0 =	sadd.s32 $0x80, s0;
	s12 =	sadd.s32 $0x40, s29  }
0x70: {  	s0 =	sand.u32 $0xFF00, s0;
	s12 =	sand.u32 $0x70, s12;
	v1 =	vpop (erf)  }
0x71: {  	s0 =	sor.u32 s12, s0;
	[tilespmem:s30+$0x10] =	vst v1  }
0x72: {  	v1 =	vld [tilespmem:s0+$0x2800]  }
0x73: {  	v2 =	vld [tilespmem:s0+$0x2880];
	_ =	sdelay $0x3  }
.Ltmp1:
0x74: {  	(pc) =	sbr.rel @p1 .LBB2_4-.Ltmp1, $3  }
0x75: {  	v1 =	vadd.f32 v2, v1;
	_ =	sdelay $0x1  }
0x76: {  	v1 =	vmax.f32 v1, $1.000000000e+00  }
0x77: {  	(erf) = vrcp.f32 v1  }
0x78: {  	_ =	sdelay $0x7  }
0x79: {  	v1 =	vpop (erf)  }
0x7a: {  	[tilespmem:s1+$0x20] =	vst v1  }
0x7b: {  	_ =	swait.ge [sflag:s16], $0x2710  }
0x7c: {  	[sflag:s16] =	ssyncset.done $0x0  }
0x7d: {  	[sflag:s16] =	ssyncadd.s32 $0xFFFFD8F0  }
0x7e: {  	_ =	swait.ge [sflag:s16], $0x2710  }
0x7f: {  	[sflag:s16] =	ssyncset.done $0x0  }
0x80: {  	s0 =	simm.s32 $0x0;
	[sflag:s16] =	ssyncadd.s32 $0xFFFFD8F0  }
.LBB2_6:
0x81: {  	s1 =	sshra.s32 s0, $0x2  }
0x82: {  	v1 =	vld [tilespmem:s1+$0xEF80];
	_ =	sdelay $0x4  }
0x83: {  	v2 =	vld [tilespmem:s1+$0xC800];
	_ =	sdelay $0x2  }
0x84: {  	v1 =	vld.idx.msk [tilespmem:v1+s17+$0x0], $0xffff;
	_ =	sdelay $0x4  }
0x85: {  	[tilespmem:v2+s18+$0x0] =	vst.idx.add.f32.msk $0xffff, v1  }
0x86: {  	v1 =	vld [tilespmem:s1+$0xEF90];
	_ =	sdelay $0x4  }
0x87: {  	v2 =	vld [tilespmem:s1+$0xC810];
	_ =	sdelay $0x2  }
0x88: {  	v1 =	vld.idx.msk [tilespmem:v1+s17+$0x0], $0xffff;
	_ =	sdelay $0x4  }
0x89: {  	[tilespmem:v2+s18+$0x0] =	vst.idx.add.f32.msk $0xffff, v1  }
0x8a: {  	v1 =	vld [tilespmem:s1+$0xEFA0];
	_ =	sdelay $0x4  }
0x8b: {  	v2 =	vld [tilespmem:s1+$0xC820];
	_ =	sdelay $0x2  }
0x8c: {  	v1 =	vld.idx.msk [tilespmem:v1+s17+$0x0], $0xffff;
	_ =	sdelay $0x4  }
0x8d: {  	[tilespmem:v2+s18+$0x0] =	vst.idx.add.f32.msk $0xffff, v1  }
0x8e: {  	v1 =	vld [tilespmem:s1+$0xEFB0];
	_ =	sdelay $0x4  }
0x8f: {  	v2 =	vld [tilespmem:s1+$0xC830];
	_ =	sdelay $0x2  }
0x90: {  	v1 =	vld.idx.msk [tilespmem:v1+s17+$0x0], $0xffff;
	_ =	sdelay $0x4  }
0x91: {  	[tilespmem:v2+s18+$0x0] =	vst.idx.add.f32.msk $0xffff, v1  }
0x92: {  	v1 =	vld [tilespmem:s1+$0xEFC0];
	_ =	sdelay $0x4  }
0x93: {  	v2 =	vld [tilespmem:s1+$0xC840];
	_ =	sdelay $0x2  }
0x94: {  	p1 =	sne.s32 s0, $0x9B00;
	v1 =	vld.idx.msk [tilespmem:v1+s17+$0x0], $0xffff  }
.Ltmp2:
0x95: {  	_ = 	snop;
	(pc) =	sbr.rel @p1 .LBB2_6-.Ltmp2, $2  }
0x96: {  	_ =	sdelay $0x2  }
0x97: {  	s0 =	sadd.s32 $0x140, s0;
	[tilespmem:v2+s18+$0x0] =	vst.idx.add.f32.msk $0xffff, v1  }
0x98: {  	[spmem:s6] =	stream.strided.scatter [tilespmem:s18], [sflag:$0x3], $0x2800, s20, s19, $0x38;
	[tilespmem:$0x14180] =	vst v63  }
0x99: {  	_ =	swait.ge [sflag:s21], $0x2800  }
0x9a: {  	[sflag:s21] =	ssyncset.done $0x0  }
0x9b: {  	[sflag:s21] =	ssyncadd.s32 $0xFFFFD800  }
0x9c: {  	s0 =	simm.s32 $0x0;
	[bflag:$0x0] =	sbarrier.arrive $0xFFFF  }
0x9d: {  	[tilespmem:s24], [sflag:$0x3] =	stream.strided.gather [spmem:s7], $0x2800, s23, s22, $0x38;
	[tilespmem:$0x14180] =	vst v63  }
0x9e: {  	s1 =	sand.u32 $0x70, s0;
	s0 =	sand.u32 $0x1C00, s0;
	_ =	swait.ge [sflag:s21], $0x2800  }
0x9f: {  	s0 =	sor.u32 s1, s0;
	[sflag:s21] =	ssyncset.done $0x0  }
0xa0: {  	s1 =	sadd.s32 $0x11700, s0;
	[sflag:s21] =	ssyncadd.s32 $0xFFFFD800  }
0xa1: {  	v1 =	vld [tilespmem:s1+$0x80]  }
0xa2: {  	v2 =	vld [tilespmem:s0+$0x11700];
	_ =	sdelay $0x1  }
0xa3: {  	v3 =	vld [tilespmem:s1+$0x100];
	_ =	sdelay $0x1  }
0xa4: {  	v4 =	vld [tilespmem:s1+$0x180]  }
0xa5: {  	v1 =	vadd.f32 v1, v2  }
0xa6: {  	v2 =	vld [tilespmem:s1+$0x200]  }
0xa7: {  	v1 =	vadd.f32 v3, v1  }
0xa8: {  	v3 =	vld [tilespmem:s1+$0x280]  }
0xa9: {  	v1 =	vadd.f32 v4, v1  }
0xaa: {  	v60 =	vld [tilespmem:s1+$0x300]  }
0xab: {  	v1 =	vadd.f32 v2, v1  }
0xac: {  	v2 =	vld [tilespmem:s1+$0x380]  }
0xad: {  	v1 =	vadd.f32 v3, v1  }
0xae: {  	v3 =	vld [tilespmem:s0+$0x12B00]  }
0xaf: {  	v1 =	vadd.f32 v60, v1  }
0xb0: {  	v61 =	vld [tilespmem:s0+$0x12B80]  }
0xb1: {  	v1 =	vadd.f32 v2, v1  }
0xb2: {  	v2 =	vld [tilespmem:s0+$0x12C00]  }
0xb3: {  	v1 =	vadd.f32 v3, v1  }
0xb4: {  	v3 =	vld [tilespmem:s0+$0x12C80]  }
0xb5: {  	v1 =	vadd.f32 v61, v1  }
0xb6: {  	v62 =	vld [tilespmem:s0+$0x12D00]  }
0xb7: {  	v1 =	vadd.f32 v2, v1  }
0xb8: {  	v2 =	vld [tilespmem:s0+$0x12D80]  }
0xb9: {  	v1 =	vadd.f32 v3, v1  }
0xba: {  	v3 =	vld [tilespmem:s0+$0x12E00]  }
0xbb: {  	v1 =	vadd.f32 v62, v1  }
0xbc: {  	v63 =	vld [tilespmem:s0+$0x12E80]  }
0xbd: {  	v1 =	vadd.f32 v2, v1;
	_ =	sdelay $0x1  }
0xbe: {  	v1 =	vadd.f32 v3, v1  }
0xbf: {  	s13 =	simm.s32 $0x10;
	s29 =	simm.s32 $0x80  }
0xc0: {  	s31 =	sand.u32 $0x70, s13;
	s12 =	sand.u32 $0x1C00, s29;
	v1 =	vadd.f32 v63, v1  }
0xc1: {  	s30 =	simm.s32 $0x20;
	s1 =	sor.u32 s31, s12;
	s0 =	simm.s32 $0x13F00  }
.LBB2_8:
0xc2: {  	p1 =	sne.s32 s30, $0x270;
	s12 =	sadd.s32 $0x11700, s1;
	[tilespmem:s0+$0x0] =	vst v1  }
0xc3: {  	v1 =	vld [tilespmem:s12+$0x80]  }
0xc4: {  	v2 =	vld [tilespmem:s1+$0x11700];
	_ =	sdelay $0x1  }
0xc5: {  	v3 =	vld [tilespmem:s12+$0x100];
	_ =	sdelay $0x1  }
0xc6: {  	v4 =	vld [tilespmem:s12+$0x180]  }
0xc7: {  	v1 =	vadd.f32 v1, v2  }
0xc8: {  	v2 =	vld [tilespmem:s12+$0x200]  }
0xc9: {  	v1 =	vadd.f32 v3, v1  }
0xca: {  	v3 =	vld [tilespmem:s12+$0x280]  }
0xcb: {  	v1 =	vadd.f32 v4, v1  }
0xcc: {  	v4 =	vld [tilespmem:s12+$0x300]  }
0xcd: {  	v1 =	vadd.f32 v2, v1  }
0xce: {  	v2 =	vld [tilespmem:s12+$0x380]  }
0xcf: {  	v1 =	vadd.f32 v3, v1  }
0xd0: {  	v3 =	vld [tilespmem:s1+$0x12B00]  }
0xd1: {  	v1 =	vadd.f32 v4, v1  }
0xd2: {  	v4 =	vld [tilespmem:s1+$0x12B80]  }
0xd3: {  	v1 =	vadd.f32 v2, v1  }
0xd4: {  	v2 =	vld [tilespmem:s1+$0x12C00]  }
0xd5: {  	v1 =	vadd.f32 v3, v1  }
0xd6: {  	v3 =	vld [tilespmem:s1+$0x12C80]  }
0xd7: {  	v1 =	vadd.f32 v4, v1  }
0xd8: {  	v4 =	vld [tilespmem:s1+$0x12D00]  }
0xd9: {  	v1 =	vadd.f32 v2, v1  }
0xda: {  	v2 =	vld [tilespmem:s1+$0x12D80]  }
0xdb: {  	v1 =	vadd.f32 v3, v1  }
0xdc: {  	v3 =	vld [tilespmem:s1+$0x12E00]  }
0xdd: {  	v1 =	vadd.f32 v4, v1  }
0xde: {  	v4 =	vld [tilespmem:s1+$0x12E80]  }
0xdf: {  	v1 =	vadd.f32 v2, v1  }
.Ltmp3:
0xe0: {  	(pc) =	sbr.rel @p1 .LBB2_8-.Ltmp3, $4  }
0xe1: {  	v1 =	vadd.f32 v3, v1  }
0xe2: {  	s29 =	sadd.s32 $0x80, s29  }
0xe3: {  	s12 =	sand.u32 $0x1C00, s29;
	s1 =	sand.u32 $0x70, s30;
	v1 =	vadd.f32 v4, v1  }
0xe4: {  	s0 =	sadd.s32 $0x10, s0;
	s30 =	sadd.s32 $0x10, s30;
	s1 =	sor.u32 s1, s12  }
0xe5: {  	s12 =	sadd.s32 $0x11700, s1;
	[tilespmem:s0+$0x0] =	vst v1  }
0xe6: {  	v1 =	vld [tilespmem:s12+$0x80]  }
0xe7: {  	v2 =	vld [tilespmem:s1+$0x11700];
	_ =	sdelay $0x1  }
0xe8: {  	v3 =	vld [tilespmem:s12+$0x100];
	_ =	sdelay $0x1  }
0xe9: {  	v4 =	vld [tilespmem:s12+$0x180]  }
0xea: {  	v1 =	vadd.f32 v1, v2  }
0xeb: {  	v2 =	vld [tilespmem:s12+$0x200]  }
0xec: {  	v1 =	vadd.f32 v3, v1  }
0xed: {  	v3 =	vld [tilespmem:s12+$0x280]  }
0xee: {  	v1 =	vadd.f32 v4, v1  }
0xef: {  	v60 =	vld [tilespmem:s12+$0x300]  }
0xf0: {  	v1 =	vadd.f32 v2, v1  }
0xf1: {  	v2 =	vld [tilespmem:s12+$0x380]  }
0xf2: {  	v1 =	vadd.f32 v3, v1  }
0xf3: {  	v3 =	vld [tilespmem:s1+$0x12B00]  }
0xf4: {  	v1 =	vadd.f32 v60, v1  }
0xf5: {  	v61 =	vld [tilespmem:s1+$0x12B80]  }
0xf6: {  	v1 =	vadd.f32 v2, v1  }
0xf7: {  	v2 =	vld [tilespmem:s1+$0x12C00]  }
0xf8: {  	v1 =	vadd.f32 v3, v1  }
0xf9: {  	v3 =	vld [tilespmem:s1+$0x12C80]  }
0xfa: {  	v1 =	vadd.f32 v61, v1  }
0xfb: {  	v62 =	vld [tilespmem:s1+$0x12D00]  }
0xfc: {  	v1 =	vadd.f32 v2, v1  }
0xfd: {  	v2 =	vld [tilespmem:s1+$0x12D80]  }
0xfe: {  	v1 =	vadd.f32 v3, v1  }
0xff: {  	v3 =	vld [tilespmem:s1+$0x12E00]  }
0x100: {  	v1 =	vadd.f32 v62, v1  }
0x101: {  	v63 =	vld [tilespmem:s1+$0x12E80]  }
0x102: {  	v1 =	vadd.f32 v2, v1;
	_ =	sdelay $0x1  }
0x103: {  	v1 =	vadd.f32 v3, v1;
	_ =	sdelay $0x1  }
0x104: {  	v1 =	vadd.f32 v63, v1  }
0x105: {  	s31 =	sadd.s32 $0x10, s0  }
0x106: {  	[tilespmem:s31+$0x0] =	vst v1  }
0x107: {  	[hbm4b:s8+s19] =	stream.strided.scatter [tilespmem:s26], [sflag:$0x3], $0x280, s25, s19, $0x38;
	[tilespmem:$0x14180] =	vst v63  }
0x108: {  	_ =	swait.ge [sflag:s21], $0x280  }
0x109: {  	s28 =	sadd.s32 $0x1, s28;
	[sflag:s21] =	ssyncset.done $0x0  }
0x10a: {  	s0 =	simm.s32 @!p0 $0x0;
	p1 =	sne.s32 s28, s11;
	[sflag:s21] =	ssyncadd.s32 $0xFFFFFD80  }
0x10b: {  	[hbm4b:s9+s0] =	stream.linear.scatter @!p0 [tilespmem:s10], [sflag:$0x3], $0x280, $0x38;
	[tilespmem:$0x14180] =	vst v63  }
.Ltmp4:
0x10c: {  	_ = 	snop;
	(pc) =	sbr.rel @p1 .LBB2_1-.Ltmp4, $4  }
0x10d: {  	s0 =	simm.s32 @!p0 $0x3  }
0x10e: {  	_ =	swait.ge @!p0 [sflag:s0], $0x280  }
0x10f: {  	[sflag:s0] =	ssyncset.done @!p0 $0x0  }
0x110: {  	[sflag:s0] =	ssyncadd.s32 @!p0 $0xFFFFFD80  }
0x111: {  	_ =	sfence.sel $0x180000  }
0x112: {  	[bflag:$0x0] =	sbarrier.arrive $0xFFFF  }
0x113: {  	_ =	strace $0x9000004A  }
0x114: {  	s0 =	stileid.u32;
	[bflag:$0x2] =	sbarrier.arrive $0xFFFF  }
0x115: {  	p0 =	sne.s32 s0, $0x0;
	s0 =	rddreg [dreg:$0x2]  }
0x116: {  	s0 =	sadd.s32 @!p0 $0x100000, s0  }
0x117: {  	[sflag:s0] =	ssyncadd.tile.s32 @!p0 $0x1;
	_ =	shalt  }
.Lfunc_end2:
_tile_overlayer_lowered:
.L_overlay_start_2:
0x118: {  	(tag) =	ssettag $0x2  }
0x119: {  	s0 =	rddreg [dreg:$0x0];
	s2 =	stileid.u32  }
0x11a: {  	s1 =	rddreg [dreg:$0x1];
	p0 =	sne.s32 s2, $0x0  }
0x11b: {  	s3 =	rddreg [dreg:$0x2];
	[bflag:$0x3] =	sbarrier.arrive $0xFFFF;
	s2 =	simm.s32 @!p0 $0x1C03  }
0x11c: {  	[timem:s3], [sflag:s2] =	dma.local @!p0 [hbm:s0], s1  }
0x11d: {  	s0 =	simm.s32 @!p0 $0x3  }
0x11e: {  	_ =	swait.ge @!p0 [sflag:s0], s1  }
0x11f: {  	s1 =	ssub.s32 @!p0 $0x0, s1;
	[sflag:s0] =	ssyncset.done @!p0 $0x0  }
0x120: {  	[sflag:s0] =	ssyncadd.s32 @!p0 s1  }
0x121: {  	[bflag:$0x3] =	sbarrier.arrive $0xFFFF  }
0x122: {  	_ =	shalt  }

</sc_bundles>
